<compile_context>
chip_gen: v7x
topology: tpu7x:2x2x1
jax: 0.10.2.dev20260603
libtpu: 0.0.44.dev20260713+nightly
codegen_flags: <defaults>
</compile_context>

<pallas_src>
import functools

import jax
import jax.numpy as jnp
from jax import lax
from jax.experimental import pallas as pl
from jax.experimental.pallas import tpu as pltpu
from jax.experimental.pallas import tpu_sc as plsc

F32 = jnp.float32
BF16 = jnp.bfloat16
I32 = jnp.int32

NW = 32
C = 128



def _conv_ln1(x3, wk, conv_b, ln1_w, ln1_b, interpret=False):
    N, T, H = x3.shape
    NB = N // 10

    def body(x_ref, wk_ref, b_ref, lw_ref, lb_ref, o_ref):
        xb = x_ref[...]
        flat = xb.reshape(NB * T, H)
        z0 = jnp.dot(flat, wk_ref[0], preferred_element_type=F32).reshape(NB, T, H)
        z1 = jnp.dot(flat, wk_ref[1], preferred_element_type=F32).reshape(NB, T, H)
        z2 = jnp.dot(flat, wk_ref[2], preferred_element_type=F32).reshape(NB, T, H)
        zero = jnp.zeros((NB, 1, H), F32)
        y = z1 + jnp.concatenate([zero, z0[:, :T - 1]], axis=1)
        y = y + jnp.concatenate([z2[:, 1:], zero], axis=1)
        s = xb + y + b_ref[...].reshape(1, 1, H)
        m = jnp.mean(s, axis=-1, keepdims=True)
        v = jnp.mean((s - m) ** 2, axis=-1, keepdims=True)
        o_ref[...] = ((s - m) * lax.rsqrt(v + 1e-5) * lw_ref[...].reshape(1, 1, H)
                      + lb_ref[...].reshape(1, 1, H))

    return pl.pallas_call(
        body,
        grid=(N // NB,),
        in_specs=[
            pl.BlockSpec((NB, T, H), lambda i: (i, 0, 0)),
            pl.BlockSpec((3, H, H), lambda i: (0, 0, 0)),
            pl.BlockSpec((1, H), lambda i: (0, 0)),
            pl.BlockSpec((1, H), lambda i: (0, 0)),
            pl.BlockSpec((1, H), lambda i: (0, 0)),
        ],
        out_specs=pl.BlockSpec((NB, T, H), lambda i: (i, 0, 0)),
        out_shape=jax.ShapeDtypeStruct((N, T, H), F32),
        interpret=interpret,
    )(x3, wk, conv_b, ln1_w, ln1_b)


def _proj_lr(x1p, wlT, bl, wrT, br, interpret=False):
    N1, T, H = x1p.shape
    NB = N1 // 16

    def body(x_ref, wl_ref, bl_ref, wr_ref, br_ref, xl_ref, xr_ref):
        xb = x_ref[...]
        for t in range(T):
            xt = xb[:, t, :]
            xl_ref[t] = jnp.dot(xt, wl_ref[...], preferred_element_type=F32) + bl_ref[...]
            xr_ref[t] = jnp.dot(xt, wr_ref[...], preferred_element_type=F32) + br_ref[...]

    return pl.pallas_call(
        body,
        grid=(N1 // NB,),
        in_specs=[
            pl.BlockSpec((NB, T, H), lambda i: (i, 0, 0)),
            pl.BlockSpec((H, H), lambda i: (0, 0)),
            pl.BlockSpec((1, H), lambda i: (0, 0)),
            pl.BlockSpec((H, H), lambda i: (0, 0)),
            pl.BlockSpec((1, H), lambda i: (0, 0)),
        ],
        out_specs=[
            pl.BlockSpec((T, NB, H), lambda i: (0, i, 0)),
            pl.BlockSpec((T, NB, H), lambda i: (0, i, 0)),
        ],
        out_shape=[
            jax.ShapeDtypeStruct((T, N1, H), F32),
            jax.ShapeDtypeStruct((T, N1, H), F32),
        ],
        interpret=interpret,
    )(x1p, wlT, bl, wrT, br)


def _pack_attr(ea32, oh4, a32, b32, interpret=False):
    E0 = ea32.shape[0]
    RB = 2048

    def body(ea_ref, oh_ref, a_ref, b_ref, o_ref):
        rep = jnp.dot(ea_ref[...], a_ref[...], preferred_element_type=F32)
        sel = jnp.dot(oh_ref[...], b_ref[...], preferred_element_type=F32)
        o_ref[...] = rep * sel

    return pl.pallas_call(
        body,
        grid=(E0 // RB,),
        in_specs=[
            pl.BlockSpec((RB, 32), lambda i: (i, 0)),
            pl.BlockSpec((RB, 4), lambda i: (i, 0)),
            pl.BlockSpec((32, 128), lambda i: (0, 0)),
            pl.BlockSpec((4, 128), lambda i: (0, 0)),
        ],
        out_specs=pl.BlockSpec((RB, 128), lambda i: (i, 0)),
        out_shape=jax.ShapeDtypeStruct((E0, 128), F32),
        interpret=interpret,
    )(ea32, oh4, a32, b32)


def _loop_attr(acc, interpret=False):
    _, N1, _ = acc.shape
    NB = N1 // 16

    def body(a_ref, o_ref):
        s = a_ref[0] + a_ref[1]
        o_ref[...] = s[:, :16] / jnp.maximum(s[:, 16:17], 1.0)

    return pl.pallas_call(
        body,
        grid=(N1 // NB,),
        in_specs=[pl.BlockSpec((2, NB, 32), lambda i: (0, i, 0))],
        out_specs=pl.BlockSpec((NB, 16), lambda i: (i, 0)),
        out_shape=jax.ShapeDtypeStruct((N1, 16), F32),
        interpret=interpret,
    )(acc)


def _edge_math(gl, gr, ea_p, oh16, weT, ablk, eexp, rep8, rep16,
               interpret=False):
    T, EP, H = gl.shape
    RB = 1024

    def body(gl_ref, gr_ref, ea_ref, oh_ref, we_ref, ab_ref, ex_ref,
             r8_ref, r16_ref, W_ref, wp_ref):
        glb = gl_ref[...].reshape(RB, H)
        grb = gr_ref[...].reshape(RB, H)
        ep = jnp.dot(ea_ref[...], we_ref[...], preferred_element_type=F32)
        m = glb + grb + ep
        m = jnp.maximum(m, 0.2 * m)
        alpha = jnp.dot(m, ab_ref[...], preferred_element_type=F32)
        w = jnp.exp(alpha)
        wb = jnp.dot(w, ex_ref[...], preferred_element_type=F32)
        W_ref[...] = (glb * wb).reshape(1, RB, H)
        wrep = jnp.dot(w, r8_ref[...], preferred_element_type=F32)
        sel = jnp.dot(oh_ref[...], r16_ref[...], preferred_element_type=F32)
        wp_ref[...] = (wrep * sel).reshape(1, RB, 128)

    return pl.pallas_call(
        body,
        grid=(T, EP // RB),
        in_specs=[
            pl.BlockSpec((1, RB, H), lambda t, i: (t, i, 0)),
            pl.BlockSpec((1, RB, H), lambda t, i: (t, i, 0)),
            pl.BlockSpec((RB, 16), lambda t, i: (i, 0)),
            pl.BlockSpec((RB, 16), lambda t, i: (i, 0)),
            pl.BlockSpec((16, H), lambda t, i: (0, 0)),
            pl.BlockSpec((H, 8), lambda t, i: (0, 0)),
            pl.BlockSpec((8, H), lambda t, i: (0, 0)),
            pl.BlockSpec((8, 128), lambda t, i: (0, 0)),
            pl.BlockSpec((16, 128), lambda t, i: (0, 0)),
        ],
        out_specs=[
            pl.BlockSpec((1, RB, H), lambda t, i: (t, i, 0)),
            pl.BlockSpec((1, RB, 128), lambda t, i: (t, i, 0)),
        ],
        out_shape=[
            jax.ShapeDtypeStruct((T, EP, H), F32),
            jax.ShapeDtypeStruct((T, EP, 128), F32),
        ],
        interpret=interpret,
    )(gl, gr, ea_p, oh16, weT, ablk, eexp, rep8, rep16)


def _final_ln2(x1, nums, dens, eexp, gat_bias, ln2_w, ln2_b, interpret=False):
    N, T, H = x1.shape
    NB = N // 10

    def body(x1_ref, n_ref, d_ref, ex_ref, gb_ref, lw_ref, lb_ref, o_ref):
        xb = x1_ref[...]
        cols = []
        for t in range(T):
            ns = n_ref[t, 0] + n_ref[t, 1]
            ds_ = d_ref[t, 0] + d_ref[t, 1]
            dbc = jnp.dot(ds_, ex_ref[...], preferred_element_type=F32)
            xo = ns / (dbc + 1e-16) + gb_ref[...]
            s = xb[:, t, :] + xo
            m = jnp.mean(s, axis=-1, keepdims=True)
            v = jnp.mean((s - m) ** 2, axis=-1, keepdims=True)
            cols.append((s - m) * lax.rsqrt(v + 1e-5) * lw_ref[...]
                        + lb_ref[...])
        o_ref[...] = jnp.stack(cols, axis=1)

    return pl.pallas_call(
        body,
        grid=(N // NB,),
        in_specs=[
            pl.BlockSpec((NB, T, H), lambda i: (i, 0, 0)),
            pl.BlockSpec((T, 2, NB, H), lambda i: (0, 0, i, 0)),
            pl.BlockSpec((T, 2, NB, 8), lambda i: (0, 0, i, 0)),
            pl.BlockSpec((8, H), lambda i: (0, 0)),
            pl.BlockSpec((1, H), lambda i: (0, 0)),
            pl.BlockSpec((1, H), lambda i: (0, 0)),
            pl.BlockSpec((1, H), lambda i: (0, 0)),
        ],
        out_specs=pl.BlockSpec((NB, T, H), lambda i: (i, 0, 0)),
        out_shape=jax.ShapeDtypeStruct((N, T, H), F32),
        interpret=interpret,
    )(x1, nums, dens, eexp, gat_bias, ln2_w, ln2_b)



def _sc_mesh():
    return plsc.VectorSubcoreMesh(core_axis_name="c", subcore_axis_name="s")


def _attr_scatter(idx4, rows128, zeros, N4, n_it):
    RN = N4 // 16

    @functools.partial(
        pl.kernel, mesh=_sc_mesh(),
        out_type=jax.ShapeDtypeStruct((2 * N4, 128), F32),
        scratch_types=[
            pltpu.VMEM((C,), I32),
            pltpu.VMEM((C, 128), F32),
            pltpu.VMEM((RN, 128), F32),
            pltpu.VMEM_SHARED((N4, 128), F32),
        ],
    )
    def k(idx_hbm, rows_hbm, z_hbm, out_hbm, idx_c, rbuf, tmp, acc_sh):
        c = lax.axis_index("c")
        s = lax.axis_index("s")
        wid = s * 2 + c

        pltpu.sync_copy(z_hbm, tmp)
        pltpu.sync_copy(tmp, acc_sh.at[pl.ds(s * RN, RN)])
        plsc.subcore_barrier()

        def body(j, carry):
            base = wid * (n_it * C) + j * C
            pltpu.sync_copy(idx_hbm.at[pl.ds(base, C)], idx_c)
            pltpu.sync_copy(rows_hbm.at[pl.ds(base, C)], rbuf)
            pltpu.sync_copy(rbuf, acc_sh.at[idx_c], add=True)
            return carry

        lax.fori_loop(0, n_it, body, 0)
        plsc.subcore_barrier()
        pltpu.sync_copy(acc_sh.at[pl.ds(s * RN, RN)], tmp)
        pltpu.sync_copy(tmp, out_hbm.at[pl.ds(c * N4 + s * RN, RN)])

    return k(idx4, rows128, zeros)


def _gather_rows(xlf, xrf, idxl3, idxr3):
    H = xlf.shape[1]
    DT = xlf.dtype
    n_it = idxl3.shape[1]
    NR = NW * n_it * C
    n2 = n_it // 2

    @functools.partial(
        pl.kernel, mesh=_sc_mesh(),
        out_type=(
            jax.ShapeDtypeStruct((NR, H), DT),
            jax.ShapeDtypeStruct((NR, H), DT),
        ),
        scratch_types=[
            pltpu.VMEM((n_it, C), I32),
            pltpu.VMEM((n_it, C), I32),
            pltpu.VMEM((C, H), DT),
            pltpu.VMEM((C, H), DT),
            pltpu.VMEM((C, H), DT),
            pltpu.VMEM((C, H), DT),
            pltpu.SemaphoreType.DMA,
            pltpu.SemaphoreType.DMA,
            pltpu.SemaphoreType.DMA,
            pltpu.SemaphoreType.DMA,
        ],
    )
    def k(xl_hbm, xr_hbm, il_hbm, ir_hbm, gl_hbm, gr_hbm,
          il_v, ir_v, bl0, br0, bl1, br1, sl0, sr0, sl1, sr1):
        c = lax.axis_index("c")
        s = lax.axis_index("s")
        wid = s * 2 + c
        base0 = wid * (n_it * C)
        pltpu.sync_copy(il_hbm.at[wid], il_v)
        pltpu.sync_copy(ir_hbm.at[wid], ir_v)

        pltpu.async_copy(xl_hbm.at[il_v.at[0]], bl0, sl0)
        pltpu.async_copy(xr_hbm.at[ir_v.at[0]], br0, sr0)

        def body(q, carry):
            j0 = q * 2
            j1 = j0 + 1
            pltpu.async_copy(xl_hbm.at[il_v.at[j1]], bl1, sl1)
            pltpu.async_copy(xr_hbm.at[ir_v.at[j1]], br1, sr1)
            pltpu.make_async_copy(xl_hbm.at[il_v.at[j0]], bl0, sl0).wait()
            pltpu.make_async_copy(xr_hbm.at[ir_v.at[j0]], br0, sr0).wait()
            pltpu.sync_copy(bl0, gl_hbm.at[pl.ds(base0 + j0 * C, C)])
            pltpu.sync_copy(br0, gr_hbm.at[pl.ds(base0 + j0 * C, C)])

            @pl.when(q + 1 < n2)
            def _():
                pltpu.async_copy(xl_hbm.at[il_v.at[j0 + 2]], bl0, sl0)
                pltpu.async_copy(xr_hbm.at[ir_v.at[j0 + 2]], br0, sr0)

            pltpu.make_async_copy(xl_hbm.at[il_v.at[j1]], bl1, sl1).wait()
            pltpu.make_async_copy(xr_hbm.at[ir_v.at[j1]], br1, sr1).wait()
            pltpu.sync_copy(bl1, gl_hbm.at[pl.ds(base0 + j1 * C, C)])
            pltpu.sync_copy(br1, gr_hbm.at[pl.ds(base0 + j1 * C, C)])
            return carry

        lax.fori_loop(0, n2, body, 0)

    return k(xlf, xrf, idxl3, idxr3)


def _msg_scatter(Wf, wpf, idxn3, idxd3, zn, T, EP, N1, N16):
    CS = 64
    n_it = EP // (NW * CS)
    n2 = n_it // 2
    RN = N1 // 16
    RD = N16 // 16

    @functools.partial(
        pl.kernel, mesh=_sc_mesh(),
        out_type=(
            jax.ShapeDtypeStruct((T * 2 * N1, 128), F32),
            jax.ShapeDtypeStruct((T * 2 * N16, 128), F32),
        ),
        scratch_types=[
            pltpu.VMEM((CS,), I32),
            pltpu.VMEM((CS,), I32),
            pltpu.VMEM((CS,), I32),
            pltpu.VMEM((CS,), I32),
            pltpu.VMEM((CS, 128), F32),
            pltpu.VMEM((CS, 128), F32),
            pltpu.VMEM((CS, 128), F32),
            pltpu.VMEM((CS, 128), F32),
            pltpu.VMEM_SHARED((N1, 128), F32),
            pltpu.VMEM_SHARED((N16, 128), F32),
            pltpu.SemaphoreType.DMA,
            pltpu.SemaphoreType.DMA,
            pltpu.SemaphoreType.DMA,
            pltpu.SemaphoreType.DMA,
            pltpu.SemaphoreType.DMA,
            pltpu.SemaphoreType.DMA,
            pltpu.SemaphoreType.DMA,
            pltpu.SemaphoreType.DMA,
        ],
    )
    def k(w_hbm, wp_hbm, in_hbm, id_hbm, z_hbm, nums_hbm, dens_hbm,
          ic0, dc0, ic1, dc1, wb0, db0, wb1, db1, sh_n, sh_d,
          swa0, sda0, swa1, sda1, sia0, sja0, sia1, sja1):
        c = lax.axis_index("c")
        s = lax.axis_index("s")
        wid = s * 2 + c
        ebase = wid * (n_it * CS)

        def start(j, wb, db, ic, dc, sw, sd, si, sj, t):
            b = t * EP + ebase + j * CS
            e = ebase + j * CS
            pltpu.async_copy(w_hbm.at[pl.ds(b, CS)], wb, sw)
            pltpu.async_copy(wp_hbm.at[pl.ds(b, CS)], db, sd)
            pltpu.async_copy(in_hbm.at[pl.ds(e, CS)], ic, si)
            pltpu.async_copy(id_hbm.at[pl.ds(e, CS)], dc, sj)

        def finish(j, wb, db, ic, dc, sw, sd, si, sj, t):
            b = t * EP + ebase + j * CS
            e = ebase + j * CS
            pltpu.make_async_copy(w_hbm.at[pl.ds(b, CS)], wb, sw).wait()
            pltpu.make_async_copy(wp_hbm.at[pl.ds(b, CS)], db, sd).wait()
            pltpu.make_async_copy(in_hbm.at[pl.ds(e, CS)], ic, si).wait()
            pltpu.make_async_copy(id_hbm.at[pl.ds(e, CS)], dc, sj).wait()
            pltpu.sync_copy(wb, sh_n.at[ic], add=True)
            pltpu.sync_copy(db, sh_d.at[dc], add=True)

        for t in range(T):
            pltpu.sync_copy(z_hbm, wb0)

            def zbody(q, carry):
                pltpu.sync_copy(wb0.at[pl.ds(0, CS)],
                                sh_n.at[pl.ds(s * RN + q * CS, CS)])
                return carry

            lax.fori_loop(0, RN // CS, zbody, 0)
            pltpu.sync_copy(wb0.at[pl.ds(0, RD)], sh_d.at[pl.ds(s * RD, RD)])
            plsc.subcore_barrier()

            start(0, wb0, db0, ic0, dc0, swa0, sda0, sia0, sja0, t)

            def body(q, carry):
                j0 = q * 2
                j1 = j0 + 1
                start(j1, wb1, db1, ic1, dc1, swa1, sda1, sia1, sja1, t)
                finish(j0, wb0, db0, ic0, dc0, swa0, sda0, sia0, sja0, t)

                @pl.when(q + 1 < n2)
                def _():
                    start(j0 + 2, wb0, db0, ic0, dc0, swa0, sda0, sia0, sja0, t)

                finish(j1, wb1, db1, ic1, dc1, swa1, sda1, sia1, sja1, t)
                return carry

            lax.fori_loop(0, n2, body, 0)
            plsc.subcore_barrier()

            def cpout(q, carry):
                r0 = s * RN + q * CS
                o0 = (t * 2 + c) * N1 + r0
                pltpu.sync_copy(sh_n.at[pl.ds(r0, CS)], wb0)
                pltpu.sync_copy(wb0, nums_hbm.at[pl.ds(o0, CS)])
                return carry

            lax.fori_loop(0, RN // CS, cpout, 0)
            pltpu.sync_copy(sh_d.at[pl.ds(s * RD, RD)], db0.at[pl.ds(0, RD)])
            pltpu.sync_copy(db0.at[pl.ds(0, RD)],
                            dens_hbm.at[pl.ds((t * 2 + c) * N16 + s * RD, RD)])
            plsc.subcore_barrier()

    return k(Wf, wpf, idxn3, idxd3, zn)



def kernel(x, edge_index, edge_attr, conv_w, conv_b, ln1_w, ln1_b,
           lin_l_w, lin_l_b, lin_r_w, lin_r_b, lin_edge_w, att,
           gat_bias, ln2_w, ln2_b):
    B, N, T, H = x.shape
    E = edge_attr.shape[0]
    HEADS, DH = att.shape

    N1 = -(-(N + 1) // (16 * 16)) * (16 * 16)
    N4 = N1 // 4
    N16 = N1 // 16
    EF = E + N
    EP = -(-EF // (NW * C)) * (NW * C)
    E0 = -(-E // (NW * C)) * (NW * C)
    n_it2 = EP // (NW * C)
    n_it1 = T * n_it2
    n_it0 = E0 // (NW * C)

    x3 = x.reshape(N, T, H)
    wk = jnp.transpose(conv_w, (2, 1, 0))
    cb = conv_b.reshape(1, H)
    l1w = ln1_w.reshape(1, H)
    l1b = ln1_b.reshape(1, H)
    wlT = lin_l_w.T
    wrT = lin_r_w.T
    blv = lin_l_b.reshape(1, H)
    brv = lin_r_b.reshape(1, H)
    weT = lin_edge_w.T
    ablk = (jnp.eye(HEADS, dtype=F32)[:, None, :]
            * att[:, :, None]).reshape(HEADS * DH, HEADS)
    eexp = jnp.repeat(jnp.eye(HEADS, dtype=F32), DH, axis=1)
    rep8 = jnp.tile(jnp.eye(8, dtype=F32), (1, 16))
    rep16 = jnp.repeat(jnp.eye(16, dtype=F32), 8, axis=1)
    a32 = jnp.tile(jnp.eye(32, dtype=F32), (1, 4))
    b32 = jnp.repeat(jnp.eye(4, dtype=F32), 32, axis=1)
    gbv = gat_bias.reshape(1, H)
    l2w = ln2_w.reshape(1, H)
    l2b = ln2_b.reshape(1, H)

    src = edge_index[0]
    dst = edge_index[1]
    loop = jnp.arange(N, dtype=I32)
    src_p = jnp.concatenate([src, loop, jnp.full((EP - EF,), N, I32)])
    dst_p = jnp.concatenate([dst, loop, jnp.full((EP - EF,), N, I32)])
    toff = jnp.arange(T, dtype=I32)[:, None] * N1
    idxl3 = (toff + src_p[None, :]).reshape(NW, n_it1, C)
    idxr3 = (toff + dst_p[None, :]).reshape(NW, n_it1, C)
    idxn3 = dst_p
    idxd3 = dst_p // 16
    oh16 = (dst_p[:, None] % 16 ==
            jnp.arange(16, dtype=I32)[None, :]).astype(F32)
    dst0 = jnp.concatenate([dst, jnp.full((E0 - E,), N, I32)])
    idx0 = dst0 // 4
    oh4 = (dst0[:, None] % 4 ==
           jnp.arange(4, dtype=I32)[None, :]).astype(F32)
    ea32 = jnp.concatenate(
        [edge_attr, jnp.ones((E, 1), F32), jnp.zeros((E, 15), F32)], axis=1)
    ea32 = jnp.concatenate([ea32, jnp.zeros((E0 - E, 32), F32)], axis=0)

    zat = jnp.zeros((N4 // 16, 128), F32)
    zn = jnp.zeros((64, 128), F32)

    x1 = _conv_ln1(x3, wk, cb, l1w, l1b)
    x1p = jnp.concatenate([x1, jnp.zeros((N1 - N, T, H), F32)], axis=0)
    XL, XR = _proj_lr(x1p, wlT, blv, wrT, brv)
    xlf = XL.reshape(T * N1, H)
    xrf = XR.reshape(T * N1, H)

    ea128 = _pack_attr(ea32, oh4, a32, b32)
    acc4 = _attr_scatter(idx0, ea128, zat, N4, n_it0)
    acc = acc4.reshape(2, N1, 32)
    la = _loop_attr(acc)[:N]
    ea_full = jnp.concatenate([edge_attr, la], axis=0)
    ea_p = jnp.concatenate([ea_full, jnp.zeros((EP - EF, 16), F32)], axis=0)

    gl_f, gr_f = _gather_rows(xlf, xrf, idxl3, idxr3)
    gl = gl_f.reshape(T, EP, H)
    gr = gr_f.reshape(T, EP, H)

    W, wp = _edge_math(gl, gr, ea_p, oh16, weT, ablk, eexp, rep8, rep16)

    nums, dens = _msg_scatter(W.reshape(T * EP, H), wp.reshape(T * EP, 128),
                              idxn3, idxd3, zn, T, EP, N1, N16)
    nums = nums.reshape(T, 2, N1, H)
    dens = dens.reshape(T, 2, N1, 8)

    out = _final_ln2(x1, nums[:, :, :N], dens[:, :, :N],
                     eexp, gbv, l2w, l2b)
    return out.reshape(B, N, T, H)

# --- scband reference (transcript-rebuilt; emitter-appended) ---
"""Pipeline reference for scband-stblock-10471130267991 (READ-ONLY COPY).

The authoritative reference and input builder live on the scoring server;
editing this copy changes nothing except your own understanding.
"""

import jax, jax.numpy as jnp
import numpy as np

B, N, T, HIDDEN = 1, 10000, 4, 128
HEADS, DH, EDGE_DIM, K = 8, 16, 16, 3
E = 160000


def setup_inputs(seed: int = 0):
    key = jax.random.key(seed)
    ks = jax.random.split(key, 8)
    return {
        'x': jax.random.normal(ks[0], (B, N, T, HIDDEN), dtype=jnp.float32),
        'edge_index': jax.random.randint(ks[1], (2, E), 0, N, dtype=jnp.int32),
        'edge_attr': jax.random.normal(ks[2], (E, EDGE_DIM), dtype=jnp.float32),
        'conv_w': jax.random.normal(ks[3], (HIDDEN, HIDDEN, K), dtype=jnp.float32) * 0.05,
        'conv_b': jnp.zeros((HIDDEN,), jnp.float32),
        'ln1_w': jnp.ones((HIDDEN,), jnp.float32),
        'ln1_b': jnp.zeros((HIDDEN,), jnp.float32),
        'lin_l_w': jax.random.normal(ks[4], (HIDDEN, HIDDEN), dtype=jnp.float32) * 0.05,
        'lin_l_b': jnp.zeros((HIDDEN,), jnp.float32),
        'lin_r_w': jax.random.normal(ks[5], (HIDDEN, HIDDEN), dtype=jnp.float32) * 0.05,
        'lin_r_b': jnp.zeros((HIDDEN,), jnp.float32),
        'lin_edge_w': jax.random.normal(ks[6], (HIDDEN, EDGE_DIM), dtype=jnp.float32) * 0.05,
        'att': jax.random.normal(ks[7], (HEADS, DH), dtype=jnp.float32) * 0.05,
        'gat_bias': jnp.zeros((HIDDEN,), jnp.float32),
        'ln2_w': jnp.ones((HIDDEN,), jnp.float32),
        'ln2_b': jnp.zeros((HIDDEN,), jnp.float32),
    }


def _ln(x, w, b):
    m = x.mean(-1, keepdims=True)
    v = ((x - m) ** 2).mean(-1, keepdims=True)
    return (x - m) / jnp.sqrt(v + 1e-5) * w + b


def reference(x, edge_index, edge_attr, conv_w, conv_b, ln1_w, ln1_b, lin_l_w, lin_l_b, lin_r_w, lin_r_b, lin_edge_w, att, gat_bias, ln2_w, ln2_b):
    Bs, Ns, Ts, Hs = x.shape
    Es = edge_attr.shape[0]
    # temporal conv1d (same padding) applied per node
    xt = x.reshape(Bs * Ns, Ts, Hs).transpose(0, 2, 1)
    xt = jax.lax.conv_general_dilated(xt, conv_w, (1,), ((K // 2, K // 2),), dimension_numbers=('NCH', 'OIH', 'NCH')) + conv_b[None, :, None]
    xt = xt.transpose(0, 2, 1).reshape(Bs, Ns, Ts, Hs)
    x1 = _ln(x + xt, ln1_w, ln1_b)
    # spatial GATv2 per timestep (mega-batch semantics; graph replicated B*T times)
    xs = x1.transpose(0, 2, 1, 3).reshape(Bs * Ts, Ns, Hs)
    src, dst = edge_index[0], edge_index[1]
    # add self loops, edge_attr fill_value='mean' (per-dst mean of incoming edge attrs)
    cnt = jax.ops.segment_sum(jnp.ones((Es,), jnp.float32), dst, num_segments=Ns)
    loop_attr = jax.ops.segment_sum(edge_attr, dst, num_segments=Ns) / jnp.maximum(cnt, 1.0)[:, None]
    ea = jnp.concatenate([edge_attr, loop_attr], 0)
    loop = jnp.arange(Ns, dtype=src.dtype)
    src_f = jnp.concatenate([src, loop])
    dst_f = jnp.concatenate([dst, loop])
    eproj = (ea @ lin_edge_w.T).reshape(-1, HEADS, DH)

    def gat(xg):
        xl = (xg @ lin_l_w.T + lin_l_b).reshape(Ns, HEADS, DH)
        xr = (xg @ lin_r_w.T + lin_r_b).reshape(Ns, HEADS, DH)
        m = xl[src_f] + xr[dst_f] + eproj
        m = jnp.where(m > 0, m, 0.2 * m)
        alpha = (m * att[None]).sum(-1)
        amax = jax.ops.segment_max(alpha, dst_f, num_segments=Ns)
        a = jnp.exp(alpha - amax[dst_f])
        den = jax.ops.segment_sum(a, dst_f, num_segments=Ns)
        a = a / (den[dst_f] + 1e-16)
        out = jax.ops.segment_sum(xl[src_f] * a[:, :, None], dst_f, num_segments=Ns)
        return out.reshape(Ns, Hs) + gat_bias

    xo = jax.lax.map(gat, xs)
    xo = xo.reshape(Bs, Ts, Ns, Hs).transpose(0, 2, 1, 3)
    return _ln(x1 + xo, ln2_w, ln2_b)

if __name__ == "__main__":
    import jax
    _d = setup_inputs()
    print(jax.jit(kernel)(*tuple(_d.values())))

</pallas_src>

<mosaic_0001>
#map = affine_map<(d0, d1) -> (0)>
#map1 = affine_map<(d0, d1) -> (0, 0)>
module attributes {stable_mosaic.version = 14 : i64} {
  func.func @k(%arg0: i32, %arg1: i32, %arg2: memref<163840xi32, #tpu.memory_space<hbm>>, %arg3: memref<163840x128xf32, #tpu.memory_space<hbm>>, %arg4: memref<160x128xf32, #tpu.memory_space<hbm>>, %arg5: memref<5120x128xf32, #tpu.memory_space<hbm>>, %arg6: memref<128xi32, #tpu.memory_space<vmem>>, %arg7: memref<128x128xf32, #tpu.memory_space<vmem>>, %arg8: memref<160x128xf32, #tpu.memory_space<vmem>>, %arg9: memref<2560x128xf32, #tpu.memory_space<vmem_shared>>) attributes {dimension_semantics = [#tpu.dimension_semantics<core_parallel>, #tpu.dimension_semantics<subcore_parallel>], iteration_bounds = array<i64: 2, 16>, scalar_prefetch = 0 : i64, scratch_operands = 4 : i64, tpu.core_type = #tpu.core_type<sc_vector_subcore>, window_params = [{transform_indices = #map}, {transform_indices = #map1}, {transform_indices = #map1}, {transform_indices = #map1}]} {
    %mul3A = arith.constant 2 : i32
    %mul3A_0 = arith.muli %arg1, %mul3A : i32
    %add3A = arith.addi %mul3A_0, %arg0 : i32
    "tpu.region"() ({
      %run_scoped3A = tpu.sem_alloc : memref<!tpu.dma_semaphore, #tpu.memory_space<semaphore_mem>>
      tpu.enqueue_dma source(%arg4 : memref<160x128xf32, #tpu.memory_space<hbm>>) target(%arg8 : memref<160x128xf32, #tpu.memory_space<vmem>>) target_semaphore(%run_scoped3A : memref<!tpu.dma_semaphore, #tpu.memory_space<semaphore_mem>>)
      tpu.wait_dma2 semaphore(%run_scoped3A : memref<!tpu.dma_semaphore, #tpu.memory_space<semaphore_mem>>) src(%arg4 : memref<160x128xf32, #tpu.memory_space<hbm>>) dst(%arg8 : memref<160x128xf32, #tpu.memory_space<vmem>>)
      tpu.yield
    }) : () -> ()
    %mul3A_1 = arith.constant 160 : i32
    %mul3A_2 = arith.muli %arg1, %mul3A_1 : i32
    "tpu.region"() ({
      %run_scoped3A = tpu.sem_alloc : memref<!tpu.dma_semaphore, #tpu.memory_space<semaphore_mem>>
      %dma_start3A = arith.constant 0 : i32
      %dma_start3A_16 = tpu.memref_slice %arg9[%mul3A_2, %dma_start3A] : memref<2560x128xf32, #tpu.memory_space<vmem_shared>> -> memref<160x128xf32, #tpu.memory_space<vmem_shared>>
      %dma_start3A_17 = arith.constant 0 : i32
      %dma_start3A_18 = tpu.memref_slice %arg9[%mul3A_2, %dma_start3A_17] : memref<2560x128xf32, #tpu.memory_space<vmem_shared>> -> memref<160x128xf32, #tpu.memory_space<vmem_shared>>
      tpu.enqueue_dma source(%arg8 : memref<160x128xf32, #tpu.memory_space<vmem>>) target(%dma_start3A_18 : memref<160x128xf32, #tpu.memory_space<vmem_shared>>) target_semaphore(%run_scoped3A : memref<!tpu.dma_semaphore, #tpu.memory_space<semaphore_mem>>)
      %dma_wait3A = arith.constant 0 : i32
      %dma_wait3A_19 = tpu.memref_slice %arg9[%mul3A_2, %dma_wait3A] : memref<2560x128xf32, #tpu.memory_space<vmem_shared>> -> memref<160x128xf32, #tpu.memory_space<vmem_shared>>
      %dma_wait3A_20 = arith.constant 0 : i32
      %dma_wait3A_21 = tpu.memref_slice %arg9[%mul3A_2, %dma_wait3A_20] : memref<2560x128xf32, #tpu.memory_space<vmem_shared>> -> memref<160x128xf32, #tpu.memory_space<vmem_shared>>
      tpu.wait_dma2 semaphore(%run_scoped3A : memref<!tpu.dma_semaphore, #tpu.memory_space<semaphore_mem>>) src(%arg8 : memref<160x128xf32, #tpu.memory_space<vmem>>) dst(%dma_wait3A_21 : memref<160x128xf32, #tpu.memory_space<vmem_shared>>)
      tpu.yield
    }) : () -> ()
    %barrier3A = arith.constant 0 : index
    tpu.barrier barrier_id(%barrier3A)
    %scan3A = arith.constant 0 : i32
    %scan3A_3 = arith.constant 0 : i32
    %scan3A_4 = arith.constant 40 : i32
    %scan3A_5 = arith.addi %scan3A_3, %scan3A_4 : i32
    %scan3A_6 = arith.constant 1 : i32
    scf.for %scan3A_16 = %scan3A_3 to %scan3A_5 step %scan3A_6  : i32 {
      %mul3A_17 = arith.constant 5120 : i32
      %mul3A_18 = arith.muli %add3A, %mul3A_17 : i32
      %mul3A_19 = arith.constant 128 : i32
      %mul3A_20 = arith.muli %scan3A_16, %mul3A_19 : i32
      %add3A_21 = arith.addi %mul3A_18, %mul3A_20 : i32
      "tpu.region"() ({
        %run_scoped3A = tpu.sem_alloc : memref<!tpu.dma_semaphore, #tpu.memory_space<semaphore_mem>>
        %dma_start3A = tpu.memref_slice %arg2[%add3A_21] : memref<163840xi32, #tpu.memory_space<hbm>> -> memref<128xi32, #tpu.memory_space<hbm>>
        %dma_start3A_22 = tpu.memref_slice %arg2[%add3A_21] : memref<163840xi32, #tpu.memory_space<hbm>> -> memref<128xi32, #tpu.memory_space<hbm>>
        tpu.enqueue_dma source(%dma_start3A_22 : memref<128xi32, #tpu.memory_space<hbm>>) target(%arg6 : memref<128xi32, #tpu.memory_space<vmem>>) target_semaphore(%run_scoped3A : memref<!tpu.dma_semaphore, #tpu.memory_space<semaphore_mem>>)
        %dma_wait3A = tpu.memref_slice %arg2[%add3A_21] : memref<163840xi32, #tpu.memory_space<hbm>> -> memref<128xi32, #tpu.memory_space<hbm>>
        %dma_wait3A_23 = tpu.memref_slice %arg2[%add3A_21] : memref<163840xi32, #tpu.memory_space<hbm>> -> memref<128xi32, #tpu.memory_space<hbm>>
        tpu.wait_dma2 semaphore(%run_scoped3A : memref<!tpu.dma_semaphore, #tpu.memory_space<semaphore_mem>>) src(%dma_wait3A_23 : memref<128xi32, #tpu.memory_space<hbm>>) dst(%arg6 : memref<128xi32, #tpu.memory_space<vmem>>)
        tpu.yield
      }) : () -> ()
      "tpu.region"() ({
        %run_scoped3A = tpu.sem_alloc : memref<!tpu.dma_semaphore, #tpu.memory_space<semaphore_mem>>
        %dma_start3A = arith.constant 0 : i32
        %dma_start3A_22 = tpu.memref_slice %arg3[%add3A_21, %dma_start3A] : memref<163840x128xf32, #tpu.memory_space<hbm>> -> memref<128x128xf32, #tpu.memory_space<hbm>>
        %dma_start3A_23 = arith.constant 0 : i32
        %dma_start3A_24 = tpu.memref_slice %arg3[%add3A_21, %dma_start3A_23] : memref<163840x128xf32, #tpu.memory_space<hbm>> -> memref<128x128xf32, #tpu.memory_space<hbm>>
        tpu.enqueue_dma source(%dma_start3A_24 : memref<128x128xf32, #tpu.memory_space<hbm>>) target(%arg7 : memref<128x128xf32, #tpu.memory_space<vmem>>) target_semaphore(%run_scoped3A : memref<!tpu.dma_semaphore, #tpu.memory_space<semaphore_mem>>)
        %dma_wait3A = arith.constant 0 : i32
        %dma_wait3A_25 = tpu.memref_slice %arg3[%add3A_21, %dma_wait3A] : memref<163840x128xf32, #tpu.memory_space<hbm>> -> memref<128x128xf32, #tpu.memory_space<hbm>>
        %dma_wait3A_26 = arith.constant 0 : i32
        %dma_wait3A_27 = tpu.memref_slice %arg3[%add3A_21, %dma_wait3A_26] : memref<163840x128xf32, #tpu.memory_space<hbm>> -> memref<128x128xf32, #tpu.memory_space<hbm>>
        tpu.wait_dma2 semaphore(%run_scoped3A : memref<!tpu.dma_semaphore, #tpu.memory_space<semaphore_mem>>) src(%dma_wait3A_27 : memref<128x128xf32, #tpu.memory_space<hbm>>) dst(%arg7 : memref<128x128xf32, #tpu.memory_space<vmem>>)
        tpu.yield
      }) : () -> ()
      "tpu.region"() ({
        %run_scoped3A = tpu.sem_alloc : memref<!tpu.dma_semaphore, #tpu.memory_space<semaphore_mem>>
        %dma_start3A = arith.constant 0 : i32
        %dma_start3A_22 = arith.constant 0 : i32
        %dma_start3A_23 = tpu.memref_slice %arg9[%dma_start3A, %dma_start3A_22] : memref<2560x128xf32, #tpu.memory_space<vmem_shared>> -> memref<2560x128xf32, #tpu.memory_space<vmem_shared>>
        tpu.enqueue_indirect_dma source(%arg7 : memref<128x128xf32, #tpu.memory_space<vmem>>) target(%dma_start3A_23 : memref<2560x128xf32, #tpu.memory_space<vmem_shared>>) offsets(%arg6 : memref<128xi32, #tpu.memory_space<vmem>>) semaphore(%run_scoped3A : memref<!tpu.dma_semaphore, #tpu.memory_space<semaphore_mem>>) {add = true}
        %dma_wait3A = arith.constant 0 : i32
        %dma_wait3A_24 = arith.constant 0 : i32
        %dma_wait3A_25 = tpu.memref_slice %arg9[%dma_wait3A, %dma_wait3A_24] : memref<2560x128xf32, #tpu.memory_space<vmem_shared>> -> memref<2560x128xf32, #tpu.memory_space<vmem_shared>>
        tpu.wait_indirect_dma semaphore(%run_scoped3A : memref<!tpu.dma_semaphore, #tpu.memory_space<semaphore_mem>>) src(%arg7 : memref<128x128xf32, #tpu.memory_space<vmem>>) dst(%dma_wait3A_25 : memref<2560x128xf32, #tpu.memory_space<vmem_shared>>)
        tpu.yield
      }) : () -> ()
    }
    %scan3A_7 = arith.constant 40 : i32
    %barrier3A_8 = arith.constant 0 : index
    tpu.barrier barrier_id(%barrier3A_8)
    %mul3A_9 = arith.constant 160 : i32
    %mul3A_10 = arith.muli %arg1, %mul3A_9 : i32
    "tpu.region"() ({
      %run_scoped3A = tpu.sem_alloc : memref<!tpu.dma_semaphore, #tpu.memory_space<semaphore_mem>>
      %dma_start3A = arith.constant 0 : i32
      %dma_start3A_16 = tpu.memref_slice %arg9[%mul3A_10, %dma_start3A] : memref<2560x128xf32, #tpu.memory_space<vmem_shared>> -> memref<160x128xf32, #tpu.memory_space<vmem_shared>>
      %dma_start3A_17 = arith.constant 0 : i32
      %dma_start3A_18 = tpu.memref_slice %arg9[%mul3A_10, %dma_start3A_17] : memref<2560x128xf32, #tpu.memory_space<vmem_shared>> -> memref<160x128xf32, #tpu.memory_space<vmem_shared>>
      tpu.enqueue_dma source(%dma_start3A_18 : memref<160x128xf32, #tpu.memory_space<vmem_shared>>) target(%arg8 : memref<160x128xf32, #tpu.memory_space<vmem>>) target_semaphore(%run_scoped3A : memref<!tpu.dma_semaphore, #tpu.memory_space<semaphore_mem>>)
      %dma_wait3A = arith.constant 0 : i32
      %dma_wait3A_19 = tpu.memref_slice %arg9[%mul3A_10, %dma_wait3A] : memref<2560x128xf32, #tpu.memory_space<vmem_shared>> -> memref<160x128xf32, #tpu.memory_space<vmem_shared>>
      %dma_wait3A_20 = arith.constant 0 : i32
      %dma_wait3A_21 = tpu.memref_slice %arg9[%mul3A_10, %dma_wait3A_20] : memref<2560x128xf32, #tpu.memory_space<vmem_shared>> -> memref<160x128xf32, #tpu.memory_space<vmem_shared>>
      tpu.wait_dma2 semaphore(%run_scoped3A : memref<!tpu.dma_semaphore, #tpu.memory_space<semaphore_mem>>) src(%dma_wait3A_21 : memref<160x128xf32, #tpu.memory_space<vmem_shared>>) dst(%arg8 : memref<160x128xf32, #tpu.memory_space<vmem>>)
      tpu.yield
    }) : () -> ()
    %mul3A_11 = arith.constant 2560 : i32
    %mul3A_12 = arith.muli %arg0, %mul3A_11 : i32
    %mul3A_13 = arith.constant 160 : i32
    %mul3A_14 = arith.muli %arg1, %mul3A_13 : i32
    %add3A_15 = arith.addi %mul3A_12, %mul3A_14 : i32
    "tpu.region"() ({
      %run_scoped3A = tpu.sem_alloc : memref<!tpu.dma_semaphore, #tpu.memory_space<semaphore_mem>>
      %dma_start3A = arith.constant 0 : i32
      %dma_start3A_16 = tpu.memref_slice %arg5[%add3A_15, %dma_start3A] : memref<5120x128xf32, #tpu.memory_space<hbm>> -> memref<160x128xf32, #tpu.memory_space<hbm>>
      %dma_start3A_17 = arith.constant 0 : i32
      %dma_start3A_18 = tpu.memref_slice %arg5[%add3A_15, %dma_start3A_17] : memref<5120x128xf32, #tpu.memory_space<hbm>> -> memref<160x128xf32, #tpu.memory_space<hbm>>
      tpu.enqueue_dma source(%arg8 : memref<160x128xf32, #tpu.memory_space<vmem>>) target(%dma_start3A_18 : memref<160x128xf32, #tpu.memory_space<hbm>>) target_semaphore(%run_scoped3A : memref<!tpu.dma_semaphore, #tpu.memory_space<semaphore_mem>>)
      %dma_wait3A = arith.constant 0 : i32
      %dma_wait3A_19 = tpu.memref_slice %arg5[%add3A_15, %dma_wait3A] : memref<5120x128xf32, #tpu.memory_space<hbm>> -> memref<160x128xf32, #tpu.memory_space<hbm>>
      %dma_wait3A_20 = arith.constant 0 : i32
      %dma_wait3A_21 = tpu.memref_slice %arg5[%add3A_15, %dma_wait3A_20] : memref<5120x128xf32, #tpu.memory_space<hbm>> -> memref<160x128xf32, #tpu.memory_space<hbm>>
      tpu.wait_dma2 semaphore(%run_scoped3A : memref<!tpu.dma_semaphore, #tpu.memory_space<semaphore_mem>>) src(%arg8 : memref<160x128xf32, #tpu.memory_space<vmem>>) dst(%dma_wait3A_21 : memref<160x128xf32, #tpu.memory_space<hbm>>)
      tpu.yield
    }) : () -> ()
    return
  }
}

#map = affine_map<(d0, d1) -> (0, 0)>
#map1 = affine_map<(d0, d1) -> (0)>
module attributes {stable_mosaic.version = 14 : i64} {
  func.func @k(%arg0: i32, %arg1: i32, %arg2: memref<688128x128xf32, #tpu.memory_space<hbm>>, %arg3: memref<688128x128xf32, #tpu.memory_space<hbm>>, %arg4: memref<172032xi32, #tpu.memory_space<hbm>>, %arg5: memref<172032xi32, #tpu.memory_space<hbm>>, %arg6: memref<64x128xf32, #tpu.memory_space<hbm>>, %arg7: memref<81920x128xf32, #tpu.memory_space<hbm>>, %arg8: memref<5120x128xf32, #tpu.memory_space<hbm>>, %arg9: memref<64xi32, #tpu.memory_space<vmem>>, %arg10: memref<64xi32, #tpu.memory_space<vmem>>, %arg11: memref<64xi32, #tpu.memory_space<vmem>>, %arg12: memref<64xi32, #tpu.memory_space<vmem>>, %arg13: memref<64x128xf32, #tpu.memory_space<vmem>>, %arg14: memref<64x128xf32, #tpu.memory_space<vmem>>, %arg15: memref<64x128xf32, #tpu.memory_space<vmem>>, %arg16: memref<64x128xf32, #tpu.memory_space<vmem>>, %arg17: memref<10240x128xf32, #tpu.memory_space<vmem_shared>>, %arg18: memref<640x128xf32, #tpu.memory_space<vmem_shared>>, %arg19: memref<!tpu.dma_semaphore, #tpu.memory_space<semaphore_mem>>, %arg20: memref<!tpu.dma_semaphore, #tpu.memory_space<semaphore_mem>>, %arg21: memref<!tpu.dma_semaphore, #tpu.memory_space<semaphore_mem>>, %arg22: memref<!tpu.dma_semaphore, #tpu.memory_space<semaphore_mem>>, %arg23: memref<!tpu.dma_semaphore, #tpu.memory_space<semaphore_mem>>, %arg24: memref<!tpu.dma_semaphore, #tpu.memory_space<semaphore_mem>>, %arg25: memref<!tpu.dma_semaphore, #tpu.memory_space<semaphore_mem>>, %arg26: memref<!tpu.dma_semaphore, #tpu.memory_space<semaphore_mem>>) attributes {dimension_semantics = [#tpu.dimension_semantics<core_parallel>, #tpu.dimension_semantics<subcore_parallel>], iteration_bounds = array<i64: 2, 16>, scalar_prefetch = 0 : i64, scratch_operands = 18 : i64, tpu.core_type = #tpu.core_type<sc_vector_subcore>, window_params = [{transform_indices = #map}, {transform_indices = #map}, {transform_indices = #map1}, {transform_indices = #map1}, {transform_indices = #map}, {transform_indices = #map}, {transform_indices = #map}]} {
    %mul3A = arith.constant 2 : i32
    %mul3A_0 = arith.muli %arg1, %mul3A : i32
    %add3A = arith.addi %mul3A_0, %arg0 : i32
    %mul3A_1 = arith.constant 5376 : i32
    %mul3A_2 = arith.muli %add3A, %mul3A_1 : i32
    "tpu.region"() ({
      %run_scoped3A = tpu.sem_alloc : memref<!tpu.dma_semaphore, #tpu.memory_space<semaphore_mem>>
      tpu.enqueue_dma source(%arg6 : memref<64x128xf32, #tpu.memory_space<hbm>>) target(%arg13 : memref<64x128xf32, #tpu.memory_space<vmem>>) target_semaphore(%run_scoped3A : memref<!tpu.dma_semaphore, #tpu.memory_space<semaphore_mem>>)
      tpu.wait_dma2 semaphore(%run_scoped3A : memref<!tpu.dma_semaphore, #tpu.memory_space<semaphore_mem>>) src(%arg6 : memref<64x128xf32, #tpu.memory_space<hbm>>) dst(%arg13 : memref<64x128xf32, #tpu.memory_space<vmem>>)
      tpu.yield
    }) : () -> ()
    %scan3A = arith.constant 0 : i32
    %scan3A_3 = arith.constant 0 : i32
    %scan3A_4 = arith.constant 10 : i32
    %scan3A_5 = arith.addi %scan3A_3, %scan3A_4 : i32
    %scan3A_6 = arith.constant 1 : i32
    scf.for %scan3A_200 = %scan3A_3 to %scan3A_5 step %scan3A_6  : i32 {
      %mul3A_201 = arith.constant 640 : i32
      %mul3A_202 = arith.muli %arg1, %mul3A_201 : i32
      %mul3A_203 = arith.constant 64 : i32
      %mul3A_204 = arith.muli %scan3A_200, %mul3A_203 : i32
      %add3A_205 = arith.addi %mul3A_202, %mul3A_204 : i32
      "tpu.region"() ({
        %run_scoped3A = tpu.sem_alloc : memref<!tpu.dma_semaphore, #tpu.memory_space<semaphore_mem>>
        %dma_start3A_206 = arith.constant 0 : i32
        %dma_start3A_207 = arith.constant 0 : i32
        %dma_start3A_208 = tpu.memref_slice %arg13[%dma_start3A_206, %dma_start3A_207] : memref<64x128xf32, #tpu.memory_space<vmem>> -> memref<64x128xf32, #tpu.memory_space<vmem>>
        %dma_start3A_209 = arith.constant 0 : i32
        %dma_start3A_210 = tpu.memref_slice %arg17[%add3A_205, %dma_start3A_209] : memref<10240x128xf32, #tpu.memory_space<vmem_shared>> -> memref<64x128xf32, #tpu.memory_space<vmem_shared>>
        %dma_start3A_211 = arith.constant 0 : i32
        %dma_start3A_212 = tpu.memref_slice %arg17[%add3A_205, %dma_start3A_211] : memref<10240x128xf32, #tpu.memory_space<vmem_shared>> -> memref<64x128xf32, #tpu.memory_space<vmem_shared>>
        %dma_start3A_213 = arith.constant 0 : i32
        %dma_start3A_214 = arith.constant 0 : i32
        %dma_start3A_215 = tpu.memref_slice %arg13[%dma_start3A_213, %dma_start3A_214] : memref<64x128xf32, #tpu.memory_space<vmem>> -> memref<64x128xf32, #tpu.memory_space<vmem>>
        tpu.enqueue_dma source(%dma_start3A_215 : memref<64x128xf32, #tpu.memory_space<vmem>>) target(%dma_start3A_212 : memref<64x128xf32, #tpu.memory_space<vmem_shared>>) target_semaphore(%run_scoped3A : memref<!tpu.dma_semaphore, #tpu.memory_space<semaphore_mem>>)
        %dma_wait3A = arith.constant 0 : i32
        %dma_wait3A_216 = arith.constant 0 : i32
        %dma_wait3A_217 = tpu.memref_slice %arg13[%dma_wait3A, %dma_wait3A_216] : memref<64x128xf32, #tpu.memory_space<vmem>> -> memref<64x128xf32, #tpu.memory_space<vmem>>
        %dma_wait3A_218 = arith.constant 0 : i32
        %dma_wait3A_219 = tpu.memref_slice %arg17[%add3A_205, %dma_wait3A_218] : memref<10240x128xf32, #tpu.memory_space<vmem_shared>> -> memref<64x128xf32, #tpu.memory_space<vmem_shared>>
        %dma_wait3A_220 = arith.constant 0 : i32
        %dma_wait3A_221 = tpu.memref_slice %arg17[%add3A_205, %dma_wait3A_220] : memref<10240x128xf32, #tpu.memory_space<vmem_shared>> -> memref<64x128xf32, #tpu.memory_space<vmem_shared>>
        %dma_wait3A_222 = arith.constant 0 : i32
        %dma_wait3A_223 = arith.constant 0 : i32
        %dma_wait3A_224 = tpu.memref_slice %arg13[%dma_wait3A_222, %dma_wait3A_223] : memref<64x128xf32, #tpu.memory_space<vmem>> -> memref<64x128xf32, #tpu.memory_space<vmem>>
        tpu.wait_dma2 semaphore(%run_scoped3A : memref<!tpu.dma_semaphore, #tpu.memory_space<semaphore_mem>>) src(%dma_wait3A_224 : memref<64x128xf32, #tpu.memory_space<vmem>>) dst(%dma_wait3A_221 : memref<64x128xf32, #tpu.memory_space<vmem_shared>>)
        tpu.yield
      }) : () -> ()
    }
    %scan3A_7 = arith.constant 10 : i32
    %mul3A_8 = arith.constant 40 : i32
    %mul3A_9 = arith.muli %arg1, %mul3A_8 : i32
    "tpu.region"() ({
      %run_scoped3A = tpu.sem_alloc : memref<!tpu.dma_semaphore, #tpu.memory_space<semaphore_mem>>
      %dma_start3A_200 = arith.constant 0 : i32
      %dma_start3A_201 = arith.constant 0 : i32
      %dma_start3A_202 = tpu.memref_slice %arg13[%dma_start3A_200, %dma_start3A_201] : memref<64x128xf32, #tpu.memory_space<vmem>> -> memref<40x128xf32, #tpu.memory_space<vmem>>
      %dma_start3A_203 = arith.constant 0 : i32
      %dma_start3A_204 = tpu.memref_slice %arg18[%mul3A_9, %dma_start3A_203] : memref<640x128xf32, #tpu.memory_space<vmem_shared>> -> memref<40x128xf32, #tpu.memory_space<vmem_shared>>
      %dma_start3A_205 = arith.constant 0 : i32
      %dma_start3A_206 = tpu.memref_slice %arg18[%mul3A_9, %dma_start3A_205] : memref<640x128xf32, #tpu.memory_space<vmem_shared>> -> memref<40x128xf32, #tpu.memory_space<vmem_shared>>
      %dma_start3A_207 = arith.constant 0 : i32
      %dma_start3A_208 = arith.constant 0 : i32
      %dma_start3A_209 = tpu.memref_slice %arg13[%dma_start3A_207, %dma_start3A_208] : memref<64x128xf32, #tpu.memory_space<vmem>> -> memref<40x128xf32, #tpu.memory_space<vmem>>
      tpu.enqueue_dma source(%dma_start3A_209 : memref<40x128xf32, #tpu.memory_space<vmem>>) target(%dma_start3A_206 : memref<40x128xf32, #tpu.memory_space<vmem_shared>>) target_semaphore(%run_scoped3A : memref<!tpu.dma_semaphore, #tpu.memory_space<semaphore_mem>>)
      %dma_wait3A = arith.constant 0 : i32
      %dma_wait3A_210 = arith.constant 0 : i32
      %dma_wait3A_211 = tpu.memref_slice %arg13[%dma_wait3A, %dma_wait3A_210] : memref<64x128xf32, #tpu.memory_space<vmem>> -> memref<40x128xf32, #tpu.memory_space<vmem>>
      %dma_wait3A_212 = arith.constant 0 : i32
      %dma_wait3A_213 = tpu.memref_slice %arg18[%mul3A_9, %dma_wait3A_212] : memref<640x128xf32, #tpu.memory_space<vmem_shared>> -> memref<40x128xf32, #tpu.memory_space<vmem_shared>>
      %dma_wait3A_214 = arith.constant 0 : i32
      %dma_wait3A_215 = tpu.memref_slice %arg18[%mul3A_9, %dma_wait3A_214] : memref<640x128xf32, #tpu.memory_space<vmem_shared>> -> memref<40x128xf32, #tpu.memory_space<vmem_shared>>
      %dma_wait3A_216 = arith.constant 0 : i32
      %dma_wait3A_217 = arith.constant 0 : i32
      %dma_wait3A_218 = tpu.memref_slice %arg13[%dma_wait3A_216, %dma_wait3A_217] : memref<64x128xf32, #tpu.memory_space<vmem>> -> memref<40x128xf32, #tpu.memory_space<vmem>>
      tpu.wait_dma2 semaphore(%run_scoped3A : memref<!tpu.dma_semaphore, #tpu.memory_space<semaphore_mem>>) src(%dma_wait3A_218 : memref<40x128xf32, #tpu.memory_space<vmem>>) dst(%dma_wait3A_215 : memref<40x128xf32, #tpu.memory_space<vmem_shared>>)
      tpu.yield
    }) : () -> ()
    %barrier3A = arith.constant 0 : index
    tpu.barrier barrier_id(%barrier3A)
    %add3A_10 = arith.constant 0 : i32
    %add3A_11 = arith.addi %add3A_10, %mul3A_2 : i32
    %add3A_12 = arith.constant 0 : i32
    %add3A_13 = arith.addi %add3A_11, %add3A_12 : i32
    %add3A_14 = arith.constant 0 : i32
    %add3A_15 = arith.addi %mul3A_2, %add3A_14 : i32
    %dma_start3A = arith.constant 0 : i32
    %dma_start3A_16 = tpu.memref_slice %arg2[%add3A_13, %dma_start3A] : memref<688128x128xf32, #tpu.memory_space<hbm>> -> memref<64x128xf32, #tpu.memory_space<hbm>>
    %dma_start3A_17 = arith.constant 0 : i32
    %dma_start3A_18 = tpu.memref_slice %arg2[%add3A_13, %dma_start3A_17] : memref<688128x128xf32, #tpu.memory_space<hbm>> -> memref<64x128xf32, #tpu.memory_space<hbm>>
    tpu.enqueue_dma source(%dma_start3A_18 : memref<64x128xf32, #tpu.memory_space<hbm>>) target(%arg13 : memref<64x128xf32, #tpu.memory_space<vmem>>) target_semaphore(%arg19 : memref<!tpu.dma_semaphore, #tpu.memory_space<semaphore_mem>>)
    %dma_start3A_19 = arith.constant 0 : i32
    %dma_start3A_20 = tpu.memref_slice %arg3[%add3A_13, %dma_start3A_19] : memref<688128x128xf32, #tpu.memory_space<hbm>> -> memref<64x128xf32, #tpu.memory_space<hbm>>
    %dma_start3A_21 = arith.constant 0 : i32
    %dma_start3A_22 = tpu.memref_slice %arg3[%add3A_13, %dma_start3A_21] : memref<688128x128xf32, #tpu.memory_space<hbm>> -> memref<64x128xf32, #tpu.memory_space<hbm>>
    tpu.enqueue_dma source(%dma_start3A_22 : memref<64x128xf32, #tpu.memory_space<hbm>>) target(%arg14 : memref<64x128xf32, #tpu.memory_space<vmem>>) target_semaphore(%arg20 : memref<!tpu.dma_semaphore, #tpu.memory_space<semaphore_mem>>)
    %dma_start3A_23 = tpu.memref_slice %arg4[%add3A_15] : memref<172032xi32, #tpu.memory_space<hbm>> -> memref<64xi32, #tpu.memory_space<hbm>>
    %dma_start3A_24 = tpu.memref_slice %arg4[%add3A_15] : memref<172032xi32, #tpu.memory_space<hbm>> -> memref<64xi32, #tpu.memory_space<hbm>>
    tpu.enqueue_dma source(%dma_start3A_24 : memref<64xi32, #tpu.memory_space<hbm>>) target(%arg9 : memref<64xi32, #tpu.memory_space<vmem>>) target_semaphore(%arg23 : memref<!tpu.dma_semaphore, #tpu.memory_space<semaphore_mem>>)
    %dma_start3A_25 = tpu.memref_slice %arg5[%add3A_15] : memref<172032xi32, #tpu.memory_space<hbm>> -> memref<64xi32, #tpu.memory_space<hbm>>
    %dma_start3A_26 = tpu.memref_slice %arg5[%add3A_15] : memref<172032xi32, #tpu.memory_space<hbm>> -> memref<64xi32, #tpu.memory_space<hbm>>
    tpu.enqueue_dma source(%dma_start3A_26 : memref<64xi32, #tpu.memory_space<hbm>>) target(%arg10 : memref<64xi32, #tpu.memory_space<vmem>>) target_semaphore(%arg24 : memref<!tpu.dma_semaphore, #tpu.memory_space<semaphore_mem>>)
    %scan3A_27 = arith.constant 0 : i32
    %scan3A_28 = arith.constant 0 : i32
    %scan3A_29 = arith.constant 42 : i32
    %scan3A_30 = arith.addi %scan3A_28, %scan3A_29 : i32
    %scan3A_31 = arith.constant 1 : i32
    scf.for %scan3A_200 = %scan3A_28 to %scan3A_30 step %scan3A_31  : i32 {
      %mul3A_201 = arith.constant 2 : i32
      %mul3A_202 = arith.muli %scan3A_200, %mul3A_201 : i32
      %add3A_203 = arith.constant 1 : i32
      %add3A_204 = arith.addi %mul3A_202, %add3A_203 : i32
      %add3A_205 = arith.constant 0 : i32
      %add3A_206 = arith.addi %add3A_205, %mul3A_2 : i32
      %mul3A_207 = arith.constant 64 : i32
      %mul3A_208 = arith.muli %add3A_204, %mul3A_207 : i32
      %add3A_209 = arith.addi %add3A_206, %mul3A_208 : i32
      %mul3A_210 = arith.constant 64 : i32
      %mul3A_211 = arith.muli %add3A_204, %mul3A_210 : i32
      %add3A_212 = arith.addi %mul3A_2, %mul3A_211 : i32
      %dma_start3A_213 = arith.constant 0 : i32
      %dma_start3A_214 = tpu.memref_slice %arg2[%add3A_209, %dma_start3A_213] : memref<688128x128xf32, #tpu.memory_space<hbm>> -> memref<64x128xf32, #tpu.memory_space<hbm>>
      %dma_start3A_215 = arith.constant 0 : i32
      %dma_start3A_216 = tpu.memref_slice %arg2[%add3A_209, %dma_start3A_215] : memref<688128x128xf32, #tpu.memory_space<hbm>> -> memref<64x128xf32, #tpu.memory_space<hbm>>
      tpu.enqueue_dma source(%dma_start3A_216 : memref<64x128xf32, #tpu.memory_space<hbm>>) target(%arg15 : memref<64x128xf32, #tpu.memory_space<vmem>>) target_semaphore(%arg21 : memref<!tpu.dma_semaphore, #tpu.memory_space<semaphore_mem>>)
      %dma_start3A_217 = arith.constant 0 : i32
      %dma_start3A_218 = tpu.memref_slice %arg3[%add3A_209, %dma_start3A_217] : memref<688128x128xf32, #tpu.memory_space<hbm>> -> memref<64x128xf32, #tpu.memory_space<hbm>>
      %dma_start3A_219 = arith.constant 0 : i32
      %dma_start3A_220 = tpu.memref_slice %arg3[%add3A_209, %dma_start3A_219] : memref<688128x128xf32, #tpu.memory_space<hbm>> -> memref<64x128xf32, #tpu.memory_space<hbm>>
      tpu.enqueue_dma source(%dma_start3A_220 : memref<64x128xf32, #tpu.memory_space<hbm>>) target(%arg16 : memref<64x128xf32, #tpu.memory_space<vmem>>) target_semaphore(%arg22 : memref<!tpu.dma_semaphore, #tpu.memory_space<semaphore_mem>>)
      %dma_start3A_221 = tpu.memref_slice %arg4[%add3A_212] : memref<172032xi32, #tpu.memory_space<hbm>> -> memref<64xi32, #tpu.memory_space<hbm>>
      %dma_start3A_222 = tpu.memref_slice %arg4[%add3A_212] : memref<172032xi32, #tpu.memory_space<hbm>> -> memref<64xi32, #tpu.memory_space<hbm>>
      tpu.enqueue_dma source(%dma_start3A_222 : memref<64xi32, #tpu.memory_space<hbm>>) target(%arg11 : memref<64xi32, #tpu.memory_space<vmem>>) target_semaphore(%arg25 : memref<!tpu.dma_semaphore, #tpu.memory_space<semaphore_mem>>)
      %dma_start3A_223 = tpu.memref_slice %arg5[%add3A_212] : memref<172032xi32, #tpu.memory_space<hbm>> -> memref<64xi32, #tpu.memory_space<hbm>>
      %dma_start3A_224 = tpu.memref_slice %arg5[%add3A_212] : memref<172032xi32, #tpu.memory_space<hbm>> -> memref<64xi32, #tpu.memory_space<hbm>>
      tpu.enqueue_dma source(%dma_start3A_224 : memref<64xi32, #tpu.memory_space<hbm>>) target(%arg12 : memref<64xi32, #tpu.memory_space<vmem>>) target_semaphore(%arg26 : memref<!tpu.dma_semaphore, #tpu.memory_space<semaphore_mem>>)
      %add3A_225 = arith.constant 0 : i32
      %add3A_226 = arith.addi %add3A_225, %mul3A_2 : i32
      %mul3A_227 = arith.constant 64 : i32
      %mul3A_228 = arith.muli %mul3A_202, %mul3A_227 : i32
      %add3A_229 = arith.addi %add3A_226, %mul3A_228 : i32
      %mul3A_230 = arith.constant 64 : i32
      %mul3A_231 = arith.muli %mul3A_202, %mul3A_230 : i32
      %add3A_232 = arith.addi %mul3A_2, %mul3A_231 : i32
      %dma_wait3A = arith.constant 0 : i32
      %dma_wait3A_233 = tpu.memref_slice %arg2[%add3A_229, %dma_wait3A] : memref<688128x128xf32, #tpu.memory_space<hbm>> -> memref<64x128xf32, #tpu.memory_space<hbm>>
      %dma_wait3A_234 = arith.constant 0 : i32
      %dma_wait3A_235 = tpu.memref_slice %arg2[%add3A_229, %dma_wait3A_234] : memref<688128x128xf32, #tpu.memory_space<hbm>> -> memref<64x128xf32, #tpu.memory_space<hbm>>
      tpu.wait_dma2 semaphore(%arg19 : memref<!tpu.dma_semaphore, #tpu.memory_space<semaphore_mem>>) src(%dma_wait3A_235 : memref<64x128xf32, #tpu.memory_space<hbm>>) dst(%arg13 : memref<64x128xf32, #tpu.memory_space<vmem>>)
      %dma_wait3A_236 = arith.constant 0 : i32
      %dma_wait3A_237 = tpu.memref_slice %arg3[%add3A_229, %dma_wait3A_236] : memref<688128x128xf32, #tpu.memory_space<hbm>> -> memref<64x128xf32, #tpu.memory_space<hbm>>
      %dma_wait3A_238 = arith.constant 0 : i32
      %dma_wait3A_239 = tpu.memref_slice %arg3[%add3A_229, %dma_wait3A_238] : memref<688128x128xf32, #tpu.memory_space<hbm>> -> memref<64x128xf32, #tpu.memory_space<hbm>>
      tpu.wait_dma2 semaphore(%arg20 : memref<!tpu.dma_semaphore, #tpu.memory_space<semaphore_mem>>) src(%dma_wait3A_239 : memref<64x128xf32, #tpu.memory_space<hbm>>) dst(%arg14 : memref<64x128xf32, #tpu.memory_space<vmem>>)
      %dma_wait3A_240 = tpu.memref_slice %arg4[%add3A_232] : memref<172032xi32, #tpu.memory_space<hbm>> -> memref<64xi32, #tpu.memory_space<hbm>>
      %dma_wait3A_241 = tpu.memref_slice %arg4[%add3A_232] : memref<172032xi32, #tpu.memory_space<hbm>> -> memref<64xi32, #tpu.memory_space<hbm>>
      tpu.wait_dma2 semaphore(%arg23 : memref<!tpu.dma_semaphore, #tpu.memory_space<semaphore_mem>>) src(%dma_wait3A_241 : memref<64xi32, #tpu.memory_space<hbm>>) dst(%arg9 : memref<64xi32, #tpu.memory_space<vmem>>)
      %dma_wait3A_242 = tpu.memref_slice %arg5[%add3A_232] : memref<172032xi32, #tpu.memory_space<hbm>> -> memref<64xi32, #tpu.memory_space<hbm>>
      %dma_wait3A_243 = tpu.memref_slice %arg5[%add3A_232] : memref<172032xi32, #tpu.memory_space<hbm>> -> memref<64xi32, #tpu.memory_space<hbm>>
      tpu.wait_dma2 semaphore(%arg24 : memref<!tpu.dma_semaphore, #tpu.memory_space<semaphore_mem>>) src(%dma_wait3A_243 : memref<64xi32, #tpu.memory_space<hbm>>) dst(%arg10 : memref<64xi32, #tpu.memory_space<vmem>>)
      "tpu.region"() ({
        %run_scoped3A = tpu.sem_alloc : memref<!tpu.dma_semaphore, #tpu.memory_space<semaphore_mem>>
        %dma_start3A_268 = arith.constant 0 : i32
        %dma_start3A_269 = arith.constant 0 : i32
        %dma_start3A_270 = tpu.memref_slice %arg17[%dma_start3A_268, %dma_start3A_269] : memref<10240x128xf32, #tpu.memory_space<vmem_shared>> -> memref<10240x128xf32, #tpu.memory_space<vmem_shared>>
        tpu.enqueue_indirect_dma source(%arg13 : memref<64x128xf32, #tpu.memory_space<vmem>>) target(%dma_start3A_270 : memref<10240x128xf32, #tpu.memory_space<vmem_shared>>) offsets(%arg9 : memref<64xi32, #tpu.memory_space<vmem>>) semaphore(%run_scoped3A : memref<!tpu.dma_semaphore, #tpu.memory_space<semaphore_mem>>) {add = true}
        %dma_wait3A_271 = arith.constant 0 : i32
        %dma_wait3A_272 = arith.constant 0 : i32
        %dma_wait3A_273 = tpu.memref_slice %arg17[%dma_wait3A_271, %dma_wait3A_272] : memref<10240x128xf32, #tpu.memory_space<vmem_shared>> -> memref<10240x128xf32, #tpu.memory_space<vmem_shared>>
        tpu.wait_indirect_dma semaphore(%run_scoped3A : memref<!tpu.dma_semaphore, #tpu.memory_space<semaphore_mem>>) src(%arg13 : memref<64x128xf32, #tpu.memory_space<vmem>>) dst(%dma_wait3A_273 : memref<10240x128xf32, #tpu.memory_space<vmem_shared>>)
        tpu.yield
      }) : () -> ()
      "tpu.region"() ({
        %run_scoped3A = tpu.sem_alloc : memref<!tpu.dma_semaphore, #tpu.memory_space<semaphore_mem>>
        %dma_start3A_268 = arith.constant 0 : i32
        %dma_start3A_269 = arith.constant 0 : i32
        %dma_start3A_270 = tpu.memref_slice %arg18[%dma_start3A_268, %dma_start3A_269] : memref<640x128xf32, #tpu.memory_space<vmem_shared>> -> memref<640x128xf32, #tpu.memory_space<vmem_shared>>
        tpu.enqueue_indirect_dma source(%arg14 : memref<64x128xf32, #tpu.memory_space<vmem>>) target(%dma_start3A_270 : memref<640x128xf32, #tpu.memory_space<vmem_shared>>) offsets(%arg10 : memref<64xi32, #tpu.memory_space<vmem>>) semaphore(%run_scoped3A : memref<!tpu.dma_semaphore, #tpu.memory_space<semaphore_mem>>) {add = true}
        %dma_wait3A_271 = arith.constant 0 : i32
        %dma_wait3A_272 = arith.constant 0 : i32
        %dma_wait3A_273 = tpu.memref_slice %arg18[%dma_wait3A_271, %dma_wait3A_272] : memref<640x128xf32, #tpu.memory_space<vmem_shared>> -> memref<640x128xf32, #tpu.memory_space<vmem_shared>>
        tpu.wait_indirect_dma semaphore(%run_scoped3A : memref<!tpu.dma_semaphore, #tpu.memory_space<semaphore_mem>>) src(%arg14 : memref<64x128xf32, #tpu.memory_space<vmem>>) dst(%dma_wait3A_273 : memref<640x128xf32, #tpu.memory_space<vmem_shared>>)
        tpu.yield
      }) : () -> ()
      %add3A_244 = arith.constant 1 : i32
      %add3A_245 = arith.addi %scan3A_200, %add3A_244 : i32
      %lt3A = arith.constant 42 : i32
      %lt3A_246 = arith.cmpi slt, %add3A_245, %lt3A : i32
      %convert_element_type3A = arith.extui %lt3A_246 : i1 to i32
      %cond3A = arith.constant 0 : i32
      %cond3A_247 = arith.cmpi ne, %convert_element_type3A, %cond3A : i32
      scf.if %cond3A_247 {
        %add3A_268 = arith.constant 2 : i32
        %add3A_269 = arith.addi %mul3A_202, %add3A_268 : i32
        %add3A_270 = arith.constant 0 : i32
        %add3A_271 = arith.addi %add3A_270, %mul3A_2 : i32
        %mul3A_272 = arith.constant 64 : i32
        %mul3A_273 = arith.muli %add3A_269, %mul3A_272 : i32
        %add3A_274 = arith.addi %add3A_271, %mul3A_273 : i32
        %mul3A_275 = arith.constant 64 : i32
        %mul3A_276 = arith.muli %add3A_269, %mul3A_275 : i32
        %add3A_277 = arith.addi %mul3A_2, %mul3A_276 : i32
        %dma_start3A_278 = arith.constant 0 : i32
        %dma_start3A_279 = tpu.memref_slice %arg2[%add3A_274, %dma_start3A_278] : memref<688128x128xf32, #tpu.memory_space<hbm>> -> memref<64x128xf32, #tpu.memory_space<hbm>>
        %dma_start3A_280 = arith.constant 0 : i32
        %dma_start3A_281 = tpu.memref_slice %arg2[%add3A_274, %dma_start3A_280] : memref<688128x128xf32, #tpu.memory_space<hbm>> -> memref<64x128xf32, #tpu.memory_space<hbm>>
        tpu.enqueue_dma source(%dma_start3A_281 : memref<64x128xf32, #tpu.memory_space<hbm>>) target(%arg13 : memref<64x128xf32, #tpu.memory_space<vmem>>) target_semaphore(%arg19 : memref<!tpu.dma_semaphore, #tpu.memory_space<semaphore_mem>>)
        %dma_start3A_282 = arith.constant 0 : i32
        %dma_start3A_283 = tpu.memref_slice %arg3[%add3A_274, %dma_start3A_282] : memref<688128x128xf32, #tpu.memory_space<hbm>> -> memref<64x128xf32, #tpu.memory_space<hbm>>
        %dma_start3A_284 = arith.constant 0 : i32
        %dma_start3A_285 = tpu.memref_slice %arg3[%add3A_274, %dma_start3A_284] : memref<688128x128xf32, #tpu.memory_space<hbm>> -> memref<64x128xf32, #tpu.memory_space<hbm>>
        tpu.enqueue_dma source(%dma_start3A_285 : memref<64x128xf32, #tpu.memory_space<hbm>>) target(%arg14 : memref<64x128xf32, #tpu.memory_space<vmem>>) target_semaphore(%arg20 : memref<!tpu.dma_semaphore, #tpu.memory_space<semaphore_mem>>)
        %dma_start3A_286 = tpu.memref_slice %arg4[%add3A_277] : memref<172032xi32, #tpu.memory_space<hbm>> -> memref<64xi32, #tpu.memory_space<hbm>>
        %dma_start3A_287 = tpu.memref_slice %arg4[%add3A_277] : memref<172032xi32, #tpu.memory_space<hbm>> -> memref<64xi32, #tpu.memory_space<hbm>>
        tpu.enqueue_dma source(%dma_start3A_287 : memref<64xi32, #tpu.memory_space<hbm>>) target(%arg9 : memref<64xi32, #tpu.memory_space<vmem>>) target_semaphore(%arg23 : memref<!tpu.dma_semaphore, #tpu.memory_space<semaphore_mem>>)
        %dma_start3A_288 = tpu.memref_slice %arg5[%add3A_277] : memref<172032xi32, #tpu.memory_space<hbm>> -> memref<64xi32, #tpu.memory_space<hbm>>
        %dma_start3A_289 = tpu.memref_slice %arg5[%add3A_277] : memref<172032xi32, #tpu.memory_space<hbm>> -> memref<64xi32, #tpu.memory_space<hbm>>
        tpu.enqueue_dma source(%dma_start3A_289 : memref<64xi32, #tpu.memory_space<hbm>>) target(%arg10 : memref<64xi32, #tpu.memory_space<vmem>>) target_semaphore(%arg24 : memref<!tpu.dma_semaphore, #tpu.memory_space<semaphore_mem>>)
      } else {
      }
      %add3A_248 = arith.constant 0 : i32
      %add3A_249 = arith.addi %add3A_248, %mul3A_2 : i32
      %mul3A_250 = arith.constant 64 : i32
      %mul3A_251 = arith.muli %add3A_204, %mul3A_250 : i32
      %add3A_252 = arith.addi %add3A_249, %mul3A_251 : i32
      %mul3A_253 = arith.constant 64 : i32
      %mul3A_254 = arith.muli %add3A_204, %mul3A_253 : i32
      %add3A_255 = arith.addi %mul3A_2, %mul3A_254 : i32
      %dma_wait3A_256 = arith.constant 0 : i32
      %dma_wait3A_257 = tpu.memref_slice %arg2[%add3A_252, %dma_wait3A_256] : memref<688128x128xf32, #tpu.memory_space<hbm>> -> memref<64x128xf32, #tpu.memory_space<hbm>>
      %dma_wait3A_258 = arith.constant 0 : i32
      %dma_wait3A_259 = tpu.memref_slice %arg2[%add3A_252, %dma_wait3A_258] : memref<688128x128xf32, #tpu.memory_space<hbm>> -> memref<64x128xf32, #tpu.memory_space<hbm>>
      tpu.wait_dma2 semaphore(%arg21 : memref<!tpu.dma_semaphore, #tpu.memory_space<semaphore_mem>>) src(%dma_wait3A_259 : memref<64x128xf32, #tpu.memory_space<hbm>>) dst(%arg15 : memref<64x128xf32, #tpu.memory_space<vmem>>)
      %dma_wait3A_260 = arith.constant 0 : i32
      %dma_wait3A_261 = tpu.memref_slice %arg3[%add3A_252, %dma_wait3A_260] : memref<688128x128xf32, #tpu.memory_space<hbm>> -> memref<64x128xf32, #tpu.memory_space<hbm>>
      %dma_wait3A_262 = arith.constant 0 : i32
      %dma_wait3A_263 = tpu.memref_slice %arg3[%add3A_252, %dma_wait3A_262] : memref<688128x128xf32, #tpu.memory_space<hbm>> -> memref<64x128xf32, #tpu.memory_space<hbm>>
      tpu.wait_dma2 semaphore(%arg22 : memref<!tpu.dma_semaphore, #tpu.memory_space<semaphore_mem>>) src(%dma_wait3A_263 : memref<64x128xf32, #tpu.memory_space<hbm>>) dst(%arg16 : memref<64x128xf32, #tpu.memory_space<vmem>>)
      %dma_wait3A_264 = tpu.memref_slice %arg4[%add3A_255] : memref<172032xi32, #tpu.memory_space<hbm>> -> memref<64xi32, #tpu.memory_space<hbm>>
      %dma_wait3A_265 = tpu.memref_slice %arg4[%add3A_255] : memref<172032xi32, #tpu.memory_space<hbm>> -> memref<64xi32, #tpu.memory_space<hbm>>
      tpu.wait_dma2 semaphore(%arg25 : memref<!tpu.dma_semaphore, #tpu.memory_space<semaphore_mem>>) src(%dma_wait3A_265 : memref<64xi32, #tpu.memory_space<hbm>>) dst(%arg11 : memref<64xi32, #tpu.memory_space<vmem>>)
      %dma_wait3A_266 = tpu.memref_slice %arg5[%add3A_255] : memref<172032xi32, #tpu.memory_space<hbm>> -> memref<64xi32, #tpu.memory_space<hbm>>
      %dma_wait3A_267 = tpu.memref_slice %arg5[%add3A_255] : memref<172032xi32, #tpu.memory_space<hbm>> -> memref<64xi32, #tpu.memory_space<hbm>>
      tpu.wait_dma2 semaphore(%arg26 : memref<!tpu.dma_semaphore, #tpu.memory_space<semaphore_mem>>) src(%dma_wait3A_267 : memref<64xi32, #tpu.memory_space<hbm>>) dst(%arg12 : memref<64xi32, #tpu.memory_space<vmem>>)
      "tpu.region"() ({
        %run_scoped3A = tpu.sem_alloc : memref<!tpu.dma_semaphore, #tpu.memory_space<semaphore_mem>>
        %dma_start3A_268 = arith.constant 0 : i32
        %dma_start3A_269 = arith.constant 0 : i32
        %dma_start3A_270 = tpu.memref_slice %arg17[%dma_start3A_268, %dma_start3A_269] : memref<10240x128xf32, #tpu.memory_space<vmem_shared>> -> memref<10240x128xf32, #tpu.memory_space<vmem_shared>>
        tpu.enqueue_indirect_dma source(%arg15 : memref<64x128xf32, #tpu.memory_space<vmem>>) target(%dma_start3A_270 : memref<10240x128xf32, #tpu.memory_space<vmem_shared>>) offsets(%arg11 : memref<64xi32, #tpu.memory_space<vmem>>) semaphore(%run_scoped3A : memref<!tpu.dma_semaphore, #tpu.memory_space<semaphore_mem>>) {add = true}
        %dma_wait3A_271 = arith.constant 0 : i32
        %dma_wait3A_272 = arith.constant 0 : i32
        %dma_wait3A_273 = tpu.memref_slice %arg17[%dma_wait3A_271, %dma_wait3A_272] : memref<10240x128xf32, #tpu.memory_space<vmem_shared>> -> memref<10240x128xf32, #tpu.memory_space<vmem_shared>>
        tpu.wait_indirect_dma semaphore(%run_scoped3A : memref<!tpu.dma_semaphore, #tpu.memory_space<semaphore_mem>>) src(%arg15 : memref<64x128xf32, #tpu.memory_space<vmem>>) dst(%dma_wait3A_273 : memref<10240x128xf32, #tpu.memory_space<vmem_shared>>)
        tpu.yield
      }) : () -> ()
      "tpu.region"() ({
        %run_scoped3A = tpu.sem_alloc : memref<!tpu.dma_semaphore, #tpu.memory_space<semaphore_mem>>
        %dma_start3A_268 = arith.constant 0 : i32
        %dma_start3A_269 = arith.constant 0 : i32
        %dma_start3A_270 = tpu.memref_slice %arg18[%dma_start3A_268, %dma_start3A_269] : memref<640x128xf32, #tpu.memory_space<vmem_shared>> -> memref<640x128xf32, #tpu.memory_space<vmem_shared>>
        tpu.enqueue_indirect_dma source(%arg16 : memref<64x128xf32, #tpu.memory_space<vmem>>) target(%dma_start3A_270 : memref<640x128xf32, #tpu.memory_space<vmem_shared>>) offsets(%arg12 : memref<64xi32, #tpu.memory_space<vmem>>) semaphore(%run_scoped3A : memref<!tpu.dma_semaphore, #tpu.memory_space<semaphore_mem>>) {add = true}
        %dma_wait3A_271 = arith.constant 0 : i32
        %dma_wait3A_272 = arith.constant 0 : i32
        %dma_wait3A_273 = tpu.memref_slice %arg18[%dma_wait3A_271, %dma_wait3A_272] : memref<640x128xf32, #tpu.memory_space<vmem_shared>> -> memref<640x128xf32, #tpu.memory_space<vmem_shared>>
        tpu.wait_indirect_dma semaphore(%run_scoped3A : memref<!tpu.dma_semaphore, #tpu.memory_space<semaphore_mem>>) src(%arg16 : memref<64x128xf32, #tpu.memory_space<vmem>>) dst(%dma_wait3A_273 : memref<640x128xf32, #tpu.memory_space<vmem_shared>>)
        tpu.yield
      }) : () -> ()
    }
    %scan3A_32 = arith.constant 42 : i32
    %barrier3A_33 = arith.constant 0 : index
    tpu.barrier barrier_id(%barrier3A_33)
    %scan3A_34 = arith.constant 0 : i32
    %scan3A_35 = arith.constant 0 : i32
    %scan3A_36 = arith.constant 10 : i32
    %scan3A_37 = arith.addi %scan3A_35, %scan3A_36 : i32
    %scan3A_38 = arith.constant 1 : i32
    scf.for %scan3A_200 = %scan3A_35 to %scan3A_37 step %scan3A_38  : i32 {
      %mul3A_201 = arith.constant 640 : i32
      %mul3A_202 = arith.muli %arg1, %mul3A_201 : i32
      %mul3A_203 = arith.constant 64 : i32
      %mul3A_204 = arith.muli %scan3A_200, %mul3A_203 : i32
      %add3A_205 = arith.addi %mul3A_202, %mul3A_204 : i32
      %add3A_206 = arith.constant 0 : i32
      %add3A_207 = arith.addi %add3A_206, %arg0 : i32
      %mul3A_208 = arith.constant 10240 : i32
      %mul3A_209 = arith.muli %add3A_207, %mul3A_208 : i32
      %add3A_210 = arith.addi %mul3A_209, %add3A_205 : i32
      "tpu.region"() ({
        %run_scoped3A = tpu.sem_alloc : memref<!tpu.dma_semaphore, #tpu.memory_space<semaphore_mem>>
        %dma_start3A_211 = arith.constant 0 : i32
        %dma_start3A_212 = tpu.memref_slice %arg17[%add3A_205, %dma_start3A_211] : memref<10240x128xf32, #tpu.memory_space<vmem_shared>> -> memref<64x128xf32, #tpu.memory_space<vmem_shared>>
        %dma_start3A_213 = arith.constant 0 : i32
        %dma_start3A_214 = tpu.memref_slice %arg17[%add3A_205, %dma_start3A_213] : memref<10240x128xf32, #tpu.memory_space<vmem_shared>> -> memref<64x128xf32, #tpu.memory_space<vmem_shared>>
        tpu.enqueue_dma source(%dma_start3A_214 : memref<64x128xf32, #tpu.memory_space<vmem_shared>>) target(%arg13 : memref<64x128xf32, #tpu.memory_space<vmem>>) target_semaphore(%run_scoped3A : memref<!tpu.dma_semaphore, #tpu.memory_space<semaphore_mem>>)
        %dma_wait3A = arith.constant 0 : i32
        %dma_wait3A_215 = tpu.memref_slice %arg17[%add3A_205, %dma_wait3A] : memref<10240x128xf32, #tpu.memory_space<vmem_shared>> -> memref<64x128xf32, #tpu.memory_space<vmem_shared>>
        %dma_wait3A_216 = arith.constant 0 : i32
        %dma_wait3A_217 = tpu.memref_slice %arg17[%add3A_205, %dma_wait3A_216] : memref<10240x128xf32, #tpu.memory_space<vmem_shared>> -> memref<64x128xf32, #tpu.memory_space<vmem_shared>>
        tpu.wait_dma2 semaphore(%run_scoped3A : memref<!tpu.dma_semaphore, #tpu.memory_space<semaphore_mem>>) src(%dma_wait3A_217 : memref<64x128xf32, #tpu.memory_space<vmem_shared>>) dst(%arg13 : memref<64x128xf32, #tpu.memory_space<vmem>>)
        tpu.yield
      }) : () -> ()
      "tpu.region"() ({
        %run_scoped3A = tpu.sem_alloc : memref<!tpu.dma_semaphore, #tpu.memory_space<semaphore_mem>>
        %dma_start3A_211 = arith.constant 0 : i32
        %dma_start3A_212 = tpu.memref_slice %arg7[%add3A_210, %dma_start3A_211] : memref<81920x128xf32, #tpu.memory_space<hbm>> -> memref<64x128xf32, #tpu.memory_space<hbm>>
        %dma_start3A_213 = arith.constant 0 : i32
        %dma_start3A_214 = tpu.memref_slice %arg7[%add3A_210, %dma_start3A_213] : memref<81920x128xf32, #tpu.memory_space<hbm>> -> memref<64x128xf32, #tpu.memory_space<hbm>>
        tpu.enqueue_dma source(%arg13 : memref<64x128xf32, #tpu.memory_space<vmem>>) target(%dma_start3A_214 : memref<64x128xf32, #tpu.memory_space<hbm>>) target_semaphore(%run_scoped3A : memref<!tpu.dma_semaphore, #tpu.memory_space<semaphore_mem>>)
        %dma_wait3A = arith.constant 0 : i32
        %dma_wait3A_215 = tpu.memref_slice %arg7[%add3A_210, %dma_wait3A] : memref<81920x128xf32, #tpu.memory_space<hbm>> -> memref<64x128xf32, #tpu.memory_space<hbm>>
        %dma_wait3A_216 = arith.constant 0 : i32
        %dma_wait3A_217 = tpu.memref_slice %arg7[%add3A_210, %dma_wait3A_216] : memref<81920x128xf32, #tpu.memory_space<hbm>> -> memref<64x128xf32, #tpu.memory_space<hbm>>
        tpu.wait_dma2 semaphore(%run_scoped3A : memref<!tpu.dma_semaphore, #tpu.memory_space<semaphore_mem>>) src(%arg13 : memref<64x128xf32, #tpu.memory_space<vmem>>) dst(%dma_wait3A_217 : memref<64x128xf32, #tpu.memory_space<hbm>>)
        tpu.yield
      }) : () -> ()
    }
    %scan3A_39 = arith.constant 10 : i32
    %mul3A_40 = arith.constant 40 : i32
    %mul3A_41 = arith.muli %arg1, %mul3A_40 : i32
    "tpu.region"() ({
      %run_scoped3A = tpu.sem_alloc : memref<!tpu.dma_semaphore, #tpu.memory_space<semaphore_mem>>
      %dma_start3A_200 = arith.constant 0 : i32
      %dma_start3A_201 = arith.constant 0 : i32
      %dma_start3A_202 = tpu.memref_slice %arg14[%dma_start3A_200, %dma_start3A_201] : memref<64x128xf32, #tpu.memory_space<vmem>> -> memref<40x128xf32, #tpu.memory_space<vmem>>
      %dma_start3A_203 = arith.constant 0 : i32
      %dma_start3A_204 = tpu.memref_slice %arg18[%mul3A_41, %dma_start3A_203] : memref<640x128xf32, #tpu.memory_space<vmem_shared>> -> memref<40x128xf32, #tpu.memory_space<vmem_shared>>
      %dma_start3A_205 = arith.constant 0 : i32
      %dma_start3A_206 = arith.constant 0 : i32
      %dma_start3A_207 = tpu.memref_slice %arg14[%dma_start3A_205, %dma_start3A_206] : memref<64x128xf32, #tpu.memory_space<vmem>> -> memref<40x128xf32, #tpu.memory_space<vmem>>
      %dma_start3A_208 = arith.constant 0 : i32
      %dma_start3A_209 = tpu.memref_slice %arg18[%mul3A_41, %dma_start3A_208] : memref<640x128xf32, #tpu.memory_space<vmem_shared>> -> memref<40x128xf32, #tpu.memory_space<vmem_shared>>
      tpu.enqueue_dma source(%dma_start3A_209 : memref<40x128xf32, #tpu.memory_space<vmem_shared>>) target(%dma_start3A_207 : memref<40x128xf32, #tpu.memory_space<vmem>>) target_semaphore(%run_scoped3A : memref<!tpu.dma_semaphore, #tpu.memory_space<semaphore_mem>>)
      %dma_wait3A = arith.constant 0 : i32
      %dma_wait3A_210 = arith.constant 0 : i32
      %dma_wait3A_211 = tpu.memref_slice %arg14[%dma_wait3A, %dma_wait3A_210] : memref<64x128xf32, #tpu.memory_space<vmem>> -> memref<40x128xf32, #tpu.memory_space<vmem>>
      %dma_wait3A_212 = arith.constant 0 : i32
      %dma_wait3A_213 = tpu.memref_slice %arg18[%mul3A_41, %dma_wait3A_212] : memref<640x128xf32, #tpu.memory_space<vmem_shared>> -> memref<40x128xf32, #tpu.memory_space<vmem_shared>>
      %dma_wait3A_214 = arith.constant 0 : i32
      %dma_wait3A_215 = arith.constant 0 : i32
      %dma_wait3A_216 = tpu.memref_slice %arg14[%dma_wait3A_214, %dma_wait3A_215] : memref<64x128xf32, #tpu.memory_space<vmem>> -> memref<40x128xf32, #tpu.memory_space<vmem>>
      %dma_wait3A_217 = arith.constant 0 : i32
      %dma_wait3A_218 = tpu.memref_slice %arg18[%mul3A_41, %dma_wait3A_217] : memref<640x128xf32, #tpu.memory_space<vmem_shared>> -> memref<40x128xf32, #tpu.memory_space<vmem_shared>>
      tpu.wait_dma2 semaphore(%run_scoped3A : memref<!tpu.dma_semaphore, #tpu.memory_space<semaphore_mem>>) src(%dma_wait3A_218 : memref<40x128xf32, #tpu.memory_space<vmem_shared>>) dst(%dma_wait3A_216 : memref<40x128xf32, #tpu.memory_space<vmem>>)
      tpu.yield
    }) : () -> ()
    %add3A_42 = arith.constant 0 : i32
    %add3A_43 = arith.addi %add3A_42, %arg0 : i32
    %mul3A_44 = arith.constant 640 : i32
    %mul3A_45 = arith.muli %add3A_43, %mul3A_44 : i32
    %mul3A_46 = arith.constant 40 : i32
    %mul3A_47 = arith.muli %arg1, %mul3A_46 : i32
    %add3A_48 = arith.addi %mul3A_45, %mul3A_47 : i32
    "tpu.region"() ({
      %run_scoped3A = tpu.sem_alloc : memref<!tpu.dma_semaphore, #tpu.memory_space<semaphore_mem>>
      %dma_start3A_200 = arith.constant 0 : i32
      %dma_start3A_201 = arith.constant 0 : i32
      %dma_start3A_202 = tpu.memref_slice %arg14[%dma_start3A_200, %dma_start3A_201] : memref<64x128xf32, #tpu.memory_space<vmem>> -> memref<40x128xf32, #tpu.memory_space<vmem>>
      %dma_start3A_203 = arith.constant 0 : i32
      %dma_start3A_204 = tpu.memref_slice %arg8[%add3A_48, %dma_start3A_203] : memref<5120x128xf32, #tpu.memory_space<hbm>> -> memref<40x128xf32, #tpu.memory_space<hbm>>
      %dma_start3A_205 = arith.constant 0 : i32
      %dma_start3A_206 = tpu.memref_slice %arg8[%add3A_48, %dma_start3A_205] : memref<5120x128xf32, #tpu.memory_space<hbm>> -> memref<40x128xf32, #tpu.memory_space<hbm>>
      %dma_start3A_207 = arith.constant 0 : i32
      %dma_start3A_208 = arith.constant 0 : i32
      %dma_start3A_209 = tpu.memref_slice %arg14[%dma_start3A_207, %dma_start3A_208] : memref<64x128xf32, #tpu.memory_space<vmem>> -> memref<40x128xf32, #tpu.memory_space<vmem>>
      tpu.enqueue_dma source(%dma_start3A_209 : memref<40x128xf32, #tpu.memory_space<vmem>>) target(%dma_start3A_206 : memref<40x128xf32, #tpu.memory_space<hbm>>) target_semaphore(%run_scoped3A : memref<!tpu.dma_semaphore, #tpu.memory_space<semaphore_mem>>)
      %dma_wait3A = arith.constant 0 : i32
      %dma_wait3A_210 = arith.constant 0 : i32
      %dma_wait3A_211 = tpu.memref_slice %arg14[%dma_wait3A, %dma_wait3A_210] : memref<64x128xf32, #tpu.memory_space<vmem>> -> memref<40x128xf32, #tpu.memory_space<vmem>>
      %dma_wait3A_212 = arith.constant 0 : i32
      %dma_wait3A_213 = tpu.memref_slice %arg8[%add3A_48, %dma_wait3A_212] : memref<5120x128xf32, #tpu.memory_space<hbm>> -> memref<40x128xf32, #tpu.memory_space<hbm>>
      %dma_wait3A_214 = arith.constant 0 : i32
      %dma_wait3A_215 = tpu.memref_slice %arg8[%add3A_48, %dma_wait3A_214] : memref<5120x128xf32, #tpu.memory_space<hbm>> -> memref<40x128xf32, #tpu.memory_space<hbm>>
      %dma_wait3A_216 = arith.constant 0 : i32
      %dma_wait3A_217 = arith.constant 0 : i32
      %dma_wait3A_218 = tpu.memref_slice %arg14[%dma_wait3A_216, %dma_wait3A_217] : memref<64x128xf32, #tpu.memory_space<vmem>> -> memref<40x128xf32, #tpu.memory_space<vmem>>
      tpu.wait_dma2 semaphore(%run_scoped3A : memref<!tpu.dma_semaphore, #tpu.memory_space<semaphore_mem>>) src(%dma_wait3A_218 : memref<40x128xf32, #tpu.memory_space<vmem>>) dst(%dma_wait3A_215 : memref<40x128xf32, #tpu.memory_space<hbm>>)
      tpu.yield
    }) : () -> ()
    %barrier3A_49 = arith.constant 0 : index
    tpu.barrier barrier_id(%barrier3A_49)
    "tpu.region"() ({
      %run_scoped3A = tpu.sem_alloc : memref<!tpu.dma_semaphore, #tpu.memory_space<semaphore_mem>>
      tpu.enqueue_dma source(%arg6 : memref<64x128xf32, #tpu.memory_space<hbm>>) target(%arg13 : memref<64x128xf32, #tpu.memory_space<vmem>>) target_semaphore(%run_scoped3A : memref<!tpu.dma_semaphore, #tpu.memory_space<semaphore_mem>>)
      tpu.wait_dma2 semaphore(%run_scoped3A : memref<!tpu.dma_semaphore, #tpu.memory_space<semaphore_mem>>) src(%arg6 : memref<64x128xf32, #tpu.memory_space<hbm>>) dst(%arg13 : memref<64x128xf32, #tpu.memory_space<vmem>>)
      tpu.yield
    }) : () -> ()
    %scan3A_50 = arith.constant 0 : i32
    %scan3A_51 = arith.constant 0 : i32
    %scan3A_52 = arith.constant 10 : i32
    %scan3A_53 = arith.addi %scan3A_51, %scan3A_52 : i32
    %scan3A_54 = arith.constant 1 : i32
    scf.for %scan3A_200 = %scan3A_51 to %scan3A_53 step %scan3A_54  : i32 {
      %mul3A_201 = arith.constant 640 : i32
      %mul3A_202 = arith.muli %arg1, %mul3A_201 : i32
      %mul3A_203 = arith.constant 64 : i32
      %mul3A_204 = arith.muli %scan3A_200, %mul3A_203 : i32
      %add3A_205 = arith.addi %mul3A_202, %mul3A_204 : i32
      "tpu.region"() ({
        %run_scoped3A = tpu.sem_alloc : memref<!tpu.dma_semaphore, #tpu.memory_space<semaphore_mem>>
        %dma_start3A_206 = arith.constant 0 : i32
        %dma_start3A_207 = arith.constant 0 : i32
        %dma_start3A_208 = tpu.memref_slice %arg13[%dma_start3A_206, %dma_start3A_207] : memref<64x128xf32, #tpu.memory_space<vmem>> -> memref<64x128xf32, #tpu.memory_space<vmem>>
        %dma_start3A_209 = arith.constant 0 : i32
        %dma_start3A_210 = tpu.memref_slice %arg17[%add3A_205, %dma_start3A_209] : memref<10240x128xf32, #tpu.memory_space<vmem_shared>> -> memref<64x128xf32, #tpu.memory_space<vmem_shared>>
        %dma_start3A_211 = arith.constant 0 : i32
        %dma_start3A_212 = tpu.memref_slice %arg17[%add3A_205, %dma_start3A_211] : memref<10240x128xf32, #tpu.memory_space<vmem_shared>> -> memref<64x128xf32, #tpu.memory_space<vmem_shared>>
        %dma_start3A_213 = arith.constant 0 : i32
        %dma_start3A_214 = arith.constant 0 : i32
        %dma_start3A_215 = tpu.memref_slice %arg13[%dma_start3A_213, %dma_start3A_214] : memref<64x128xf32, #tpu.memory_space<vmem>> -> memref<64x128xf32, #tpu.memory_space<vmem>>
        tpu.enqueue_dma source(%dma_start3A_215 : memref<64x128xf32, #tpu.memory_space<vmem>>) target(%dma_start3A_212 : memref<64x128xf32, #tpu.memory_space<vmem_shared>>) target_semaphore(%run_scoped3A : memref<!tpu.dma_semaphore, #tpu.memory_space<semaphore_mem>>)
        %dma_wait3A = arith.constant 0 : i32
        %dma_wait3A_216 = arith.constant 0 : i32
        %dma_wait3A_217 = tpu.memref_slice %arg13[%dma_wait3A, %dma_wait3A_216] : memref<64x128xf32, #tpu.memory_space<vmem>> -> memref<64x128xf32, #tpu.memory_space<vmem>>
        %dma_wait3A_218 = arith.constant 0 : i32
        %dma_wait3A_219 = tpu.memref_slice %arg17[%add3A_205, %dma_wait3A_218] : memref<10240x128xf32, #tpu.memory_space<vmem_shared>> -> memref<64x128xf32, #tpu.memory_space<vmem_shared>>
        %dma_wait3A_220 = arith.constant 0 : i32
        %dma_wait3A_221 = tpu.memref_slice %arg17[%add3A_205, %dma_wait3A_220] : memref<10240x128xf32, #tpu.memory_space<vmem_shared>> -> memref<64x128xf32, #tpu.memory_space<vmem_shared>>
        %dma_wait3A_222 = arith.constant 0 : i32
        %dma_wait3A_223 = arith.constant 0 : i32
        %dma_wait3A_224 = tpu.memref_slice %arg13[%dma_wait3A_222, %dma_wait3A_223] : memref<64x128xf32, #tpu.memory_space<vmem>> -> memref<64x128xf32, #tpu.memory_space<vmem>>
        tpu.wait_dma2 semaphore(%run_scoped3A : memref<!tpu.dma_semaphore, #tpu.memory_space<semaphore_mem>>) src(%dma_wait3A_224 : memref<64x128xf32, #tpu.memory_space<vmem>>) dst(%dma_wait3A_221 : memref<64x128xf32, #tpu.memory_space<vmem_shared>>)
        tpu.yield
      }) : () -> ()
    }
    %scan3A_55 = arith.constant 10 : i32
    %mul3A_56 = arith.constant 40 : i32
    %mul3A_57 = arith.muli %arg1, %mul3A_56 : i32
    "tpu.region"() ({
      %run_scoped3A = tpu.sem_alloc : memref<!tpu.dma_semaphore, #tpu.memory_space<semaphore_mem>>
      %dma_start3A_200 = arith.constant 0 : i32
      %dma_start3A_201 = arith.constant 0 : i32
      %dma_start3A_202 = tpu.memref_slice %arg13[%dma_start3A_200, %dma_start3A_201] : memref<64x128xf32, #tpu.memory_space<vmem>> -> memref<40x128xf32, #tpu.memory_space<vmem>>
      %dma_start3A_203 = arith.constant 0 : i32
      %dma_start3A_204 = tpu.memref_slice %arg18[%mul3A_57, %dma_start3A_203] : memref<640x128xf32, #tpu.memory_space<vmem_shared>> -> memref<40x128xf32, #tpu.memory_space<vmem_shared>>
      %dma_start3A_205 = arith.constant 0 : i32
      %dma_start3A_206 = tpu.memref_slice %arg18[%mul3A_57, %dma_start3A_205] : memref<640x128xf32, #tpu.memory_space<vmem_shared>> -> memref<40x128xf32, #tpu.memory_space<vmem_shared>>
      %dma_start3A_207 = arith.constant 0 : i32
      %dma_start3A_208 = arith.constant 0 : i32
      %dma_start3A_209 = tpu.memref_slice %arg13[%dma_start3A_207, %dma_start3A_208] : memref<64x128xf32, #tpu.memory_space<vmem>> -> memref<40x128xf32, #tpu.memory_space<vmem>>
      tpu.enqueue_dma source(%dma_start3A_209 : memref<40x128xf32, #tpu.memory_space<vmem>>) target(%dma_start3A_206 : memref<40x128xf32, #tpu.memory_space<vmem_shared>>) target_semaphore(%run_scoped3A : memref<!tpu.dma_semaphore, #tpu.memory_space<semaphore_mem>>)
      %dma_wait3A = arith.constant 0 : i32
      %dma_wait3A_210 = arith.constant 0 : i32
      %dma_wait3A_211 = tpu.memref_slice %arg13[%dma_wait3A, %dma_wait3A_210] : memref<64x128xf32, #tpu.memory_space<vmem>> -> memref<40x128xf32, #tpu.memory_space<vmem>>
      %dma_wait3A_212 = arith.constant 0 : i32
      %dma_wait3A_213 = tpu.memref_slice %arg18[%mul3A_57, %dma_wait3A_212] : memref<640x128xf32, #tpu.memory_space<vmem_shared>> -> memref<40x128xf32, #tpu.memory_space<vmem_shared>>
      %dma_wait3A_214 = arith.constant 0 : i32
      %dma_wait3A_215 = tpu.memref_slice %arg18[%mul3A_57, %dma_wait3A_214] : memref<640x128xf32, #tpu.memory_space<vmem_shared>> -> memref<40x128xf32, #tpu.memory_space<vmem_shared>>
      %dma_wait3A_216 = arith.constant 0 : i32
      %dma_wait3A_217 = arith.constant 0 : i32
      %dma_wait3A_218 = tpu.memref_slice %arg13[%dma_wait3A_216, %dma_wait3A_217] : memref<64x128xf32, #tpu.memory_space<vmem>> -> memref<40x128xf32, #tpu.memory_space<vmem>>
      tpu.wait_dma2 semaphore(%run_scoped3A : memref<!tpu.dma_semaphore, #tpu.memory_space<semaphore_mem>>) src(%dma_wait3A_218 : memref<40x128xf32, #tpu.memory_space<vmem>>) dst(%dma_wait3A_215 : memref<40x128xf32, #tpu.memory_space<vmem_shared>>)
      tpu.yield
    }) : () -> ()
    %barrier3A_58 = arith.constant 0 : index
    tpu.barrier barrier_id(%barrier3A_58)
    %add3A_59 = arith.constant 172032 : i32
    %add3A_60 = arith.addi %add3A_59, %mul3A_2 : i32
    %add3A_61 = arith.constant 0 : i32
    %add3A_62 = arith.addi %add3A_60, %add3A_61 : i32
    %add3A_63 = arith.constant 0 : i32
    %add3A_64 = arith.addi %mul3A_2, %add3A_63 : i32
    %dma_start3A_65 = arith.constant 0 : i32
    %dma_start3A_66 = tpu.memref_slice %arg2[%add3A_62, %dma_start3A_65] : memref<688128x128xf32, #tpu.memory_space<hbm>> -> memref<64x128xf32, #tpu.memory_space<hbm>>
    %dma_start3A_67 = arith.constant 0 : i32
    %dma_start3A_68 = tpu.memref_slice %arg2[%add3A_62, %dma_start3A_67] : memref<688128x128xf32, #tpu.memory_space<hbm>> -> memref<64x128xf32, #tpu.memory_space<hbm>>
    tpu.enqueue_dma source(%dma_start3A_68 : memref<64x128xf32, #tpu.memory_space<hbm>>) target(%arg13 : memref<64x128xf32, #tpu.memory_space<vmem>>) target_semaphore(%arg19 : memref<!tpu.dma_semaphore, #tpu.memory_space<semaphore_mem>>)
    %dma_start3A_69 = arith.constant 0 : i32
    %dma_start3A_70 = tpu.memref_slice %arg3[%add3A_62, %dma_start3A_69] : memref<688128x128xf32, #tpu.memory_space<hbm>> -> memref<64x128xf32, #tpu.memory_space<hbm>>
    %dma_start3A_71 = arith.constant 0 : i32
    %dma_start3A_72 = tpu.memref_slice %arg3[%add3A_62, %dma_start3A_71] : memref<688128x128xf32, #tpu.memory_space<hbm>> -> memref<64x128xf32, #tpu.memory_space<hbm>>
    tpu.enqueue_dma source(%dma_start3A_72 : memref<64x128xf32, #tpu.memory_space<hbm>>) target(%arg14 : memref<64x128xf32, #tpu.memory_space<vmem>>) target_semaphore(%arg20 : memref<!tpu.dma_semaphore, #tpu.memory_space<semaphore_mem>>)
    %dma_start3A_73 = tpu.memref_slice %arg4[%add3A_64] : memref<172032xi32, #tpu.memory_space<hbm>> -> memref<64xi32, #tpu.memory_space<hbm>>
    %dma_start3A_74 = tpu.memref_slice %arg4[%add3A_64] : memref<172032xi32, #tpu.memory_space<hbm>> -> memref<64xi32, #tpu.memory_space<hbm>>
    tpu.enqueue_dma source(%dma_start3A_74 : memref<64xi32, #tpu.memory_space<hbm>>) target(%arg9 : memref<64xi32, #tpu.memory_space<vmem>>) target_semaphore(%arg23 : memref<!tpu.dma_semaphore, #tpu.memory_space<semaphore_mem>>)
    %dma_start3A_75 = tpu.memref_slice %arg5[%add3A_64] : memref<172032xi32, #tpu.memory_space<hbm>> -> memref<64xi32, #tpu.memory_space<hbm>>
    %dma_start3A_76 = tpu.memref_slice %arg5[%add3A_64] : memref<172032xi32, #tpu.memory_space<hbm>> -> memref<64xi32, #tpu.memory_space<hbm>>
    tpu.enqueue_dma source(%dma_start3A_76 : memref<64xi32, #tpu.memory_space<hbm>>) target(%arg10 : memref<64xi32, #tpu.memory_space<vmem>>) target_semaphore(%arg24 : memref<!tpu.dma_semaphore, #tpu.memory_space<semaphore_mem>>)
    %scan3A_77 = arith.constant 0 : i32
    %scan3A_78 = arith.constant 0 : i32
    %scan3A_79 = arith.constant 42 : i32
    %scan3A_80 = arith.addi %scan3A_78, %scan3A_79 : i32
    %scan3A_81 = arith.constant 1 : i32
    scf.for %scan3A_200 = %scan3A_78 to %scan3A_80 step %scan3A_81  : i32 {
      %mul3A_201 = arith.constant 2 : i32
      %mul3A_202 = arith.muli %scan3A_200, %mul3A_201 : i32
      %add3A_203 = arith.constant 1 : i32
      %add3A_204 = arith.addi %mul3A_202, %add3A_203 : i32
      %add3A_205 = arith.constant 172032 : i32
      %add3A_206 = arith.addi %add3A_205, %mul3A_2 : i32
      %mul3A_207 = arith.constant 64 : i32
      %mul3A_208 = arith.muli %add3A_204, %mul3A_207 : i32
      %add3A_209 = arith.addi %add3A_206, %mul3A_208 : i32
      %mul3A_210 = arith.constant 64 : i32
      %mul3A_211 = arith.muli %add3A_204, %mul3A_210 : i32
      %add3A_212 = arith.addi %mul3A_2, %mul3A_211 : i32
      %dma_start3A_213 = arith.constant 0 : i32
      %dma_start3A_214 = tpu.memref_slice %arg2[%add3A_209, %dma_start3A_213] : memref<688128x128xf32, #tpu.memory_space<hbm>> -> memref<64x128xf32, #tpu.memory_space<hbm>>
      %dma_start3A_215 = arith.constant 0 : i32
      %dma_start3A_216 = tpu.memref_slice %arg2[%add3A_209, %dma_start3A_215] : memref<688128x128xf32, #tpu.memory_space<hbm>> -> memref<64x128xf32, #tpu.memory_space<hbm>>
      tpu.enqueue_dma source(%dma_start3A_216 : memref<64x128xf32, #tpu.memory_space<hbm>>) target(%arg15 : memref<64x128xf32, #tpu.memory_space<vmem>>) target_semaphore(%arg21 : memref<!tpu.dma_semaphore, #tpu.memory_space<semaphore_mem>>)
      %dma_start3A_217 = arith.constant 0 : i32
      %dma_start3A_218 = tpu.memref_slice %arg3[%add3A_209, %dma_start3A_217] : memref<688128x128xf32, #tpu.memory_space<hbm>> -> memref<64x128xf32, #tpu.memory_space<hbm>>
      %dma_start3A_219 = arith.constant 0 : i32
      %dma_start3A_220 = tpu.memref_slice %arg3[%add3A_209, %dma_start3A_219] : memref<688128x128xf32, #tpu.memory_space<hbm>> -> memref<64x128xf32, #tpu.memory_space<hbm>>
      tpu.enqueue_dma source(%dma_start3A_220 : memref<64x128xf32, #tpu.memory_space<hbm>>) target(%arg16 : memref<64x128xf32, #tpu.memory_space<vmem>>) target_semaphore(%arg22 : memref<!tpu.dma_semaphore, #tpu.memory_space<semaphore_mem>>)
      %dma_start3A_221 = tpu.memref_slice %arg4[%add3A_212] : memref<172032xi32, #tpu.memory_space<hbm>> -> memref<64xi32, #tpu.memory_space<hbm>>
      %dma_start3A_222 = tpu.memref_slice %arg4[%add3A_212] : memref<172032xi32, #tpu.memory_space<hbm>> -> memref<64xi32, #tpu.memory_space<hbm>>
      tpu.enqueue_dma source(%dma_start3A_222 : memref<64xi32, #tpu.memory_space<hbm>>) target(%arg11 : memref<64xi32, #tpu.memory_space<vmem>>) target_semaphore(%arg25 : memref<!tpu.dma_semaphore, #tpu.memory_space<semaphore_mem>>)
      %dma_start3A_223 = tpu.memref_slice %arg5[%add3A_212] : memref<172032xi32, #tpu.memory_space<hbm>> -> memref<64xi32, #tpu.memory_space<hbm>>
      %dma_start3A_224 = tpu.memref_slice %arg5[%add3A_212] : memref<172032xi32, #tpu.memory_space<hbm>> -> memref<64xi32, #tpu.memory_space<hbm>>
      tpu.enqueue_dma source(%dma_start3A_224 : memref<64xi32, #tpu.memory_space<hbm>>) target(%arg12 : memref<64xi32, #tpu.memory_space<vmem>>) target_semaphore(%arg26 : memref<!tpu.dma_semaphore, #tpu.memory_space<semaphore_mem>>)
      %add3A_225 = arith.constant 172032 : i32
      %add3A_226 = arith.addi %add3A_225, %mul3A_2 : i32
      %mul3A_227 = arith.constant 64 : i32
      %mul3A_228 = arith.muli %mul3A_202, %mul3A_227 : i32
      %add3A_229 = arith.addi %add3A_226, %mul3A_228 : i32
      %mul3A_230 = arith.constant 64 : i32
      %mul3A_231 = arith.muli %mul3A_202, %mul3A_230 : i32
      %add3A_232 = arith.addi %mul3A_2, %mul3A_231 : i32
      %dma_wait3A = arith.constant 0 : i32
      %dma_wait3A_233 = tpu.memref_slice %arg2[%add3A_229, %dma_wait3A] : memref<688128x128xf32, #tpu.memory_space<hbm>> -> memref<64x128xf32, #tpu.memory_space<hbm>>
      %dma_wait3A_234 = arith.constant 0 : i32
      %dma_wait3A_235 = tpu.memref_slice %arg2[%add3A_229, %dma_wait3A_234] : memref<688128x128xf32, #tpu.memory_space<hbm>> -> memref<64x128xf32, #tpu.memory_space<hbm>>
      tpu.wait_dma2 semaphore(%arg19 : memref<!tpu.dma_semaphore, #tpu.memory_space<semaphore_mem>>) src(%dma_wait3A_235 : memref<64x128xf32, #tpu.memory_space<hbm>>) dst(%arg13 : memref<64x128xf32, #tpu.memory_space<vmem>>)
      %dma_wait3A_236 = arith.constant 0 : i32
      %dma_wait3A_237 = tpu.memref_slice %arg3[%add3A_229, %dma_wait3A_236] : memref<688128x128xf32, #tpu.memory_space<hbm>> -> memref<64x128xf32, #tpu.memory_space<hbm>>
      %dma_wait3A_238 = arith.constant 0 : i32
      %dma_wait3A_239 = tpu.memref_slice %arg3[%add3A_229, %dma_wait3A_238] : memref<688128x128xf32, #tpu.memory_space<hbm>> -> memref<64x128xf32, #tpu.memory_space<hbm>>
      tpu.wait_dma2 semaphore(%arg20 : memref<!tpu.dma_semaphore, #tpu.memory_space<semaphore_mem>>) src(%dma_wait3A_239 : memref<64x128xf32, #tpu.memory_space<hbm>>) dst(%arg14 : memref<64x128xf32, #tpu.memory_space<vmem>>)
      %dma_wait3A_240 = tpu.memref_slice %arg4[%add3A_232] : memref<172032xi32, #tpu.memory_space<hbm>> -> memref<64xi32, #tpu.memory_space<hbm>>
      %dma_wait3A_241 = tpu.memref_slice %arg4[%add3A_232] : memref<172032xi32, #tpu.memory_space<hbm>> -> memref<64xi32, #tpu.memory_space<hbm>>
      tpu.wait_dma2 semaphore(%arg23 : memref<!tpu.dma_semaphore, #tpu.memory_space<semaphore_mem>>) src(%dma_wait3A_241 : memref<64xi32, #tpu.memory_space<hbm>>) dst(%arg9 : memref<64xi32, #tpu.memory_space<vmem>>)
      %dma_wait3A_242 = tpu.memref_slice %arg5[%add3A_232] : memref<172032xi32, #tpu.memory_space<hbm>> -> memref<64xi32, #tpu.memory_space<hbm>>
      %dma_wait3A_243 = tpu.memref_slice %arg5[%add3A_232] : memref<172032xi32, #tpu.memory_space<hbm>> -> memref<64xi32, #tpu.memory_space<hbm>>
      tpu.wait_dma2 semaphore(%arg24 : memref<!tpu.dma_semaphore, #tpu.memory_space<semaphore_mem>>) src(%dma_wait3A_243 : memref<64xi32, #tpu.memory_space<hbm>>) dst(%arg10 : memref<64xi32, #tpu.memory_space<vmem>>)
      "tpu.region"() ({
        %run_scoped3A = tpu.sem_alloc : memref<!tpu.dma_semaphore, #tpu.memory_space<semaphore_mem>>
        %dma_start3A_268 = arith.constant 0 : i32
        %dma_start3A_269 = arith.constant 0 : i32
        %dma_start3A_270 = tpu.memref_slice %arg17[%dma_start3A_268, %dma_start3A_269] : memref<10240x128xf32, #tpu.memory_space<vmem_shared>> -> memref<10240x128xf32, #tpu.memory_space<vmem_shared>>
        tpu.enqueue_indirect_dma source(%arg13 : memref<64x128xf32, #tpu.memory_space<vmem>>) target(%dma_start3A_270 : memref<10240x128xf32, #tpu.memory_space<vmem_shared>>) offsets(%arg9 : memref<64xi32, #tpu.memory_space<vmem>>) semaphore(%run_scoped3A : memref<!tpu.dma_semaphore, #tpu.memory_space<semaphore_mem>>) {add = true}
        %dma_wait3A_271 = arith.constant 0 : i32
        %dma_wait3A_272 = arith.constant 0 : i32
        %dma_wait3A_273 = tpu.memref_slice %arg17[%dma_wait3A_271, %dma_wait3A_272] : memref<10240x128xf32, #tpu.memory_space<vmem_shared>> -> memref<10240x128xf32, #tpu.memory_space<vmem_shared>>
        tpu.wait_indirect_dma semaphore(%run_scoped3A : memref<!tpu.dma_semaphore, #tpu.memory_space<semaphore_mem>>) src(%arg13 : memref<64x128xf32, #tpu.memory_space<vmem>>) dst(%dma_wait3A_273 : memref<10240x128xf32, #tpu.memory_space<vmem_shared>>)
        tpu.yield
      }) : () -> ()
      "tpu.region"() ({
        %run_scoped3A = tpu.sem_alloc : memref<!tpu.dma_semaphore, #tpu.memory_space<semaphore_mem>>
        %dma_start3A_268 = arith.constant 0 : i32
        %dma_start3A_269 = arith.constant 0 : i32
        %dma_start3A_270 = tpu.memref_slice %arg18[%dma_start3A_268, %dma_start3A_269] : memref<640x128xf32, #tpu.memory_space<vmem_shared>> -> memref<640x128xf32, #tpu.memory_space<vmem_shared>>
        tpu.enqueue_indirect_dma source(%arg14 : memref<64x128xf32, #tpu.memory_space<vmem>>) target(%dma_start3A_270 : memref<640x128xf32, #tpu.memory_space<vmem_shared>>) offsets(%arg10 : memref<64xi32, #tpu.memory_space<vmem>>) semaphore(%run_scoped3A : memref<!tpu.dma_semaphore, #tpu.memory_space<semaphore_mem>>) {add = true}
        %dma_wait3A_271 = arith.constant 0 : i32
        %dma_wait3A_272 = arith.constant 0 : i32
        %dma_wait3A_273 = tpu.memref_slice %arg18[%dma_wait3A_271, %dma_wait3A_272] : memref<640x128xf32, #tpu.memory_space<vmem_shared>> -> memref<640x128xf32, #tpu.memory_space<vmem_shared>>
        tpu.wait_indirect_dma semaphore(%run_scoped3A : memref<!tpu.dma_semaphore, #tpu.memory_space<semaphore_mem>>) src(%arg14 : memref<64x128xf32, #tpu.memory_space<vmem>>) dst(%dma_wait3A_273 : memref<640x128xf32, #tpu.memory_space<vmem_shared>>)
        tpu.yield
      }) : () -> ()
      %add3A_244 = arith.constant 1 : i32
      %add3A_245 = arith.addi %scan3A_200, %add3A_244 : i32
      %lt3A = arith.constant 42 : i32
      %lt3A_246 = arith.cmpi slt, %add3A_245, %lt3A : i32
      %convert_element_type3A = arith.extui %lt3A_246 : i1 to i32
      %cond3A = arith.constant 0 : i32
      %cond3A_247 = arith.cmpi ne, %convert_element_type3A, %cond3A : i32
      scf.if %cond3A_247 {
        %add3A_268 = arith.constant 2 : i32
        %add3A_269 = arith.addi %mul3A_202, %add3A_268 : i32
        %add3A_270 = arith.constant 172032 : i32
        %add3A_271 = arith.addi %add3A_270, %mul3A_2 : i32
        %mul3A_272 = arith.constant 64 : i32
        %mul3A_273 = arith.muli %add3A_269, %mul3A_272 : i32
        %add3A_274 = arith.addi %add3A_271, %mul3A_273 : i32
        %mul3A_275 = arith.constant 64 : i32
        %mul3A_276 = arith.muli %add3A_269, %mul3A_275 : i32
        %add3A_277 = arith.addi %mul3A_2, %mul3A_276 : i32
        %dma_start3A_278 = arith.constant 0 : i32
        %dma_start3A_279 = tpu.memref_slice %arg2[%add3A_274, %dma_start3A_278] : memref<688128x128xf32, #tpu.memory_space<hbm>> -> memref<64x128xf32, #tpu.memory_space<hbm>>
        %dma_start3A_280 = arith.constant 0 : i32
        %dma_start3A_281 = tpu.memref_slice %arg2[%add3A_274, %dma_start3A_280] : memref<688128x128xf32, #tpu.memory_space<hbm>> -> memref<64x128xf32, #tpu.memory_space<hbm>>
        tpu.enqueue_dma source(%dma_start3A_281 : memref<64x128xf32, #tpu.memory_space<hbm>>) target(%arg13 : memref<64x128xf32, #tpu.memory_space<vmem>>) target_semaphore(%arg19 : memref<!tpu.dma_semaphore, #tpu.memory_space<semaphore_mem>>)
        %dma_start3A_282 = arith.constant 0 : i32
        %dma_start3A_283 = tpu.memref_slice %arg3[%add3A_274, %dma_start3A_282] : memref<688128x128xf32, #tpu.memory_space<hbm>> -> memref<64x128xf32, #tpu.memory_space<hbm>>
        %dma_start3A_284 = arith.constant 0 : i32
        %dma_start3A_285 = tpu.memref_slice %arg3[%add3A_274, %dma_start3A_284] : memref<688128x128xf32, #tpu.memory_space<hbm>> -> memref<64x128xf32, #tpu.memory_space<hbm>>
        tpu.enqueue_dma source(%dma_start3A_285 : memref<64x128xf32, #tpu.memory_space<hbm>>) target(%arg14 : memref<64x128xf32, #tpu.memory_space<vmem>>) target_semaphore(%arg20 : memref<!tpu.dma_semaphore, #tpu.memory_space<semaphore_mem>>)
        %dma_start3A_286 = tpu.memref_slice %arg4[%add3A_277] : memref<172032xi32, #tpu.memory_space<hbm>> -> memref<64xi32, #tpu.memory_space<hbm>>
        %dma_start3A_287 = tpu.memref_slice %arg4[%add3A_277] : memref<172032xi32, #tpu.memory_space<hbm>> -> memref<64xi32, #tpu.memory_space<hbm>>
        tpu.enqueue_dma source(%dma_start3A_287 : memref<64xi32, #tpu.memory_space<hbm>>) target(%arg9 : memref<64xi32, #tpu.memory_space<vmem>>) target_semaphore(%arg23 : memref<!tpu.dma_semaphore, #tpu.memory_space<semaphore_mem>>)
        %dma_start3A_288 = tpu.memref_slice %arg5[%add3A_277] : memref<172032xi32, #tpu.memory_space<hbm>> -> memref<64xi32, #tpu.memory_space<hbm>>
        %dma_start3A_289 = tpu.memref_slice %arg5[%add3A_277] : memref<172032xi32, #tpu.memory_space<hbm>> -> memref<64xi32, #tpu.memory_space<hbm>>
        tpu.enqueue_dma source(%dma_start3A_289 : memref<64xi32, #tpu.memory_space<hbm>>) target(%arg10 : memref<64xi32, #tpu.memory_space<vmem>>) target_semaphore(%arg24 : memref<!tpu.dma_semaphore, #tpu.memory_space<semaphore_mem>>)
      } else {
      }
      %add3A_248 = arith.constant 172032 : i32
      %add3A_249 = arith.addi %add3A_248, %mul3A_2 : i32
      %mul3A_250 = arith.constant 64 : i32
      %mul3A_251 = arith.muli %add3A_204, %mul3A_250 : i32
      %add3A_252 = arith.addi %add3A_249, %mul3A_251 : i32
      %mul3A_253 = arith.constant 64 : i32
      %mul3A_254 = arith.muli %add3A_204, %mul3A_253 : i32
      %add3A_255 = arith.addi %mul3A_2, %mul3A_254 : i32
      %dma_wait3A_256 = arith.constant 0 : i32
      %dma_wait3A_257 = tpu.memref_slice %arg2[%add3A_252, %dma_wait3A_256] : memref<688128x128xf32, #tpu.memory_space<hbm>> -> memref<64x128xf32, #tpu.memory_space<hbm>>
      %dma_wait3A_258 = arith.constant 0 : i32
      %dma_wait3A_259 = tpu.memref_slice %arg2[%add3A_252, %dma_wait3A_258] : memref<688128x128xf32, #tpu.memory_space<hbm>> -> memref<64x128xf32, #tpu.memory_space<hbm>>
      tpu.wait_dma2 semaphore(%arg21 : memref<!tpu.dma_semaphore, #tpu.memory_space<semaphore_mem>>) src(%dma_wait3A_259 : memref<64x128xf32, #tpu.memory_space<hbm>>) dst(%arg15 : memref<64x128xf32, #tpu.memory_space<vmem>>)
      %dma_wait3A_260 = arith.constant 0 : i32
      %dma_wait3A_261 = tpu.memref_slice %arg3[%add3A_252, %dma_wait3A_260] : memref<688128x128xf32, #tpu.memory_space<hbm>> -> memref<64x128xf32, #tpu.memory_space<hbm>>
      %dma_wait3A_262 = arith.constant 0 : i32
      %dma_wait3A_263 = tpu.memref_slice %arg3[%add3A_252, %dma_wait3A_262] : memref<688128x128xf32, #tpu.memory_space<hbm>> -> memref<64x128xf32, #tpu.memory_space<hbm>>
      tpu.wait_dma2 semaphore(%arg22 : memref<!tpu.dma_semaphore, #tpu.memory_space<semaphore_mem>>) src(%dma_wait3A_263 : memref<64x128xf32, #tpu.memory_space<hbm>>) dst(%arg16 : memref<64x128xf32, #tpu.memory_space<vmem>>)
      %dma_wait3A_264 = tpu.memref_slice %arg4[%add3A_255] : memref<172032xi32, #tpu.memory_space<hbm>> -> memref<64xi32, #tpu.memory_space<hbm>>
      %dma_wait3A_265 = tpu.memref_slice %arg4[%add3A_255] : memref<172032xi32, #tpu.memory_space<hbm>> -> memref<64xi32, #tpu.memory_space<hbm>>
      tpu.wait_dma2 semaphore(%arg25 : memref<!tpu.dma_semaphore, #tpu.memory_space<semaphore_mem>>) src(%dma_wait3A_265 : memref<64xi32, #tpu.memory_space<hbm>>) dst(%arg11 : memref<64xi32, #tpu.memory_space<vmem>>)
      %dma_wait3A_266 = tpu.memref_slice %arg5[%add3A_255] : memref<172032xi32, #tpu.memory_space<hbm>> -> memref<64xi32, #tpu.memory_space<hbm>>
      %dma_wait3A_267 = tpu.memref_slice %arg5[%add3A_255] : memref<172032xi32, #tpu.memory_space<hbm>> -> memref<64xi32, #tpu.memory_space<hbm>>
      tpu.wait_dma2 semaphore(%arg26 : memref<!tpu.dma_semaphore, #tpu.memory_space<semaphore_mem>>) src(%dma_wait3A_267 : memref<64xi32, #tpu.memory_space<hbm>>) dst(%arg12 : memref<64xi32, #tpu.memory_space<vmem>>)
      "tpu.region"() ({
        %run_scoped3A = tpu.sem_alloc : memref<!tpu.dma_semaphore, #tpu.memory_space<semaphore_mem>>
        %dma_start3A_268 = arith.constant 0 : i32
        %dma_start3A_269 = arith.constant 0 : i32
        %dma_start3A_270 = tpu.memref_slice %arg17[%dma_start3A_268, %dma_start3A_269] : memref<10240x128xf32, #tpu.memory_space<vmem_shared>> -> memref<10240x128xf32, #tpu.memory_space<vmem_shared>>
        tpu.enqueue_indirect_dma source(%arg15 : memref<64x128xf32, #tpu.memory_space<vmem>>) target(%dma_start3A_270 : memref<10240x128xf32, #tpu.memory_space<vmem_shared>>) offsets(%arg11 : memref<64xi32, #tpu.memory_space<vmem>>) semaphore(%run_scoped3A : memref<!tpu.dma_semaphore, #tpu.memory_space<semaphore_mem>>) {add = true}
        %dma_wait3A_271 = arith.constant 0 : i32
        %dma_wait3A_272 = arith.constant 0 : i32
        %dma_wait3A_273 = tpu.memref_slice %arg17[%dma_wait3A_271, %dma_wait3A_272] : memref<10240x128xf32, #tpu.memory_space<vmem_shared>> -> memref<10240x128xf32, #tpu.memory_space<vmem_shared>>
        tpu.wait_indirect_dma semaphore(%run_scoped3A : memref<!tpu.dma_semaphore, #tpu.memory_space<semaphore_mem>>) src(%arg15 : memref<64x128xf32, #tpu.memory_space<vmem>>) dst(%dma_wait3A_273 : memref<10240x128xf32, #tpu.memory_space<vmem_shared>>)
        tpu.yield
      }) : () -> ()
      "tpu.region"() ({
        %run_scoped3A = tpu.sem_alloc : memref<!tpu.dma_semaphore, #tpu.memory_space<semaphore_mem>>
        %dma_start3A_268 = arith.constant 0 : i32
        %dma_start3A_269 = arith.constant 0 : i32
        %dma_start3A_270 = tpu.memref_slice %arg18[%dma_start3A_268, %dma_start3A_269] : memref<640x128xf32, #tpu.memory_space<vmem_shared>> -> memref<640x128xf32, #tpu.memory_space<vmem_shared>>
        tpu.enqueue_indirect_dma source(%arg16 : memref<64x128xf32, #tpu.memory_space<vmem>>) target(%dma_start3A_270 : memref<640x128xf32, #tpu.memory_space<vmem_shared>>) offsets(%arg12 : memref<64xi32, #tpu.memory_space<vmem>>) semaphore(%run_scoped3A : memref<!tpu.dma_semaphore, #tpu.memory_space<semaphore_mem>>) {add = true}
        %dma_wait3A_271 = arith.constant 0 : i32
        %dma_wait3A_272 = arith.constant 0 : i32
        %dma_wait3A_273 = tpu.memref_slice %arg18[%dma_wait3A_271, %dma_wait3A_272] : memref<640x128xf32, #tpu.memory_space<vmem_shared>> -> memref<640x128xf32, #tpu.memory_space<vmem_shared>>
        tpu.wait_indirect_dma semaphore(%run_scoped3A : memref<!tpu.dma_semaphore, #tpu.memory_space<semaphore_mem>>) src(%arg16 : memref<64x128xf32, #tpu.memory_space<vmem>>) dst(%dma_wait3A_273 : memref<640x128xf32, #tpu.memory_space<vmem_shared>>)
        tpu.yield
      }) : () -> ()
    }
    %scan3A_82 = arith.constant 42 : i32
    %barrier3A_83 = arith.constant 0 : index
    tpu.barrier barrier_id(%barrier3A_83)
    %scan3A_84 = arith.constant 0 : i32
    %scan3A_85 = arith.constant 0 : i32
    %scan3A_86 = arith.constant 10 : i32
    %scan3A_87 = arith.addi %scan3A_85, %scan3A_86 : i32
    %scan3A_88 = arith.constant 1 : i32
    scf.for %scan3A_200 = %scan3A_85 to %scan3A_87 step %scan3A_88  : i32 {
      %mul3A_201 = arith.constant 640 : i32
      %mul3A_202 = arith.muli %arg1, %mul3A_201 : i32
      %mul3A_203 = arith.constant 64 : i32
      %mul3A_204 = arith.muli %scan3A_200, %mul3A_203 : i32
      %add3A_205 = arith.addi %mul3A_202, %mul3A_204 : i32
      %add3A_206 = arith.constant 2 : i32
      %add3A_207 = arith.addi %add3A_206, %arg0 : i32
      %mul3A_208 = arith.constant 10240 : i32
      %mul3A_209 = arith.muli %add3A_207, %mul3A_208 : i32
      %add3A_210 = arith.addi %mul3A_209, %add3A_205 : i32
      "tpu.region"() ({
        %run_scoped3A = tpu.sem_alloc : memref<!tpu.dma_semaphore, #tpu.memory_space<semaphore_mem>>
        %dma_start3A_211 = arith.constant 0 : i32
        %dma_start3A_212 = tpu.memref_slice %arg17[%add3A_205, %dma_start3A_211] : memref<10240x128xf32, #tpu.memory_space<vmem_shared>> -> memref<64x128xf32, #tpu.memory_space<vmem_shared>>
        %dma_start3A_213 = arith.constant 0 : i32
        %dma_start3A_214 = tpu.memref_slice %arg17[%add3A_205, %dma_start3A_213] : memref<10240x128xf32, #tpu.memory_space<vmem_shared>> -> memref<64x128xf32, #tpu.memory_space<vmem_shared>>
        tpu.enqueue_dma source(%dma_start3A_214 : memref<64x128xf32, #tpu.memory_space<vmem_shared>>) target(%arg13 : memref<64x128xf32, #tpu.memory_space<vmem>>) target_semaphore(%run_scoped3A : memref<!tpu.dma_semaphore, #tpu.memory_space<semaphore_mem>>)
        %dma_wait3A = arith.constant 0 : i32
        %dma_wait3A_215 = tpu.memref_slice %arg17[%add3A_205, %dma_wait3A] : memref<10240x128xf32, #tpu.memory_space<vmem_shared>> -> memref<64x128xf32, #tpu.memory_space<vmem_shared>>
        %dma_wait3A_216 = arith.constant 0 : i32
        %dma_wait3A_217 = tpu.memref_slice %arg17[%add3A_205, %dma_wait3A_216] : memref<10240x128xf32, #tpu.memory_space<vmem_shared>> -> memref<64x128xf32, #tpu.memory_space<vmem_shared>>
        tpu.wait_dma2 semaphore(%run_scoped3A : memref<!tpu.dma_semaphore, #tpu.memory_space<semaphore_mem>>) src(%dma_wait3A_217 : memref<64x128xf32, #tpu.memory_space<vmem_shared>>) dst(%arg13 : memref<64x128xf32, #tpu.memory_space<vmem>>)
        tpu.yield
      }) : () -> ()
      "tpu.region"() ({
        %run_scoped3A = tpu.sem_alloc : memref<!tpu.dma_semaphore, #tpu.memory_space<semaphore_mem>>
        %dma_start3A_211 = arith.constant 0 : i32
        %dma_start3A_212 = tpu.memref_slice %arg7[%add3A_210, %dma_start3A_211] : memref<81920x128xf32, #tpu.memory_space<hbm>> -> memref<64x128xf32, #tpu.memory_space<hbm>>
        %dma_start3A_213 = arith.constant 0 : i32
        %dma_start3A_214 = tpu.memref_slice %arg7[%add3A_210, %dma_start3A_213] : memref<81920x128xf32, #tpu.memory_space<hbm>> -> memref<64x128xf32, #tpu.memory_space<hbm>>
        tpu.enqueue_dma source(%arg13 : memref<64x128xf32, #tpu.memory_space<vmem>>) target(%dma_start3A_214 : memref<64x128xf32, #tpu.memory_space<hbm>>) target_semaphore(%run_scoped3A : memref<!tpu.dma_semaphore, #tpu.memory_space<semaphore_mem>>)
        %dma_wait3A = arith.constant 0 : i32
        %dma_wait3A_215 = tpu.memref_slice %arg7[%add3A_210, %dma_wait3A] : memref<81920x128xf32, #tpu.memory_space<hbm>> -> memref<64x128xf32, #tpu.memory_space<hbm>>
        %dma_wait3A_216 = arith.constant 0 : i32
        %dma_wait3A_217 = tpu.memref_slice %arg7[%add3A_210, %dma_wait3A_216] : memref<81920x128xf32, #tpu.memory_space<hbm>> -> memref<64x128xf32, #tpu.memory_space<hbm>>
        tpu.wait_dma2 semaphore(%run_scoped3A : memref<!tpu.dma_semaphore, #tpu.memory_space<semaphore_mem>>) src(%arg13 : memref<64x128xf32, #tpu.memory_space<vmem>>) dst(%dma_wait3A_217 : memref<64x128xf32, #tpu.memory_space<hbm>>)
        tpu.yield
      }) : () -> ()
    }
    %scan3A_89 = arith.constant 10 : i32
    %mul3A_90 = arith.constant 40 : i32
    %mul3A_91 = arith.muli %arg1, %mul3A_90 : i32
    "tpu.region"() ({
      %run_scoped3A = tpu.sem_alloc : memref<!tpu.dma_semaphore, #tpu.memory_space<semaphore_mem>>
      %dma_start3A_200 = arith.constant 0 : i32
      %dma_start3A_201 = arith.constant 0 : i32
      %dma_start3A_202 = tpu.memref_slice %arg14[%dma_start3A_200, %dma_start3A_201] : memref<64x128xf32, #tpu.memory_space<vmem>> -> memref<40x128xf32, #tpu.memory_space<vmem>>
      %dma_start3A_203 = arith.constant 0 : i32
      %dma_start3A_204 = tpu.memref_slice %arg18[%mul3A_91, %dma_start3A_203] : memref<640x128xf32, #tpu.memory_space<vmem_shared>> -> memref<40x128xf32, #tpu.memory_space<vmem_shared>>
      %dma_start3A_205 = arith.constant 0 : i32
      %dma_start3A_206 = arith.constant 0 : i32
      %dma_start3A_207 = tpu.memref_slice %arg14[%dma_start3A_205, %dma_start3A_206] : memref<64x128xf32, #tpu.memory_space<vmem>> -> memref<40x128xf32, #tpu.memory_space<vmem>>
      %dma_start3A_208 = arith.constant 0 : i32
      %dma_start3A_209 = tpu.memref_slice %arg18[%mul3A_91, %dma_start3A_208] : memref<640x128xf32, #tpu.memory_space<vmem_shared>> -> memref<40x128xf32, #tpu.memory_space<vmem_shared>>
      tpu.enqueue_dma source(%dma_start3A_209 : memref<40x128xf32, #tpu.memory_space<vmem_shared>>) target(%dma_start3A_207 : memref<40x128xf32, #tpu.memory_space<vmem>>) target_semaphore(%run_scoped3A : memref<!tpu.dma_semaphore, #tpu.memory_space<semaphore_mem>>)
      %dma_wait3A = arith.constant 0 : i32
      %dma_wait3A_210 = arith.constant 0 : i32
      %dma_wait3A_211 = tpu.memref_slice %arg14[%dma_wait3A, %dma_wait3A_210] : memref<64x128xf32, #tpu.memory_space<vmem>> -> memref<40x128xf32, #tpu.memory_space<vmem>>
      %dma_wait3A_212 = arith.constant 0 : i32
      %dma_wait3A_213 = tpu.memref_slice %arg18[%mul3A_91, %dma_wait3A_212] : memref<640x128xf32, #tpu.memory_space<vmem_shared>> -> memref<40x128xf32, #tpu.memory_space<vmem_shared>>
      %dma_wait3A_214 = arith.constant 0 : i32
      %dma_wait3A_215 = arith.constant 0 : i32
      %dma_wait3A_216 = tpu.memref_slice %arg14[%dma_wait3A_214, %dma_wait3A_215] : memref<64x128xf32, #tpu.memory_space<vmem>> -> memref<40x128xf32, #tpu.memory_space<vmem>>
      %dma_wait3A_217 = arith.constant 0 : i32
      %dma_wait3A_218 = tpu.memref_slice %arg18[%mul3A_91, %dma_wait3A_217] : memref<640x128xf32, #tpu.memory_space<vmem_shared>> -> memref<40x128xf32, #tpu.memory_space<vmem_shared>>
      tpu.wait_dma2 semaphore(%run_scoped3A : memref<!tpu.dma_semaphore, #tpu.memory_space<semaphore_mem>>) src(%dma_wait3A_218 : memref<40x128xf32, #tpu.memory_space<vmem_shared>>) dst(%dma_wait3A_216 : memref<40x128xf32, #tpu.memory_space<vmem>>)
      tpu.yield
    }) : () -> ()
    %add3A_92 = arith.constant 2 : i32
    %add3A_93 = arith.addi %add3A_92, %arg0 : i32
    %mul3A_94 = arith.constant 640 : i32
    %mul3A_95 = arith.muli %add3A_93, %mul3A_94 : i32
    %mul3A_96 = arith.constant 40 : i32
    %mul3A_97 = arith.muli %arg1, %mul3A_96 : i32
    %add3A_98 = arith.addi %mul3A_95, %mul3A_97 : i32
    "tpu.region"() ({
      %run_scoped3A = tpu.sem_alloc : memref<!tpu.dma_semaphore, #tpu.memory_space<semaphore_mem>>
      %dma_start3A_200 = arith.constant 0 : i32
      %dma_start3A_201 = arith.constant 0 : i32
      %dma_start3A_202 = tpu.memref_slice %arg14[%dma_start3A_200, %dma_start3A_201] : memref<64x128xf32, #tpu.memory_space<vmem>> -> memref<40x128xf32, #tpu.memory_space<vmem>>
      %dma_start3A_203 = arith.constant 0 : i32
      %dma_start3A_204 = tpu.memref_slice %arg8[%add3A_98, %dma_start3A_203] : memref<5120x128xf32, #tpu.memory_space<hbm>> -> memref<40x128xf32, #tpu.memory_space<hbm>>
      %dma_start3A_205 = arith.constant 0 : i32
      %dma_start3A_206 = tpu.memref_slice %arg8[%add3A_98, %dma_start3A_205] : memref<5120x128xf32, #tpu.memory_space<hbm>> -> memref<40x128xf32, #tpu.memory_space<hbm>>
      %dma_start3A_207 = arith.constant 0 : i32
      %dma_start3A_208 = arith.constant 0 : i32
      %dma_start3A_209 = tpu.memref_slice %arg14[%dma_start3A_207, %dma_start3A_208] : memref<64x128xf32, #tpu.memory_space<vmem>> -> memref<40x128xf32, #tpu.memory_space<vmem>>
      tpu.enqueue_dma source(%dma_start3A_209 : memref<40x128xf32, #tpu.memory_space<vmem>>) target(%dma_start3A_206 : memref<40x128xf32, #tpu.memory_space<hbm>>) target_semaphore(%run_scoped3A : memref<!tpu.dma_semaphore, #tpu.memory_space<semaphore_mem>>)
      %dma_wait3A = arith.constant 0 : i32
      %dma_wait3A_210 = arith.constant 0 : i32
      %dma_wait3A_211 = tpu.memref_slice %arg14[%dma_wait3A, %dma_wait3A_210] : memref<64x128xf32, #tpu.memory_space<vmem>> -> memref<40x128xf32, #tpu.memory_space<vmem>>
      %dma_wait3A_212 = arith.constant 0 : i32
      %dma_wait3A_213 = tpu.memref_slice %arg8[%add3A_98, %dma_wait3A_212] : memref<5120x128xf32, #tpu.memory_space<hbm>> -> memref<40x128xf32, #tpu.memory_space<hbm>>
      %dma_wait3A_214 = arith.constant 0 : i32
      %dma_wait3A_215 = tpu.memref_slice %arg8[%add3A_98, %dma_wait3A_214] : memref<5120x128xf32, #tpu.memory_space<hbm>> -> memref<40x128xf32, #tpu.memory_space<hbm>>
      %dma_wait3A_216 = arith.constant 0 : i32
      %dma_wait3A_217 = arith.constant 0 : i32
      %dma_wait3A_218 = tpu.memref_slice %arg14[%dma_wait3A_216, %dma_wait3A_217] : memref<64x128xf32, #tpu.memory_space<vmem>> -> memref<40x128xf32, #tpu.memory_space<vmem>>
      tpu.wait_dma2 semaphore(%run_scoped3A : memref<!tpu.dma_semaphore, #tpu.memory_space<semaphore_mem>>) src(%dma_wait3A_218 : memref<40x128xf32, #tpu.memory_space<vmem>>) dst(%dma_wait3A_215 : memref<40x128xf32, #tpu.memory_space<hbm>>)
      tpu.yield
    }) : () -> ()
    %barrier3A_99 = arith.constant 0 : index
    tpu.barrier barrier_id(%barrier3A_99)
    "tpu.region"() ({
      %run_scoped3A = tpu.sem_alloc : memref<!tpu.dma_semaphore, #tpu.memory_space<semaphore_mem>>
      tpu.enqueue_dma source(%arg6 : memref<64x128xf32, #tpu.memory_space<hbm>>) target(%arg13 : memref<64x128xf32, #tpu.memory_space<vmem>>) target_semaphore(%run_scoped3A : memref<!tpu.dma_semaphore, #tpu.memory_space<semaphore_mem>>)
      tpu.wait_dma2 semaphore(%run_scoped3A : memref<!tpu.dma_semaphore, #tpu.memory_space<semaphore_mem>>) src(%arg6 : memref<64x128xf32, #tpu.memory_space<hbm>>) dst(%arg13 : memref<64x128xf32, #tpu.memory_space<vmem>>)
      tpu.yield
    }) : () -> ()
    %scan3A_100 = arith.constant 0 : i32
    %scan3A_101 = arith.constant 0 : i32
    %scan3A_102 = arith.constant 10 : i32
    %scan3A_103 = arith.addi %scan3A_101, %scan3A_102 : i32
    %scan3A_104 = arith.constant 1 : i32
    scf.for %scan3A_200 = %scan3A_101 to %scan3A_103 step %scan3A_104  : i32 {
      %mul3A_201 = arith.constant 640 : i32
      %mul3A_202 = arith.muli %arg1, %mul3A_201 : i32
      %mul3A_203 = arith.constant 64 : i32
      %mul3A_204 = arith.muli %scan3A_200, %mul3A_203 : i32
      %add3A_205 = arith.addi %mul3A_202, %mul3A_204 : i32
      "tpu.region"() ({
        %run_scoped3A = tpu.sem_alloc : memref<!tpu.dma_semaphore, #tpu.memory_space<semaphore_mem>>
        %dma_start3A_206 = arith.constant 0 : i32
        %dma_start3A_207 = arith.constant 0 : i32
        %dma_start3A_208 = tpu.memref_slice %arg13[%dma_start3A_206, %dma_start3A_207] : memref<64x128xf32, #tpu.memory_space<vmem>> -> memref<64x128xf32, #tpu.memory_space<vmem>>
        %dma_start3A_209 = arith.constant 0 : i32
        %dma_start3A_210 = tpu.memref_slice %arg17[%add3A_205, %dma_start3A_209] : memref<10240x128xf32, #tpu.memory_space<vmem_shared>> -> memref<64x128xf32, #tpu.memory_space<vmem_shared>>
        %dma_start3A_211 = arith.constant 0 : i32
        %dma_start3A_212 = tpu.memref_slice %arg17[%add3A_205, %dma_start3A_211] : memref<10240x128xf32, #tpu.memory_space<vmem_shared>> -> memref<64x128xf32, #tpu.memory_space<vmem_shared>>
        %dma_start3A_213 = arith.constant 0 : i32
        %dma_start3A_214 = arith.constant 0 : i32
        %dma_start3A_215 = tpu.memref_slice %arg13[%dma_start3A_213, %dma_start3A_214] : memref<64x128xf32, #tpu.memory_space<vmem>> -> memref<64x128xf32, #tpu.memory_space<vmem>>
        tpu.enqueue_dma source(%dma_start3A_215 : memref<64x128xf32, #tpu.memory_space<vmem>>) target(%dma_start3A_212 : memref<64x128xf32, #tpu.memory_space<vmem_shared>>) target_semaphore(%run_scoped3A : memref<!tpu.dma_semaphore, #tpu.memory_space<semaphore_mem>>)
        %dma_wait3A = arith.constant 0 : i32
        %dma_wait3A_216 = arith.constant 0 : i32
        %dma_wait3A_217 = tpu.memref_slice %arg13[%dma_wait3A, %dma_wait3A_216] : memref<64x128xf32, #tpu.memory_space<vmem>> -> memref<64x128xf32, #tpu.memory_space<vmem>>
        %dma_wait3A_218 = arith.constant 0 : i32
        %dma_wait3A_219 = tpu.memref_slice %arg17[%add3A_205, %dma_wait3A_218] : memref<10240x128xf32, #tpu.memory_space<vmem_shared>> -> memref<64x128xf32, #tpu.memory_space<vmem_shared>>
        %dma_wait3A_220 = arith.constant 0 : i32
        %dma_wait3A_221 = tpu.memref_slice %arg17[%add3A_205, %dma_wait3A_220] : memref<10240x128xf32, #tpu.memory_space<vmem_shared>> -> memref<64x128xf32, #tpu.memory_space<vmem_shared>>
        %dma_wait3A_222 = arith.constant 0 : i32
        %dma_wait3A_223 = arith.constant 0 : i32
        %dma_wait3A_224 = tpu.memref_slice %arg13[%dma_wait3A_222, %dma_wait3A_223] : memref<64x128xf32, #tpu.memory_space<vmem>> -> memref<64x128xf32, #tpu.memory_space<vmem>>
        tpu.wait_dma2 semaphore(%run_scoped3A : memref<!tpu.dma_semaphore, #tpu.memory_space<semaphore_mem>>) src(%dma_wait3A_224 : memref<64x128xf32, #tpu.memory_space<vmem>>) dst(%dma_wait3A_221 : memref<64x128xf32, #tpu.memory_space<vmem_shared>>)
        tpu.yield
      }) : () -> ()
    }
    %scan3A_105 = arith.constant 10 : i32
    %mul3A_106 = arith.constant 40 : i32
    %mul3A_107 = arith.muli %arg1, %mul3A_106 : i32
    "tpu.region"() ({
      %run_scoped3A = tpu.sem_alloc : memref<!tpu.dma_semaphore, #tpu.memory_space<semaphore_mem>>
      %dma_start3A_200 = arith.constant 0 : i32
      %dma_start3A_201 = arith.constant 0 : i32
      %dma_start3A_202 = tpu.memref_slice %arg13[%dma_start3A_200, %dma_start3A_201] : memref<64x128xf32, #tpu.memory_space<vmem>> -> memref<40x128xf32, #tpu.memory_space<vmem>>
      %dma_start3A_203 = arith.constant 0 : i32
      %dma_start3A_204 = tpu.memref_slice %arg18[%mul3A_107, %dma_start3A_203] : memref<640x128xf32, #tpu.memory_space<vmem_shared>> -> memref<40x128xf32, #tpu.memory_space<vmem_shared>>
      %dma_start3A_205 = arith.constant 0 : i32
      %dma_start3A_206 = tpu.memref_slice %arg18[%mul3A_107, %dma_start3A_205] : memref<640x128xf32, #tpu.memory_space<vmem_shared>> -> memref<40x128xf32, #tpu.memory_space<vmem_shared>>
      %dma_start3A_207 = arith.constant 0 : i32
      %dma_start3A_208 = arith.constant 0 : i32
      %dma_start3A_209 = tpu.memref_slice %arg13[%dma_start3A_207, %dma_start3A_208] : memref<64x128xf32, #tpu.memory_space<vmem>> -> memref<40x128xf32, #tpu.memory_space<vmem>>
      tpu.enqueue_dma source(%dma_start3A_209 : memref<40x128xf32, #tpu.memory_space<vmem>>) target(%dma_start3A_206 : memref<40x128xf32, #tpu.memory_space<vmem_shared>>) target_semaphore(%run_scoped3A : memref<!tpu.dma_semaphore, #tpu.memory_space<semaphore_mem>>)
      %dma_wait3A = arith.constant 0 : i32
      %dma_wait3A_210 = arith.constant 0 : i32
      %dma_wait3A_211 = tpu.memref_slice %arg13[%dma_wait3A, %dma_wait3A_210] : memref<64x128xf32, #tpu.memory_space<vmem>> -> memref<40x128xf32, #tpu.memory_space<vmem>>
      %dma_wait3A_212 = arith.constant 0 : i32
      %dma_wait3A_213 = tpu.memref_slice %arg18[%mul3A_107, %dma_wait3A_212] : memref<640x128xf32, #tpu.memory_space<vmem_shared>> -> memref<40x128xf32, #tpu.memory_space<vmem_shared>>
      %dma_wait3A_214 = arith.constant 0 : i32
      %dma_wait3A_215 = tpu.memref_slice %arg18[%mul3A_107, %dma_wait3A_214] : memref<640x128xf32, #tpu.memory_space<vmem_shared>> -> memref<40x128xf32, #tpu.memory_space<vmem_shared>>
      %dma_wait3A_216 = arith.constant 0 : i32
      %dma_wait3A_217 = arith.constant 0 : i32
      %dma_wait3A_218 = tpu.memref_slice %arg13[%dma_wait3A_216, %dma_wait3A_217] : memref<64x128xf32, #tpu.memory_space<vmem>> -> memref<40x128xf32, #tpu.memory_space<vmem>>
      tpu.wait_dma2 semaphore(%run_scoped3A : memref<!tpu.dma_semaphore, #tpu.memory_space<semaphore_mem>>) src(%dma_wait3A_218 : memref<40x128xf32, #tpu.memory_space<vmem>>) dst(%dma_wait3A_215 : memref<40x128xf32, #tpu.memory_space<vmem_shared>>)
      tpu.yield
    }) : () -> ()
    %barrier3A_108 = arith.constant 0 : index
    tpu.barrier barrier_id(%barrier3A_108)
    %add3A_109 = arith.constant 344064 : i32
    %add3A_110 = arith.addi %add3A_109, %mul3A_2 : i32
    %add3A_111 = arith.constant 0 : i32
    %add3A_112 = arith.addi %add3A_110, %add3A_111 : i32
    %add3A_113 = arith.constant 0 : i32
    %add3A_114 = arith.addi %mul3A_2, %add3A_113 : i32
    %dma_start3A_115 = arith.constant 0 : i32
    %dma_start3A_116 = tpu.memref_slice %arg2[%add3A_112, %dma_start3A_115] : memref<688128x128xf32, #tpu.memory_space<hbm>> -> memref<64x128xf32, #tpu.memory_space<hbm>>
    %dma_start3A_117 = arith.constant 0 : i32
    %dma_start3A_118 = tpu.memref_slice %arg2[%add3A_112, %dma_start3A_117] : memref<688128x128xf32, #tpu.memory_space<hbm>> -> memref<64x128xf32, #tpu.memory_space<hbm>>
    tpu.enqueue_dma source(%dma_start3A_118 : memref<64x128xf32, #tpu.memory_space<hbm>>) target(%arg13 : memref<64x128xf32, #tpu.memory_space<vmem>>) target_semaphore(%arg19 : memref<!tpu.dma_semaphore, #tpu.memory_space<semaphore_mem>>)
    %dma_start3A_119 = arith.constant 0 : i32
    %dma_start3A_120 = tpu.memref_slice %arg3[%add3A_112, %dma_start3A_119] : memref<688128x128xf32, #tpu.memory_space<hbm>> -> memref<64x128xf32, #tpu.memory_space<hbm>>
    %dma_start3A_121 = arith.constant 0 : i32
    %dma_start3A_122 = tpu.memref_slice %arg3[%add3A_112, %dma_start3A_121] : memref<688128x128xf32, #tpu.memory_space<hbm>> -> memref<64x128xf32, #tpu.memory_space<hbm>>
    tpu.enqueue_dma source(%dma_start3A_122 : memref<64x128xf32, #tpu.memory_space<hbm>>) target(%arg14 : memref<64x128xf32, #tpu.memory_space<vmem>>) target_semaphore(%arg20 : memref<!tpu.dma_semaphore, #tpu.memory_space<semaphore_mem>>)
    %dma_start3A_123 = tpu.memref_slice %arg4[%add3A_114] : memref<172032xi32, #tpu.memory_space<hbm>> -> memref<64xi32, #tpu.memory_space<hbm>>
    %dma_start3A_124 = tpu.memref_slice %arg4[%add3A_114] : memref<172032xi32, #tpu.memory_space<hbm>> -> memref<64xi32, #tpu.memory_space<hbm>>
    tpu.enqueue_dma source(%dma_start3A_124 : memref<64xi32, #tpu.memory_space<hbm>>) target(%arg9 : memref<64xi32, #tpu.memory_space<vmem>>) target_semaphore(%arg23 : memref<!tpu.dma_semaphore, #tpu.memory_space<semaphore_mem>>)
    %dma_start3A_125 = tpu.memref_slice %arg5[%add3A_114] : memref<172032xi32, #tpu.memory_space<hbm>> -> memref<64xi32, #tpu.memory_space<hbm>>
    %dma_start3A_126 = tpu.memref_slice %arg5[%add3A_114] : memref<172032xi32, #tpu.memory_space<hbm>> -> memref<64xi32, #tpu.memory_space<hbm>>
    tpu.enqueue_dma source(%dma_start3A_126 : memref<64xi32, #tpu.memory_space<hbm>>) target(%arg10 : memref<64xi32, #tpu.memory_space<vmem>>) target_semaphore(%arg24 : memref<!tpu.dma_semaphore, #tpu.memory_space<semaphore_mem>>)
    %scan3A_127 = arith.constant 0 : i32
    %scan3A_128 = arith.constant 0 : i32
    %scan3A_129 = arith.constant 42 : i32
    %scan3A_130 = arith.addi %scan3A_128, %scan3A_129 : i32
    %scan3A_131 = arith.constant 1 : i32
    scf.for %scan3A_200 = %scan3A_128 to %scan3A_130 step %scan3A_131  : i32 {
      %mul3A_201 = arith.constant 2 : i32
      %mul3A_202 = arith.muli %scan3A_200, %mul3A_201 : i32
      %add3A_203 = arith.constant 1 : i32
      %add3A_204 = arith.addi %mul3A_202, %add3A_203 : i32
      %add3A_205 = arith.constant 344064 : i32
      %add3A_206 = arith.addi %add3A_205, %mul3A_2 : i32
      %mul3A_207 = arith.constant 64 : i32
      %mul3A_208 = arith.muli %add3A_204, %mul3A_207 : i32
      %add3A_209 = arith.addi %add3A_206, %mul3A_208 : i32
      %mul3A_210 = arith.constant 64 : i32
      %mul3A_211 = arith.muli %add3A_204, %mul3A_210 : i32
      %add3A_212 = arith.addi %mul3A_2, %mul3A_211 : i32
      %dma_start3A_213 = arith.constant 0 : i32
      %dma_start3A_214 = tpu.memref_slice %arg2[%add3A_209, %dma_start3A_213] : memref<688128x128xf32, #tpu.memory_space<hbm>> -> memref<64x128xf32, #tpu.memory_space<hbm>>
      %dma_start3A_215 = arith.constant 0 : i32
      %dma_start3A_216 = tpu.memref_slice %arg2[%add3A_209, %dma_start3A_215] : memref<688128x128xf32, #tpu.memory_space<hbm>> -> memref<64x128xf32, #tpu.memory_space<hbm>>
      tpu.enqueue_dma source(%dma_start3A_216 : memref<64x128xf32, #tpu.memory_space<hbm>>) target(%arg15 : memref<64x128xf32, #tpu.memory_space<vmem>>) target_semaphore(%arg21 : memref<!tpu.dma_semaphore, #tpu.memory_space<semaphore_mem>>)
      %dma_start3A_217 = arith.constant 0 : i32
      %dma_start3A_218 = tpu.memref_slice %arg3[%add3A_209, %dma_start3A_217] : memref<688128x128xf32, #tpu.memory_space<hbm>> -> memref<64x128xf32, #tpu.memory_space<hbm>>
      %dma_start3A_219 = arith.constant 0 : i32
      %dma_start3A_220 = tpu.memref_slice %arg3[%add3A_209, %dma_start3A_219] : memref<688128x128xf32, #tpu.memory_space<hbm>> -> memref<64x128xf32, #tpu.memory_space<hbm>>
      tpu.enqueue_dma source(%dma_start3A_220 : memref<64x128xf32, #tpu.memory_space<hbm>>) target(%arg16 : memref<64x128xf32, #tpu.memory_space<vmem>>) target_semaphore(%arg22 : memref<!tpu.dma_semaphore, #tpu.memory_space<semaphore_mem>>)
      %dma_start3A_221 = tpu.memref_slice %arg4[%add3A_212] : memref<172032xi32, #tpu.memory_space<hbm>> -> memref<64xi32, #tpu.memory_space<hbm>>
      %dma_start3A_222 = tpu.memref_slice %arg4[%add3A_212] : memref<172032xi32, #tpu.memory_space<hbm>> -> memref<64xi32, #tpu.memory_space<hbm>>
      tpu.enqueue_dma source(%dma_start3A_222 : memref<64xi32, #tpu.memory_space<hbm>>) target(%arg11 : memref<64xi32, #tpu.memory_space<vmem>>) target_semaphore(%arg25 : memref<!tpu.dma_semaphore, #tpu.memory_space<semaphore_mem>>)
      %dma_start3A_223 = tpu.memref_slice %arg5[%add3A_212] : memref<172032xi32, #tpu.memory_space<hbm>> -> memref<64xi32, #tpu.memory_space<hbm>>
      %dma_start3A_224 = tpu.memref_slice %arg5[%add3A_212] : memref<172032xi32, #tpu.memory_space<hbm>> -> memref<64xi32, #tpu.memory_space<hbm>>
      tpu.enqueue_dma source(%dma_start3A_224 : memref<64xi32, #tpu.memory_space<hbm>>) target(%arg12 : memref<64xi32, #tpu.memory_space<vmem>>) target_semaphore(%arg26 : memref<!tpu.dma_semaphore, #tpu.memory_space<semaphore_mem>>)
      %add3A_225 = arith.constant 344064 : i32
      %add3A_226 = arith.addi %add3A_225, %mul3A_2 : i32
      %mul3A_227 = arith.constant 64 : i32
      %mul3A_228 = arith.muli %mul3A_202, %mul3A_227 : i32
      %add3A_229 = arith.addi %add3A_226, %mul3A_228 : i32
      %mul3A_230 = arith.constant 64 : i32
      %mul3A_231 = arith.muli %mul3A_202, %mul3A_230 : i32
      %add3A_232 = arith.addi %mul3A_2, %mul3A_231 : i32
      %dma_wait3A = arith.constant 0 : i32
      %dma_wait3A_233 = tpu.memref_slice %arg2[%add3A_229, %dma_wait3A] : memref<688128x128xf32, #tpu.memory_space<hbm>> -> memref<64x128xf32, #tpu.memory_space<hbm>>
      %dma_wait3A_234 = arith.constant 0 : i32
      %dma_wait3A_235 = tpu.memref_slice %arg2[%add3A_229, %dma_wait3A_234] : memref<688128x128xf32, #tpu.memory_space<hbm>> -> memref<64x128xf32, #tpu.memory_space<hbm>>
      tpu.wait_dma2 semaphore(%arg19 : memref<!tpu.dma_semaphore, #tpu.memory_space<semaphore_mem>>) src(%dma_wait3A_235 : memref<64x128xf32, #tpu.memory_space<hbm>>) dst(%arg13 : memref<64x128xf32, #tpu.memory_space<vmem>>)
      %dma_wait3A_236 = arith.constant 0 : i32
      %dma_wait3A_237 = tpu.memref_slice %arg3[%add3A_229, %dma_wait3A_236] : memref<688128x128xf32, #tpu.memory_space<hbm>> -> memref<64x128xf32, #tpu.memory_space<hbm>>
      %dma_wait3A_238 = arith.constant 0 : i32
      %dma_wait3A_239 = tpu.memref_slice %arg3[%add3A_229, %dma_wait3A_238] : memref<688128x128xf32, #tpu.memory_space<hbm>> -> memref<64x128xf32, #tpu.memory_space<hbm>>
      tpu.wait_dma2 semaphore(%arg20 : memref<!tpu.dma_semaphore, #tpu.memory_space<semaphore_mem>>) src(%dma_wait3A_239 : memref<64x128xf32, #tpu.memory_space<hbm>>) dst(%arg14 : memref<64x128xf32, #tpu.memory_space<vmem>>)
      %dma_wait3A_240 = tpu.memref_slice %arg4[%add3A_232] : memref<172032xi32, #tpu.memory_space<hbm>> -> memref<64xi32, #tpu.memory_space<hbm>>
      %dma_wait3A_241 = tpu.memref_slice %arg4[%add3A_232] : memref<172032xi32, #tpu.memory_space<hbm>> -> memref<64xi32, #tpu.memory_space<hbm>>
      tpu.wait_dma2 semaphore(%arg23 : memref<!tpu.dma_semaphore, #tpu.memory_space<semaphore_mem>>) src(%dma_wait3A_241 : memref<64xi32, #tpu.memory_space<hbm>>) dst(%arg9 : memref<64xi32, #tpu.memory_space<vmem>>)
      %dma_wait3A_242 = tpu.memref_slice %arg5[%add3A_232] : memref<172032xi32, #tpu.memory_space<hbm>> -> memref<64xi32, #tpu.memory_space<hbm>>
      %dma_wait3A_243 = tpu.memref_slice %arg5[%add3A_232] : memref<172032xi32, #tpu.memory_space<hbm>> -> memref<64xi32, #tpu.memory_space<hbm>>
      tpu.wait_dma2 semaphore(%arg24 : memref<!tpu.dma_semaphore, #tpu.memory_space<semaphore_mem>>) src(%dma_wait3A_243 : memref<64xi32, #tpu.memory_space<hbm>>) dst(%arg10 : memref<64xi32, #tpu.memory_space<vmem>>)
      "tpu.region"() ({
        %run_scoped3A = tpu.sem_alloc : memref<!tpu.dma_semaphore, #tpu.memory_space<semaphore_mem>>
        %dma_start3A_268 = arith.constant 0 : i32
        %dma_start3A_269 = arith.constant 0 : i32
        %dma_start3A_270 = tpu.memref_slice %arg17[%dma_start3A_268, %dma_start3A_269] : memref<10240x128xf32, #tpu.memory_space<vmem_shared>> -> memref<10240x128xf32, #tpu.memory_space<vmem_shared>>
        tpu.enqueue_indirect_dma source(%arg13 : memref<64x128xf32, #tpu.memory_space<vmem>>) target(%dma_start3A_270 : memref<10240x128xf32, #tpu.memory_space<vmem_shared>>) offsets(%arg9 : memref<64xi32, #tpu.memory_space<vmem>>) semaphore(%run_scoped3A : memref<!tpu.dma_semaphore, #tpu.memory_space<semaphore_mem>>) {add = true}
        %dma_wait3A_271 = arith.constant 0 : i32
        %dma_wait3A_272 = arith.constant 0 : i32
        %dma_wait3A_273 = tpu.memref_slice %arg17[%dma_wait3A_271, %dma_wait3A_272] : memref<10240x128xf32, #tpu.memory_space<vmem_shared>> -> memref<10240x128xf32, #tpu.memory_space<vmem_shared>>
        tpu.wait_indirect_dma semaphore(%run_scoped3A : memref<!tpu.dma_semaphore, #tpu.memory_space<semaphore_mem>>) src(%arg13 : memref<64x128xf32, #tpu.memory_space<vmem>>) dst(%dma_wait3A_273 : memref<10240x128xf32, #tpu.memory_space<vmem_shared>>)
        tpu.yield
      }) : () -> ()
      "tpu.region"() ({
        %run_scoped3A = tpu.sem_alloc : memref<!tpu.dma_semaphore, #tpu.memory_space<semaphore_mem>>
        %dma_start3A_268 = arith.constant 0 : i32
        %dma_start3A_269 = arith.constant 0 : i32
        %dma_start3A_270 = tpu.memref_slice %arg18[%dma_start3A_268, %dma_start3A_269] : memref<640x128xf32, #tpu.memory_space<vmem_shared>> -> memref<640x128xf32, #tpu.memory_space<vmem_shared>>
        tpu.enqueue_indirect_dma source(%arg14 : memref<64x128xf32, #tpu.memory_space<vmem>>) target(%dma_start3A_270 : memref<640x128xf32, #tpu.memory_space<vmem_shared>>) offsets(%arg10 : memref<64xi32, #tpu.memory_space<vmem>>) semaphore(%run_scoped3A : memref<!tpu.dma_semaphore, #tpu.memory_space<semaphore_mem>>) {add = true}
        %dma_wait3A_271 = arith.constant 0 : i32
        %dma_wait3A_272 = arith.constant 0 : i32
        %dma_wait3A_273 = tpu.memref_slice %arg18[%dma_wait3A_271, %dma_wait3A_272] : memref<640x128xf32, #tpu.memory_space<vmem_shared>> -> memref<640x128xf32, #tpu.memory_space<vmem_shared>>
        tpu.wait_indirect_dma semaphore(%run_scoped3A : memref<!tpu.dma_semaphore, #tpu.memory_space<semaphore_mem>>) src(%arg14 : memref<64x128xf32, #tpu.memory_space<vmem>>) dst(%dma_wait3A_273 : memref<640x128xf32, #tpu.memory_space<vmem_shared>>)
        tpu.yield
      }) : () -> ()
      %add3A_244 = arith.constant 1 : i32
      %add3A_245 = arith.addi %scan3A_200, %add3A_244 : i32
      %lt3A = arith.constant 42 : i32
      %lt3A_246 = arith.cmpi slt, %add3A_245, %lt3A : i32
      %convert_element_type3A = arith.extui %lt3A_246 : i1 to i32
      %cond3A = arith.constant 0 : i32
      %cond3A_247 = arith.cmpi ne, %convert_element_type3A, %cond3A : i32
      scf.if %cond3A_247 {
        %add3A_268 = arith.constant 2 : i32
        %add3A_269 = arith.addi %mul3A_202, %add3A_268 : i32
        %add3A_270 = arith.constant 344064 : i32
        %add3A_271 = arith.addi %add3A_270, %mul3A_2 : i32
        %mul3A_272 = arith.constant 64 : i32
        %mul3A_273 = arith.muli %add3A_269, %mul3A_272 : i32
        %add3A_274 = arith.addi %add3A_271, %mul3A_273 : i32
        %mul3A_275 = arith.constant 64 : i32
        %mul3A_276 = arith.muli %add3A_269, %mul3A_275 : i32
        %add3A_277 = arith.addi %mul3A_2, %mul3A_276 : i32
        %dma_start3A_278 = arith.constant 0 : i32
        %dma_start3A_279 = tpu.memref_slice %arg2[%add3A_274, %dma_start3A_278] : memref<688128x128xf32, #tpu.memory_space<hbm>> -> memref<64x128xf32, #tpu.memory_space<hbm>>
        %dma_start3A_280 = arith.constant 0 : i32
        %dma_start3A_281 = tpu.memref_slice %arg2[%add3A_274, %dma_start3A_280] : memref<688128x128xf32, #tpu.memory_space<hbm>> -> memref<64x128xf32, #tpu.memory_space<hbm>>
        tpu.enqueue_dma source(%dma_start3A_281 : memref<64x128xf32, #tpu.memory_space<hbm>>) target(%arg13 : memref<64x128xf32, #tpu.memory_space<vmem>>) target_semaphore(%arg19 : memref<!tpu.dma_semaphore, #tpu.memory_space<semaphore_mem>>)
        %dma_start3A_282 = arith.constant 0 : i32
        %dma_start3A_283 = tpu.memref_slice %arg3[%add3A_274, %dma_start3A_282] : memref<688128x128xf32, #tpu.memory_space<hbm>> -> memref<64x128xf32, #tpu.memory_space<hbm>>
        %dma_start3A_284 = arith.constant 0 : i32
        %dma_start3A_285 = tpu.memref_slice %arg3[%add3A_274, %dma_start3A_284] : memref<688128x128xf32, #tpu.memory_space<hbm>> -> memref<64x128xf32, #tpu.memory_space<hbm>>
        tpu.enqueue_dma source(%dma_start3A_285 : memref<64x128xf32, #tpu.memory_space<hbm>>) target(%arg14 : memref<64x128xf32, #tpu.memory_space<vmem>>) target_semaphore(%arg20 : memref<!tpu.dma_semaphore, #tpu.memory_space<semaphore_mem>>)
        %dma_start3A_286 = tpu.memref_slice %arg4[%add3A_277] : memref<172032xi32, #tpu.memory_space<hbm>> -> memref<64xi32, #tpu.memory_space<hbm>>
        %dma_start3A_287 = tpu.memref_slice %arg4[%add3A_277] : memref<172032xi32, #tpu.memory_space<hbm>> -> memref<64xi32, #tpu.memory_space<hbm>>
        tpu.enqueue_dma source(%dma_start3A_287 : memref<64xi32, #tpu.memory_space<hbm>>) target(%arg9 : memref<64xi32, #tpu.memory_space<vmem>>) target_semaphore(%arg23 : memref<!tpu.dma_semaphore, #tpu.memory_space<semaphore_mem>>)
        %dma_start3A_288 = tpu.memref_slice %arg5[%add3A_277] : memref<172032xi32, #tpu.memory_space<hbm>> -> memref<64xi32, #tpu.memory_space<hbm>>
        %dma_start3A_289 = tpu.memref_slice %arg5[%add3A_277] : memref<172032xi32, #tpu.memory_space<hbm>> -> memref<64xi32, #tpu.memory_space<hbm>>
        tpu.enqueue_dma source(%dma_start3A_289 : memref<64xi32, #tpu.memory_space<hbm>>) target(%arg10 : memref<64xi32, #tpu.memory_space<vmem>>) target_semaphore(%arg24 : memref<!tpu.dma_semaphore, #tpu.memory_space<semaphore_mem>>)
      } else {
      }
      %add3A_248 = arith.constant 344064 : i32
      %add3A_249 = arith.addi %add3A_248, %mul3A_2 : i32
      %mul3A_250 = arith.constant 64 : i32
      %mul3A_251 = arith.muli %add3A_204, %mul3A_250 : i32
      %add3A_252 = arith.addi %add3A_249, %mul3A_251 : i32
      %mul3A_253 = arith.constant 64 : i32
      %mul3A_254 = arith.muli %add3A_204, %mul3A_253 : i32
      %add3A_255 = arith.addi %mul3A_2, %mul3A_254 : i32
      %dma_wait3A_256 = arith.constant 0 : i32
      %dma_wait3A_257 = tpu.memref_slice %arg2[%add3A_252, %dma_wait3A_256] : memref<688128x128xf32, #tpu.memory_space<hbm>> -> memref<64x128xf32, #tpu.memory_space<hbm>>
      %dma_wait3A_258 = arith.constant 0 : i32
      %dma_wait3A_259 = tpu.memref_slice %arg2[%add3A_252, %dma_wait3A_258] : memref<688128x128xf32, #tpu.memory_space<hbm>> -> memref<64x128xf32, #tpu.memory_space<hbm>>
      tpu.wait_dma2 semaphore(%arg21 : memref<!tpu.dma_semaphore, #tpu.memory_space<semaphore_mem>>) src(%dma_wait3A_259 : memref<64x128xf32, #tpu.memory_space<hbm>>) dst(%arg15 : memref<64x128xf32, #tpu.memory_space<vmem>>)
      %dma_wait3A_260 = arith.constant 0 : i32
      %dma_wait3A_261 = tpu.memref_slice %arg3[%add3A_252, %dma_wait3A_260] : memref<688128x128xf32, #tpu.memory_space<hbm>> -> memref<64x128xf32, #tpu.memory_space<hbm>>
      %dma_wait3A_262 = arith.constant 0 : i32
      %dma_wait3A_263 = tpu.memref_slice %arg3[%add3A_252, %dma_wait3A_262] : memref<688128x128xf32, #tpu.memory_space<hbm>> -> memref<64x128xf32, #tpu.memory_space<hbm>>
      tpu.wait_dma2 semaphore(%arg22 : memref<!tpu.dma_semaphore, #tpu.memory_space<semaphore_mem>>) src(%dma_wait3A_263 : memref<64x128xf32, #tpu.memory_space<hbm>>) dst(%arg16 : memref<64x128xf32, #tpu.memory_space<vmem>>)
      %dma_wait3A_264 = tpu.memref_slice %arg4[%add3A_255] : memref<172032xi32, #tpu.memory_space<hbm>> -> memref<64xi32, #tpu.memory_space<hbm>>
      %dma_wait3A_265 = tpu.memref_slice %arg4[%add3A_255] : memref<172032xi32, #tpu.memory_space<hbm>> -> memref<64xi32, #tpu.memory_space<hbm>>
      tpu.wait_dma2 semaphore(%arg25 : memref<!tpu.dma_semaphore, #tpu.memory_space<semaphore_mem>>) src(%dma_wait3A_265 : memref<64xi32, #tpu.memory_space<hbm>>) dst(%arg11 : memref<64xi32, #tpu.memory_space<vmem>>)
      %dma_wait3A_266 = tpu.memref_slice %arg5[%add3A_255] : memref<172032xi32, #tpu.memory_space<hbm>> -> memref<64xi32, #tpu.memory_space<hbm>>
      %dma_wait3A_267 = tpu.memref_slice %arg5[%add3A_255] : memref<172032xi32, #tpu.memory_space<hbm>> -> memref<64xi32, #tpu.memory_space<hbm>>
      tpu.wait_dma2 semaphore(%arg26 : memref<!tpu.dma_semaphore, #tpu.memory_space<semaphore_mem>>) src(%dma_wait3A_267 : memref<64xi32, #tpu.memory_space<hbm>>) dst(%arg12 : memref<64xi32, #tpu.memory_space<vmem>>)
      "tpu.region"() ({
        %run_scoped3A = tpu.sem_alloc : memref<!tpu.dma_semaphore, #tpu.memory_space<semaphore_mem>>
        %dma_start3A_268 = arith.constant 0 : i32
        %dma_start3A_269 = arith.constant 0 : i32
        %dma_start3A_270 = tpu.memref_slice %arg17[%dma_start3A_268, %dma_start3A_269] : memref<10240x128xf32, #tpu.memory_space<vmem_shared>> -> memref<10240x128xf32, #tpu.memory_space<vmem_shared>>
        tpu.enqueue_indirect_dma source(%arg15 : memref<64x128xf32, #tpu.memory_space<vmem>>) target(%dma_start3A_270 : memref<10240x128xf32, #tpu.memory_space<vmem_shared>>) offsets(%arg11 : memref<64xi32, #tpu.memory_space<vmem>>) semaphore(%run_scoped3A : memref<!tpu.dma_semaphore, #tpu.memory_space<semaphore_mem>>) {add = true}
        %dma_wait3A_271 = arith.constant 0 : i32
        %dma_wait3A_272 = arith.constant 0 : i32
        %dma_wait3A_273 = tpu.memref_slice %arg17[%dma_wait3A_271, %dma_wait3A_272] : memref<10240x128xf32, #tpu.memory_space<vmem_shared>> -> memref<10240x128xf32, #tpu.memory_space<vmem_shared>>
        tpu.wait_indirect_dma semaphore(%run_scoped3A : memref<!tpu.dma_semaphore, #tpu.memory_space<semaphore_mem>>) src(%arg15 : memref<64x128xf32, #tpu.memory_space<vmem>>) dst(%dma_wait3A_273 : memref<10240x128xf32, #tpu.memory_space<vmem_shared>>)
        tpu.yield
      }) : () -> ()
      "tpu.region"() ({
        %run_scoped3A = tpu.sem_alloc : memref<!tpu.dma_semaphore, #tpu.memory_space<semaphore_mem>>
        %dma_start3A_268 = arith.constant 0 : i32
        %dma_start3A_269 = arith.constant 0 : i32
        %dma_start3A_270 = tpu.memref_slice %arg18[%dma_start3A_268, %dma_start3A_269] : memref<640x128xf32, #tpu.memory_space<vmem_shared>> -> memref<640x128xf32, #tpu.memory_space<vmem_shared>>
        tpu.enqueue_indirect_dma source(%arg16 : memref<64x128xf32, #tpu.memory_space<vmem>>) target(%dma_start3A_270 : memref<640x128xf32, #tpu.memory_space<vmem_shared>>) offsets(%arg12 : memref<64xi32, #tpu.memory_space<vmem>>) semaphore(%run_scoped3A : memref<!tpu.dma_semaphore, #tpu.memory_space<semaphore_mem>>) {add = true}
        %dma_wait3A_271 = arith.constant 0 : i32
        %dma_wait3A_272 = arith.constant 0 : i32
        %dma_wait3A_273 = tpu.memref_slice %arg18[%dma_wait3A_271, %dma_wait3A_272] : memref<640x128xf32, #tpu.memory_space<vmem_shared>> -> memref<640x128xf32, #tpu.memory_space<vmem_shared>>
        tpu.wait_indirect_dma semaphore(%run_scoped3A : memref<!tpu.dma_semaphore, #tpu.memory_space<semaphore_mem>>) src(%arg16 : memref<64x128xf32, #tpu.memory_space<vmem>>) dst(%dma_wait3A_273 : memref<640x128xf32, #tpu.memory_space<vmem_shared>>)
        tpu.yield
      }) : () -> ()
    }
    %scan3A_132 = arith.constant 42 : i32
    %barrier3A_133 = arith.constant 0 : index
    tpu.barrier barrier_id(%barrier3A_133)
    %scan3A_134 = arith.constant 0 : i32
    %scan3A_135 = arith.constant 0 : i32
    %scan3A_136 = arith.constant 10 : i32
    %scan3A_137 = arith.addi %scan3A_135, %scan3A_136 : i32
    %scan3A_138 = arith.constant 1 : i32
    scf.for %scan3A_200 = %scan3A_135 to %scan3A_137 step %scan3A_138  : i32 {
      %mul3A_201 = arith.constant 640 : i32
      %mul3A_202 = arith.muli %arg1, %mul3A_201 : i32
      %mul3A_203 = arith.constant 64 : i32
      %mul3A_204 = arith.muli %scan3A_200, %mul3A_203 : i32
      %add3A_205 = arith.addi %mul3A_202, %mul3A_204 : i32
      %add3A_206 = arith.constant 4 : i32
      %add3A_207 = arith.addi %add3A_206, %arg0 : i32
      %mul3A_208 = arith.constant 10240 : i32
      %mul3A_209 = arith.muli %add3A_207, %mul3A_208 : i32
      %add3A_210 = arith.addi %mul3A_209, %add3A_205 : i32
      "tpu.region"() ({
        %run_scoped3A = tpu.sem_alloc : memref<!tpu.dma_semaphore, #tpu.memory_space<semaphore_mem>>
        %dma_start3A_211 = arith.constant 0 : i32
        %dma_start3A_212 = tpu.memref_slice %arg17[%add3A_205, %dma_start3A_211] : memref<10240x128xf32, #tpu.memory_space<vmem_shared>> -> memref<64x128xf32, #tpu.memory_space<vmem_shared>>
        %dma_start3A_213 = arith.constant 0 : i32
        %dma_start3A_214 = tpu.memref_slice %arg17[%add3A_205, %dma_start3A_213] : memref<10240x128xf32, #tpu.memory_space<vmem_shared>> -> memref<64x128xf32, #tpu.memory_space<vmem_shared>>
        tpu.enqueue_dma source(%dma_start3A_214 : memref<64x128xf32, #tpu.memory_space<vmem_shared>>) target(%arg13 : memref<64x128xf32, #tpu.memory_space<vmem>>) target_semaphore(%run_scoped3A : memref<!tpu.dma_semaphore, #tpu.memory_space<semaphore_mem>>)
        %dma_wait3A = arith.constant 0 : i32
        %dma_wait3A_215 = tpu.memref_slice %arg17[%add3A_205, %dma_wait3A] : memref<10240x128xf32, #tpu.memory_space<vmem_shared>> -> memref<64x128xf32, #tpu.memory_space<vmem_shared>>
        %dma_wait3A_216 = arith.constant 0 : i32
        %dma_wait3A_217 = tpu.memref_slice %arg17[%add3A_205, %dma_wait3A_216] : memref<10240x128xf32, #tpu.memory_space<vmem_shared>> -> memref<64x128xf32, #tpu.memory_space<vmem_shared>>
        tpu.wait_dma2 semaphore(%run_scoped3A : memref<!tpu.dma_semaphore, #tpu.memory_space<semaphore_mem>>) src(%dma_wait3A_217 : memref<64x128xf32, #tpu.memory_space<vmem_shared>>) dst(%arg13 : memref<64x128xf32, #tpu.memory_space<vmem>>)
        tpu.yield
      }) : () -> ()
      "tpu.region"() ({
        %run_scoped3A = tpu.sem_alloc : memref<!tpu.dma_semaphore, #tpu.memory_space<semaphore_mem>>
        %dma_start3A_211 = arith.constant 0 : i32
        %dma_start3A_212 = tpu.memref_slice %arg7[%add3A_210, %dma_start3A_211] : memref<81920x128xf32, #tpu.memory_space<hbm>> -> memref<64x128xf32, #tpu.memory_space<hbm>>
        %dma_start3A_213 = arith.constant 0 : i32
        %dma_start3A_214 = tpu.memref_slice %arg7[%add3A_210, %dma_start3A_213] : memref<81920x128xf32, #tpu.memory_space<hbm>> -> memref<64x128xf32, #tpu.memory_space<hbm>>
        tpu.enqueue_dma source(%arg13 : memref<64x128xf32, #tpu.memory_space<vmem>>) target(%dma_start3A_214 : memref<64x128xf32, #tpu.memory_space<hbm>>) target_semaphore(%run_scoped3A : memref<!tpu.dma_semaphore, #tpu.memory_space<semaphore_mem>>)
        %dma_wait3A = arith.constant 0 : i32
        %dma_wait3A_215 = tpu.memref_slice %arg7[%add3A_210, %dma_wait3A] : memref<81920x128xf32, #tpu.memory_space<hbm>> -> memref<64x128xf32, #tpu.memory_space<hbm>>
        %dma_wait3A_216 = arith.constant 0 : i32
        %dma_wait3A_217 = tpu.memref_slice %arg7[%add3A_210, %dma_wait3A_216] : memref<81920x128xf32, #tpu.memory_space<hbm>> -> memref<64x128xf32, #tpu.memory_space<hbm>>
        tpu.wait_dma2 semaphore(%run_scoped3A : memref<!tpu.dma_semaphore, #tpu.memory_space<semaphore_mem>>) src(%arg13 : memref<64x128xf32, #tpu.memory_space<vmem>>) dst(%dma_wait3A_217 : memref<64x128xf32, #tpu.memory_space<hbm>>)
        tpu.yield
      }) : () -> ()
    }
    %scan3A_139 = arith.constant 10 : i32
    %mul3A_140 = arith.constant 40 : i32
    %mul3A_141 = arith.muli %arg1, %mul3A_140 : i32
    "tpu.region"() ({
      %run_scoped3A = tpu.sem_alloc : memref<!tpu.dma_semaphore, #tpu.memory_space<semaphore_mem>>
      %dma_start3A_200 = arith.constant 0 : i32
      %dma_start3A_201 = arith.constant 0 : i32
      %dma_start3A_202 = tpu.memref_slice %arg14[%dma_start3A_200, %dma_start3A_201] : memref<64x128xf32, #tpu.memory_space<vmem>> -> memref<40x128xf32, #tpu.memory_space<vmem>>
      %dma_start3A_203 = arith.constant 0 : i32
      %dma_start3A_204 = tpu.memref_slice %arg18[%mul3A_141, %dma_start3A_203] : memref<640x128xf32, #tpu.memory_space<vmem_shared>> -> memref<40x128xf32, #tpu.memory_space<vmem_shared>>
      %dma_start3A_205 = arith.constant 0 : i32
      %dma_start3A_206 = arith.constant 0 : i32
      %dma_start3A_207 = tpu.memref_slice %arg14[%dma_start3A_205, %dma_start3A_206] : memref<64x128xf32, #tpu.memory_space<vmem>> -> memref<40x128xf32, #tpu.memory_space<vmem>>
      %dma_start3A_208 = arith.constant 0 : i32
      %dma_start3A_209 = tpu.memref_slice %arg18[%mul3A_141, %dma_start3A_208] : memref<640x128xf32, #tpu.memory_space<vmem_shared>> -> memref<40x128xf32, #tpu.memory_space<vmem_shared>>
      tpu.enqueue_dma source(%dma_start3A_209 : memref<40x128xf32, #tpu.memory_space<vmem_shared>>) target(%dma_start3A_207 : memref<40x128xf32, #tpu.memory_space<vmem>>) target_semaphore(%run_scoped3A : memref<!tpu.dma_semaphore, #tpu.memory_space<semaphore_mem>>)
      %dma_wait3A = arith.constant 0 : i32
      %dma_wait3A_210 = arith.constant 0 : i32
      %dma_wait3A_211 = tpu.memref_slice %arg14[%dma_wait3A, %dma_wait3A_210] : memref<64x128xf32, #tpu.memory_space<vmem>> -> memref<40x128xf32, #tpu.memory_space<vmem>>
      %dma_wait3A_212 = arith.constant 0 : i32
      %dma_wait3A_213 = tpu.memref_slice %arg18[%mul3A_141, %dma_wait3A_212] : memref<640x128xf32, #tpu.memory_space<vmem_shared>> -> memref<40x128xf32, #tpu.memory_space<vmem_shared>>
      %dma_wait3A_214 = arith.constant 0 : i32
      %dma_wait3A_215 = arith.constant 0 : i32
      %dma_wait3A_216 = tpu.memref_slice %arg14[%dma_wait3A_214, %dma_wait3A_215] : memref<64x128xf32, #tpu.memory_space<vmem>> -> memref<40x128xf32, #tpu.memory_space<vmem>>
      %dma_wait3A_217 = arith.constant 0 : i32
      %dma_wait3A_218 = tpu.memref_slice %arg18[%mul3A_141, %dma_wait3A_217] : memref<640x128xf32, #tpu.memory_space<vmem_shared>> -> memref<40x128xf32, #tpu.memory_space<vmem_shared>>
      tpu.wait_dma2 semaphore(%run_scoped3A : memref<!tpu.dma_semaphore, #tpu.memory_space<semaphore_mem>>) src(%dma_wait3A_218 : memref<40x128xf32, #tpu.memory_space<vmem_shared>>) dst(%dma_wait3A_216 : memref<40x128xf32, #tpu.memory_space<vmem>>)
      tpu.yield
    }) : () -> ()
    %add3A_142 = arith.constant 4 : i32
    %add3A_143 = arith.addi %add3A_142, %arg0 : i32
    %mul3A_144 = arith.constant 640 : i32
    %mul3A_145 = arith.muli %add3A_143, %mul3A_144 : i32
    %mul3A_146 = arith.constant 40 : i32
    %mul3A_147 = arith.muli %arg1, %mul3A_146 : i32
    %add3A_148 = arith.addi %mul3A_145, %mul3A_147 : i32
    "tpu.region"() ({
      %run_scoped3A = tpu.sem_alloc : memref<!tpu.dma_semaphore, #tpu.memory_space<semaphore_mem>>
      %dma_start3A_200 = arith.constant 0 : i32
      %dma_start3A_201 = arith.constant 0 : i32
      %dma_start3A_202 = tpu.memref_slice %arg14[%dma_start3A_200, %dma_start3A_201] : memref<64x128xf32, #tpu.memory_space<vmem>> -> memref<40x128xf32, #tpu.memory_space<vmem>>
      %dma_start3A_203 = arith.constant 0 : i32
      %dma_start3A_204 = tpu.memref_slice %arg8[%add3A_148, %dma_start3A_203] : memref<5120x128xf32, #tpu.memory_space<hbm>> -> memref<40x128xf32, #tpu.memory_space<hbm>>
      %dma_start3A_205 = arith.constant 0 : i32
      %dma_start3A_206 = tpu.memref_slice %arg8[%add3A_148, %dma_start3A_205] : memref<5120x128xf32, #tpu.memory_space<hbm>> -> memref<40x128xf32, #tpu.memory_space<hbm>>
      %dma_start3A_207 = arith.constant 0 : i32
      %dma_start3A_208 = arith.constant 0 : i32
      %dma_start3A_209 = tpu.memref_slice %arg14[%dma_start3A_207, %dma_start3A_208] : memref<64x128xf32, #tpu.memory_space<vmem>> -> memref<40x128xf32, #tpu.memory_space<vmem>>
      tpu.enqueue_dma source(%dma_start3A_209 : memref<40x128xf32, #tpu.memory_space<vmem>>) target(%dma_start3A_206 : memref<40x128xf32, #tpu.memory_space<hbm>>) target_semaphore(%run_scoped3A : memref<!tpu.dma_semaphore, #tpu.memory_space<semaphore_mem>>)
      %dma_wait3A = arith.constant 0 : i32
      %dma_wait3A_210 = arith.constant 0 : i32
      %dma_wait3A_211 = tpu.memref_slice %arg14[%dma_wait3A, %dma_wait3A_210] : memref<64x128xf32, #tpu.memory_space<vmem>> -> memref<40x128xf32, #tpu.memory_space<vmem>>
      %dma_wait3A_212 = arith.constant 0 : i32
      %dma_wait3A_213 = tpu.memref_slice %arg8[%add3A_148, %dma_wait3A_212] : memref<5120x128xf32, #tpu.memory_space<hbm>> -> memref<40x128xf32, #tpu.memory_space<hbm>>
      %dma_wait3A_214 = arith.constant 0 : i32
      %dma_wait3A_215 = tpu.memref_slice %arg8[%add3A_148, %dma_wait3A_214] : memref<5120x128xf32, #tpu.memory_space<hbm>> -> memref<40x128xf32, #tpu.memory_space<hbm>>
      %dma_wait3A_216 = arith.constant 0 : i32
      %dma_wait3A_217 = arith.constant 0 : i32
      %dma_wait3A_218 = tpu.memref_slice %arg14[%dma_wait3A_216, %dma_wait3A_217] : memref<64x128xf32, #tpu.memory_space<vmem>> -> memref<40x128xf32, #tpu.memory_space<vmem>>
      tpu.wait_dma2 semaphore(%run_scoped3A : memref<!tpu.dma_semaphore, #tpu.memory_space<semaphore_mem>>) src(%dma_wait3A_218 : memref<40x128xf32, #tpu.memory_space<vmem>>) dst(%dma_wait3A_215 : memref<40x128xf32, #tpu.memory_space<hbm>>)
      tpu.yield
    }) : () -> ()
    %barrier3A_149 = arith.constant 0 : index
    tpu.barrier barrier_id(%barrier3A_149)
    "tpu.region"() ({
      %run_scoped3A = tpu.sem_alloc : memref<!tpu.dma_semaphore, #tpu.memory_space<semaphore_mem>>
      tpu.enqueue_dma source(%arg6 : memref<64x128xf32, #tpu.memory_space<hbm>>) target(%arg13 : memref<64x128xf32, #tpu.memory_space<vmem>>) target_semaphore(%run_scoped3A : memref<!tpu.dma_semaphore, #tpu.memory_space<semaphore_mem>>)
      tpu.wait_dma2 semaphore(%run_scoped3A : memref<!tpu.dma_semaphore, #tpu.memory_space<semaphore_mem>>) src(%arg6 : memref<64x128xf32, #tpu.memory_space<hbm>>) dst(%arg13 : memref<64x128xf32, #tpu.memory_space<vmem>>)
      tpu.yield
    }) : () -> ()
    %scan3A_150 = arith.constant 0 : i32
    %scan3A_151 = arith.constant 0 : i32
    %scan3A_152 = arith.constant 10 : i32
    %scan3A_153 = arith.addi %scan3A_151, %scan3A_152 : i32
    %scan3A_154 = arith.constant 1 : i32
    scf.for %scan3A_200 = %scan3A_151 to %scan3A_153 step %scan3A_154  : i32 {
      %mul3A_201 = arith.constant 640 : i32
      %mul3A_202 = arith.muli %arg1, %mul3A_201 : i32
      %mul3A_203 = arith.constant 64 : i32
      %mul3A_204 = arith.muli %scan3A_200, %mul3A_203 : i32
      %add3A_205 = arith.addi %mul3A_202, %mul3A_204 : i32
      "tpu.region"() ({
        %run_scoped3A = tpu.sem_alloc : memref<!tpu.dma_semaphore, #tpu.memory_space<semaphore_mem>>
        %dma_start3A_206 = arith.constant 0 : i32
        %dma_start3A_207 = arith.constant 0 : i32
        %dma_start3A_208 = tpu.memref_slice %arg13[%dma_start3A_206, %dma_start3A_207] : memref<64x128xf32, #tpu.memory_space<vmem>> -> memref<64x128xf32, #tpu.memory_space<vmem>>
        %dma_start3A_209 = arith.constant 0 : i32
        %dma_start3A_210 = tpu.memref_slice %arg17[%add3A_205, %dma_start3A_209] : memref<10240x128xf32, #tpu.memory_space<vmem_shared>> -> memref<64x128xf32, #tpu.memory_space<vmem_shared>>
        %dma_start3A_211 = arith.constant 0 : i32
        %dma_start3A_212 = tpu.memref_slice %arg17[%add3A_205, %dma_start3A_211] : memref<10240x128xf32, #tpu.memory_space<vmem_shared>> -> memref<64x128xf32, #tpu.memory_space<vmem_shared>>
        %dma_start3A_213 = arith.constant 0 : i32
        %dma_start3A_214 = arith.constant 0 : i32
        %dma_start3A_215 = tpu.memref_slice %arg13[%dma_start3A_213, %dma_start3A_214] : memref<64x128xf32, #tpu.memory_space<vmem>> -> memref<64x128xf32, #tpu.memory_space<vmem>>
        tpu.enqueue_dma source(%dma_start3A_215 : memref<64x128xf32, #tpu.memory_space<vmem>>) target(%dma_start3A_212 : memref<64x128xf32, #tpu.memory_space<vmem_shared>>) target_semaphore(%run_scoped3A : memref<!tpu.dma_semaphore, #tpu.memory_space<semaphore_mem>>)
        %dma_wait3A = arith.constant 0 : i32
        %dma_wait3A_216 = arith.constant 0 : i32
        %dma_wait3A_217 = tpu.memref_slice %arg13[%dma_wait3A, %dma_wait3A_216] : memref<64x128xf32, #tpu.memory_space<vmem>> -> memref<64x128xf32, #tpu.memory_space<vmem>>
        %dma_wait3A_218 = arith.constant 0 : i32
        %dma_wait3A_219 = tpu.memref_slice %arg17[%add3A_205, %dma_wait3A_218] : memref<10240x128xf32, #tpu.memory_space<vmem_shared>> -> memref<64x128xf32, #tpu.memory_space<vmem_shared>>
        %dma_wait3A_220 = arith.constant 0 : i32
        %dma_wait3A_221 = tpu.memref_slice %arg17[%add3A_205, %dma_wait3A_220] : memref<10240x128xf32, #tpu.memory_space<vmem_shared>> -> memref<64x128xf32, #tpu.memory_space<vmem_shared>>
        %dma_wait3A_222 = arith.constant 0 : i32
        %dma_wait3A_223 = arith.constant 0 : i32
        %dma_wait3A_224 = tpu.memref_slice %arg13[%dma_wait3A_222, %dma_wait3A_223] : memref<64x128xf32, #tpu.memory_space<vmem>> -> memref<64x128xf32, #tpu.memory_space<vmem>>
        tpu.wait_dma2 semaphore(%run_scoped3A : memref<!tpu.dma_semaphore, #tpu.memory_space<semaphore_mem>>) src(%dma_wait3A_224 : memref<64x128xf32, #tpu.memory_space<vmem>>) dst(%dma_wait3A_221 : memref<64x128xf32, #tpu.memory_space<vmem_shared>>)
        tpu.yield
      }) : () -> ()
    }
    %scan3A_155 = arith.constant 10 : i32
    %mul3A_156 = arith.constant 40 : i32
    %mul3A_157 = arith.muli %arg1, %mul3A_156 : i32
    "tpu.region"() ({
      %run_scoped3A = tpu.sem_alloc : memref<!tpu.dma_semaphore, #tpu.memory_space<semaphore_mem>>
      %dma_start3A_200 = arith.constant 0 : i32
      %dma_start3A_201 = arith.constant 0 : i32
      %dma_start3A_202 = tpu.memref_slice %arg13[%dma_start3A_200, %dma_start3A_201] : memref<64x128xf32, #tpu.memory_space<vmem>> -> memref<40x128xf32, #tpu.memory_space<vmem>>
      %dma_start3A_203 = arith.constant 0 : i32
      %dma_start3A_204 = tpu.memref_slice %arg18[%mul3A_157, %dma_start3A_203] : memref<640x128xf32, #tpu.memory_space<vmem_shared>> -> memref<40x128xf32, #tpu.memory_space<vmem_shared>>
      %dma_start3A_205 = arith.constant 0 : i32
      %dma_start3A_206 = tpu.memref_slice %arg18[%mul3A_157, %dma_start3A_205] : memref<640x128xf32, #tpu.memory_space<vmem_shared>> -> memref<40x128xf32, #tpu.memory_space<vmem_shared>>
      %dma_start3A_207 = arith.constant 0 : i32
      %dma_start3A_208 = arith.constant 0 : i32
      %dma_start3A_209 = tpu.memref_slice %arg13[%dma_start3A_207, %dma_start3A_208] : memref<64x128xf32, #tpu.memory_space<vmem>> -> memref<40x128xf32, #tpu.memory_space<vmem>>
      tpu.enqueue_dma source(%dma_start3A_209 : memref<40x128xf32, #tpu.memory_space<vmem>>) target(%dma_start3A_206 : memref<40x128xf32, #tpu.memory_space<vmem_shared>>) target_semaphore(%run_scoped3A : memref<!tpu.dma_semaphore, #tpu.memory_space<semaphore_mem>>)
      %dma_wait3A = arith.constant 0 : i32
      %dma_wait3A_210 = arith.constant 0 : i32
      %dma_wait3A_211 = tpu.memref_slice %arg13[%dma_wait3A, %dma_wait3A_210] : memref<64x128xf32, #tpu.memory_space<vmem>> -> memref<40x128xf32, #tpu.memory_space<vmem>>
      %dma_wait3A_212 = arith.constant 0 : i32
      %dma_wait3A_213 = tpu.memref_slice %arg18[%mul3A_157, %dma_wait3A_212] : memref<640x128xf32, #tpu.memory_space<vmem_shared>> -> memref<40x128xf32, #tpu.memory_space<vmem_shared>>
      %dma_wait3A_214 = arith.constant 0 : i32
      %dma_wait3A_215 = tpu.memref_slice %arg18[%mul3A_157, %dma_wait3A_214] : memref<640x128xf32, #tpu.memory_space<vmem_shared>> -> memref<40x128xf32, #tpu.memory_space<vmem_shared>>
      %dma_wait3A_216 = arith.constant 0 : i32
      %dma_wait3A_217 = arith.constant 0 : i32
      %dma_wait3A_218 = tpu.memref_slice %arg13[%dma_wait3A_216, %dma_wait3A_217] : memref<64x128xf32, #tpu.memory_space<vmem>> -> memref<40x128xf32, #tpu.memory_space<vmem>>
      tpu.wait_dma2 semaphore(%run_scoped3A : memref<!tpu.dma_semaphore, #tpu.memory_space<semaphore_mem>>) src(%dma_wait3A_218 : memref<40x128xf32, #tpu.memory_space<vmem>>) dst(%dma_wait3A_215 : memref<40x128xf32, #tpu.memory_space<vmem_shared>>)
      tpu.yield
    }) : () -> ()
    %barrier3A_158 = arith.constant 0 : index
    tpu.barrier barrier_id(%barrier3A_158)
    %add3A_159 = arith.constant 516096 : i32
    %add3A_160 = arith.addi %add3A_159, %mul3A_2 : i32
    %add3A_161 = arith.constant 0 : i32
    %add3A_162 = arith.addi %add3A_160, %add3A_161 : i32
    %add3A_163 = arith.constant 0 : i32
    %add3A_164 = arith.addi %mul3A_2, %add3A_163 : i32
    %dma_start3A_165 = arith.constant 0 : i32
    %dma_start3A_166 = tpu.memref_slice %arg2[%add3A_162, %dma_start3A_165] : memref<688128x128xf32, #tpu.memory_space<hbm>> -> memref<64x128xf32, #tpu.memory_space<hbm>>
    %dma_start3A_167 = arith.constant 0 : i32
    %dma_start3A_168 = tpu.memref_slice %arg2[%add3A_162, %dma_start3A_167] : memref<688128x128xf32, #tpu.memory_space<hbm>> -> memref<64x128xf32, #tpu.memory_space<hbm>>
    tpu.enqueue_dma source(%dma_start3A_168 : memref<64x128xf32, #tpu.memory_space<hbm>>) target(%arg13 : memref<64x128xf32, #tpu.memory_space<vmem>>) target_semaphore(%arg19 : memref<!tpu.dma_semaphore, #tpu.memory_space<semaphore_mem>>)
    %dma_start3A_169 = arith.constant 0 : i32
    %dma_start3A_170 = tpu.memref_slice %arg3[%add3A_162, %dma_start3A_169] : memref<688128x128xf32, #tpu.memory_space<hbm>> -> memref<64x128xf32, #tpu.memory_space<hbm>>
    %dma_start3A_171 = arith.constant 0 : i32
    %dma_start3A_172 = tpu.memref_slice %arg3[%add3A_162, %dma_start3A_171] : memref<688128x128xf32, #tpu.memory_space<hbm>> -> memref<64x128xf32, #tpu.memory_space<hbm>>
    tpu.enqueue_dma source(%dma_start3A_172 : memref<64x128xf32, #tpu.memory_space<hbm>>) target(%arg14 : memref<64x128xf32, #tpu.memory_space<vmem>>) target_semaphore(%arg20 : memref<!tpu.dma_semaphore, #tpu.memory_space<semaphore_mem>>)
    %dma_start3A_173 = tpu.memref_slice %arg4[%add3A_164] : memref<172032xi32, #tpu.memory_space<hbm>> -> memref<64xi32, #tpu.memory_space<hbm>>
    %dma_start3A_174 = tpu.memref_slice %arg4[%add3A_164] : memref<172032xi32, #tpu.memory_space<hbm>> -> memref<64xi32, #tpu.memory_space<hbm>>
    tpu.enqueue_dma source(%dma_start3A_174 : memref<64xi32, #tpu.memory_space<hbm>>) target(%arg9 : memref<64xi32, #tpu.memory_space<vmem>>) target_semaphore(%arg23 : memref<!tpu.dma_semaphore, #tpu.memory_space<semaphore_mem>>)
    %dma_start3A_175 = tpu.memref_slice %arg5[%add3A_164] : memref<172032xi32, #tpu.memory_space<hbm>> -> memref<64xi32, #tpu.memory_space<hbm>>
    %dma_start3A_176 = tpu.memref_slice %arg5[%add3A_164] : memref<172032xi32, #tpu.memory_space<hbm>> -> memref<64xi32, #tpu.memory_space<hbm>>
    tpu.enqueue_dma source(%dma_start3A_176 : memref<64xi32, #tpu.memory_space<hbm>>) target(%arg10 : memref<64xi32, #tpu.memory_space<vmem>>) target_semaphore(%arg24 : memref<!tpu.dma_semaphore, #tpu.memory_space<semaphore_mem>>)
    %scan3A_177 = arith.constant 0 : i32
    %scan3A_178 = arith.constant 0 : i32
    %scan3A_179 = arith.constant 42 : i32
    %scan3A_180 = arith.addi %scan3A_178, %scan3A_179 : i32
    %scan3A_181 = arith.constant 1 : i32
    scf.for %scan3A_200 = %scan3A_178 to %scan3A_180 step %scan3A_181  : i32 {
      %mul3A_201 = arith.constant 2 : i32
      %mul3A_202 = arith.muli %scan3A_200, %mul3A_201 : i32
      %add3A_203 = arith.constant 1 : i32
      %add3A_204 = arith.addi %mul3A_202, %add3A_203 : i32
      %add3A_205 = arith.constant 516096 : i32
      %add3A_206 = arith.addi %add3A_205, %mul3A_2 : i32
      %mul3A_207 = arith.constant 64 : i32
      %mul3A_208 = arith.muli %add3A_204, %mul3A_207 : i32
      %add3A_209 = arith.addi %add3A_206, %mul3A_208 : i32
      %mul3A_210 = arith.constant 64 : i32
      %mul3A_211 = arith.muli %add3A_204, %mul3A_210 : i32
      %add3A_212 = arith.addi %mul3A_2, %mul3A_211 : i32
      %dma_start3A_213 = arith.constant 0 : i32
      %dma_start3A_214 = tpu.memref_slice %arg2[%add3A_209, %dma_start3A_213] : memref<688128x128xf32, #tpu.memory_space<hbm>> -> memref<64x128xf32, #tpu.memory_space<hbm>>
      %dma_start3A_215 = arith.constant 0 : i32
      %dma_start3A_216 = tpu.memref_slice %arg2[%add3A_209, %dma_start3A_215] : memref<688128x128xf32, #tpu.memory_space<hbm>> -> memref<64x128xf32, #tpu.memory_space<hbm>>
      tpu.enqueue_dma source(%dma_start3A_216 : memref<64x128xf32, #tpu.memory_space<hbm>>) target(%arg15 : memref<64x128xf32, #tpu.memory_space<vmem>>) target_semaphore(%arg21 : memref<!tpu.dma_semaphore, #tpu.memory_space<semaphore_mem>>)
      %dma_start3A_217 = arith.constant 0 : i32
      %dma_start3A_218 = tpu.memref_slice %arg3[%add3A_209, %dma_start3A_217] : memref<688128x128xf32, #tpu.memory_space<hbm>> -> memref<64x128xf32, #tpu.memory_space<hbm>>
      %dma_start3A_219 = arith.constant 0 : i32
      %dma_start3A_220 = tpu.memref_slice %arg3[%add3A_209, %dma_start3A_219] : memref<688128x128xf32, #tpu.memory_space<hbm>> -> memref<64x128xf32, #tpu.memory_space<hbm>>
      tpu.enqueue_dma source(%dma_start3A_220 : memref<64x128xf32, #tpu.memory_space<hbm>>) target(%arg16 : memref<64x128xf32, #tpu.memory_space<vmem>>) target_semaphore(%arg22 : memref<!tpu.dma_semaphore, #tpu.memory_space<semaphore_mem>>)
      %dma_start3A_221 = tpu.memref_slice %arg4[%add3A_212] : memref<172032xi32, #tpu.memory_space<hbm>> -> memref<64xi32, #tpu.memory_space<hbm>>
      %dma_start3A_222 = tpu.memref_slice %arg4[%add3A_212] : memref<172032xi32, #tpu.memory_space<hbm>> -> memref<64xi32, #tpu.memory_space<hbm>>
      tpu.enqueue_dma source(%dma_start3A_222 : memref<64xi32, #tpu.memory_space<hbm>>) target(%arg11 : memref<64xi32, #tpu.memory_space<vmem>>) target_semaphore(%arg25 : memref<!tpu.dma_semaphore, #tpu.memory_space<semaphore_mem>>)
      %dma_start3A_223 = tpu.memref_slice %arg5[%add3A_212] : memref<172032xi32, #tpu.memory_space<hbm>> -> memref<64xi32, #tpu.memory_space<hbm>>
      %dma_start3A_224 = tpu.memref_slice %arg5[%add3A_212] : memref<172032xi32, #tpu.memory_space<hbm>> -> memref<64xi32, #tpu.memory_space<hbm>>
      tpu.enqueue_dma source(%dma_start3A_224 : memref<64xi32, #tpu.memory_space<hbm>>) target(%arg12 : memref<64xi32, #tpu.memory_space<vmem>>) target_semaphore(%arg26 : memref<!tpu.dma_semaphore, #tpu.memory_space<semaphore_mem>>)
      %add3A_225 = arith.constant 516096 : i32
      %add3A_226 = arith.addi %add3A_225, %mul3A_2 : i32
      %mul3A_227 = arith.constant 64 : i32
      %mul3A_228 = arith.muli %mul3A_202, %mul3A_227 : i32
      %add3A_229 = arith.addi %add3A_226, %mul3A_228 : i32
      %mul3A_230 = arith.constant 64 : i32
      %mul3A_231 = arith.muli %mul3A_202, %mul3A_230 : i32
      %add3A_232 = arith.addi %mul3A_2, %mul3A_231 : i32
      %dma_wait3A = arith.constant 0 : i32
      %dma_wait3A_233 = tpu.memref_slice %arg2[%add3A_229, %dma_wait3A] : memref<688128x128xf32, #tpu.memory_space<hbm>> -> memref<64x128xf32, #tpu.memory_space<hbm>>
      %dma_wait3A_234 = arith.constant 0 : i32
      %dma_wait3A_235 = tpu.memref_slice %arg2[%add3A_229, %dma_wait3A_234] : memref<688128x128xf32, #tpu.memory_space<hbm>> -> memref<64x128xf32, #tpu.memory_space<hbm>>
      tpu.wait_dma2 semaphore(%arg19 : memref<!tpu.dma_semaphore, #tpu.memory_space<semaphore_mem>>) src(%dma_wait3A_235 : memref<64x128xf32, #tpu.memory_space<hbm>>) dst(%arg13 : memref<64x128xf32, #tpu.memory_space<vmem>>)
      %dma_wait3A_236 = arith.constant 0 : i32
      %dma_wait3A_237 = tpu.memref_slice %arg3[%add3A_229, %dma_wait3A_236] : memref<688128x128xf32, #tpu.memory_space<hbm>> -> memref<64x128xf32, #tpu.memory_space<hbm>>
      %dma_wait3A_238 = arith.constant 0 : i32
      %dma_wait3A_239 = tpu.memref_slice %arg3[%add3A_229, %dma_wait3A_238] : memref<688128x128xf32, #tpu.memory_space<hbm>> -> memref<64x128xf32, #tpu.memory_space<hbm>>
      tpu.wait_dma2 semaphore(%arg20 : memref<!tpu.dma_semaphore, #tpu.memory_space<semaphore_mem>>) src(%dma_wait3A_239 : memref<64x128xf32, #tpu.memory_space<hbm>>) dst(%arg14 : memref<64x128xf32, #tpu.memory_space<vmem>>)
      %dma_wait3A_240 = tpu.memref_slice %arg4[%add3A_232] : memref<172032xi32, #tpu.memory_space<hbm>> -> memref<64xi32, #tpu.memory_space<hbm>>
      %dma_wait3A_241 = tpu.memref_slice %arg4[%add3A_232] : memref<172032xi32, #tpu.memory_space<hbm>> -> memref<64xi32, #tpu.memory_space<hbm>>
      tpu.wait_dma2 semaphore(%arg23 : memref<!tpu.dma_semaphore, #tpu.memory_space<semaphore_mem>>) src(%dma_wait3A_241 : memref<64xi32, #tpu.memory_space<hbm>>) dst(%arg9 : memref<64xi32, #tpu.memory_space<vmem>>)
      %dma_wait3A_242 = tpu.memref_slice %arg5[%add3A_232] : memref<172032xi32, #tpu.memory_space<hbm>> -> memref<64xi32, #tpu.memory_space<hbm>>
      %dma_wait3A_243 = tpu.memref_slice %arg5[%add3A_232] : memref<172032xi32, #tpu.memory_space<hbm>> -> memref<64xi32, #tpu.memory_space<hbm>>
      tpu.wait_dma2 semaphore(%arg24 : memref<!tpu.dma_semaphore, #tpu.memory_space<semaphore_mem>>) src(%dma_wait3A_243 : memref<64xi32, #tpu.memory_space<hbm>>) dst(%arg10 : memref<64xi32, #tpu.memory_space<vmem>>)
      "tpu.region"() ({
        %run_scoped3A = tpu.sem_alloc : memref<!tpu.dma_semaphore, #tpu.memory_space<semaphore_mem>>
        %dma_start3A_268 = arith.constant 0 : i32
        %dma_start3A_269 = arith.constant 0 : i32
        %dma_start3A_270 = tpu.memref_slice %arg17[%dma_start3A_268, %dma_start3A_269] : memref<10240x128xf32, #tpu.memory_space<vmem_shared>> -> memref<10240x128xf32, #tpu.memory_space<vmem_shared>>
        tpu.enqueue_indirect_dma source(%arg13 : memref<64x128xf32, #tpu.memory_space<vmem>>) target(%dma_start3A_270 : memref<10240x128xf32, #tpu.memory_space<vmem_shared>>) offsets(%arg9 : memref<64xi32, #tpu.memory_space<vmem>>) semaphore(%run_scoped3A : memref<!tpu.dma_semaphore, #tpu.memory_space<semaphore_mem>>) {add = true}
        %dma_wait3A_271 = arith.constant 0 : i32
        %dma_wait3A_272 = arith.constant 0 : i32
        %dma_wait3A_273 = tpu.memref_slice %arg17[%dma_wait3A_271, %dma_wait3A_272] : memref<10240x128xf32, #tpu.memory_space<vmem_shared>> -> memref<10240x128xf32, #tpu.memory_space<vmem_shared>>
        tpu.wait_indirect_dma semaphore(%run_scoped3A : memref<!tpu.dma_semaphore, #tpu.memory_space<semaphore_mem>>) src(%arg13 : memref<64x128xf32, #tpu.memory_space<vmem>>) dst(%dma_wait3A_273 : memref<10240x128xf32, #tpu.memory_space<vmem_shared>>)
        tpu.yield
      }) : () -> ()
      "tpu.region"() ({
        %run_scoped3A = tpu.sem_alloc : memref<!tpu.dma_semaphore, #tpu.memory_space<semaphore_mem>>
        %dma_start3A_268 = arith.constant 0 : i32
        %dma_start3A_269 = arith.constant 0 : i32
        %dma_start3A_270 = tpu.memref_slice %arg18[%dma_start3A_268, %dma_start3A_269] : memref<640x128xf32, #tpu.memory_space<vmem_shared>> -> memref<640x128xf32, #tpu.memory_space<vmem_shared>>
        tpu.enqueue_indirect_dma source(%arg14 : memref<64x128xf32, #tpu.memory_space<vmem>>) target(%dma_start3A_270 : memref<640x128xf32, #tpu.memory_space<vmem_shared>>) offsets(%arg10 : memref<64xi32, #tpu.memory_space<vmem>>) semaphore(%run_scoped3A : memref<!tpu.dma_semaphore, #tpu.memory_space<semaphore_mem>>) {add = true}
        %dma_wait3A_271 = arith.constant 0 : i32
        %dma_wait3A_272 = arith.constant 0 : i32
        %dma_wait3A_273 = tpu.memref_slice %arg18[%dma_wait3A_271, %dma_wait3A_272] : memref<640x128xf32, #tpu.memory_space<vmem_shared>> -> memref<640x128xf32, #tpu.memory_space<vmem_shared>>
        tpu.wait_indirect_dma semaphore(%run_scoped3A : memref<!tpu.dma_semaphore, #tpu.memory_space<semaphore_mem>>) src(%arg14 : memref<64x128xf32, #tpu.memory_space<vmem>>) dst(%dma_wait3A_273 : memref<640x128xf32, #tpu.memory_space<vmem_shared>>)
        tpu.yield
      }) : () -> ()
      %add3A_244 = arith.constant 1 : i32
      %add3A_245 = arith.addi %scan3A_200, %add3A_244 : i32
      %lt3A = arith.constant 42 : i32
      %lt3A_246 = arith.cmpi slt, %add3A_245, %lt3A : i32
      %convert_element_type3A = arith.extui %lt3A_246 : i1 to i32
      %cond3A = arith.constant 0 : i32
      %cond3A_247 = arith.cmpi ne, %convert_element_type3A, %cond3A : i32
      scf.if %cond3A_247 {
        %add3A_268 = arith.constant 2 : i32
        %add3A_269 = arith.addi %mul3A_202, %add3A_268 : i32
        %add3A_270 = arith.constant 516096 : i32
        %add3A_271 = arith.addi %add3A_270, %mul3A_2 : i32
        %mul3A_272 = arith.constant 64 : i32
        %mul3A_273 = arith.muli %add3A_269, %mul3A_272 : i32
        %add3A_274 = arith.addi %add3A_271, %mul3A_273 : i32
        %mul3A_275 = arith.constant 64 : i32
        %mul3A_276 = arith.muli %add3A_269, %mul3A_275 : i32
        %add3A_277 = arith.addi %mul3A_2, %mul3A_276 : i32
        %dma_start3A_278 = arith.constant 0 : i32
        %dma_start3A_279 = tpu.memref_slice %arg2[%add3A_274, %dma_start3A_278] : memref<688128x128xf32, #tpu.memory_space<hbm>> -> memref<64x128xf32, #tpu.memory_space<hbm>>
        %dma_start3A_280 = arith.constant 0 : i32
        %dma_start3A_281 = tpu.memref_slice %arg2[%add3A_274, %dma_start3A_280] : memref<688128x128xf32, #tpu.memory_space<hbm>> -> memref<64x128xf32, #tpu.memory_space<hbm>>
        tpu.enqueue_dma source(%dma_start3A_281 : memref<64x128xf32, #tpu.memory_space<hbm>>) target(%arg13 : memref<64x128xf32, #tpu.memory_space<vmem>>) target_semaphore(%arg19 : memref<!tpu.dma_semaphore, #tpu.memory_space<semaphore_mem>>)
        %dma_start3A_282 = arith.constant 0 : i32
        %dma_start3A_283 = tpu.memref_slice %arg3[%add3A_274, %dma_start3A_282] : memref<688128x128xf32, #tpu.memory_space<hbm>> -> memref<64x128xf32, #tpu.memory_space<hbm>>
        %dma_start3A_284 = arith.constant 0 : i32
        %dma_start3A_285 = tpu.memref_slice %arg3[%add3A_274, %dma_start3A_284] : memref<688128x128xf32, #tpu.memory_space<hbm>> -> memref<64x128xf32, #tpu.memory_space<hbm>>
        tpu.enqueue_dma source(%dma_start3A_285 : memref<64x128xf32, #tpu.memory_space<hbm>>) target(%arg14 : memref<64x128xf32, #tpu.memory_space<vmem>>) target_semaphore(%arg20 : memref<!tpu.dma_semaphore, #tpu.memory_space<semaphore_mem>>)
        %dma_start3A_286 = tpu.memref_slice %arg4[%add3A_277] : memref<172032xi32, #tpu.memory_space<hbm>> -> memref<64xi32, #tpu.memory_space<hbm>>
        %dma_start3A_287 = tpu.memref_slice %arg4[%add3A_277] : memref<172032xi32, #tpu.memory_space<hbm>> -> memref<64xi32, #tpu.memory_space<hbm>>
        tpu.enqueue_dma source(%dma_start3A_287 : memref<64xi32, #tpu.memory_space<hbm>>) target(%arg9 : memref<64xi32, #tpu.memory_space<vmem>>) target_semaphore(%arg23 : memref<!tpu.dma_semaphore, #tpu.memory_space<semaphore_mem>>)
        %dma_start3A_288 = tpu.memref_slice %arg5[%add3A_277] : memref<172032xi32, #tpu.memory_space<hbm>> -> memref<64xi32, #tpu.memory_space<hbm>>
        %dma_start3A_289 = tpu.memref_slice %arg5[%add3A_277] : memref<172032xi32, #tpu.memory_space<hbm>> -> memref<64xi32, #tpu.memory_space<hbm>>
        tpu.enqueue_dma source(%dma_start3A_289 : memref<64xi32, #tpu.memory_space<hbm>>) target(%arg10 : memref<64xi32, #tpu.memory_space<vmem>>) target_semaphore(%arg24 : memref<!tpu.dma_semaphore, #tpu.memory_space<semaphore_mem>>)
      } else {
      }
      %add3A_248 = arith.constant 516096 : i32
      %add3A_249 = arith.addi %add3A_248, %mul3A_2 : i32
      %mul3A_250 = arith.constant 64 : i32
      %mul3A_251 = arith.muli %add3A_204, %mul3A_250 : i32
      %add3A_252 = arith.addi %add3A_249, %mul3A_251 : i32
      %mul3A_253 = arith.constant 64 : i32
      %mul3A_254 = arith.muli %add3A_204, %mul3A_253 : i32
      %add3A_255 = arith.addi %mul3A_2, %mul3A_254 : i32
      %dma_wait3A_256 = arith.constant 0 : i32
      %dma_wait3A_257 = tpu.memref_slice %arg2[%add3A_252, %dma_wait3A_256] : memref<688128x128xf32, #tpu.memory_space<hbm>> -> memref<64x128xf32, #tpu.memory_space<hbm>>
      %dma_wait3A_258 = arith.constant 0 : i32
      %dma_wait3A_259 = tpu.memref_slice %arg2[%add3A_252, %dma_wait3A_258] : memref<688128x128xf32, #tpu.memory_space<hbm>> -> memref<64x128xf32, #tpu.memory_space<hbm>>
      tpu.wait_dma2 semaphore(%arg21 : memref<!tpu.dma_semaphore, #tpu.memory_space<semaphore_mem>>) src(%dma_wait3A_259 : memref<64x128xf32, #tpu.memory_space<hbm>>) dst(%arg15 : memref<64x128xf32, #tpu.memory_space<vmem>>)
      %dma_wait3A_260 = arith.constant 0 : i32
      %dma_wait3A_261 = tpu.memref_slice %arg3[%add3A_252, %dma_wait3A_260] : memref<688128x128xf32, #tpu.memory_space<hbm>> -> memref<64x128xf32, #tpu.memory_space<hbm>>
      %dma_wait3A_262 = arith.constant 0 : i32
      %dma_wait3A_263 = tpu.memref_slice %arg3[%add3A_252, %dma_wait3A_262] : memref<688128x128xf32, #tpu.memory_space<hbm>> -> memref<64x128xf32, #tpu.memory_space<hbm>>
      tpu.wait_dma2 semaphore(%arg22 : memref<!tpu.dma_semaphore, #tpu.memory_space<semaphore_mem>>) src(%dma_wait3A_263 : memref<64x128xf32, #tpu.memory_space<hbm>>) dst(%arg16 : memref<64x128xf32, #tpu.memory_space<vmem>>)
      %dma_wait3A_264 = tpu.memref_slice %arg4[%add3A_255] : memref<172032xi32, #tpu.memory_space<hbm>> -> memref<64xi32, #tpu.memory_space<hbm>>
      %dma_wait3A_265 = tpu.memref_slice %arg4[%add3A_255] : memref<172032xi32, #tpu.memory_space<hbm>> -> memref<64xi32, #tpu.memory_space<hbm>>
      tpu.wait_dma2 semaphore(%arg25 : memref<!tpu.dma_semaphore, #tpu.memory_space<semaphore_mem>>) src(%dma_wait3A_265 : memref<64xi32, #tpu.memory_space<hbm>>) dst(%arg11 : memref<64xi32, #tpu.memory_space<vmem>>)
      %dma_wait3A_266 = tpu.memref_slice %arg5[%add3A_255] : memref<172032xi32, #tpu.memory_space<hbm>> -> memref<64xi32, #tpu.memory_space<hbm>>
      %dma_wait3A_267 = tpu.memref_slice %arg5[%add3A_255] : memref<172032xi32, #tpu.memory_space<hbm>> -> memref<64xi32, #tpu.memory_space<hbm>>
      tpu.wait_dma2 semaphore(%arg26 : memref<!tpu.dma_semaphore, #tpu.memory_space<semaphore_mem>>) src(%dma_wait3A_267 : memref<64xi32, #tpu.memory_space<hbm>>) dst(%arg12 : memref<64xi32, #tpu.memory_space<vmem>>)
      "tpu.region"() ({
        %run_scoped3A = tpu.sem_alloc : memref<!tpu.dma_semaphore, #tpu.memory_space<semaphore_mem>>
        %dma_start3A_268 = arith.constant 0 : i32
        %dma_start3A_269 = arith.constant 0 : i32
        %dma_start3A_270 = tpu.memref_slice %arg17[%dma_start3A_268, %dma_start3A_269] : memref<10240x128xf32, #tpu.memory_space<vmem_shared>> -> memref<10240x128xf32, #tpu.memory_space<vmem_shared>>
        tpu.enqueue_indirect_dma source(%arg15 : memref<64x128xf32, #tpu.memory_space<vmem>>) target(%dma_start3A_270 : memref<10240x128xf32, #tpu.memory_space<vmem_shared>>) offsets(%arg11 : memref<64xi32, #tpu.memory_space<vmem>>) semaphore(%run_scoped3A : memref<!tpu.dma_semaphore, #tpu.memory_space<semaphore_mem>>) {add = true}
        %dma_wait3A_271 = arith.constant 0 : i32
        %dma_wait3A_272 = arith.constant 0 : i32
        %dma_wait3A_273 = tpu.memref_slice %arg17[%dma_wait3A_271, %dma_wait3A_272] : memref<10240x128xf32, #tpu.memory_space<vmem_shared>> -> memref<10240x128xf32, #tpu.memory_space<vmem_shared>>
        tpu.wait_indirect_dma semaphore(%run_scoped3A : memref<!tpu.dma_semaphore, #tpu.memory_space<semaphore_mem>>) src(%arg15 : memref<64x128xf32, #tpu.memory_space<vmem>>) dst(%dma_wait3A_273 : memref<10240x128xf32, #tpu.memory_space<vmem_shared>>)
        tpu.yield
      }) : () -> ()
      "tpu.region"() ({
        %run_scoped3A = tpu.sem_alloc : memref<!tpu.dma_semaphore, #tpu.memory_space<semaphore_mem>>
        %dma_start3A_268 = arith.constant 0 : i32
        %dma_start3A_269 = arith.constant 0 : i32
        %dma_start3A_270 = tpu.memref_slice %arg18[%dma_start3A_268, %dma_start3A_269] : memref<640x128xf32, #tpu.memory_space<vmem_shared>> -> memref<640x128xf32, #tpu.memory_space<vmem_shared>>
        tpu.enqueue_indirect_dma source(%arg16 : memref<64x128xf32, #tpu.memory_space<vmem>>) target(%dma_start3A_270 : memref<640x128xf32, #tpu.memory_space<vmem_shared>>) offsets(%arg12 : memref<64xi32, #tpu.memory_space<vmem>>) semaphore(%run_scoped3A : memref<!tpu.dma_semaphore, #tpu.memory_space<semaphore_mem>>) {add = true}
        %dma_wait3A_271 = arith.constant 0 : i32
        %dma_wait3A_272 = arith.constant 0 : i32
        %dma_wait3A_273 = tpu.memref_slice %arg18[%dma_wait3A_271, %dma_wait3A_272] : memref<640x128xf32, #tpu.memory_space<vmem_shared>> -> memref<640x128xf32, #tpu.memory_space<vmem_shared>>
        tpu.wait_indirect_dma semaphore(%run_scoped3A : memref<!tpu.dma_semaphore, #tpu.memory_space<semaphore_mem>>) src(%arg16 : memref<64x128xf32, #tpu.memory_space<vmem>>) dst(%dma_wait3A_273 : memref<640x128xf32, #tpu.memory_space<vmem_shared>>)
        tpu.yield
      }) : () -> ()
    }
    %scan3A_182 = arith.constant 42 : i32
    %barrier3A_183 = arith.constant 0 : index
    tpu.barrier barrier_id(%barrier3A_183)
    %scan3A_184 = arith.constant 0 : i32
    %scan3A_185 = arith.constant 0 : i32
    %scan3A_186 = arith.constant 10 : i32
    %scan3A_187 = arith.addi %scan3A_185, %scan3A_186 : i32
    %scan3A_188 = arith.constant 1 : i32
    scf.for %scan3A_200 = %scan3A_185 to %scan3A_187 step %scan3A_188  : i32 {
      %mul3A_201 = arith.constant 640 : i32
      %mul3A_202 = arith.muli %arg1, %mul3A_201 : i32
      %mul3A_203 = arith.constant 64 : i32
      %mul3A_204 = arith.muli %scan3A_200, %mul3A_203 : i32
      %add3A_205 = arith.addi %mul3A_202, %mul3A_204 : i32
      %add3A_206 = arith.constant 6 : i32
      %add3A_207 = arith.addi %add3A_206, %arg0 : i32
      %mul3A_208 = arith.constant 10240 : i32
      %mul3A_209 = arith.muli %add3A_207, %mul3A_208 : i32
      %add3A_210 = arith.addi %mul3A_209, %add3A_205 : i32
      "tpu.region"() ({
        %run_scoped3A = tpu.sem_alloc : memref<!tpu.dma_semaphore, #tpu.memory_space<semaphore_mem>>
        %dma_start3A_211 = arith.constant 0 : i32
        %dma_start3A_212 = tpu.memref_slice %arg17[%add3A_205, %dma_start3A_211] : memref<10240x128xf32, #tpu.memory_space<vmem_shared>> -> memref<64x128xf32, #tpu.memory_space<vmem_shared>>
        %dma_start3A_213 = arith.constant 0 : i32
        %dma_start3A_214 = tpu.memref_slice %arg17[%add3A_205, %dma_start3A_213] : memref<10240x128xf32, #tpu.memory_space<vmem_shared>> -> memref<64x128xf32, #tpu.memory_space<vmem_shared>>
        tpu.enqueue_dma source(%dma_start3A_214 : memref<64x128xf32, #tpu.memory_space<vmem_shared>>) target(%arg13 : memref<64x128xf32, #tpu.memory_space<vmem>>) target_semaphore(%run_scoped3A : memref<!tpu.dma_semaphore, #tpu.memory_space<semaphore_mem>>)
        %dma_wait3A = arith.constant 0 : i32
        %dma_wait3A_215 = tpu.memref_slice %arg17[%add3A_205, %dma_wait3A] : memref<10240x128xf32, #tpu.memory_space<vmem_shared>> -> memref<64x128xf32, #tpu.memory_space<vmem_shared>>
        %dma_wait3A_216 = arith.constant 0 : i32
        %dma_wait3A_217 = tpu.memref_slice %arg17[%add3A_205, %dma_wait3A_216] : memref<10240x128xf32, #tpu.memory_space<vmem_shared>> -> memref<64x128xf32, #tpu.memory_space<vmem_shared>>
        tpu.wait_dma2 semaphore(%run_scoped3A : memref<!tpu.dma_semaphore, #tpu.memory_space<semaphore_mem>>) src(%dma_wait3A_217 : memref<64x128xf32, #tpu.memory_space<vmem_shared>>) dst(%arg13 : memref<64x128xf32, #tpu.memory_space<vmem>>)
        tpu.yield
      }) : () -> ()
      "tpu.region"() ({
        %run_scoped3A = tpu.sem_alloc : memref<!tpu.dma_semaphore, #tpu.memory_space<semaphore_mem>>
        %dma_start3A_211 = arith.constant 0 : i32
        %dma_start3A_212 = tpu.memref_slice %arg7[%add3A_210, %dma_start3A_211] : memref<81920x128xf32, #tpu.memory_space<hbm>> -> memref<64x128xf32, #tpu.memory_space<hbm>>
        %dma_start3A_213 = arith.constant 0 : i32
        %dma_start3A_214 = tpu.memref_slice %arg7[%add3A_210, %dma_start3A_213] : memref<81920x128xf32, #tpu.memory_space<hbm>> -> memref<64x128xf32, #tpu.memory_space<hbm>>
        tpu.enqueue_dma source(%arg13 : memref<64x128xf32, #tpu.memory_space<vmem>>) target(%dma_start3A_214 : memref<64x128xf32, #tpu.memory_space<hbm>>) target_semaphore(%run_scoped3A : memref<!tpu.dma_semaphore, #tpu.memory_space<semaphore_mem>>)
        %dma_wait3A = arith.constant 0 : i32
        %dma_wait3A_215 = tpu.memref_slice %arg7[%add3A_210, %dma_wait3A] : memref<81920x128xf32, #tpu.memory_space<hbm>> -> memref<64x128xf32, #tpu.memory_space<hbm>>
        %dma_wait3A_216 = arith.constant 0 : i32
        %dma_wait3A_217 = tpu.memref_slice %arg7[%add3A_210, %dma_wait3A_216] : memref<81920x128xf32, #tpu.memory_space<hbm>> -> memref<64x128xf32, #tpu.memory_space<hbm>>
        tpu.wait_dma2 semaphore(%run_scoped3A : memref<!tpu.dma_semaphore, #tpu.memory_space<semaphore_mem>>) src(%arg13 : memref<64x128xf32, #tpu.memory_space<vmem>>) dst(%dma_wait3A_217 : memref<64x128xf32, #tpu.memory_space<hbm>>)
        tpu.yield
      }) : () -> ()
    }
    %scan3A_189 = arith.constant 10 : i32
    %mul3A_190 = arith.constant 40 : i32
    %mul3A_191 = arith.muli %arg1, %mul3A_190 : i32
    "tpu.region"() ({
      %run_scoped3A = tpu.sem_alloc : memref<!tpu.dma_semaphore, #tpu.memory_space<semaphore_mem>>
      %dma_start3A_200 = arith.constant 0 : i32
      %dma_start3A_201 = arith.constant 0 : i32
      %dma_start3A_202 = tpu.memref_slice %arg14[%dma_start3A_200, %dma_start3A_201] : memref<64x128xf32, #tpu.memory_space<vmem>> -> memref<40x128xf32, #tpu.memory_space<vmem>>
      %dma_start3A_203 = arith.constant 0 : i32
      %dma_start3A_204 = tpu.memref_slice %arg18[%mul3A_191, %dma_start3A_203] : memref<640x128xf32, #tpu.memory_space<vmem_shared>> -> memref<40x128xf32, #tpu.memory_space<vmem_shared>>
      %dma_start3A_205 = arith.constant 0 : i32
      %dma_start3A_206 = arith.constant 0 : i32
      %dma_start3A_207 = tpu.memref_slice %arg14[%dma_start3A_205, %dma_start3A_206] : memref<64x128xf32, #tpu.memory_space<vmem>> -> memref<40x128xf32, #tpu.memory_space<vmem>>
      %dma_start3A_208 = arith.constant 0 : i32
      %dma_start3A_209 = tpu.memref_slice %arg18[%mul3A_191, %dma_start3A_208] : memref<640x128xf32, #tpu.memory_space<vmem_shared>> -> memref<40x128xf32, #tpu.memory_space<vmem_shared>>
      tpu.enqueue_dma source(%dma_start3A_209 : memref<40x128xf32, #tpu.memory_space<vmem_shared>>) target(%dma_start3A_207 : memref<40x128xf32, #tpu.memory_space<vmem>>) target_semaphore(%run_scoped3A : memref<!tpu.dma_semaphore, #tpu.memory_space<semaphore_mem>>)
      %dma_wait3A = arith.constant 0 : i32
      %dma_wait3A_210 = arith.constant 0 : i32
      %dma_wait3A_211 = tpu.memref_slice %arg14[%dma_wait3A, %dma_wait3A_210] : memref<64x128xf32, #tpu.memory_space<vmem>> -> memref<40x128xf32, #tpu.memory_space<vmem>>
      %dma_wait3A_212 = arith.constant 0 : i32
      %dma_wait3A_213 = tpu.memref_slice %arg18[%mul3A_191, %dma_wait3A_212] : memref<640x128xf32, #tpu.memory_space<vmem_shared>> -> memref<40x128xf32, #tpu.memory_space<vmem_shared>>
      %dma_wait3A_214 = arith.constant 0 : i32
      %dma_wait3A_215 = arith.constant 0 : i32
      %dma_wait3A_216 = tpu.memref_slice %arg14[%dma_wait3A_214, %dma_wait3A_215] : memref<64x128xf32, #tpu.memory_space<vmem>> -> memref<40x128xf32, #tpu.memory_space<vmem>>
      %dma_wait3A_217 = arith.constant 0 : i32
      %dma_wait3A_218 = tpu.memref_slice %arg18[%mul3A_191, %dma_wait3A_217] : memref<640x128xf32, #tpu.memory_space<vmem_shared>> -> memref<40x128xf32, #tpu.memory_space<vmem_shared>>
      tpu.wait_dma2 semaphore(%run_scoped3A : memref<!tpu.dma_semaphore, #tpu.memory_space<semaphore_mem>>) src(%dma_wait3A_218 : memref<40x128xf32, #tpu.memory_space<vmem_shared>>) dst(%dma_wait3A_216 : memref<40x128xf32, #tpu.memory_space<vmem>>)
      tpu.yield
    }) : () -> ()
    %add3A_192 = arith.constant 6 : i32
    %add3A_193 = arith.addi %add3A_192, %arg0 : i32
    %mul3A_194 = arith.constant 640 : i32
    %mul3A_195 = arith.muli %add3A_193, %mul3A_194 : i32
    %mul3A_196 = arith.constant 40 : i32
    %mul3A_197 = arith.muli %arg1, %mul3A_196 : i32
    %add3A_198 = arith.addi %mul3A_195, %mul3A_197 : i32
    "tpu.region"() ({
      %run_scoped3A = tpu.sem_alloc : memref<!tpu.dma_semaphore, #tpu.memory_space<semaphore_mem>>
      %dma_start3A_200 = arith.constant 0 : i32
      %dma_start3A_201 = arith.constant 0 : i32
      %dma_start3A_202 = tpu.memref_slice %arg14[%dma_start3A_200, %dma_start3A_201] : memref<64x128xf32, #tpu.memory_space<vmem>> -> memref<40x128xf32, #tpu.memory_space<vmem>>
      %dma_start3A_203 = arith.constant 0 : i32
      %dma_start3A_204 = tpu.memref_slice %arg8[%add3A_198, %dma_start3A_203] : memref<5120x128xf32, #tpu.memory_space<hbm>> -> memref<40x128xf32, #tpu.memory_space<hbm>>
      %dma_start3A_205 = arith.constant 0 : i32
      %dma_start3A_206 = tpu.memref_slice %arg8[%add3A_198, %dma_start3A_205] : memref<5120x128xf32, #tpu.memory_space<hbm>> -> memref<40x128xf32, #tpu.memory_space<hbm>>
      %dma_start3A_207 = arith.constant 0 : i32
      %dma_start3A_208 = arith.constant 0 : i32
      %dma_start3A_209 = tpu.memref_slice %arg14[%dma_start3A_207, %dma_start3A_208] : memref<64x128xf32, #tpu.memory_space<vmem>> -> memref<40x128xf32, #tpu.memory_space<vmem>>
      tpu.enqueue_dma source(%dma_start3A_209 : memref<40x128xf32, #tpu.memory_space<vmem>>) target(%dma_start3A_206 : memref<40x128xf32, #tpu.memory_space<hbm>>) target_semaphore(%run_scoped3A : memref<!tpu.dma_semaphore, #tpu.memory_space<semaphore_mem>>)
      %dma_wait3A = arith.constant 0 : i32
      %dma_wait3A_210 = arith.constant 0 : i32
      %dma_wait3A_211 = tpu.memref_slice %arg14[%dma_wait3A, %dma_wait3A_210] : memref<64x128xf32, #tpu.memory_space<vmem>> -> memref<40x128xf32, #tpu.memory_space<vmem>>
      %dma_wait3A_212 = arith.constant 0 : i32
      %dma_wait3A_213 = tpu.memref_slice %arg8[%add3A_198, %dma_wait3A_212] : memref<5120x128xf32, #tpu.memory_space<hbm>> -> memref<40x128xf32, #tpu.memory_space<hbm>>
      %dma_wait3A_214 = arith.constant 0 : i32
      %dma_wait3A_215 = tpu.memref_slice %arg8[%add3A_198, %dma_wait3A_214] : memref<5120x128xf32, #tpu.memory_space<hbm>> -> memref<40x128xf32, #tpu.memory_space<hbm>>
      %dma_wait3A_216 = arith.constant 0 : i32
      %dma_wait3A_217 = arith.constant 0 : i32
      %dma_wait3A_218 = tpu.memref_slice %arg14[%dma_wait3A_216, %dma_wait3A_217] : memref<64x128xf32, #tpu.memory_space<vmem>> -> memref<40x128xf32, #tpu.memory_space<vmem>>
      tpu.wait_dma2 semaphore(%run_scoped3A : memref<!tpu.dma_semaphore, #tpu.memory_space<semaphore_mem>>) src(%dma_wait3A_218 : memref<40x128xf32, #tpu.memory_space<vmem>>) dst(%dma_wait3A_215 : memref<40x128xf32, #tpu.memory_space<hbm>>)
      tpu.yield
    }) : () -> ()
    %barrier3A_199 = arith.constant 0 : index
    tpu.barrier barrier_id(%barrier3A_199)
    return
  }
}

#map = affine_map<(d0, d1) -> (0, 0)>
#map1 = affine_map<(d0, d1) -> (0, 0, 0)>
module attributes {stable_mosaic.version = 14 : i64} {
  func.func @k(%arg0: i32, %arg1: i32, %arg2: memref<40960x128xf32, #tpu.memory_space<hbm>>, %arg3: memref<40960x128xf32, #tpu.memory_space<hbm>>, %arg4: memref<32x168x128xi32, #tpu.memory_space<hbm>>, %arg5: memref<32x168x128xi32, #tpu.memory_space<hbm>>, %arg6: memref<688128x128xf32, #tpu.memory_space<hbm>>, %arg7: memref<688128x128xf32, #tpu.memory_space<hbm>>, %arg8: memref<168x128xi32, #tpu.memory_space<vmem>>, %arg9: memref<168x128xi32, #tpu.memory_space<vmem>>, %arg10: memref<128x128xf32, #tpu.memory_space<vmem>>, %arg11: memref<128x128xf32, #tpu.memory_space<vmem>>, %arg12: memref<128x128xf32, #tpu.memory_space<vmem>>, %arg13: memref<128x128xf32, #tpu.memory_space<vmem>>, %arg14: memref<!tpu.dma_semaphore, #tpu.memory_space<semaphore_mem>>, %arg15: memref<!tpu.dma_semaphore, #tpu.memory_space<semaphore_mem>>, %arg16: memref<!tpu.dma_semaphore, #tpu.memory_space<semaphore_mem>>, %arg17: memref<!tpu.dma_semaphore, #tpu.memory_space<semaphore_mem>>) attributes {dimension_semantics = [#tpu.dimension_semantics<core_parallel>, #tpu.dimension_semantics<subcore_parallel>], iteration_bounds = array<i64: 2, 16>, scalar_prefetch = 0 : i64, scratch_operands = 10 : i64, tpu.core_type = #tpu.core_type<sc_vector_subcore>, window_params = [{transform_indices = #map}, {transform_indices = #map}, {transform_indices = #map1}, {transform_indices = #map1}, {transform_indices = #map}, {transform_indices = #map}]} {
    %mul3A = arith.constant 2 : i32
    %mul3A_0 = arith.muli %arg1, %mul3A : i32
    %add3A = arith.addi %mul3A_0, %arg0 : i32
    %mul3A_1 = arith.constant 21504 : i32
    %mul3A_2 = arith.muli %add3A, %mul3A_1 : i32
    "tpu.region"() ({
      %run_scoped3A = tpu.sem_alloc : memref<!tpu.dma_semaphore, #tpu.memory_space<semaphore_mem>>
      %dma_start3A_21 = arith.constant 0 : i32
      %dma_start3A_22 = arith.constant 0 : i32
      %dma_start3A_23 = tpu.memref_slice %arg4[%add3A, %dma_start3A_21, %dma_start3A_22] : memref<32x168x128xi32, #tpu.memory_space<hbm>> -> memref<1x168x128xi32, #tpu.memory_space<hbm>>
      %dma_start3A_24 = tpu.memref_squeeze %dma_start3A_23 : memref<1x168x128xi32, #tpu.memory_space<hbm>> -> memref<168x128xi32, #tpu.memory_space<hbm>>
      %dma_start3A_25 = arith.constant 0 : i32
      %dma_start3A_26 = arith.constant 0 : i32
      %dma_start3A_27 = tpu.memref_slice %arg4[%add3A, %dma_start3A_25, %dma_start3A_26] : memref<32x168x128xi32, #tpu.memory_space<hbm>> -> memref<1x168x128xi32, #tpu.memory_space<hbm>>
      %dma_start3A_28 = tpu.memref_squeeze %dma_start3A_27 : memref<1x168x128xi32, #tpu.memory_space<hbm>> -> memref<168x128xi32, #tpu.memory_space<hbm>>
      tpu.enqueue_dma source(%dma_start3A_28 : memref<168x128xi32, #tpu.memory_space<hbm>>) target(%arg8 : memref<168x128xi32, #tpu.memory_space<vmem>>) target_semaphore(%run_scoped3A : memref<!tpu.dma_semaphore, #tpu.memory_space<semaphore_mem>>)
      %dma_wait3A = arith.constant 0 : i32
      %dma_wait3A_29 = arith.constant 0 : i32
      %dma_wait3A_30 = tpu.memref_slice %arg4[%add3A, %dma_wait3A, %dma_wait3A_29] : memref<32x168x128xi32, #tpu.memory_space<hbm>> -> memref<1x168x128xi32, #tpu.memory_space<hbm>>
      %dma_wait3A_31 = tpu.memref_squeeze %dma_wait3A_30 : memref<1x168x128xi32, #tpu.memory_space<hbm>> -> memref<168x128xi32, #tpu.memory_space<hbm>>
      %dma_wait3A_32 = arith.constant 0 : i32
      %dma_wait3A_33 = arith.constant 0 : i32
      %dma_wait3A_34 = tpu.memref_slice %arg4[%add3A, %dma_wait3A_32, %dma_wait3A_33] : memref<32x168x128xi32, #tpu.memory_space<hbm>> -> memref<1x168x128xi32, #tpu.memory_space<hbm>>
      %dma_wait3A_35 = tpu.memref_squeeze %dma_wait3A_34 : memref<1x168x128xi32, #tpu.memory_space<hbm>> -> memref<168x128xi32, #tpu.memory_space<hbm>>
      tpu.wait_dma2 semaphore(%run_scoped3A : memref<!tpu.dma_semaphore, #tpu.memory_space<semaphore_mem>>) src(%dma_wait3A_35 : memref<168x128xi32, #tpu.memory_space<hbm>>) dst(%arg8 : memref<168x128xi32, #tpu.memory_space<vmem>>)
      tpu.yield
    }) : () -> ()
    "tpu.region"() ({
      %run_scoped3A = tpu.sem_alloc : memref<!tpu.dma_semaphore, #tpu.memory_space<semaphore_mem>>
      %dma_start3A_21 = arith.constant 0 : i32
      %dma_start3A_22 = arith.constant 0 : i32
      %dma_start3A_23 = tpu.memref_slice %arg5[%add3A, %dma_start3A_21, %dma_start3A_22] : memref<32x168x128xi32, #tpu.memory_space<hbm>> -> memref<1x168x128xi32, #tpu.memory_space<hbm>>
      %dma_start3A_24 = tpu.memref_squeeze %dma_start3A_23 : memref<1x168x128xi32, #tpu.memory_space<hbm>> -> memref<168x128xi32, #tpu.memory_space<hbm>>
      %dma_start3A_25 = arith.constant 0 : i32
      %dma_start3A_26 = arith.constant 0 : i32
      %dma_start3A_27 = tpu.memref_slice %arg5[%add3A, %dma_start3A_25, %dma_start3A_26] : memref<32x168x128xi32, #tpu.memory_space<hbm>> -> memref<1x168x128xi32, #tpu.memory_space<hbm>>
      %dma_start3A_28 = tpu.memref_squeeze %dma_start3A_27 : memref<1x168x128xi32, #tpu.memory_space<hbm>> -> memref<168x128xi32, #tpu.memory_space<hbm>>
      tpu.enqueue_dma source(%dma_start3A_28 : memref<168x128xi32, #tpu.memory_space<hbm>>) target(%arg9 : memref<168x128xi32, #tpu.memory_space<vmem>>) target_semaphore(%run_scoped3A : memref<!tpu.dma_semaphore, #tpu.memory_space<semaphore_mem>>)
      %dma_wait3A = arith.constant 0 : i32
      %dma_wait3A_29 = arith.constant 0 : i32
      %dma_wait3A_30 = tpu.memref_slice %arg5[%add3A, %dma_wait3A, %dma_wait3A_29] : memref<32x168x128xi32, #tpu.memory_space<hbm>> -> memref<1x168x128xi32, #tpu.memory_space<hbm>>
      %dma_wait3A_31 = tpu.memref_squeeze %dma_wait3A_30 : memref<1x168x128xi32, #tpu.memory_space<hbm>> -> memref<168x128xi32, #tpu.memory_space<hbm>>
      %dma_wait3A_32 = arith.constant 0 : i32
      %dma_wait3A_33 = arith.constant 0 : i32
      %dma_wait3A_34 = tpu.memref_slice %arg5[%add3A, %dma_wait3A_32, %dma_wait3A_33] : memref<32x168x128xi32, #tpu.memory_space<hbm>> -> memref<1x168x128xi32, #tpu.memory_space<hbm>>
      %dma_wait3A_35 = tpu.memref_squeeze %dma_wait3A_34 : memref<1x168x128xi32, #tpu.memory_space<hbm>> -> memref<168x128xi32, #tpu.memory_space<hbm>>
      tpu.wait_dma2 semaphore(%run_scoped3A : memref<!tpu.dma_semaphore, #tpu.memory_space<semaphore_mem>>) src(%dma_wait3A_35 : memref<168x128xi32, #tpu.memory_space<hbm>>) dst(%arg9 : memref<168x128xi32, #tpu.memory_space<vmem>>)
      tpu.yield
    }) : () -> ()
    %dma_start3A = arith.constant 0 : i32
    %dma_start3A_3 = arith.constant 0 : i32
    %dma_start3A_4 = tpu.memref_slice %arg8[%dma_start3A, %dma_start3A_3] : memref<168x128xi32, #tpu.memory_space<vmem>> -> memref<1x128xi32, #tpu.memory_space<vmem>>
    %dma_start3A_5 = tpu.memref_squeeze %dma_start3A_4 : memref<1x128xi32, #tpu.memory_space<vmem>> -> memref<128xi32, #tpu.memory_space<vmem>>
    %dma_start3A_6 = arith.constant 0 : i32
    %dma_start3A_7 = arith.constant 0 : i32
    %dma_start3A_8 = tpu.memref_slice %arg2[%dma_start3A_6, %dma_start3A_7] : memref<40960x128xf32, #tpu.memory_space<hbm>> -> memref<40960x128xf32, #tpu.memory_space<hbm>>
    tpu.enqueue_indirect_dma source(%dma_start3A_8 : memref<40960x128xf32, #tpu.memory_space<hbm>>) target(%arg10 : memref<128x128xf32, #tpu.memory_space<vmem>>) offsets(%dma_start3A_5 : memref<128xi32, #tpu.memory_space<vmem>>) semaphore(%arg14 : memref<!tpu.dma_semaphore, #tpu.memory_space<semaphore_mem>>)
    %dma_start3A_9 = arith.constant 0 : i32
    %dma_start3A_10 = arith.constant 0 : i32
    %dma_start3A_11 = tpu.memref_slice %arg9[%dma_start3A_9, %dma_start3A_10] : memref<168x128xi32, #tpu.memory_space<vmem>> -> memref<1x128xi32, #tpu.memory_space<vmem>>
    %dma_start3A_12 = tpu.memref_squeeze %dma_start3A_11 : memref<1x128xi32, #tpu.memory_space<vmem>> -> memref<128xi32, #tpu.memory_space<vmem>>
    %dma_start3A_13 = arith.constant 0 : i32
    %dma_start3A_14 = arith.constant 0 : i32
    %dma_start3A_15 = tpu.memref_slice %arg3[%dma_start3A_13, %dma_start3A_14] : memref<40960x128xf32, #tpu.memory_space<hbm>> -> memref<40960x128xf32, #tpu.memory_space<hbm>>
    tpu.enqueue_indirect_dma source(%dma_start3A_15 : memref<40960x128xf32, #tpu.memory_space<hbm>>) target(%arg11 : memref<128x128xf32, #tpu.memory_space<vmem>>) offsets(%dma_start3A_12 : memref<128xi32, #tpu.memory_space<vmem>>) semaphore(%arg15 : memref<!tpu.dma_semaphore, #tpu.memory_space<semaphore_mem>>)
    %scan3A = arith.constant 0 : i32
    %scan3A_16 = arith.constant 0 : i32
    %scan3A_17 = arith.constant 84 : i32
    %scan3A_18 = arith.addi %scan3A_16, %scan3A_17 : i32
    %scan3A_19 = arith.constant 1 : i32
    scf.for %scan3A_21 = %scan3A_16 to %scan3A_18 step %scan3A_19  : i32 {
      %mul3A_22 = arith.constant 2 : i32
      %mul3A_23 = arith.muli %scan3A_21, %mul3A_22 : i32
      %add3A_24 = arith.constant 1 : i32
      %add3A_25 = arith.addi %mul3A_23, %add3A_24 : i32
      %dma_start3A_26 = arith.constant 0 : i32
      %dma_start3A_27 = tpu.memref_slice %arg8[%add3A_25, %dma_start3A_26] : memref<168x128xi32, #tpu.memory_space<vmem>> -> memref<1x128xi32, #tpu.memory_space<vmem>>
      %dma_start3A_28 = tpu.memref_squeeze %dma_start3A_27 : memref<1x128xi32, #tpu.memory_space<vmem>> -> memref<128xi32, #tpu.memory_space<vmem>>
      %dma_start3A_29 = arith.constant 0 : i32
      %dma_start3A_30 = arith.constant 0 : i32
      %dma_start3A_31 = tpu.memref_slice %arg2[%dma_start3A_29, %dma_start3A_30] : memref<40960x128xf32, #tpu.memory_space<hbm>> -> memref<40960x128xf32, #tpu.memory_space<hbm>>
      tpu.enqueue_indirect_dma source(%dma_start3A_31 : memref<40960x128xf32, #tpu.memory_space<hbm>>) target(%arg12 : memref<128x128xf32, #tpu.memory_space<vmem>>) offsets(%dma_start3A_28 : memref<128xi32, #tpu.memory_space<vmem>>) semaphore(%arg16 : memref<!tpu.dma_semaphore, #tpu.memory_space<semaphore_mem>>)
      %dma_start3A_32 = arith.constant 0 : i32
      %dma_start3A_33 = tpu.memref_slice %arg9[%add3A_25, %dma_start3A_32] : memref<168x128xi32, #tpu.memory_space<vmem>> -> memref<1x128xi32, #tpu.memory_space<vmem>>
      %dma_start3A_34 = tpu.memref_squeeze %dma_start3A_33 : memref<1x128xi32, #tpu.memory_space<vmem>> -> memref<128xi32, #tpu.memory_space<vmem>>
      %dma_start3A_35 = arith.constant 0 : i32
      %dma_start3A_36 = arith.constant 0 : i32
      %dma_start3A_37 = tpu.memref_slice %arg3[%dma_start3A_35, %dma_start3A_36] : memref<40960x128xf32, #tpu.memory_space<hbm>> -> memref<40960x128xf32, #tpu.memory_space<hbm>>
      tpu.enqueue_indirect_dma source(%dma_start3A_37 : memref<40960x128xf32, #tpu.memory_space<hbm>>) target(%arg13 : memref<128x128xf32, #tpu.memory_space<vmem>>) offsets(%dma_start3A_34 : memref<128xi32, #tpu.memory_space<vmem>>) semaphore(%arg17 : memref<!tpu.dma_semaphore, #tpu.memory_space<semaphore_mem>>)
      %dma_wait3A = arith.constant 0 : i32
      %dma_wait3A_38 = tpu.memref_slice %arg8[%mul3A_23, %dma_wait3A] : memref<168x128xi32, #tpu.memory_space<vmem>> -> memref<1x128xi32, #tpu.memory_space<vmem>>
      %dma_wait3A_39 = tpu.memref_squeeze %dma_wait3A_38 : memref<1x128xi32, #tpu.memory_space<vmem>> -> memref<128xi32, #tpu.memory_space<vmem>>
      %dma_wait3A_40 = arith.constant 0 : i32
      %dma_wait3A_41 = arith.constant 0 : i32
      %dma_wait3A_42 = tpu.memref_slice %arg2[%dma_wait3A_40, %dma_wait3A_41] : memref<40960x128xf32, #tpu.memory_space<hbm>> -> memref<40960x128xf32, #tpu.memory_space<hbm>>
      tpu.wait_indirect_dma semaphore(%arg14 : memref<!tpu.dma_semaphore, #tpu.memory_space<semaphore_mem>>) src(%dma_wait3A_42 : memref<40960x128xf32, #tpu.memory_space<hbm>>) dst(%arg10 : memref<128x128xf32, #tpu.memory_space<vmem>>)
      %dma_wait3A_43 = arith.constant 0 : i32
      %dma_wait3A_44 = tpu.memref_slice %arg9[%mul3A_23, %dma_wait3A_43] : memref<168x128xi32, #tpu.memory_space<vmem>> -> memref<1x128xi32, #tpu.memory_space<vmem>>
      %dma_wait3A_45 = tpu.memref_squeeze %dma_wait3A_44 : memref<1x128xi32, #tpu.memory_space<vmem>> -> memref<128xi32, #tpu.memory_space<vmem>>
      %dma_wait3A_46 = arith.constant 0 : i32
      %dma_wait3A_47 = arith.constant 0 : i32
      %dma_wait3A_48 = tpu.memref_slice %arg3[%dma_wait3A_46, %dma_wait3A_47] : memref<40960x128xf32, #tpu.memory_space<hbm>> -> memref<40960x128xf32, #tpu.memory_space<hbm>>
      tpu.wait_indirect_dma semaphore(%arg15 : memref<!tpu.dma_semaphore, #tpu.memory_space<semaphore_mem>>) src(%dma_wait3A_48 : memref<40960x128xf32, #tpu.memory_space<hbm>>) dst(%arg11 : memref<128x128xf32, #tpu.memory_space<vmem>>)
      %mul3A_49 = arith.constant 128 : i32
      %mul3A_50 = arith.muli %mul3A_23, %mul3A_49 : i32
      %add3A_51 = arith.addi %mul3A_2, %mul3A_50 : i32
      "tpu.region"() ({
        %run_scoped3A = tpu.sem_alloc : memref<!tpu.dma_semaphore, #tpu.memory_space<semaphore_mem>>
        %dma_start3A_77 = arith.constant 0 : i32
        %dma_start3A_78 = tpu.memref_slice %arg6[%add3A_51, %dma_start3A_77] : memref<688128x128xf32, #tpu.memory_space<hbm>> -> memref<128x128xf32, #tpu.memory_space<hbm>>
        %dma_start3A_79 = arith.constant 0 : i32
        %dma_start3A_80 = tpu.memref_slice %arg6[%add3A_51, %dma_start3A_79] : memref<688128x128xf32, #tpu.memory_space<hbm>> -> memref<128x128xf32, #tpu.memory_space<hbm>>
        tpu.enqueue_dma source(%arg10 : memref<128x128xf32, #tpu.memory_space<vmem>>) target(%dma_start3A_80 : memref<128x128xf32, #tpu.memory_space<hbm>>) target_semaphore(%run_scoped3A : memref<!tpu.dma_semaphore, #tpu.memory_space<semaphore_mem>>)
        %dma_wait3A_81 = arith.constant 0 : i32
        %dma_wait3A_82 = tpu.memref_slice %arg6[%add3A_51, %dma_wait3A_81] : memref<688128x128xf32, #tpu.memory_space<hbm>> -> memref<128x128xf32, #tpu.memory_space<hbm>>
        %dma_wait3A_83 = arith.constant 0 : i32
        %dma_wait3A_84 = tpu.memref_slice %arg6[%add3A_51, %dma_wait3A_83] : memref<688128x128xf32, #tpu.memory_space<hbm>> -> memref<128x128xf32, #tpu.memory_space<hbm>>
        tpu.wait_dma2 semaphore(%run_scoped3A : memref<!tpu.dma_semaphore, #tpu.memory_space<semaphore_mem>>) src(%arg10 : memref<128x128xf32, #tpu.memory_space<vmem>>) dst(%dma_wait3A_84 : memref<128x128xf32, #tpu.memory_space<hbm>>)
        tpu.yield
      }) : () -> ()
      %mul3A_52 = arith.constant 128 : i32
      %mul3A_53 = arith.muli %mul3A_23, %mul3A_52 : i32
      %add3A_54 = arith.addi %mul3A_2, %mul3A_53 : i32
      "tpu.region"() ({
        %run_scoped3A = tpu.sem_alloc : memref<!tpu.dma_semaphore, #tpu.memory_space<semaphore_mem>>
        %dma_start3A_77 = arith.constant 0 : i32
        %dma_start3A_78 = tpu.memref_slice %arg7[%add3A_54, %dma_start3A_77] : memref<688128x128xf32, #tpu.memory_space<hbm>> -> memref<128x128xf32, #tpu.memory_space<hbm>>
        %dma_start3A_79 = arith.constant 0 : i32
        %dma_start3A_80 = tpu.memref_slice %arg7[%add3A_54, %dma_start3A_79] : memref<688128x128xf32, #tpu.memory_space<hbm>> -> memref<128x128xf32, #tpu.memory_space<hbm>>
        tpu.enqueue_dma source(%arg11 : memref<128x128xf32, #tpu.memory_space<vmem>>) target(%dma_start3A_80 : memref<128x128xf32, #tpu.memory_space<hbm>>) target_semaphore(%run_scoped3A : memref<!tpu.dma_semaphore, #tpu.memory_space<semaphore_mem>>)
        %dma_wait3A_81 = arith.constant 0 : i32
        %dma_wait3A_82 = tpu.memref_slice %arg7[%add3A_54, %dma_wait3A_81] : memref<688128x128xf32, #tpu.memory_space<hbm>> -> memref<128x128xf32, #tpu.memory_space<hbm>>
        %dma_wait3A_83 = arith.constant 0 : i32
        %dma_wait3A_84 = tpu.memref_slice %arg7[%add3A_54, %dma_wait3A_83] : memref<688128x128xf32, #tpu.memory_space<hbm>> -> memref<128x128xf32, #tpu.memory_space<hbm>>
        tpu.wait_dma2 semaphore(%run_scoped3A : memref<!tpu.dma_semaphore, #tpu.memory_space<semaphore_mem>>) src(%arg11 : memref<128x128xf32, #tpu.memory_space<vmem>>) dst(%dma_wait3A_84 : memref<128x128xf32, #tpu.memory_space<hbm>>)
        tpu.yield
      }) : () -> ()
      %add3A_55 = arith.constant 1 : i32
      %add3A_56 = arith.addi %scan3A_21, %add3A_55 : i32
      %lt3A = arith.constant 84 : i32
      %lt3A_57 = arith.cmpi slt, %add3A_56, %lt3A : i32
      %convert_element_type3A = arith.extui %lt3A_57 : i1 to i32
      %cond3A = arith.constant 0 : i32
      %cond3A_58 = arith.cmpi ne, %convert_element_type3A, %cond3A : i32
      scf.if %cond3A_58 {
        %add3A_77 = arith.constant 2 : i32
        %add3A_78 = arith.addi %mul3A_23, %add3A_77 : i32
        %dma_start3A_79 = arith.constant 0 : i32
        %dma_start3A_80 = tpu.memref_slice %arg8[%add3A_78, %dma_start3A_79] : memref<168x128xi32, #tpu.memory_space<vmem>> -> memref<1x128xi32, #tpu.memory_space<vmem>>
        %dma_start3A_81 = tpu.memref_squeeze %dma_start3A_80 : memref<1x128xi32, #tpu.memory_space<vmem>> -> memref<128xi32, #tpu.memory_space<vmem>>
        %dma_start3A_82 = arith.constant 0 : i32
        %dma_start3A_83 = arith.constant 0 : i32
        %dma_start3A_84 = tpu.memref_slice %arg2[%dma_start3A_82, %dma_start3A_83] : memref<40960x128xf32, #tpu.memory_space<hbm>> -> memref<40960x128xf32, #tpu.memory_space<hbm>>
        tpu.enqueue_indirect_dma source(%dma_start3A_84 : memref<40960x128xf32, #tpu.memory_space<hbm>>) target(%arg10 : memref<128x128xf32, #tpu.memory_space<vmem>>) offsets(%dma_start3A_81 : memref<128xi32, #tpu.memory_space<vmem>>) semaphore(%arg14 : memref<!tpu.dma_semaphore, #tpu.memory_space<semaphore_mem>>)
        %add3A_85 = arith.constant 2 : i32
        %add3A_86 = arith.addi %mul3A_23, %add3A_85 : i32
        %dma_start3A_87 = arith.constant 0 : i32
        %dma_start3A_88 = tpu.memref_slice %arg9[%add3A_86, %dma_start3A_87] : memref<168x128xi32, #tpu.memory_space<vmem>> -> memref<1x128xi32, #tpu.memory_space<vmem>>
        %dma_start3A_89 = tpu.memref_squeeze %dma_start3A_88 : memref<1x128xi32, #tpu.memory_space<vmem>> -> memref<128xi32, #tpu.memory_space<vmem>>
        %dma_start3A_90 = arith.constant 0 : i32
        %dma_start3A_91 = arith.constant 0 : i32
        %dma_start3A_92 = tpu.memref_slice %arg3[%dma_start3A_90, %dma_start3A_91] : memref<40960x128xf32, #tpu.memory_space<hbm>> -> memref<40960x128xf32, #tpu.memory_space<hbm>>
        tpu.enqueue_indirect_dma source(%dma_start3A_92 : memref<40960x128xf32, #tpu.memory_space<hbm>>) target(%arg11 : memref<128x128xf32, #tpu.memory_space<vmem>>) offsets(%dma_start3A_89 : memref<128xi32, #tpu.memory_space<vmem>>) semaphore(%arg15 : memref<!tpu.dma_semaphore, #tpu.memory_space<semaphore_mem>>)
      } else {
      }
      %dma_wait3A_59 = arith.constant 0 : i32
      %dma_wait3A_60 = tpu.memref_slice %arg8[%add3A_25, %dma_wait3A_59] : memref<168x128xi32, #tpu.memory_space<vmem>> -> memref<1x128xi32, #tpu.memory_space<vmem>>
      %dma_wait3A_61 = tpu.memref_squeeze %dma_wait3A_60 : memref<1x128xi32, #tpu.memory_space<vmem>> -> memref<128xi32, #tpu.memory_space<vmem>>
      %dma_wait3A_62 = arith.constant 0 : i32
      %dma_wait3A_63 = arith.constant 0 : i32
      %dma_wait3A_64 = tpu.memref_slice %arg2[%dma_wait3A_62, %dma_wait3A_63] : memref<40960x128xf32, #tpu.memory_space<hbm>> -> memref<40960x128xf32, #tpu.memory_space<hbm>>
      tpu.wait_indirect_dma semaphore(%arg16 : memref<!tpu.dma_semaphore, #tpu.memory_space<semaphore_mem>>) src(%dma_wait3A_64 : memref<40960x128xf32, #tpu.memory_space<hbm>>) dst(%arg12 : memref<128x128xf32, #tpu.memory_space<vmem>>)
      %dma_wait3A_65 = arith.constant 0 : i32
      %dma_wait3A_66 = tpu.memref_slice %arg9[%add3A_25, %dma_wait3A_65] : memref<168x128xi32, #tpu.memory_space<vmem>> -> memref<1x128xi32, #tpu.memory_space<vmem>>
      %dma_wait3A_67 = tpu.memref_squeeze %dma_wait3A_66 : memref<1x128xi32, #tpu.memory_space<vmem>> -> memref<128xi32, #tpu.memory_space<vmem>>
      %dma_wait3A_68 = arith.constant 0 : i32
      %dma_wait3A_69 = arith.constant 0 : i32
      %dma_wait3A_70 = tpu.memref_slice %arg3[%dma_wait3A_68, %dma_wait3A_69] : memref<40960x128xf32, #tpu.memory_space<hbm>> -> memref<40960x128xf32, #tpu.memory_space<hbm>>
      tpu.wait_indirect_dma semaphore(%arg17 : memref<!tpu.dma_semaphore, #tpu.memory_space<semaphore_mem>>) src(%dma_wait3A_70 : memref<40960x128xf32, #tpu.memory_space<hbm>>) dst(%arg13 : memref<128x128xf32, #tpu.memory_space<vmem>>)
      %mul3A_71 = arith.constant 128 : i32
      %mul3A_72 = arith.muli %add3A_25, %mul3A_71 : i32
      %add3A_73 = arith.addi %mul3A_2, %mul3A_72 : i32
      "tpu.region"() ({
        %run_scoped3A = tpu.sem_alloc : memref<!tpu.dma_semaphore, #tpu.memory_space<semaphore_mem>>
        %dma_start3A_77 = arith.constant 0 : i32
        %dma_start3A_78 = tpu.memref_slice %arg6[%add3A_73, %dma_start3A_77] : memref<688128x128xf32, #tpu.memory_space<hbm>> -> memref<128x128xf32, #tpu.memory_space<hbm>>
        %dma_start3A_79 = arith.constant 0 : i32
        %dma_start3A_80 = tpu.memref_slice %arg6[%add3A_73, %dma_start3A_79] : memref<688128x128xf32, #tpu.memory_space<hbm>> -> memref<128x128xf32, #tpu.memory_space<hbm>>
        tpu.enqueue_dma source(%arg12 : memref<128x128xf32, #tpu.memory_space<vmem>>) target(%dma_start3A_80 : memref<128x128xf32, #tpu.memory_space<hbm>>) target_semaphore(%run_scoped3A : memref<!tpu.dma_semaphore, #tpu.memory_space<semaphore_mem>>)
        %dma_wait3A_81 = arith.constant 0 : i32
        %dma_wait3A_82 = tpu.memref_slice %arg6[%add3A_73, %dma_wait3A_81] : memref<688128x128xf32, #tpu.memory_space<hbm>> -> memref<128x128xf32, #tpu.memory_space<hbm>>
        %dma_wait3A_83 = arith.constant 0 : i32
        %dma_wait3A_84 = tpu.memref_slice %arg6[%add3A_73, %dma_wait3A_83] : memref<688128x128xf32, #tpu.memory_space<hbm>> -> memref<128x128xf32, #tpu.memory_space<hbm>>
        tpu.wait_dma2 semaphore(%run_scoped3A : memref<!tpu.dma_semaphore, #tpu.memory_space<semaphore_mem>>) src(%arg12 : memref<128x128xf32, #tpu.memory_space<vmem>>) dst(%dma_wait3A_84 : memref<128x128xf32, #tpu.memory_space<hbm>>)
        tpu.yield
      }) : () -> ()
      %mul3A_74 = arith.constant 128 : i32
      %mul3A_75 = arith.muli %add3A_25, %mul3A_74 : i32
      %add3A_76 = arith.addi %mul3A_2, %mul3A_75 : i32
      "tpu.region"() ({
        %run_scoped3A = tpu.sem_alloc : memref<!tpu.dma_semaphore, #tpu.memory_space<semaphore_mem>>
        %dma_start3A_77 = arith.constant 0 : i32
        %dma_start3A_78 = tpu.memref_slice %arg7[%add3A_76, %dma_start3A_77] : memref<688128x128xf32, #tpu.memory_space<hbm>> -> memref<128x128xf32, #tpu.memory_space<hbm>>
        %dma_start3A_79 = arith.constant 0 : i32
        %dma_start3A_80 = tpu.memref_slice %arg7[%add3A_76, %dma_start3A_79] : memref<688128x128xf32, #tpu.memory_space<hbm>> -> memref<128x128xf32, #tpu.memory_space<hbm>>
        tpu.enqueue_dma source(%arg13 : memref<128x128xf32, #tpu.memory_space<vmem>>) target(%dma_start3A_80 : memref<128x128xf32, #tpu.memory_space<hbm>>) target_semaphore(%run_scoped3A : memref<!tpu.dma_semaphore, #tpu.memory_space<semaphore_mem>>)
        %dma_wait3A_81 = arith.constant 0 : i32
        %dma_wait3A_82 = tpu.memref_slice %arg7[%add3A_76, %dma_wait3A_81] : memref<688128x128xf32, #tpu.memory_space<hbm>> -> memref<128x128xf32, #tpu.memory_space<hbm>>
        %dma_wait3A_83 = arith.constant 0 : i32
        %dma_wait3A_84 = tpu.memref_slice %arg7[%add3A_76, %dma_wait3A_83] : memref<688128x128xf32, #tpu.memory_space<hbm>> -> memref<128x128xf32, #tpu.memory_space<hbm>>
        tpu.wait_dma2 semaphore(%run_scoped3A : memref<!tpu.dma_semaphore, #tpu.memory_space<semaphore_mem>>) src(%arg13 : memref<128x128xf32, #tpu.memory_space<vmem>>) dst(%dma_wait3A_84 : memref<128x128xf32, #tpu.memory_space<hbm>>)
        tpu.yield
      }) : () -> ()
    }
    %scan3A_20 = arith.constant 84 : i32
    return
  }
}

module attributes {stable_mosaic.version = 14 : i64} {
  func.func @body(%arg0: i32, %arg1: memref<2048x32xf32, #tpu.memory_space<vmem>>, %arg2: memref<2048x4xf32, #tpu.memory_space<vmem>>, %arg3: memref<32x128xf32, #tpu.memory_space<vmem>>, %arg4: memref<4x128xf32, #tpu.memory_space<vmem>>, %arg5: memref<2048x128xf32, #tpu.memory_space<vmem>>) attributes {dimension_semantics = [#tpu.dimension_semantics<arbitrary>], iteration_bounds = array<i64: 80>, scalar_prefetch = 0 : i64, scratch_operands = 0 : i64, tpu.core_type = #tpu.core_type<tc>, window_params = [{transform_indices = @transform_0, window_bounds = array<i64: 2048, 32>}, {transform_indices = @transform_1, window_bounds = array<i64: 2048, 4>}, {pipeline_mode = #tpu.pipeline_mode<synchronous>, transform_indices = @transform_2, window_bounds = array<i64: 32, 128>}, {pipeline_mode = #tpu.pipeline_mode<synchronous>, transform_indices = @transform_3, window_bounds = array<i64: 4, 128>}, {transform_indices = @transform_4, window_bounds = array<i64: 2048, 128>}]} {
    %get3A = arith.constant 0 : index
    %get3A_0 = arith.constant 0 : index
    %get3A_1 = vector.load %arg1[%get3A, %get3A_0] : memref<2048x32xf32, #tpu.memory_space<vmem>>, vector<2048x32xf32>
    %get3A_2 = arith.constant 0 : index
    %get3A_3 = arith.constant 0 : index
    %get3A_4 = vector.load %arg3[%get3A_2, %get3A_3] : memref<32x128xf32, #tpu.memory_space<vmem>>, vector<32x128xf32>
    %dot_general3A = arith.constant dense<0.000000e+00> : vector<2048x128xf32>
    %dot_general3A_5 = tpu.matmul %get3A_1, %get3A_4, %dot_general3A {dimension_numbers = #tpu.dot_dimension_numbers<[1], [0], [0], [1], [0, 0, 1, 1], [], []>, transpose_lhs_hint = false} : vector<2048x32xf32>, vector<32x128xf32>, vector<2048x128xf32> -> vector<2048x128xf32>
    %get3A_6 = arith.constant 0 : index
    %get3A_7 = arith.constant 0 : index
    %get3A_8 = vector.load %arg2[%get3A_6, %get3A_7] : memref<2048x4xf32, #tpu.memory_space<vmem>>, vector<2048x4xf32>
    %get3A_9 = arith.constant 0 : index
    %get3A_10 = arith.constant 0 : index
    %get3A_11 = vector.load %arg4[%get3A_9, %get3A_10] : memref<4x128xf32, #tpu.memory_space<vmem>>, vector<4x128xf32>
    %dot_general3A_12 = arith.constant dense<0.000000e+00> : vector<2048x128xf32>
    %dot_general3A_13 = tpu.matmul %get3A_8, %get3A_11, %dot_general3A_12 {dimension_numbers = #tpu.dot_dimension_numbers<[1], [0], [0], [1], [0, 0, 1, 1], [], []>, transpose_lhs_hint = false} : vector<2048x4xf32>, vector<4x128xf32>, vector<2048x128xf32> -> vector<2048x128xf32>
    %mul3A = arith.mulf %dot_general3A_5, %dot_general3A_13 : vector<2048x128xf32>
    %swap3A = arith.constant 0 : index
    %swap3A_14 = arith.constant 0 : index
    %swap3A_15 = vector.load %arg5[%swap3A, %swap3A_14] : memref<2048x128xf32, #tpu.memory_space<vmem>>, vector<2048x128xf32>
    tpu.vector_store %arg5[%swap3A, %swap3A_14], %mul3A {strides = array<i32>} : memref<2048x128xf32, #tpu.memory_space<vmem>>, vector<2048x128xf32>,
    return
  }
  func.func @transform_0(%arg0: i32) -> (i32, i32) {
    %c0_i32 = arith.constant 0 : i32
    %c0_i32_0 = arith.constant 0 : i32
    return %arg0, %c0_i32 : i32, i32
  }
  func.func @transform_1(%arg0: i32) -> (i32, i32) {
    %c0_i32 = arith.constant 0 : i32
    %c0_i32_0 = arith.constant 0 : i32
    return %arg0, %c0_i32 : i32, i32
  }
  func.func @transform_2(%arg0: i32) -> (i32, i32) {
    %c0_i32 = arith.constant 0 : i32
    %c0_i32_0 = arith.constant 0 : i32
    %c0_i32_1 = arith.constant 0 : i32
    return %c0_i32, %c0_i32_0 : i32, i32
  }
  func.func @transform_3(%arg0: i32) -> (i32, i32) {
    %c0_i32 = arith.constant 0 : i32
    %c0_i32_0 = arith.constant 0 : i32
    %c0_i32_1 = arith.constant 0 : i32
    return %c0_i32, %c0_i32_0 : i32, i32
  }
  func.func @transform_4(%arg0: i32) -> (i32, i32) {
    %c0_i32 = arith.constant 0 : i32
    %c0_i32_0 = arith.constant 0 : i32
    return %arg0, %c0_i32 : i32, i32
  }
}

module attributes {stable_mosaic.version = 14 : i64} {
  func.func @body(%arg0: i32, %arg1: memref<1000x4x128xf32, #tpu.memory_space<vmem>>, %arg2: memref<3x128x128xf32, #tpu.memory_space<vmem>>, %arg3: memref<1x128xf32, #tpu.memory_space<vmem>>, %arg4: memref<1x128xf32, #tpu.memory_space<vmem>>, %arg5: memref<1x128xf32, #tpu.memory_space<vmem>>, %arg6: memref<1000x4x128xf32, #tpu.memory_space<vmem>>) attributes {dimension_semantics = [#tpu.dimension_semantics<arbitrary>], iteration_bounds = array<i64: 10>, scalar_prefetch = 0 : i64, scratch_operands = 0 : i64, tpu.core_type = #tpu.core_type<tc>, window_params = [{transform_indices = @transform_0, window_bounds = array<i64: 1000, 4, 128>}, {pipeline_mode = #tpu.pipeline_mode<synchronous>, transform_indices = @transform_1, window_bounds = array<i64: 3, 128, 128>}, {pipeline_mode = #tpu.pipeline_mode<synchronous>, transform_indices = @transform_2, window_bounds = array<i64: 1, 128>}, {pipeline_mode = #tpu.pipeline_mode<synchronous>, transform_indices = @transform_3, window_bounds = array<i64: 1, 128>}, {pipeline_mode = #tpu.pipeline_mode<synchronous>, transform_indices = @transform_4, window_bounds = array<i64: 1, 128>}, {transform_indices = @transform_5, window_bounds = array<i64: 1000, 4, 128>}]} {
    %get3A = arith.constant 0 : index
    %get3A_0 = arith.constant 0 : index
    %get3A_1 = arith.constant 0 : index
    %get3A_2 = vector.load %arg1[%get3A, %get3A_0, %get3A_1] : memref<1000x4x128xf32, #tpu.memory_space<vmem>>, vector<1000x4x128xf32>
    %reshape3A = vector.shape_cast %get3A_2 : vector<1000x4x128xf32> to vector<4000x128xf32>
    %get3A_3 = arith.constant 0 : index
    %get3A_4 = arith.constant 0 : index
    %get3A_5 = arith.constant 0 : index
    %get3A_6 = vector.load %arg2[%get3A_3, %get3A_4, %get3A_5] : memref<3x128x128xf32, #tpu.memory_space<vmem>>, vector<1x128x128xf32>
    %get3A_7 = vector.shape_cast %get3A_6 : vector<1x128x128xf32> to vector<128x128xf32>
    %dot_general3A = arith.constant dense<0.000000e+00> : vector<4000x128xf32>
    %dot_general3A_8 = tpu.matmul %reshape3A, %get3A_7, %dot_general3A {dimension_numbers = #tpu.dot_dimension_numbers<[1], [0], [0], [1], [0, 0, 1, 1], [], []>, transpose_lhs_hint = false} : vector<4000x128xf32>, vector<128x128xf32>, vector<4000x128xf32> -> vector<4000x128xf32>
    %reshape3A_9 = vector.shape_cast %dot_general3A_8 : vector<4000x128xf32> to vector<1000x4x128xf32>
    %get3A_10 = arith.constant 1 : index
    %get3A_11 = arith.constant 0 : index
    %get3A_12 = arith.constant 0 : index
    %get3A_13 = vector.load %arg2[%get3A_10, %get3A_11, %get3A_12] : memref<3x128x128xf32, #tpu.memory_space<vmem>>, vector<1x128x128xf32>
    %get3A_14 = vector.shape_cast %get3A_13 : vector<1x128x128xf32> to vector<128x128xf32>
    %dot_general3A_15 = arith.constant dense<0.000000e+00> : vector<4000x128xf32>
    %dot_general3A_16 = tpu.matmul %reshape3A, %get3A_14, %dot_general3A_15 {dimension_numbers = #tpu.dot_dimension_numbers<[1], [0], [0], [1], [0, 0, 1, 1], [], []>, transpose_lhs_hint = false} : vector<4000x128xf32>, vector<128x128xf32>, vector<4000x128xf32> -> vector<4000x128xf32>
    %reshape3A_17 = vector.shape_cast %dot_general3A_16 : vector<4000x128xf32> to vector<1000x4x128xf32>
    %get3A_18 = arith.constant 2 : index
    %get3A_19 = arith.constant 0 : index
    %get3A_20 = arith.constant 0 : index
    %get3A_21 = vector.load %arg2[%get3A_18, %get3A_19, %get3A_20] : memref<3x128x128xf32, #tpu.memory_space<vmem>>, vector<1x128x128xf32>
    %get3A_22 = vector.shape_cast %get3A_21 : vector<1x128x128xf32> to vector<128x128xf32>
    %dot_general3A_23 = arith.constant dense<0.000000e+00> : vector<4000x128xf32>
    %dot_general3A_24 = tpu.matmul %reshape3A, %get3A_22, %dot_general3A_23 {dimension_numbers = #tpu.dot_dimension_numbers<[1], [0], [0], [1], [0, 0, 1, 1], [], []>, transpose_lhs_hint = false} : vector<4000x128xf32>, vector<128x128xf32>, vector<4000x128xf32> -> vector<4000x128xf32>
    %reshape3A_25 = vector.shape_cast %dot_general3A_24 : vector<4000x128xf32> to vector<1000x4x128xf32>
    %broadcast_in_dim3A = arith.constant 0.000000e+00 : f32
    %broadcast_in_dim3A_26 = vector.broadcast %broadcast_in_dim3A : f32 to vector<1000x1x128xf32>
    %slice3A = vector.extract_strided_slice %reshape3A_9 {offsets = [0, 0, 0], sizes = [1000, 3, 128], strides = [1, 1, 1]} : vector<1000x4x128xf32> to vector<1000x3x128xf32>
    %concatenate3A = tpu.concatenate %broadcast_in_dim3A_26, %slice3A in 1 : vector<1000x1x128xf32>, vector<1000x3x128xf32> -> vector<1000x4x128xf32>
    %add3A = arith.addf %reshape3A_17, %concatenate3A : vector<1000x4x128xf32>
    %slice3A_27 = vector.extract_strided_slice %reshape3A_25 {offsets = [0, 1, 0], sizes = [1000, 3, 128], strides = [1, 1, 1]} : vector<1000x4x128xf32> to vector<1000x3x128xf32>
    %concatenate3A_28 = tpu.concatenate %slice3A_27, %broadcast_in_dim3A_26 in 1 : vector<1000x3x128xf32>, vector<1000x1x128xf32> -> vector<1000x4x128xf32>
    %add3A_29 = arith.addf %add3A, %concatenate3A_28 : vector<1000x4x128xf32>
    %add3A_30 = arith.addf %get3A_2, %add3A_29 : vector<1000x4x128xf32>
    %get3A_31 = arith.constant 0 : index
    %get3A_32 = arith.constant 0 : index
    %get3A_33 = vector.load %arg3[%get3A_31, %get3A_32] : memref<1x128xf32, #tpu.memory_space<vmem>>, vector<1x128xf32>
    %reshape3A_34 = vector.shape_cast %get3A_33 : vector<1x128xf32> to vector<1x1x128xf32>
    %add3A_35 = vector.broadcast %reshape3A_34 : vector<1x1x128xf32> to vector<1000x4x128xf32>
    %add3A_36 = arith.addf %add3A_30, %add3A_35 : vector<1000x4x128xf32>
    %reduce_sum3A = arith.constant dense<0.000000e+00> : vector<1000x4xf32>
    %reduce_sum3A_37 = vector.multi_reduction <add>, %add3A_36, %reduce_sum3A [2] : vector<1000x4x128xf32> to vector<1000x4xf32>
    %broadcast_in_dim3A_38 = vector.shape_cast %reduce_sum3A_37 : vector<1000x4xf32> to vector<1000x4x1xf32>
    %div3A = arith.constant 1.280000e+02 : f32
    %div3A_39 = vector.broadcast %div3A : f32 to vector<1000x4x1xf32>
    %div3A_40 = arith.divf %broadcast_in_dim3A_38, %div3A_39 : vector<1000x4x1xf32>
    %sub3A = vector.broadcast %div3A_40 : vector<1000x4x1xf32> to vector<1000x4x128xf32>
    %sub3A_41 = arith.subf %add3A_36, %sub3A : vector<1000x4x128xf32>
    %integer_pow3A = arith.mulf %sub3A_41, %sub3A_41 : vector<1000x4x128xf32>
    %reduce_sum3A_42 = arith.constant dense<0.000000e+00> : vector<1000x4xf32>
    %reduce_sum3A_43 = vector.multi_reduction <add>, %integer_pow3A, %reduce_sum3A_42 [2] : vector<1000x4x128xf32> to vector<1000x4xf32>
    %broadcast_in_dim3A_44 = vector.shape_cast %reduce_sum3A_43 : vector<1000x4xf32> to vector<1000x4x1xf32>
    %div3A_45 = arith.constant 1.280000e+02 : f32
    %div3A_46 = vector.broadcast %div3A_45 : f32 to vector<1000x4x1xf32>
    %div3A_47 = arith.divf %broadcast_in_dim3A_44, %div3A_46 : vector<1000x4x1xf32>
    %sub3A_48 = vector.broadcast %div3A_40 : vector<1000x4x1xf32> to vector<1000x4x128xf32>
    %sub3A_49 = arith.subf %add3A_36, %sub3A_48 : vector<1000x4x128xf32>
    %add3A_50 = arith.constant 9.99999974E-6 : f32
    %add3A_51 = vector.broadcast %add3A_50 : f32 to vector<1000x4x1xf32>
    %add3A_52 = arith.addf %div3A_47, %add3A_51 : vector<1000x4x1xf32>
    %rsqrt3A = math.rsqrt %add3A_52 : vector<1000x4x1xf32>
    %mul3A = vector.broadcast %rsqrt3A : vector<1000x4x1xf32> to vector<1000x4x128xf32>
    %mul3A_53 = arith.mulf %sub3A_49, %mul3A : vector<1000x4x128xf32>
    %get3A_54 = arith.constant 0 : index
    %get3A_55 = arith.constant 0 : index
    %get3A_56 = vector.load %arg4[%get3A_54, %get3A_55] : memref<1x128xf32, #tpu.memory_space<vmem>>, vector<1x128xf32>
    %reshape3A_57 = vector.shape_cast %get3A_56 : vector<1x128xf32> to vector<1x1x128xf32>
    %mul3A_58 = vector.broadcast %reshape3A_57 : vector<1x1x128xf32> to vector<1000x4x128xf32>
    %mul3A_59 = arith.mulf %mul3A_53, %mul3A_58 : vector<1000x4x128xf32>
    %get3A_60 = arith.constant 0 : index
    %get3A_61 = arith.constant 0 : index
    %get3A_62 = vector.load %arg5[%get3A_60, %get3A_61] : memref<1x128xf32, #tpu.memory_space<vmem>>, vector<1x128xf32>
    %reshape3A_63 = vector.shape_cast %get3A_62 : vector<1x128xf32> to vector<1x1x128xf32>
    %add3A_64 = vector.broadcast %reshape3A_63 : vector<1x1x128xf32> to vector<1000x4x128xf32>
    %add3A_65 = arith.addf %mul3A_59, %add3A_64 : vector<1000x4x128xf32>
    %swap3A = arith.constant 0 : index
    %swap3A_66 = arith.constant 0 : index
    %swap3A_67 = arith.constant 0 : index
    %swap3A_68 = vector.load %arg6[%swap3A, %swap3A_66, %swap3A_67] : memref<1000x4x128xf32, #tpu.memory_space<vmem>>, vector<1000x4x128xf32>
    tpu.vector_store %arg6[%swap3A, %swap3A_66, %swap3A_67], %add3A_65 {strides = array<i32>} : memref<1000x4x128xf32, #tpu.memory_space<vmem>>, vector<1000x4x128xf32>,
    return
  }
  func.func @transform_0(%arg0: i32) -> (i32, i32, i32) {
    %c0_i32 = arith.constant 0 : i32
    %c0_i32_0 = arith.constant 0 : i32
    %c0_i32_1 = arith.constant 0 : i32
    return %arg0, %c0_i32, %c0_i32_0 : i32, i32, i32
  }
  func.func @transform_1(%arg0: i32) -> (i32, i32, i32) {
    %c0_i32 = arith.constant 0 : i32
    %c0_i32_0 = arith.constant 0 : i32
    %c0_i32_1 = arith.constant 0 : i32
    %c0_i32_2 = arith.constant 0 : i32
    return %c0_i32, %c0_i32_0, %c0_i32_1 : i32, i32, i32
  }
  func.func @transform_2(%arg0: i32) -> (i32, i32) {
    %c0_i32 = arith.constant 0 : i32
    %c0_i32_0 = arith.constant 0 : i32
    %c0_i32_1 = arith.constant 0 : i32
    return %c0_i32, %c0_i32_0 : i32, i32
  }
  func.func @transform_3(%arg0: i32) -> (i32, i32) {
    %c0_i32 = arith.constant 0 : i32
    %c0_i32_0 = arith.constant 0 : i32
    %c0_i32_1 = arith.constant 0 : i32
    return %c0_i32, %c0_i32_0 : i32, i32
  }
  func.func @transform_4(%arg0: i32) -> (i32, i32) {
    %c0_i32 = arith.constant 0 : i32
    %c0_i32_0 = arith.constant 0 : i32
    %c0_i32_1 = arith.constant 0 : i32
    return %c0_i32, %c0_i32_0 : i32, i32
  }
  func.func @transform_5(%arg0: i32) -> (i32, i32, i32) {
    %c0_i32 = arith.constant 0 : i32
    %c0_i32_0 = arith.constant 0 : i32
    %c0_i32_1 = arith.constant 0 : i32
    return %arg0, %c0_i32, %c0_i32_0 : i32, i32, i32
  }
}

module attributes {stable_mosaic.version = 14 : i64} {
  func.func @body(%arg0: i32, %arg1: memref<640x4x128xf32, #tpu.memory_space<vmem>>, %arg2: memref<128x128xf32, #tpu.memory_space<vmem>>, %arg3: memref<1x128xf32, #tpu.memory_space<vmem>>, %arg4: memref<128x128xf32, #tpu.memory_space<vmem>>, %arg5: memref<1x128xf32, #tpu.memory_space<vmem>>, %arg6: memref<4x640x128xf32, #tpu.memory_space<vmem>>, %arg7: memref<4x640x128xf32, #tpu.memory_space<vmem>>) attributes {dimension_semantics = [#tpu.dimension_semantics<arbitrary>], iteration_bounds = array<i64: 16>, scalar_prefetch = 0 : i64, scratch_operands = 0 : i64, tpu.core_type = #tpu.core_type<tc>, window_params = [{transform_indices = @transform_0, window_bounds = array<i64: 640, 4, 128>}, {pipeline_mode = #tpu.pipeline_mode<synchronous>, transform_indices = @transform_1, window_bounds = array<i64: 128, 128>}, {pipeline_mode = #tpu.pipeline_mode<synchronous>, transform_indices = @transform_2, window_bounds = array<i64: 1, 128>}, {pipeline_mode = #tpu.pipeline_mode<synchronous>, transform_indices = @transform_3, window_bounds = array<i64: 128, 128>}, {pipeline_mode = #tpu.pipeline_mode<synchronous>, transform_indices = @transform_4, window_bounds = array<i64: 1, 128>}, {transform_indices = @transform_5, window_bounds = array<i64: 4, 640, 128>}, {transform_indices = @transform_6, window_bounds = array<i64: 4, 640, 128>}]} {
    %get3A = arith.constant 0 : index
    %get3A_0 = arith.constant 0 : index
    %get3A_1 = arith.constant 0 : index
    %get3A_2 = vector.load %arg1[%get3A, %get3A_0, %get3A_1] : memref<640x4x128xf32, #tpu.memory_space<vmem>>, vector<640x4x128xf32>
    %slice3A = vector.extract_strided_slice %get3A_2 {offsets = [0, 0, 0], sizes = [640, 1, 128], strides = [1, 1, 1]} : vector<640x4x128xf32> to vector<640x1x128xf32>
    %squeeze3A = vector.shape_cast %slice3A : vector<640x1x128xf32> to vector<640x128xf32>
    %get3A_3 = arith.constant 0 : index
    %get3A_4 = arith.constant 0 : index
    %get3A_5 = vector.load %arg2[%get3A_3, %get3A_4] : memref<128x128xf32, #tpu.memory_space<vmem>>, vector<128x128xf32>
    %dot_general3A = arith.constant dense<0.000000e+00> : vector<640x128xf32>
    %dot_general3A_6 = tpu.matmul %squeeze3A, %get3A_5, %dot_general3A {dimension_numbers = #tpu.dot_dimension_numbers<[1], [0], [0], [1], [0, 0, 1, 1], [], []>, transpose_lhs_hint = false} : vector<640x128xf32>, vector<128x128xf32>, vector<640x128xf32> -> vector<640x128xf32>
    %get3A_7 = arith.constant 0 : index
    %get3A_8 = arith.constant 0 : index
    %get3A_9 = vector.load %arg3[%get3A_7, %get3A_8] : memref<1x128xf32, #tpu.memory_space<vmem>>, vector<1x128xf32>
    %add3A = vector.broadcast %get3A_9 : vector<1x128xf32> to vector<640x128xf32>
    %add3A_10 = arith.addf %dot_general3A_6, %add3A : vector<640x128xf32>
    %swap3A = arith.constant 0 : index
    %swap3A_11 = arith.constant 0 : index
    %swap3A_12 = arith.constant 0 : index
    %swap3A_13 = vector.load %arg6[%swap3A, %swap3A_11, %swap3A_12] : memref<4x640x128xf32, #tpu.memory_space<vmem>>, vector<1x640x128xf32>
    %swap3A_14 = vector.shape_cast %swap3A_13 : vector<1x640x128xf32> to vector<640x128xf32>
    %swap3A_15 = vector.shape_cast %add3A_10 : vector<640x128xf32> to vector<1x640x128xf32>
    tpu.vector_store %arg6[%swap3A, %swap3A_11, %swap3A_12], %swap3A_15 {strides = array<i32>} : memref<4x640x128xf32, #tpu.memory_space<vmem>>, vector<1x640x128xf32>,
    %get3A_16 = arith.constant 0 : index
    %get3A_17 = arith.constant 0 : index
    %get3A_18 = vector.load %arg4[%get3A_16, %get3A_17] : memref<128x128xf32, #tpu.memory_space<vmem>>, vector<128x128xf32>
    %dot_general3A_19 = arith.constant dense<0.000000e+00> : vector<640x128xf32>
    %dot_general3A_20 = tpu.matmul %squeeze3A, %get3A_18, %dot_general3A_19 {dimension_numbers = #tpu.dot_dimension_numbers<[1], [0], [0], [1], [0, 0, 1, 1], [], []>, transpose_lhs_hint = false} : vector<640x128xf32>, vector<128x128xf32>, vector<640x128xf32> -> vector<640x128xf32>
    %get3A_21 = arith.constant 0 : index
    %get3A_22 = arith.constant 0 : index
    %get3A_23 = vector.load %arg5[%get3A_21, %get3A_22] : memref<1x128xf32, #tpu.memory_space<vmem>>, vector<1x128xf32>
    %add3A_24 = vector.broadcast %get3A_23 : vector<1x128xf32> to vector<640x128xf32>
    %add3A_25 = arith.addf %dot_general3A_20, %add3A_24 : vector<640x128xf32>
    %swap3A_26 = arith.constant 0 : index
    %swap3A_27 = arith.constant 0 : index
    %swap3A_28 = arith.constant 0 : index
    %swap3A_29 = vector.load %arg7[%swap3A_26, %swap3A_27, %swap3A_28] : memref<4x640x128xf32, #tpu.memory_space<vmem>>, vector<1x640x128xf32>
    %swap3A_30 = vector.shape_cast %swap3A_29 : vector<1x640x128xf32> to vector<640x128xf32>
    %swap3A_31 = vector.shape_cast %add3A_25 : vector<640x128xf32> to vector<1x640x128xf32>
    tpu.vector_store %arg7[%swap3A_26, %swap3A_27, %swap3A_28], %swap3A_31 {strides = array<i32>} : memref<4x640x128xf32, #tpu.memory_space<vmem>>, vector<1x640x128xf32>,
    %slice3A_32 = vector.extract_strided_slice %get3A_2 {offsets = [0, 1, 0], sizes = [640, 1, 128], strides = [1, 1, 1]} : vector<640x4x128xf32> to vector<640x1x128xf32>
    %squeeze3A_33 = vector.shape_cast %slice3A_32 : vector<640x1x128xf32> to vector<640x128xf32>
    %get3A_34 = arith.constant 0 : index
    %get3A_35 = arith.constant 0 : index
    %get3A_36 = vector.load %arg2[%get3A_34, %get3A_35] : memref<128x128xf32, #tpu.memory_space<vmem>>, vector<128x128xf32>
    %dot_general3A_37 = arith.constant dense<0.000000e+00> : vector<640x128xf32>
    %dot_general3A_38 = tpu.matmul %squeeze3A_33, %get3A_36, %dot_general3A_37 {dimension_numbers = #tpu.dot_dimension_numbers<[1], [0], [0], [1], [0, 0, 1, 1], [], []>, transpose_lhs_hint = false} : vector<640x128xf32>, vector<128x128xf32>, vector<640x128xf32> -> vector<640x128xf32>
    %get3A_39 = arith.constant 0 : index
    %get3A_40 = arith.constant 0 : index
    %get3A_41 = vector.load %arg3[%get3A_39, %get3A_40] : memref<1x128xf32, #tpu.memory_space<vmem>>, vector<1x128xf32>
    %add3A_42 = vector.broadcast %get3A_41 : vector<1x128xf32> to vector<640x128xf32>
    %add3A_43 = arith.addf %dot_general3A_38, %add3A_42 : vector<640x128xf32>
    %swap3A_44 = arith.constant 1 : index
    %swap3A_45 = arith.constant 0 : index
    %swap3A_46 = arith.constant 0 : index
    %swap3A_47 = vector.load %arg6[%swap3A_44, %swap3A_45, %swap3A_46] : memref<4x640x128xf32, #tpu.memory_space<vmem>>, vector<1x640x128xf32>
    %swap3A_48 = vector.shape_cast %swap3A_47 : vector<1x640x128xf32> to vector<640x128xf32>
    %swap3A_49 = vector.shape_cast %add3A_43 : vector<640x128xf32> to vector<1x640x128xf32>
    tpu.vector_store %arg6[%swap3A_44, %swap3A_45, %swap3A_46], %swap3A_49 {strides = array<i32>} : memref<4x640x128xf32, #tpu.memory_space<vmem>>, vector<1x640x128xf32>,
    %get3A_50 = arith.constant 0 : index
    %get3A_51 = arith.constant 0 : index
    %get3A_52 = vector.load %arg4[%get3A_50, %get3A_51] : memref<128x128xf32, #tpu.memory_space<vmem>>, vector<128x128xf32>
    %dot_general3A_53 = arith.constant dense<0.000000e+00> : vector<640x128xf32>
    %dot_general3A_54 = tpu.matmul %squeeze3A_33, %get3A_52, %dot_general3A_53 {dimension_numbers = #tpu.dot_dimension_numbers<[1], [0], [0], [1], [0, 0, 1, 1], [], []>, transpose_lhs_hint = false} : vector<640x128xf32>, vector<128x128xf32>, vector<640x128xf32> -> vector<640x128xf32>
    %get3A_55 = arith.constant 0 : index
    %get3A_56 = arith.constant 0 : index
    %get3A_57 = vector.load %arg5[%get3A_55, %get3A_56] : memref<1x128xf32, #tpu.memory_space<vmem>>, vector<1x128xf32>
    %add3A_58 = vector.broadcast %get3A_57 : vector<1x128xf32> to vector<640x128xf32>
    %add3A_59 = arith.addf %dot_general3A_54, %add3A_58 : vector<640x128xf32>
    %swap3A_60 = arith.constant 1 : index
    %swap3A_61 = arith.constant 0 : index
    %swap3A_62 = arith.constant 0 : index
    %swap3A_63 = vector.load %arg7[%swap3A_60, %swap3A_61, %swap3A_62] : memref<4x640x128xf32, #tpu.memory_space<vmem>>, vector<1x640x128xf32>
    %swap3A_64 = vector.shape_cast %swap3A_63 : vector<1x640x128xf32> to vector<640x128xf32>
    %swap3A_65 = vector.shape_cast %add3A_59 : vector<640x128xf32> to vector<1x640x128xf32>
    tpu.vector_store %arg7[%swap3A_60, %swap3A_61, %swap3A_62], %swap3A_65 {strides = array<i32>} : memref<4x640x128xf32, #tpu.memory_space<vmem>>, vector<1x640x128xf32>,
    %slice3A_66 = vector.extract_strided_slice %get3A_2 {offsets = [0, 2, 0], sizes = [640, 1, 128], strides = [1, 1, 1]} : vector<640x4x128xf32> to vector<640x1x128xf32>
    %squeeze3A_67 = vector.shape_cast %slice3A_66 : vector<640x1x128xf32> to vector<640x128xf32>
    %get3A_68 = arith.constant 0 : index
    %get3A_69 = arith.constant 0 : index
    %get3A_70 = vector.load %arg2[%get3A_68, %get3A_69] : memref<128x128xf32, #tpu.memory_space<vmem>>, vector<128x128xf32>
    %dot_general3A_71 = arith.constant dense<0.000000e+00> : vector<640x128xf32>
    %dot_general3A_72 = tpu.matmul %squeeze3A_67, %get3A_70, %dot_general3A_71 {dimension_numbers = #tpu.dot_dimension_numbers<[1], [0], [0], [1], [0, 0, 1, 1], [], []>, transpose_lhs_hint = false} : vector<640x128xf32>, vector<128x128xf32>, vector<640x128xf32> -> vector<640x128xf32>
    %get3A_73 = arith.constant 0 : index
    %get3A_74 = arith.constant 0 : index
    %get3A_75 = vector.load %arg3[%get3A_73, %get3A_74] : memref<1x128xf32, #tpu.memory_space<vmem>>, vector<1x128xf32>
    %add3A_76 = vector.broadcast %get3A_75 : vector<1x128xf32> to vector<640x128xf32>
    %add3A_77 = arith.addf %dot_general3A_72, %add3A_76 : vector<640x128xf32>
    %swap3A_78 = arith.constant 2 : index
    %swap3A_79 = arith.constant 0 : index
    %swap3A_80 = arith.constant 0 : index
    %swap3A_81 = vector.load %arg6[%swap3A_78, %swap3A_79, %swap3A_80] : memref<4x640x128xf32, #tpu.memory_space<vmem>>, vector<1x640x128xf32>
    %swap3A_82 = vector.shape_cast %swap3A_81 : vector<1x640x128xf32> to vector<640x128xf32>
    %swap3A_83 = vector.shape_cast %add3A_77 : vector<640x128xf32> to vector<1x640x128xf32>
    tpu.vector_store %arg6[%swap3A_78, %swap3A_79, %swap3A_80], %swap3A_83 {strides = array<i32>} : memref<4x640x128xf32, #tpu.memory_space<vmem>>, vector<1x640x128xf32>,
    %get3A_84 = arith.constant 0 : index
    %get3A_85 = arith.constant 0 : index
    %get3A_86 = vector.load %arg4[%get3A_84, %get3A_85] : memref<128x128xf32, #tpu.memory_space<vmem>>, vector<128x128xf32>
    %dot_general3A_87 = arith.constant dense<0.000000e+00> : vector<640x128xf32>
    %dot_general3A_88 = tpu.matmul %squeeze3A_67, %get3A_86, %dot_general3A_87 {dimension_numbers = #tpu.dot_dimension_numbers<[1], [0], [0], [1], [0, 0, 1, 1], [], []>, transpose_lhs_hint = false} : vector<640x128xf32>, vector<128x128xf32>, vector<640x128xf32> -> vector<640x128xf32>
    %get3A_89 = arith.constant 0 : index
    %get3A_90 = arith.constant 0 : index
    %get3A_91 = vector.load %arg5[%get3A_89, %get3A_90] : memref<1x128xf32, #tpu.memory_space<vmem>>, vector<1x128xf32>
    %add3A_92 = vector.broadcast %get3A_91 : vector<1x128xf32> to vector<640x128xf32>
    %add3A_93 = arith.addf %dot_general3A_88, %add3A_92 : vector<640x128xf32>
    %swap3A_94 = arith.constant 2 : index
    %swap3A_95 = arith.constant 0 : index
    %swap3A_96 = arith.constant 0 : index
    %swap3A_97 = vector.load %arg7[%swap3A_94, %swap3A_95, %swap3A_96] : memref<4x640x128xf32, #tpu.memory_space<vmem>>, vector<1x640x128xf32>
    %swap3A_98 = vector.shape_cast %swap3A_97 : vector<1x640x128xf32> to vector<640x128xf32>
    %swap3A_99 = vector.shape_cast %add3A_93 : vector<640x128xf32> to vector<1x640x128xf32>
    tpu.vector_store %arg7[%swap3A_94, %swap3A_95, %swap3A_96], %swap3A_99 {strides = array<i32>} : memref<4x640x128xf32, #tpu.memory_space<vmem>>, vector<1x640x128xf32>,
    %slice3A_100 = vector.extract_strided_slice %get3A_2 {offsets = [0, 3, 0], sizes = [640, 1, 128], strides = [1, 1, 1]} : vector<640x4x128xf32> to vector<640x1x128xf32>
    %squeeze3A_101 = vector.shape_cast %slice3A_100 : vector<640x1x128xf32> to vector<640x128xf32>
    %get3A_102 = arith.constant 0 : index
    %get3A_103 = arith.constant 0 : index
    %get3A_104 = vector.load %arg2[%get3A_102, %get3A_103] : memref<128x128xf32, #tpu.memory_space<vmem>>, vector<128x128xf32>
    %dot_general3A_105 = arith.constant dense<0.000000e+00> : vector<640x128xf32>
    %dot_general3A_106 = tpu.matmul %squeeze3A_101, %get3A_104, %dot_general3A_105 {dimension_numbers = #tpu.dot_dimension_numbers<[1], [0], [0], [1], [0, 0, 1, 1], [], []>, transpose_lhs_hint = false} : vector<640x128xf32>, vector<128x128xf32>, vector<640x128xf32> -> vector<640x128xf32>
    %get3A_107 = arith.constant 0 : index
    %get3A_108 = arith.constant 0 : index
    %get3A_109 = vector.load %arg3[%get3A_107, %get3A_108] : memref<1x128xf32, #tpu.memory_space<vmem>>, vector<1x128xf32>
    %add3A_110 = vector.broadcast %get3A_109 : vector<1x128xf32> to vector<640x128xf32>
    %add3A_111 = arith.addf %dot_general3A_106, %add3A_110 : vector<640x128xf32>
    %swap3A_112 = arith.constant 3 : index
    %swap3A_113 = arith.constant 0 : index
    %swap3A_114 = arith.constant 0 : index
    %swap3A_115 = vector.load %arg6[%swap3A_112, %swap3A_113, %swap3A_114] : memref<4x640x128xf32, #tpu.memory_space<vmem>>, vector<1x640x128xf32>
    %swap3A_116 = vector.shape_cast %swap3A_115 : vector<1x640x128xf32> to vector<640x128xf32>
    %swap3A_117 = vector.shape_cast %add3A_111 : vector<640x128xf32> to vector<1x640x128xf32>
    tpu.vector_store %arg6[%swap3A_112, %swap3A_113, %swap3A_114], %swap3A_117 {strides = array<i32>} : memref<4x640x128xf32, #tpu.memory_space<vmem>>, vector<1x640x128xf32>,
    %get3A_118 = arith.constant 0 : index
    %get3A_119 = arith.constant 0 : index
    %get3A_120 = vector.load %arg4[%get3A_118, %get3A_119] : memref<128x128xf32, #tpu.memory_space<vmem>>, vector<128x128xf32>
    %dot_general3A_121 = arith.constant dense<0.000000e+00> : vector<640x128xf32>
    %dot_general3A_122 = tpu.matmul %squeeze3A_101, %get3A_120, %dot_general3A_121 {dimension_numbers = #tpu.dot_dimension_numbers<[1], [0], [0], [1], [0, 0, 1, 1], [], []>, transpose_lhs_hint = false} : vector<640x128xf32>, vector<128x128xf32>, vector<640x128xf32> -> vector<640x128xf32>
    %get3A_123 = arith.constant 0 : index
    %get3A_124 = arith.constant 0 : index
    %get3A_125 = vector.load %arg5[%get3A_123, %get3A_124] : memref<1x128xf32, #tpu.memory_space<vmem>>, vector<1x128xf32>
    %add3A_126 = vector.broadcast %get3A_125 : vector<1x128xf32> to vector<640x128xf32>
    %add3A_127 = arith.addf %dot_general3A_122, %add3A_126 : vector<640x128xf32>
    %swap3A_128 = arith.constant 3 : index
    %swap3A_129 = arith.constant 0 : index
    %swap3A_130 = arith.constant 0 : index
    %swap3A_131 = vector.load %arg7[%swap3A_128, %swap3A_129, %swap3A_130] : memref<4x640x128xf32, #tpu.memory_space<vmem>>, vector<1x640x128xf32>
    %swap3A_132 = vector.shape_cast %swap3A_131 : vector<1x640x128xf32> to vector<640x128xf32>
    %swap3A_133 = vector.shape_cast %add3A_127 : vector<640x128xf32> to vector<1x640x128xf32>
    tpu.vector_store %arg7[%swap3A_128, %swap3A_129, %swap3A_130], %swap3A_133 {strides = array<i32>} : memref<4x640x128xf32, #tpu.memory_space<vmem>>, vector<1x640x128xf32>,
    return
  }
  func.func @transform_0(%arg0: i32) -> (i32, i32, i32) {
    %c0_i32 = arith.constant 0 : i32
    %c0_i32_0 = arith.constant 0 : i32
    %c0_i32_1 = arith.constant 0 : i32
    return %arg0, %c0_i32, %c0_i32_0 : i32, i32, i32
  }
  func.func @transform_1(%arg0: i32) -> (i32, i32) {
    %c0_i32 = arith.constant 0 : i32
    %c0_i32_0 = arith.constant 0 : i32
    %c0_i32_1 = arith.constant 0 : i32
    return %c0_i32, %c0_i32_0 : i32, i32
  }
  func.func @transform_2(%arg0: i32) -> (i32, i32) {
    %c0_i32 = arith.constant 0 : i32
    %c0_i32_0 = arith.constant 0 : i32
    %c0_i32_1 = arith.constant 0 : i32
    return %c0_i32, %c0_i32_0 : i32, i32
  }
  func.func @transform_3(%arg0: i32) -> (i32, i32) {
    %c0_i32 = arith.constant 0 : i32
    %c0_i32_0 = arith.constant 0 : i32
    %c0_i32_1 = arith.constant 0 : i32
    return %c0_i32, %c0_i32_0 : i32, i32
  }
  func.func @transform_4(%arg0: i32) -> (i32, i32) {
    %c0_i32 = arith.constant 0 : i32
    %c0_i32_0 = arith.constant 0 : i32
    %c0_i32_1 = arith.constant 0 : i32
    return %c0_i32, %c0_i32_0 : i32, i32
  }
  func.func @transform_5(%arg0: i32) -> (i32, i32, i32) {
    %c0_i32 = arith.constant 0 : i32
    %c0_i32_0 = arith.constant 0 : i32
    %c0_i32_1 = arith.constant 0 : i32
    return %c0_i32, %arg0, %c0_i32_0 : i32, i32, i32
  }
  func.func @transform_6(%arg0: i32) -> (i32, i32, i32) {
    %c0_i32 = arith.constant 0 : i32
    %c0_i32_0 = arith.constant 0 : i32
    %c0_i32_1 = arith.constant 0 : i32
    return %c0_i32, %arg0, %c0_i32_0 : i32, i32, i32
  }
}

module attributes {stable_mosaic.version = 14 : i64} {
  func.func @body(%arg0: i32, %arg1: memref<2x640x32xf32, #tpu.memory_space<vmem>>, %arg2: memref<640x16xf32, #tpu.memory_space<vmem>>) attributes {dimension_semantics = [#tpu.dimension_semantics<arbitrary>], iteration_bounds = array<i64: 16>, scalar_prefetch = 0 : i64, scratch_operands = 0 : i64, tpu.core_type = #tpu.core_type<tc>, window_params = [{transform_indices = @transform_0, window_bounds = array<i64: 2, 640, 32>}, {transform_indices = @transform_1, window_bounds = array<i64: 640, 16>}]} {
    %get3A = arith.constant 0 : index
    %get3A_0 = arith.constant 0 : index
    %get3A_1 = arith.constant 0 : index
    %get3A_2 = vector.load %arg1[%get3A, %get3A_0, %get3A_1] : memref<2x640x32xf32, #tpu.memory_space<vmem>>, vector<1x640x32xf32>
    %get3A_3 = vector.shape_cast %get3A_2 : vector<1x640x32xf32> to vector<640x32xf32>
    %get3A_4 = arith.constant 1 : index
    %get3A_5 = arith.constant 0 : index
    %get3A_6 = arith.constant 0 : index
    %get3A_7 = vector.load %arg1[%get3A_4, %get3A_5, %get3A_6] : memref<2x640x32xf32, #tpu.memory_space<vmem>>, vector<1x640x32xf32>
    %get3A_8 = vector.shape_cast %get3A_7 : vector<1x640x32xf32> to vector<640x32xf32>
    %add3A = arith.addf %get3A_3, %get3A_8 : vector<640x32xf32>
    %slice3A = vector.extract_strided_slice %add3A {offsets = [0, 0], sizes = [640, 16], strides = [1, 1]} : vector<640x32xf32> to vector<640x16xf32>
    %slice3A_9 = vector.extract_strided_slice %add3A {offsets = [0, 16], sizes = [640, 1], strides = [1, 1]} : vector<640x32xf32> to vector<640x1xf32>
    %max3A = arith.constant 1.000000e+00 : f32
    %max3A_10 = vector.broadcast %max3A : f32 to vector<640x1xf32>
    %max3A_11 = arith.maximumf %slice3A_9, %max3A_10 : vector<640x1xf32>
    %div3A = vector.broadcast %max3A_11 : vector<640x1xf32> to vector<640x16xf32>
    %div3A_12 = arith.divf %slice3A, %div3A : vector<640x16xf32>
    %swap3A = arith.constant 0 : index
    %swap3A_13 = arith.constant 0 : index
    %swap3A_14 = vector.load %arg2[%swap3A, %swap3A_13] : memref<640x16xf32, #tpu.memory_space<vmem>>, vector<640x16xf32>
    tpu.vector_store %arg2[%swap3A, %swap3A_13], %div3A_12 {strides = array<i32>} : memref<640x16xf32, #tpu.memory_space<vmem>>, vector<640x16xf32>,
    return
  }
  func.func @transform_0(%arg0: i32) -> (i32, i32, i32) {
    %c0_i32 = arith.constant 0 : i32
    %c0_i32_0 = arith.constant 0 : i32
    %c0_i32_1 = arith.constant 0 : i32
    return %c0_i32, %arg0, %c0_i32_0 : i32, i32, i32
  }
  func.func @transform_1(%arg0: i32) -> (i32, i32) {
    %c0_i32 = arith.constant 0 : i32
    %c0_i32_0 = arith.constant 0 : i32
    return %arg0, %c0_i32 : i32, i32
  }
}

module attributes {stable_mosaic.version = 14 : i64} {
  func.func @body(%arg0: i32, %arg1: i32, %arg2: memref<1x1024x128xf32, #tpu.memory_space<vmem>>, %arg3: memref<1x1024x128xf32, #tpu.memory_space<vmem>>, %arg4: memref<1024x16xf32, #tpu.memory_space<vmem>>, %arg5: memref<1024x16xf32, #tpu.memory_space<vmem>>, %arg6: memref<16x128xf32, #tpu.memory_space<vmem>>, %arg7: memref<128x8xf32, #tpu.memory_space<vmem>>, %arg8: memref<8x128xf32, #tpu.memory_space<vmem>>, %arg9: memref<8x128xf32, #tpu.memory_space<vmem>>, %arg10: memref<16x128xf32, #tpu.memory_space<vmem>>, %arg11: memref<1x1024x128xf32, #tpu.memory_space<vmem>>, %arg12: memref<1x1024x128xf32, #tpu.memory_space<vmem>>) attributes {dimension_semantics = [#tpu.dimension_semantics<arbitrary>, #tpu.dimension_semantics<arbitrary>], iteration_bounds = array<i64: 4, 168>, scalar_prefetch = 0 : i64, scratch_operands = 0 : i64, tpu.core_type = #tpu.core_type<tc>, window_params = [{transform_indices = @transform_0, window_bounds = array<i64: 1, 1024, 128>}, {transform_indices = @transform_1, window_bounds = array<i64: 1, 1024, 128>}, {transform_indices = @transform_2, window_bounds = array<i64: 1024, 16>}, {transform_indices = @transform_3, window_bounds = array<i64: 1024, 16>}, {pipeline_mode = #tpu.pipeline_mode<synchronous>, transform_indices = @transform_4, window_bounds = array<i64: 16, 128>}, {pipeline_mode = #tpu.pipeline_mode<synchronous>, transform_indices = @transform_5, window_bounds = array<i64: 128, 8>}, {pipeline_mode = #tpu.pipeline_mode<synchronous>, transform_indices = @transform_6, window_bounds = array<i64: 8, 128>}, {pipeline_mode = #tpu.pipeline_mode<synchronous>, transform_indices = @transform_7, window_bounds = array<i64: 8, 128>}, {pipeline_mode = #tpu.pipeline_mode<synchronous>, transform_indices = @transform_8, window_bounds = array<i64: 16, 128>}, {transform_indices = @transform_9, window_bounds = array<i64: 1, 1024, 128>}, {transform_indices = @transform_10, window_bounds = array<i64: 1, 1024, 128>}]} {
    %get3A = arith.constant 0 : index
    %get3A_0 = arith.constant 0 : index
    %get3A_1 = arith.constant 0 : index
    %get3A_2 = vector.load %arg2[%get3A, %get3A_0, %get3A_1] : memref<1x1024x128xf32, #tpu.memory_space<vmem>>, vector<1x1024x128xf32>
    %reshape3A = vector.shape_cast %get3A_2 : vector<1x1024x128xf32> to vector<1024x128xf32>
    %get3A_3 = arith.constant 0 : index
    %get3A_4 = arith.constant 0 : index
    %get3A_5 = arith.constant 0 : index
    %get3A_6 = vector.load %arg3[%get3A_3, %get3A_4, %get3A_5] : memref<1x1024x128xf32, #tpu.memory_space<vmem>>, vector<1x1024x128xf32>
    %reshape3A_7 = vector.shape_cast %get3A_6 : vector<1x1024x128xf32> to vector<1024x128xf32>
    %get3A_8 = arith.constant 0 : index
    %get3A_9 = arith.constant 0 : index
    %get3A_10 = vector.load %arg4[%get3A_8, %get3A_9] : memref<1024x16xf32, #tpu.memory_space<vmem>>, vector<1024x16xf32>
    %get3A_11 = arith.constant 0 : index
    %get3A_12 = arith.constant 0 : index
    %get3A_13 = vector.load %arg6[%get3A_11, %get3A_12] : memref<16x128xf32, #tpu.memory_space<vmem>>, vector<16x128xf32>
    %dot_general3A = arith.constant dense<0.000000e+00> : vector<1024x128xf32>
    %dot_general3A_14 = tpu.matmul %get3A_10, %get3A_13, %dot_general3A {dimension_numbers = #tpu.dot_dimension_numbers<[1], [0], [0], [1], [0, 0, 1, 1], [], []>, transpose_lhs_hint = false} : vector<1024x16xf32>, vector<16x128xf32>, vector<1024x128xf32> -> vector<1024x128xf32>
    %add3A = arith.addf %reshape3A, %reshape3A_7 : vector<1024x128xf32>
    %add3A_15 = arith.addf %add3A, %dot_general3A_14 : vector<1024x128xf32>
    %mul3A = arith.constant 2.000000e-01 : f32
    %mul3A_16 = vector.broadcast %mul3A : f32 to vector<1024x128xf32>
    %mul3A_17 = arith.mulf %mul3A_16, %add3A_15 : vector<1024x128xf32>
    %max3A = arith.maximumf %add3A_15, %mul3A_17 : vector<1024x128xf32>
    %get3A_18 = arith.constant 0 : index
    %get3A_19 = arith.constant 0 : index
    %get3A_20 = vector.load %arg7[%get3A_18, %get3A_19] : memref<128x8xf32, #tpu.memory_space<vmem>>, vector<128x8xf32>
    %dot_general3A_21 = arith.constant dense<0.000000e+00> : vector<1024x8xf32>
    %dot_general3A_22 = tpu.matmul %max3A, %get3A_20, %dot_general3A_21 {dimension_numbers = #tpu.dot_dimension_numbers<[1], [0], [0], [1], [0, 0, 1, 1], [], []>, transpose_lhs_hint = false} : vector<1024x128xf32>, vector<128x8xf32>, vector<1024x8xf32> -> vector<1024x8xf32>
    %exp3A = math.exp %dot_general3A_22 : vector<1024x8xf32>
    %get3A_23 = arith.constant 0 : index
    %get3A_24 = arith.constant 0 : index
    %get3A_25 = vector.load %arg8[%get3A_23, %get3A_24] : memref<8x128xf32, #tpu.memory_space<vmem>>, vector<8x128xf32>
    %dot_general3A_26 = arith.constant dense<0.000000e+00> : vector<1024x128xf32>
    %dot_general3A_27 = tpu.matmul %exp3A, %get3A_25, %dot_general3A_26 {dimension_numbers = #tpu.dot_dimension_numbers<[1], [0], [0], [1], [0, 0, 1, 1], [], []>, transpose_lhs_hint = false} : vector<1024x8xf32>, vector<8x128xf32>, vector<1024x128xf32> -> vector<1024x128xf32>
    %mul3A_28 = arith.mulf %reshape3A, %dot_general3A_27 : vector<1024x128xf32>
    %reshape3A_29 = vector.shape_cast %mul3A_28 : vector<1024x128xf32> to vector<1x1024x128xf32>
    %swap3A = arith.constant 0 : index
    %swap3A_30 = arith.constant 0 : index
    %swap3A_31 = arith.constant 0 : index
    %swap3A_32 = vector.load %arg11[%swap3A, %swap3A_30, %swap3A_31] : memref<1x1024x128xf32, #tpu.memory_space<vmem>>, vector<1x1024x128xf32>
    tpu.vector_store %arg11[%swap3A, %swap3A_30, %swap3A_31], %reshape3A_29 {strides = array<i32>} : memref<1x1024x128xf32, #tpu.memory_space<vmem>>, vector<1x1024x128xf32>,
    %get3A_33 = arith.constant 0 : index
    %get3A_34 = arith.constant 0 : index
    %get3A_35 = vector.load %arg9[%get3A_33, %get3A_34] : memref<8x128xf32, #tpu.memory_space<vmem>>, vector<8x128xf32>
    %dot_general3A_36 = arith.constant dense<0.000000e+00> : vector<1024x128xf32>
    %dot_general3A_37 = tpu.matmul %exp3A, %get3A_35, %dot_general3A_36 {dimension_numbers = #tpu.dot_dimension_numbers<[1], [0], [0], [1], [0, 0, 1, 1], [], []>, transpose_lhs_hint = false} : vector<1024x8xf32>, vector<8x128xf32>, vector<1024x128xf32> -> vector<1024x128xf32>
    %get3A_38 = arith.constant 0 : index
    %get3A_39 = arith.constant 0 : index
    %get3A_40 = vector.load %arg5[%get3A_38, %get3A_39] : memref<1024x16xf32, #tpu.memory_space<vmem>>, vector<1024x16xf32>
    %get3A_41 = arith.constant 0 : index
    %get3A_42 = arith.constant 0 : index
    %get3A_43 = vector.load %arg10[%get3A_41, %get3A_42] : memref<16x128xf32, #tpu.memory_space<vmem>>, vector<16x128xf32>
    %dot_general3A_44 = arith.constant dense<0.000000e+00> : vector<1024x128xf32>
    %dot_general3A_45 = tpu.matmul %get3A_40, %get3A_43, %dot_general3A_44 {dimension_numbers = #tpu.dot_dimension_numbers<[1], [0], [0], [1], [0, 0, 1, 1], [], []>, transpose_lhs_hint = false} : vector<1024x16xf32>, vector<16x128xf32>, vector<1024x128xf32> -> vector<1024x128xf32>
    %mul3A_46 = arith.mulf %dot_general3A_37, %dot_general3A_45 : vector<1024x128xf32>
    %reshape3A_47 = vector.shape_cast %mul3A_46 : vector<1024x128xf32> to vector<1x1024x128xf32>
    %swap3A_48 = arith.constant 0 : index
    %swap3A_49 = arith.constant 0 : index
    %swap3A_50 = arith.constant 0 : index
    %swap3A_51 = vector.load %arg12[%swap3A_48, %swap3A_49, %swap3A_50] : memref<1x1024x128xf32, #tpu.memory_space<vmem>>, vector<1x1024x128xf32>
    tpu.vector_store %arg12[%swap3A_48, %swap3A_49, %swap3A_50], %reshape3A_47 {strides = array<i32>} : memref<1x1024x128xf32, #tpu.memory_space<vmem>>, vector<1x1024x128xf32>,
    return
  }
  func.func @transform_0(%arg0: i32, %arg1: i32) -> (i32, i32, i32) {
    %c0_i32 = arith.constant 0 : i32
    %c0_i32_0 = arith.constant 0 : i32
    return %arg0, %arg1, %c0_i32 : i32, i32, i32
  }
  func.func @transform_1(%arg0: i32, %arg1: i32) -> (i32, i32, i32) {
    %c0_i32 = arith.constant 0 : i32
    %c0_i32_0 = arith.constant 0 : i32
    return %arg0, %arg1, %c0_i32 : i32, i32, i32
  }
  func.func @transform_2(%arg0: i32, %arg1: i32) -> (i32, i32) {
    %c0_i32 = arith.constant 0 : i32
    %c0_i32_0 = arith.constant 0 : i32
    return %arg1, %c0_i32 : i32, i32
  }
  func.func @transform_3(%arg0: i32, %arg1: i32) -> (i32, i32) {
    %c0_i32 = arith.constant 0 : i32
    %c0_i32_0 = arith.constant 0 : i32
    return %arg1, %c0_i32 : i32, i32
  }
  func.func @transform_4(%arg0: i32, %arg1: i32) -> (i32, i32) {
    %c0_i32 = arith.constant 0 : i32
    %c0_i32_0 = arith.constant 0 : i32
    %c0_i32_1 = arith.constant 0 : i32
    return %c0_i32, %c0_i32_0 : i32, i32
  }
  func.func @transform_5(%arg0: i32, %arg1: i32) -> (i32, i32) {
    %c0_i32 = arith.constant 0 : i32
    %c0_i32_0 = arith.constant 0 : i32
    %c0_i32_1 = arith.constant 0 : i32
    return %c0_i32, %c0_i32_0 : i32, i32
  }
  func.func @transform_6(%arg0: i32, %arg1: i32) -> (i32, i32) {
    %c0_i32 = arith.constant 0 : i32
    %c0_i32_0 = arith.constant 0 : i32
    %c0_i32_1 = arith.constant 0 : i32
    return %c0_i32, %c0_i32_0 : i32, i32
  }
  func.func @transform_7(%arg0: i32, %arg1: i32) -> (i32, i32) {
    %c0_i32 = arith.constant 0 : i32
    %c0_i32_0 = arith.constant 0 : i32
    %c0_i32_1 = arith.constant 0 : i32
    return %c0_i32, %c0_i32_0 : i32, i32
  }
  func.func @transform_8(%arg0: i32, %arg1: i32) -> (i32, i32) {
    %c0_i32 = arith.constant 0 : i32
    %c0_i32_0 = arith.constant 0 : i32
    %c0_i32_1 = arith.constant 0 : i32
    return %c0_i32, %c0_i32_0 : i32, i32
  }
  func.func @transform_9(%arg0: i32, %arg1: i32) -> (i32, i32, i32) {
    %c0_i32 = arith.constant 0 : i32
    %c0_i32_0 = arith.constant 0 : i32
    return %arg0, %arg1, %c0_i32 : i32, i32, i32
  }
  func.func @transform_10(%arg0: i32, %arg1: i32) -> (i32, i32, i32) {
    %c0_i32 = arith.constant 0 : i32
    %c0_i32_0 = arith.constant 0 : i32
    return %arg0, %arg1, %c0_i32 : i32, i32, i32
  }
}

module attributes {stable_mosaic.version = 14 : i64} {
  func.func @body(%arg0: i32, %arg1: memref<1000x4x128xf32, #tpu.memory_space<vmem>>, %arg2: memref<4x2x1000x128xf32, #tpu.memory_space<vmem>>, %arg3: memref<4x2x1000x8xf32, #tpu.memory_space<vmem>>, %arg4: memref<8x128xf32, #tpu.memory_space<vmem>>, %arg5: memref<1x128xf32, #tpu.memory_space<vmem>>, %arg6: memref<1x128xf32, #tpu.memory_space<vmem>>, %arg7: memref<1x128xf32, #tpu.memory_space<vmem>>, %arg8: memref<1000x4x128xf32, #tpu.memory_space<vmem>>) attributes {dimension_semantics = [#tpu.dimension_semantics<arbitrary>], iteration_bounds = array<i64: 10>, scalar_prefetch = 0 : i64, scratch_operands = 0 : i64, tpu.core_type = #tpu.core_type<tc>, window_params = [{transform_indices = @transform_0, window_bounds = array<i64: 1000, 4, 128>}, {transform_indices = @transform_1, window_bounds = array<i64: 4, 2, 1000, 128>}, {transform_indices = @transform_2, window_bounds = array<i64: 4, 2, 1000, 8>}, {pipeline_mode = #tpu.pipeline_mode<synchronous>, transform_indices = @transform_3, window_bounds = array<i64: 8, 128>}, {pipeline_mode = #tpu.pipeline_mode<synchronous>, transform_indices = @transform_4, window_bounds = array<i64: 1, 128>}, {pipeline_mode = #tpu.pipeline_mode<synchronous>, transform_indices = @transform_5, window_bounds = array<i64: 1, 128>}, {pipeline_mode = #tpu.pipeline_mode<synchronous>, transform_indices = @transform_6, window_bounds = array<i64: 1, 128>}, {transform_indices = @transform_7, window_bounds = array<i64: 1000, 4, 128>}]} {
    %get3A = arith.constant 0 : index
    %get3A_0 = arith.constant 0 : index
    %get3A_1 = arith.constant 0 : index
    %get3A_2 = vector.load %arg1[%get3A, %get3A_0, %get3A_1] : memref<1000x4x128xf32, #tpu.memory_space<vmem>>, vector<1000x4x128xf32>
    %get3A_3 = arith.constant 0 : index
    %get3A_4 = arith.constant 0 : index
    %get3A_5 = arith.constant 0 : index
    %get3A_6 = arith.constant 0 : index
    %get3A_7 = vector.load %arg2[%get3A_3, %get3A_4, %get3A_5, %get3A_6] : memref<4x2x1000x128xf32, #tpu.memory_space<vmem>>, vector<1x1x1000x128xf32>
    %get3A_8 = vector.shape_cast %get3A_7 : vector<1x1x1000x128xf32> to vector<1000x128xf32>
    %get3A_9 = arith.constant 0 : index
    %get3A_10 = arith.constant 1 : index
    %get3A_11 = arith.constant 0 : index
    %get3A_12 = arith.constant 0 : index
    %get3A_13 = vector.load %arg2[%get3A_9, %get3A_10, %get3A_11, %get3A_12] : memref<4x2x1000x128xf32, #tpu.memory_space<vmem>>, vector<1x1x1000x128xf32>
    %get3A_14 = vector.shape_cast %get3A_13 : vector<1x1x1000x128xf32> to vector<1000x128xf32>
    %add3A = arith.addf %get3A_8, %get3A_14 : vector<1000x128xf32>
    %get3A_15 = arith.constant 0 : index
    %get3A_16 = arith.constant 0 : index
    %get3A_17 = arith.constant 0 : index
    %get3A_18 = arith.constant 0 : index
    %get3A_19 = vector.load %arg3[%get3A_15, %get3A_16, %get3A_17, %get3A_18] : memref<4x2x1000x8xf32, #tpu.memory_space<vmem>>, vector<1x1x1000x8xf32>
    %get3A_20 = vector.shape_cast %get3A_19 : vector<1x1x1000x8xf32> to vector<1000x8xf32>
    %get3A_21 = arith.constant 0 : index
    %get3A_22 = arith.constant 1 : index
    %get3A_23 = arith.constant 0 : index
    %get3A_24 = arith.constant 0 : index
    %get3A_25 = vector.load %arg3[%get3A_21, %get3A_22, %get3A_23, %get3A_24] : memref<4x2x1000x8xf32, #tpu.memory_space<vmem>>, vector<1x1x1000x8xf32>
    %get3A_26 = vector.shape_cast %get3A_25 : vector<1x1x1000x8xf32> to vector<1000x8xf32>
    %add3A_27 = arith.addf %get3A_20, %get3A_26 : vector<1000x8xf32>
    %get3A_28 = arith.constant 0 : index
    %get3A_29 = arith.constant 0 : index
    %get3A_30 = vector.load %arg4[%get3A_28, %get3A_29] : memref<8x128xf32, #tpu.memory_space<vmem>>, vector<8x128xf32>
    %dot_general3A = arith.constant dense<0.000000e+00> : vector<1000x128xf32>
    %dot_general3A_31 = tpu.matmul %add3A_27, %get3A_30, %dot_general3A {dimension_numbers = #tpu.dot_dimension_numbers<[1], [0], [0], [1], [0, 0, 1, 1], [], []>, transpose_lhs_hint = false} : vector<1000x8xf32>, vector<8x128xf32>, vector<1000x128xf32> -> vector<1000x128xf32>
    %add3A_32 = arith.constant 1.000000e-16 : f32
    %add3A_33 = vector.broadcast %add3A_32 : f32 to vector<1000x128xf32>
    %add3A_34 = arith.addf %dot_general3A_31, %add3A_33 : vector<1000x128xf32>
    %div3A = arith.divf %add3A, %add3A_34 : vector<1000x128xf32>
    %get3A_35 = arith.constant 0 : index
    %get3A_36 = arith.constant 0 : index
    %get3A_37 = vector.load %arg5[%get3A_35, %get3A_36] : memref<1x128xf32, #tpu.memory_space<vmem>>, vector<1x128xf32>
    %add3A_38 = vector.broadcast %get3A_37 : vector<1x128xf32> to vector<1000x128xf32>
    %add3A_39 = arith.addf %div3A, %add3A_38 : vector<1000x128xf32>
    %slice3A = vector.extract_strided_slice %get3A_2 {offsets = [0, 0, 0], sizes = [1000, 1, 128], strides = [1, 1, 1]} : vector<1000x4x128xf32> to vector<1000x1x128xf32>
    %squeeze3A = vector.shape_cast %slice3A : vector<1000x1x128xf32> to vector<1000x128xf32>
    %add3A_40 = arith.addf %squeeze3A, %add3A_39 : vector<1000x128xf32>
    %reduce_sum3A = arith.constant dense<0.000000e+00> : vector<1000xf32>
    %reduce_sum3A_41 = vector.multi_reduction <add>, %add3A_40, %reduce_sum3A [1] : vector<1000x128xf32> to vector<1000xf32>
    %broadcast_in_dim3A = vector.shape_cast %reduce_sum3A_41 : vector<1000xf32> to vector<1000x1xf32>
    %div3A_42 = arith.constant 1.280000e+02 : f32
    %div3A_43 = vector.broadcast %div3A_42 : f32 to vector<1000x1xf32>
    %div3A_44 = arith.divf %broadcast_in_dim3A, %div3A_43 : vector<1000x1xf32>
    %sub3A = vector.broadcast %div3A_44 : vector<1000x1xf32> to vector<1000x128xf32>
    %sub3A_45 = arith.subf %add3A_40, %sub3A : vector<1000x128xf32>
    %integer_pow3A = arith.mulf %sub3A_45, %sub3A_45 : vector<1000x128xf32>
    %reduce_sum3A_46 = arith.constant dense<0.000000e+00> : vector<1000xf32>
    %reduce_sum3A_47 = vector.multi_reduction <add>, %integer_pow3A, %reduce_sum3A_46 [1] : vector<1000x128xf32> to vector<1000xf32>
    %broadcast_in_dim3A_48 = vector.shape_cast %reduce_sum3A_47 : vector<1000xf32> to vector<1000x1xf32>
    %div3A_49 = arith.constant 1.280000e+02 : f32
    %div3A_50 = vector.broadcast %div3A_49 : f32 to vector<1000x1xf32>
    %div3A_51 = arith.divf %broadcast_in_dim3A_48, %div3A_50 : vector<1000x1xf32>
    %sub3A_52 = vector.broadcast %div3A_44 : vector<1000x1xf32> to vector<1000x128xf32>
    %sub3A_53 = arith.subf %add3A_40, %sub3A_52 : vector<1000x128xf32>
    %add3A_54 = arith.constant 9.99999974E-6 : f32
    %add3A_55 = vector.broadcast %add3A_54 : f32 to vector<1000x1xf32>
    %add3A_56 = arith.addf %div3A_51, %add3A_55 : vector<1000x1xf32>
    %rsqrt3A = math.rsqrt %add3A_56 : vector<1000x1xf32>
    %mul3A = vector.broadcast %rsqrt3A : vector<1000x1xf32> to vector<1000x128xf32>
    %mul3A_57 = arith.mulf %sub3A_53, %mul3A : vector<1000x128xf32>
    %get3A_58 = arith.constant 0 : index
    %get3A_59 = arith.constant 0 : index
    %get3A_60 = vector.load %arg6[%get3A_58, %get3A_59] : memref<1x128xf32, #tpu.memory_space<vmem>>, vector<1x128xf32>
    %mul3A_61 = vector.broadcast %get3A_60 : vector<1x128xf32> to vector<1000x128xf32>
    %mul3A_62 = arith.mulf %mul3A_57, %mul3A_61 : vector<1000x128xf32>
    %get3A_63 = arith.constant 0 : index
    %get3A_64 = arith.constant 0 : index
    %get3A_65 = vector.load %arg7[%get3A_63, %get3A_64] : memref<1x128xf32, #tpu.memory_space<vmem>>, vector<1x128xf32>
    %add3A_66 = vector.broadcast %get3A_65 : vector<1x128xf32> to vector<1000x128xf32>
    %add3A_67 = arith.addf %mul3A_62, %add3A_66 : vector<1000x128xf32>
    %get3A_68 = arith.constant 1 : index
    %get3A_69 = arith.constant 0 : index
    %get3A_70 = arith.constant 0 : index
    %get3A_71 = arith.constant 0 : index
    %get3A_72 = vector.load %arg2[%get3A_68, %get3A_69, %get3A_70, %get3A_71] : memref<4x2x1000x128xf32, #tpu.memory_space<vmem>>, vector<1x1x1000x128xf32>
    %get3A_73 = vector.shape_cast %get3A_72 : vector<1x1x1000x128xf32> to vector<1000x128xf32>
    %get3A_74 = arith.constant 1 : index
    %get3A_75 = arith.constant 1 : index
    %get3A_76 = arith.constant 0 : index
    %get3A_77 = arith.constant 0 : index
    %get3A_78 = vector.load %arg2[%get3A_74, %get3A_75, %get3A_76, %get3A_77] : memref<4x2x1000x128xf32, #tpu.memory_space<vmem>>, vector<1x1x1000x128xf32>
    %get3A_79 = vector.shape_cast %get3A_78 : vector<1x1x1000x128xf32> to vector<1000x128xf32>
    %add3A_80 = arith.addf %get3A_73, %get3A_79 : vector<1000x128xf32>
    %get3A_81 = arith.constant 1 : index
    %get3A_82 = arith.constant 0 : index
    %get3A_83 = arith.constant 0 : index
    %get3A_84 = arith.constant 0 : index
    %get3A_85 = vector.load %arg3[%get3A_81, %get3A_82, %get3A_83, %get3A_84] : memref<4x2x1000x8xf32, #tpu.memory_space<vmem>>, vector<1x1x1000x8xf32>
    %get3A_86 = vector.shape_cast %get3A_85 : vector<1x1x1000x8xf32> to vector<1000x8xf32>
    %get3A_87 = arith.constant 1 : index
    %get3A_88 = arith.constant 1 : index
    %get3A_89 = arith.constant 0 : index
    %get3A_90 = arith.constant 0 : index
    %get3A_91 = vector.load %arg3[%get3A_87, %get3A_88, %get3A_89, %get3A_90] : memref<4x2x1000x8xf32, #tpu.memory_space<vmem>>, vector<1x1x1000x8xf32>
    %get3A_92 = vector.shape_cast %get3A_91 : vector<1x1x1000x8xf32> to vector<1000x8xf32>
    %add3A_93 = arith.addf %get3A_86, %get3A_92 : vector<1000x8xf32>
    %get3A_94 = arith.constant 0 : index
    %get3A_95 = arith.constant 0 : index
    %get3A_96 = vector.load %arg4[%get3A_94, %get3A_95] : memref<8x128xf32, #tpu.memory_space<vmem>>, vector<8x128xf32>
    %dot_general3A_97 = arith.constant dense<0.000000e+00> : vector<1000x128xf32>
    %dot_general3A_98 = tpu.matmul %add3A_93, %get3A_96, %dot_general3A_97 {dimension_numbers = #tpu.dot_dimension_numbers<[1], [0], [0], [1], [0, 0, 1, 1], [], []>, transpose_lhs_hint = false} : vector<1000x8xf32>, vector<8x128xf32>, vector<1000x128xf32> -> vector<1000x128xf32>
    %add3A_99 = arith.constant 1.000000e-16 : f32
    %add3A_100 = vector.broadcast %add3A_99 : f32 to vector<1000x128xf32>
    %add3A_101 = arith.addf %dot_general3A_98, %add3A_100 : vector<1000x128xf32>
    %div3A_102 = arith.divf %add3A_80, %add3A_101 : vector<1000x128xf32>
    %get3A_103 = arith.constant 0 : index
    %get3A_104 = arith.constant 0 : index
    %get3A_105 = vector.load %arg5[%get3A_103, %get3A_104] : memref<1x128xf32, #tpu.memory_space<vmem>>, vector<1x128xf32>
    %add3A_106 = vector.broadcast %get3A_105 : vector<1x128xf32> to vector<1000x128xf32>
    %add3A_107 = arith.addf %div3A_102, %add3A_106 : vector<1000x128xf32>
    %slice3A_108 = vector.extract_strided_slice %get3A_2 {offsets = [0, 1, 0], sizes = [1000, 1, 128], strides = [1, 1, 1]} : vector<1000x4x128xf32> to vector<1000x1x128xf32>
    %squeeze3A_109 = vector.shape_cast %slice3A_108 : vector<1000x1x128xf32> to vector<1000x128xf32>
    %add3A_110 = arith.addf %squeeze3A_109, %add3A_107 : vector<1000x128xf32>
    %reduce_sum3A_111 = arith.constant dense<0.000000e+00> : vector<1000xf32>
    %reduce_sum3A_112 = vector.multi_reduction <add>, %add3A_110, %reduce_sum3A_111 [1] : vector<1000x128xf32> to vector<1000xf32>
    %broadcast_in_dim3A_113 = vector.shape_cast %reduce_sum3A_112 : vector<1000xf32> to vector<1000x1xf32>
    %div3A_114 = arith.constant 1.280000e+02 : f32
    %div3A_115 = vector.broadcast %div3A_114 : f32 to vector<1000x1xf32>
    %div3A_116 = arith.divf %broadcast_in_dim3A_113, %div3A_115 : vector<1000x1xf32>
    %sub3A_117 = vector.broadcast %div3A_116 : vector<1000x1xf32> to vector<1000x128xf32>
    %sub3A_118 = arith.subf %add3A_110, %sub3A_117 : vector<1000x128xf32>
    %integer_pow3A_119 = arith.mulf %sub3A_118, %sub3A_118 : vector<1000x128xf32>
    %reduce_sum3A_120 = arith.constant dense<0.000000e+00> : vector<1000xf32>
    %reduce_sum3A_121 = vector.multi_reduction <add>, %integer_pow3A_119, %reduce_sum3A_120 [1] : vector<1000x128xf32> to vector<1000xf32>
    %broadcast_in_dim3A_122 = vector.shape_cast %reduce_sum3A_121 : vector<1000xf32> to vector<1000x1xf32>
    %div3A_123 = arith.constant 1.280000e+02 : f32
    %div3A_124 = vector.broadcast %div3A_123 : f32 to vector<1000x1xf32>
    %div3A_125 = arith.divf %broadcast_in_dim3A_122, %div3A_124 : vector<1000x1xf32>
    %sub3A_126 = vector.broadcast %div3A_116 : vector<1000x1xf32> to vector<1000x128xf32>
    %sub3A_127 = arith.subf %add3A_110, %sub3A_126 : vector<1000x128xf32>
    %add3A_128 = arith.constant 9.99999974E-6 : f32
    %add3A_129 = vector.broadcast %add3A_128 : f32 to vector<1000x1xf32>
    %add3A_130 = arith.addf %div3A_125, %add3A_129 : vector<1000x1xf32>
    %rsqrt3A_131 = math.rsqrt %add3A_130 : vector<1000x1xf32>
    %mul3A_132 = vector.broadcast %rsqrt3A_131 : vector<1000x1xf32> to vector<1000x128xf32>
    %mul3A_133 = arith.mulf %sub3A_127, %mul3A_132 : vector<1000x128xf32>
    %get3A_134 = arith.constant 0 : index
    %get3A_135 = arith.constant 0 : index
    %get3A_136 = vector.load %arg6[%get3A_134, %get3A_135] : memref<1x128xf32, #tpu.memory_space<vmem>>, vector<1x128xf32>
    %mul3A_137 = vector.broadcast %get3A_136 : vector<1x128xf32> to vector<1000x128xf32>
    %mul3A_138 = arith.mulf %mul3A_133, %mul3A_137 : vector<1000x128xf32>
    %get3A_139 = arith.constant 0 : index
    %get3A_140 = arith.constant 0 : index
    %get3A_141 = vector.load %arg7[%get3A_139, %get3A_140] : memref<1x128xf32, #tpu.memory_space<vmem>>, vector<1x128xf32>
    %add3A_142 = vector.broadcast %get3A_141 : vector<1x128xf32> to vector<1000x128xf32>
    %add3A_143 = arith.addf %mul3A_138, %add3A_142 : vector<1000x128xf32>
    %get3A_144 = arith.constant 2 : index
    %get3A_145 = arith.constant 0 : index
    %get3A_146 = arith.constant 0 : index
    %get3A_147 = arith.constant 0 : index
    %get3A_148 = vector.load %arg2[%get3A_144, %get3A_145, %get3A_146, %get3A_147] : memref<4x2x1000x128xf32, #tpu.memory_space<vmem>>, vector<1x1x1000x128xf32>
    %get3A_149 = vector.shape_cast %get3A_148 : vector<1x1x1000x128xf32> to vector<1000x128xf32>
    %get3A_150 = arith.constant 2 : index
    %get3A_151 = arith.constant 1 : index
    %get3A_152 = arith.constant 0 : index
    %get3A_153 = arith.constant 0 : index
    %get3A_154 = vector.load %arg2[%get3A_150, %get3A_151, %get3A_152, %get3A_153] : memref<4x2x1000x128xf32, #tpu.memory_space<vmem>>, vector<1x1x1000x128xf32>
    %get3A_155 = vector.shape_cast %get3A_154 : vector<1x1x1000x128xf32> to vector<1000x128xf32>
    %add3A_156 = arith.addf %get3A_149, %get3A_155 : vector<1000x128xf32>
    %get3A_157 = arith.constant 2 : index
    %get3A_158 = arith.constant 0 : index
    %get3A_159 = arith.constant 0 : index
    %get3A_160 = arith.constant 0 : index
    %get3A_161 = vector.load %arg3[%get3A_157, %get3A_158, %get3A_159, %get3A_160] : memref<4x2x1000x8xf32, #tpu.memory_space<vmem>>, vector<1x1x1000x8xf32>
    %get3A_162 = vector.shape_cast %get3A_161 : vector<1x1x1000x8xf32> to vector<1000x8xf32>
    %get3A_163 = arith.constant 2 : index
    %get3A_164 = arith.constant 1 : index
    %get3A_165 = arith.constant 0 : index
    %get3A_166 = arith.constant 0 : index
    %get3A_167 = vector.load %arg3[%get3A_163, %get3A_164, %get3A_165, %get3A_166] : memref<4x2x1000x8xf32, #tpu.memory_space<vmem>>, vector<1x1x1000x8xf32>
    %get3A_168 = vector.shape_cast %get3A_167 : vector<1x1x1000x8xf32> to vector<1000x8xf32>
    %add3A_169 = arith.addf %get3A_162, %get3A_168 : vector<1000x8xf32>
    %get3A_170 = arith.constant 0 : index
    %get3A_171 = arith.constant 0 : index
    %get3A_172 = vector.load %arg4[%get3A_170, %get3A_171] : memref<8x128xf32, #tpu.memory_space<vmem>>, vector<8x128xf32>
    %dot_general3A_173 = arith.constant dense<0.000000e+00> : vector<1000x128xf32>
    %dot_general3A_174 = tpu.matmul %add3A_169, %get3A_172, %dot_general3A_173 {dimension_numbers = #tpu.dot_dimension_numbers<[1], [0], [0], [1], [0, 0, 1, 1], [], []>, transpose_lhs_hint = false} : vector<1000x8xf32>, vector<8x128xf32>, vector<1000x128xf32> -> vector<1000x128xf32>
    %add3A_175 = arith.constant 1.000000e-16 : f32
    %add3A_176 = vector.broadcast %add3A_175 : f32 to vector<1000x128xf32>
    %add3A_177 = arith.addf %dot_general3A_174, %add3A_176 : vector<1000x128xf32>
    %div3A_178 = arith.divf %add3A_156, %add3A_177 : vector<1000x128xf32>
    %get3A_179 = arith.constant 0 : index
    %get3A_180 = arith.constant 0 : index
    %get3A_181 = vector.load %arg5[%get3A_179, %get3A_180] : memref<1x128xf32, #tpu.memory_space<vmem>>, vector<1x128xf32>
    %add3A_182 = vector.broadcast %get3A_181 : vector<1x128xf32> to vector<1000x128xf32>
    %add3A_183 = arith.addf %div3A_178, %add3A_182 : vector<1000x128xf32>
    %slice3A_184 = vector.extract_strided_slice %get3A_2 {offsets = [0, 2, 0], sizes = [1000, 1, 128], strides = [1, 1, 1]} : vector<1000x4x128xf32> to vector<1000x1x128xf32>
    %squeeze3A_185 = vector.shape_cast %slice3A_184 : vector<1000x1x128xf32> to vector<1000x128xf32>
    %add3A_186 = arith.addf %squeeze3A_185, %add3A_183 : vector<1000x128xf32>
    %reduce_sum3A_187 = arith.constant dense<0.000000e+00> : vector<1000xf32>
    %reduce_sum3A_188 = vector.multi_reduction <add>, %add3A_186, %reduce_sum3A_187 [1] : vector<1000x128xf32> to vector<1000xf32>
    %broadcast_in_dim3A_189 = vector.shape_cast %reduce_sum3A_188 : vector<1000xf32> to vector<1000x1xf32>
    %div3A_190 = arith.constant 1.280000e+02 : f32
    %div3A_191 = vector.broadcast %div3A_190 : f32 to vector<1000x1xf32>
    %div3A_192 = arith.divf %broadcast_in_dim3A_189, %div3A_191 : vector<1000x1xf32>
    %sub3A_193 = vector.broadcast %div3A_192 : vector<1000x1xf32> to vector<1000x128xf32>
    %sub3A_194 = arith.subf %add3A_186, %sub3A_193 : vector<1000x128xf32>
    %integer_pow3A_195 = arith.mulf %sub3A_194, %sub3A_194 : vector<1000x128xf32>
    %reduce_sum3A_196 = arith.constant dense<0.000000e+00> : vector<1000xf32>
    %reduce_sum3A_197 = vector.multi_reduction <add>, %integer_pow3A_195, %reduce_sum3A_196 [1] : vector<1000x128xf32> to vector<1000xf32>
    %broadcast_in_dim3A_198 = vector.shape_cast %reduce_sum3A_197 : vector<1000xf32> to vector<1000x1xf32>
    %div3A_199 = arith.constant 1.280000e+02 : f32
    %div3A_200 = vector.broadcast %div3A_199 : f32 to vector<1000x1xf32>
    %div3A_201 = arith.divf %broadcast_in_dim3A_198, %div3A_200 : vector<1000x1xf32>
    %sub3A_202 = vector.broadcast %div3A_192 : vector<1000x1xf32> to vector<1000x128xf32>
    %sub3A_203 = arith.subf %add3A_186, %sub3A_202 : vector<1000x128xf32>
    %add3A_204 = arith.constant 9.99999974E-6 : f32
    %add3A_205 = vector.broadcast %add3A_204 : f32 to vector<1000x1xf32>
    %add3A_206 = arith.addf %div3A_201, %add3A_205 : vector<1000x1xf32>
    %rsqrt3A_207 = math.rsqrt %add3A_206 : vector<1000x1xf32>
    %mul3A_208 = vector.broadcast %rsqrt3A_207 : vector<1000x1xf32> to vector<1000x128xf32>
    %mul3A_209 = arith.mulf %sub3A_203, %mul3A_208 : vector<1000x128xf32>
    %get3A_210 = arith.constant 0 : index
    %get3A_211 = arith.constant 0 : index
    %get3A_212 = vector.load %arg6[%get3A_210, %get3A_211] : memref<1x128xf32, #tpu.memory_space<vmem>>, vector<1x128xf32>
    %mul3A_213 = vector.broadcast %get3A_212 : vector<1x128xf32> to vector<1000x128xf32>
    %mul3A_214 = arith.mulf %mul3A_209, %mul3A_213 : vector<1000x128xf32>
    %get3A_215 = arith.constant 0 : index
    %get3A_216 = arith.constant 0 : index
    %get3A_217 = vector.load %arg7[%get3A_215, %get3A_216] : memref<1x128xf32, #tpu.memory_space<vmem>>, vector<1x128xf32>
    %add3A_218 = vector.broadcast %get3A_217 : vector<1x128xf32> to vector<1000x128xf32>
    %add3A_219 = arith.addf %mul3A_214, %add3A_218 : vector<1000x128xf32>
    %get3A_220 = arith.constant 3 : index
    %get3A_221 = arith.constant 0 : index
    %get3A_222 = arith.constant 0 : index
    %get3A_223 = arith.constant 0 : index
    %get3A_224 = vector.load %arg2[%get3A_220, %get3A_221, %get3A_222, %get3A_223] : memref<4x2x1000x128xf32, #tpu.memory_space<vmem>>, vector<1x1x1000x128xf32>
    %get3A_225 = vector.shape_cast %get3A_224 : vector<1x1x1000x128xf32> to vector<1000x128xf32>
    %get3A_226 = arith.constant 3 : index
    %get3A_227 = arith.constant 1 : index
    %get3A_228 = arith.constant 0 : index
    %get3A_229 = arith.constant 0 : index
    %get3A_230 = vector.load %arg2[%get3A_226, %get3A_227, %get3A_228, %get3A_229] : memref<4x2x1000x128xf32, #tpu.memory_space<vmem>>, vector<1x1x1000x128xf32>
    %get3A_231 = vector.shape_cast %get3A_230 : vector<1x1x1000x128xf32> to vector<1000x128xf32>
    %add3A_232 = arith.addf %get3A_225, %get3A_231 : vector<1000x128xf32>
    %get3A_233 = arith.constant 3 : index
    %get3A_234 = arith.constant 0 : index
    %get3A_235 = arith.constant 0 : index
    %get3A_236 = arith.constant 0 : index
    %get3A_237 = vector.load %arg3[%get3A_233, %get3A_234, %get3A_235, %get3A_236] : memref<4x2x1000x8xf32, #tpu.memory_space<vmem>>, vector<1x1x1000x8xf32>
    %get3A_238 = vector.shape_cast %get3A_237 : vector<1x1x1000x8xf32> to vector<1000x8xf32>
    %get3A_239 = arith.constant 3 : index
    %get3A_240 = arith.constant 1 : index
    %get3A_241 = arith.constant 0 : index
    %get3A_242 = arith.constant 0 : index
    %get3A_243 = vector.load %arg3[%get3A_239, %get3A_240, %get3A_241, %get3A_242] : memref<4x2x1000x8xf32, #tpu.memory_space<vmem>>, vector<1x1x1000x8xf32>
    %get3A_244 = vector.shape_cast %get3A_243 : vector<1x1x1000x8xf32> to vector<1000x8xf32>
    %add3A_245 = arith.addf %get3A_238, %get3A_244 : vector<1000x8xf32>
    %get3A_246 = arith.constant 0 : index
    %get3A_247 = arith.constant 0 : index
    %get3A_248 = vector.load %arg4[%get3A_246, %get3A_247] : memref<8x128xf32, #tpu.memory_space<vmem>>, vector<8x128xf32>
    %dot_general3A_249 = arith.constant dense<0.000000e+00> : vector<1000x128xf32>
    %dot_general3A_250 = tpu.matmul %add3A_245, %get3A_248, %dot_general3A_249 {dimension_numbers = #tpu.dot_dimension_numbers<[1], [0], [0], [1], [0, 0, 1, 1], [], []>, transpose_lhs_hint = false} : vector<1000x8xf32>, vector<8x128xf32>, vector<1000x128xf32> -> vector<1000x128xf32>
    %add3A_251 = arith.constant 1.000000e-16 : f32
    %add3A_252 = vector.broadcast %add3A_251 : f32 to vector<1000x128xf32>
    %add3A_253 = arith.addf %dot_general3A_250, %add3A_252 : vector<1000x128xf32>
    %div3A_254 = arith.divf %add3A_232, %add3A_253 : vector<1000x128xf32>
    %get3A_255 = arith.constant 0 : index
    %get3A_256 = arith.constant 0 : index
    %get3A_257 = vector.load %arg5[%get3A_255, %get3A_256] : memref<1x128xf32, #tpu.memory_space<vmem>>, vector<1x128xf32>
    %add3A_258 = vector.broadcast %get3A_257 : vector<1x128xf32> to vector<1000x128xf32>
    %add3A_259 = arith.addf %div3A_254, %add3A_258 : vector<1000x128xf32>
    %slice3A_260 = vector.extract_strided_slice %get3A_2 {offsets = [0, 3, 0], sizes = [1000, 1, 128], strides = [1, 1, 1]} : vector<1000x4x128xf32> to vector<1000x1x128xf32>
    %squeeze3A_261 = vector.shape_cast %slice3A_260 : vector<1000x1x128xf32> to vector<1000x128xf32>
    %add3A_262 = arith.addf %squeeze3A_261, %add3A_259 : vector<1000x128xf32>
    %reduce_sum3A_263 = arith.constant dense<0.000000e+00> : vector<1000xf32>
    %reduce_sum3A_264 = vector.multi_reduction <add>, %add3A_262, %reduce_sum3A_263 [1] : vector<1000x128xf32> to vector<1000xf32>
    %broadcast_in_dim3A_265 = vector.shape_cast %reduce_sum3A_264 : vector<1000xf32> to vector<1000x1xf32>
    %div3A_266 = arith.constant 1.280000e+02 : f32
    %div3A_267 = vector.broadcast %div3A_266 : f32 to vector<1000x1xf32>
    %div3A_268 = arith.divf %broadcast_in_dim3A_265, %div3A_267 : vector<1000x1xf32>
    %sub3A_269 = vector.broadcast %div3A_268 : vector<1000x1xf32> to vector<1000x128xf32>
    %sub3A_270 = arith.subf %add3A_262, %sub3A_269 : vector<1000x128xf32>
    %integer_pow3A_271 = arith.mulf %sub3A_270, %sub3A_270 : vector<1000x128xf32>
    %reduce_sum3A_272 = arith.constant dense<0.000000e+00> : vector<1000xf32>
    %reduce_sum3A_273 = vector.multi_reduction <add>, %integer_pow3A_271, %reduce_sum3A_272 [1] : vector<1000x128xf32> to vector<1000xf32>
    %broadcast_in_dim3A_274 = vector.shape_cast %reduce_sum3A_273 : vector<1000xf32> to vector<1000x1xf32>
    %div3A_275 = arith.constant 1.280000e+02 : f32
    %div3A_276 = vector.broadcast %div3A_275 : f32 to vector<1000x1xf32>
    %div3A_277 = arith.divf %broadcast_in_dim3A_274, %div3A_276 : vector<1000x1xf32>
    %sub3A_278 = vector.broadcast %div3A_268 : vector<1000x1xf32> to vector<1000x128xf32>
    %sub3A_279 = arith.subf %add3A_262, %sub3A_278 : vector<1000x128xf32>
    %add3A_280 = arith.constant 9.99999974E-6 : f32
    %add3A_281 = vector.broadcast %add3A_280 : f32 to vector<1000x1xf32>
    %add3A_282 = arith.addf %div3A_277, %add3A_281 : vector<1000x1xf32>
    %rsqrt3A_283 = math.rsqrt %add3A_282 : vector<1000x1xf32>
    %mul3A_284 = vector.broadcast %rsqrt3A_283 : vector<1000x1xf32> to vector<1000x128xf32>
    %mul3A_285 = arith.mulf %sub3A_279, %mul3A_284 : vector<1000x128xf32>
    %get3A_286 = arith.constant 0 : index
    %get3A_287 = arith.constant 0 : index
    %get3A_288 = vector.load %arg6[%get3A_286, %get3A_287] : memref<1x128xf32, #tpu.memory_space<vmem>>, vector<1x128xf32>
    %mul3A_289 = vector.broadcast %get3A_288 : vector<1x128xf32> to vector<1000x128xf32>
    %mul3A_290 = arith.mulf %mul3A_285, %mul3A_289 : vector<1000x128xf32>
    %get3A_291 = arith.constant 0 : index
    %get3A_292 = arith.constant 0 : index
    %get3A_293 = vector.load %arg7[%get3A_291, %get3A_292] : memref<1x128xf32, #tpu.memory_space<vmem>>, vector<1x128xf32>
    %add3A_294 = vector.broadcast %get3A_293 : vector<1x128xf32> to vector<1000x128xf32>
    %add3A_295 = arith.addf %mul3A_290, %add3A_294 : vector<1000x128xf32>
    %stack3A = vector.shape_cast %add3A_67 : vector<1000x128xf32> to vector<1000x1x128xf32>
    %stack3A_296 = vector.shape_cast %add3A_143 : vector<1000x128xf32> to vector<1000x1x128xf32>
    %stack3A_297 = vector.shape_cast %add3A_219 : vector<1000x128xf32> to vector<1000x1x128xf32>
    %stack3A_298 = vector.shape_cast %add3A_295 : vector<1000x128xf32> to vector<1000x1x128xf32>
    %stack3A_299 = tpu.concatenate %stack3A, %stack3A_296, %stack3A_297, %stack3A_298 in 1 : vector<1000x1x128xf32>, vector<1000x1x128xf32>, vector<1000x1x128xf32>, vector<1000x1x128xf32> -> vector<1000x4x128xf32>
    %swap3A = arith.constant 0 : index
    %swap3A_300 = arith.constant 0 : index
    %swap3A_301 = arith.constant 0 : index
    %swap3A_302 = vector.load %arg8[%swap3A, %swap3A_300, %swap3A_301] : memref<1000x4x128xf32, #tpu.memory_space<vmem>>, vector<1000x4x128xf32>
    tpu.vector_store %arg8[%swap3A, %swap3A_300, %swap3A_301], %stack3A_299 {strides = array<i32>} : memref<1000x4x128xf32, #tpu.memory_space<vmem>>, vector<1000x4x128xf32>,
    return
  }
  func.func @transform_0(%arg0: i32) -> (i32, i32, i32) {
    %c0_i32 = arith.constant 0 : i32
    %c0_i32_0 = arith.constant 0 : i32
    %c0_i32_1 = arith.constant 0 : i32
    return %arg0, %c0_i32, %c0_i32_0 : i32, i32, i32
  }
  func.func @transform_1(%arg0: i32) -> (i32, i32, i32, i32) {
    %c0_i32 = arith.constant 0 : i32
    %c0_i32_0 = arith.constant 0 : i32
    %c0_i32_1 = arith.constant 0 : i32
    %c0_i32_2 = arith.constant 0 : i32
    return %c0_i32, %c0_i32_0, %arg0, %c0_i32_1 : i32, i32, i32, i32
  }
  func.func @transform_2(%arg0: i32) -> (i32, i32, i32, i32) {
    %c0_i32 = arith.constant 0 : i32
    %c0_i32_0 = arith.constant 0 : i32
    %c0_i32_1 = arith.constant 0 : i32
    %c0_i32_2 = arith.constant 0 : i32
    return %c0_i32, %c0_i32_0, %arg0, %c0_i32_1 : i32, i32, i32, i32
  }
  func.func @transform_3(%arg0: i32) -> (i32, i32) {
    %c0_i32 = arith.constant 0 : i32
    %c0_i32_0 = arith.constant 0 : i32
    %c0_i32_1 = arith.constant 0 : i32
    return %c0_i32, %c0_i32_0 : i32, i32
  }
  func.func @transform_4(%arg0: i32) -> (i32, i32) {
    %c0_i32 = arith.constant 0 : i32
    %c0_i32_0 = arith.constant 0 : i32
    %c0_i32_1 = arith.constant 0 : i32
    return %c0_i32, %c0_i32_0 : i32, i32
  }
  func.func @transform_5(%arg0: i32) -> (i32, i32) {
    %c0_i32 = arith.constant 0 : i32
    %c0_i32_0 = arith.constant 0 : i32
    %c0_i32_1 = arith.constant 0 : i32
    return %c0_i32, %c0_i32_0 : i32, i32
  }
  func.func @transform_6(%arg0: i32) -> (i32, i32) {
    %c0_i32 = arith.constant 0 : i32
    %c0_i32_0 = arith.constant 0 : i32
    %c0_i32_1 = arith.constant 0 : i32
    return %c0_i32, %c0_i32_0 : i32, i32
  }
  func.func @transform_7(%arg0: i32) -> (i32, i32, i32) {
    %c0_i32 = arith.constant 0 : i32
    %c0_i32_0 = arith.constant 0 : i32
    %c0_i32_1 = arith.constant 0 : i32
    return %arg0, %c0_i32, %c0_i32_0 : i32, i32, i32
  }
}

</mosaic_0001>

<sc_bundles>
// kernel: kernel.11.cloned.1.call-start
scs
__scs_entry_jumppad:
0x0: {  	(pc) =	sbr.rel $0x88, $3  }
0x1: {  	(tag) =	ssettag $0x0;
	lr =	simm.s32 $0x1  }
0x2: {  	[smem:$0x3F91] =	sst lr;
	_ =	strace $0xD0000000  }
0x3: {  	_ = 	snop  }
0x4: {  	_ = 	snop  }
0x5: {  	_ = 	snop  }
0x6: {  	_ = 	snop  }
0x7: {  	_ = 	snop  }
__scs_overlays_trampoline_lowered:
0x8: {  	[smem:$0x3FA0] =	sst s0  }
0x9: {  	[smem:$0x3FA1] =	sst s1  }
0xa: {  	[smem:$0x3FA2] =	sst s2  }
0xb: {  	[smem:$0x3FA3] =	sst s3  }
0xc: {  	[smem:$0x3FA4] =	sst s4  }
0xd: {  	[smem:$0x3FA5] =	sst s5  }
0xe: {  	[smem:$0x3FA6] =	sst s6  }
0xf: {  	[smem:$0x3FA7] =	sst s7  }
0x10: {  	[smem:$0x3FA8] =	sst s8  }
0x11: {  	[smem:$0x3FA9] =	sst s9;
	s0 =	simm.s32 @!p0 $0x0  }
0x12: {  	s1 =	sld [smem:$0x3F8F];
	s0 =	simm.s32 @p0 $0x1  }
0x13: {  	[smem:$0x3FAA] =	sst s0;
	s0 =	simm.s32 @!p1 $0x0  }
0x14: {  	s2 =	sld [smem:$0x3F8E];
	s0 =	simm.s32 @p1 $0x1  }
0x15: {  	[smem:$0x3FAB] =	sst s0;
	s0 =	simm.s32 @!p2 $0x0  }
0x16: {  	s3 =	sld [smem:$0x3FDB];
	s0 =	simm.s32 @p2 $0x1  }
0x17: {  	s4 =	simm.s32 $0x1BF5;
	[smem:$0x3FAD] =	sst s0  }
0x18: {  	s0 =	sld [smem:$0x3F90];
	_ =	swait.ge [sflag:s4], $0x0  }
0x19: {  	s7 =	sld [smem:$0x3F91]  }
0x1a: {  	s8 =	sadd.s32 $0xFFFFE003, lr  }
0x1b: {  	s9 =	sadd.s32 $0xFFFFFEF7, lr;
	s5 =	simm.s32 $0xFFFFFFFF;
	p2 =	slt.u32 s8, $0xFFFFF086  }
0x1c: {  	p1 =	slt.u32 s9, $0xF7A;
	s5 =	simm.s32 @!p2 $0x0  }
0x1d: {  	s5 =	simm.s32 @p1 $0x1;
	p0 =	seq.s32 s7, s2  }
0x1e: {  	s7 =	smul.u32 @!p0 $0xF7A, s2;
	p2 =	seq.s32 @!p0 s5, $0x0  }
0x1f: {  	s9 =	smul.u32 $0xF7A, s1;
	s8 =	simm.s32 @!p0 $0x1BF5;
	p2 =	por !p2, p0  }
0x20: {  	[sflag:s8] =	ssyncset.s32 @!p0 $0xFFFFF086;
	s6 =	sadd.s32 @!p0 s3, s7;
	s7 =	simm.s32 @!p0 $0x108  }
0x21: {  	s3 =	sadd.s32 s3, s9;
	s6 =	sadd.s32 @!p0 $0x88, s6;
	s7 =	simm.s32 @p2 $0x1082  }
0x22: {  	[simem:s7], [sflag:s8] =	dma.local @!p0 [hbm:s6], $0xF7A  }
0x23: {  	s9 =	sor.u32 $0xD0000000, s2;
	s6 =	simm.s32 $0x108;
	_ =	swait.ge @!p0 [sflag:s8], $0x0  }
0x24: {  	s3 =	sadd.s32 $0x88, s3;
	s6 =	simm.s32 @!p1 $0x1082;
	[sflag:s4] =	ssyncset.s32 $0xFFFFF086  }
0x25: {  	[simem:s6], [sflag:s4] =	dma.local [hbm:s3], $0xF7A  }
0x26: {  	[smem:$0x3F91] =	sst s1;
	(tag) =	ssettag s2;
	_ =	strace s9  }
0x27: {  	s1 =	sld [smem:$0x3FA1]  }
0x28: {  	s2 =	sld [smem:$0x3FA2]  }
0x29: {  	s4 =	sld [smem:$0x3FA4]  }
0x2a: {  	p0 =	seq.s32 s5, $0x0;
	s5 =	sld [smem:$0x3FA5]  }
0x2b: {  	s6 =	sld [smem:$0x3FA6]  }
0x2c: {  	s7 =	sld [smem:$0x3FA7]  }
0x2d: {  	s3 =	simm.s32 $0x108;
	s8 =	sld [smem:$0x3FA8]  }
0x2e: {  	s3 =	simm.s32 @!p0 $0x1082;
	s9 =	sld [smem:$0x3FA9]  }
0x2f: {  	lr =	sadd.s32 s0, s3;
	s0 =	sld [smem:$0x3FA0]  }
0x30: {  	s3 =	sld [smem:$0x3FA3]  }
0x31: {  	[smem:$0x3FAC] =	sst s10  }
0x32: {  	s10 =	sld [smem:$0x3FAA];
	_ =	sdelay $0x3  }
0x33: {  	p0 =	seq.s32 s10, $0x1;
	s10 =	sld [smem:$0x3FAC];
	_ =	sdelay $0x3  }
0x34: {  	[smem:$0x3FAC] =	sst s10  }
0x35: {  	s10 =	sld [smem:$0x3FAB];
	_ =	sdelay $0x3  }
0x36: {  	p1 =	seq.s32 s10, $0x1;
	s10 =	sld [smem:$0x3FAC];
	_ =	sdelay $0x3  }
0x37: {  	[smem:$0x3FAC] =	sst s10  }
0x38: {  	s10 =	sld [smem:$0x3FAD]  }
0x39: {  	_ = 	snop;
	(pc) =	sbr.ind lr, $3  }
0x3a: {  	_ = 	snop  }
0x3b: {  	_ = 	snop  }
0x3c: {  	p2 =	seq.s32 s10, $0x1;
	s10 =	sld [smem:$0x3FAC]  }
0x3d: {  	_ =	shalt  }
0x3e: {  	_ =	shalt  }
0x3f: {  	_ =	shalt  }
0x40: {  	_ =	shalt  }
0x41: {  	_ =	shalt  }
0x42: {  	_ =	shalt  }
0x43: {  	_ =	shalt  }
0x44: {  	_ =	shalt  }
0x45: {  	_ =	shalt  }
0x46: {  	_ =	shalt  }
0x47: {  	_ =	shalt  }
0x48: {  	_ =	shalt  }
0x49: {  	_ =	shalt  }
0x4a: {  	_ =	shalt  }
0x4b: {  	_ =	shalt  }
0x4c: {  	_ =	shalt  }
0x4d: {  	_ =	shalt  }
0x4e: {  	_ =	shalt  }
0x4f: {  	_ =	shalt  }
0x50: {  	_ =	shalt  }
0x51: {  	_ =	shalt  }
0x52: {  	_ =	shalt  }
0x53: {  	_ =	shalt  }
0x54: {  	_ =	shalt  }
0x55: {  	_ =	shalt  }
0x56: {  	_ =	shalt  }
0x57: {  	_ =	shalt  }
0x58: {  	_ =	shalt  }
0x59: {  	_ =	shalt  }
0x5a: {  	_ =	shalt  }
0x5b: {  	_ =	shalt  }
0x5c: {  	_ =	shalt  }
0x5d: {  	_ =	shalt  }
0x5e: {  	_ =	shalt  }
0x5f: {  	_ =	shalt  }
0x60: {  	_ =	shalt  }
0x61: {  	_ =	shalt  }
0x62: {  	_ =	shalt  }
0x63: {  	_ =	shalt  }
0x64: {  	_ =	shalt  }
0x65: {  	_ =	shalt  }
0x66: {  	_ =	shalt  }
0x67: {  	_ =	shalt  }
0x68: {  	_ =	shalt  }
0x69: {  	_ =	shalt  }
0x6a: {  	_ =	shalt  }
0x6b: {  	_ =	shalt  }
0x6c: {  	_ =	shalt  }
0x6d: {  	_ =	shalt  }
0x6e: {  	_ =	shalt  }
0x6f: {  	_ =	shalt  }
0x70: {  	_ =	shalt  }
0x71: {  	_ =	shalt  }
0x72: {  	_ =	shalt  }
0x73: {  	_ =	shalt  }
0x74: {  	_ =	shalt  }
0x75: {  	_ =	shalt  }
0x76: {  	_ =	shalt  }
0x77: {  	_ =	shalt  }
0x78: {  	_ =	shalt  }
0x79: {  	_ =	shalt  }
0x7a: {  	_ =	shalt  }
0x7b: {  	_ =	shalt  }
0x7c: {  	_ =	shalt  }
0x7d: {  	_ =	shalt  }
0x7e: {  	_ =	shalt  }
0x7f: {  	_ =	shalt  }
0x80: {  	_ =	shalt  }
0x81: {  	_ =	shalt  }
0x82: {  	_ =	shalt  }
0x83: {  	_ =	shalt  }
0x84: {  	_ =	shalt  }
0x85: {  	_ =	shalt  }
0x86: {  	_ =	shalt  }
0x87: {  	_ =	shalt  }
.Lfunc_end0:
.L_simem_size_0:
called_computation_lowered:
.L_overlay_start_0:
0x88: {  	s2 =	sld [smem:$0x3FD9]  }
0x89: {  	s3 =	sld [smem:$0x3FFE];
	_ =	sdelay $0x1  }
0x8a: {  	s1 =	srdreg.scid  }
0x8b: {  	s0 =	sand.u32 $0x1, s1  }
0x8c: {  	s16 =	sshll.u32 s0, $0xA;
	s2 =	sadd.s32 s3, s2  }
0x8d: {  	s2 =	sadd.s32 s2, s16  }
0x8e: {  	[smem:$0x3FB8] =	sst s2  }
0x8f: {  	_ = 	snop  }
0x90: {  	(tm) =	ssettm $0x1  }
0x91: {  	s17 =	sld [smem:$0x3FFB];
	_ =	sdelay $0x3  }
0x92: {  	_ =	strace s17  }
0x93: {  	s2 =	sld [smem:$0x3FFC];
	_ =	sdelay $0x3  }
0x94: {  	_ =	strace s2  }
0x95: {  	s2 =	sld [smem:$0x3FFD];
	_ =	sdelay $0x3  }
0x96: {  	_ =	strace s2  }
0x97: {  	_ =	strace $0x8FFFFFFF  }
0x98: {  	s18 =	sld [smem:$0x3FDB];
	_ =	sdelay $0x1  }
0x99: {  	s19 =	simm.s32 $_scs_section_size  }
0x9a: {  	s4 =	simm.s32 $_size__tile_overlayer_lowered;
	s5 =	simm.s32 $_tile_overlayer_lowered  }
0x9b: {  	s22 =	simm.s32 $0x1BFF;
	s21 =	sshll.u32 s5, $0x1;
	s2 =	sadd.s32 s19, s18  }
0x9c: {  	s6 =	simm.s32 $0x0;
	s20 =	sshll.u32 s4, $0x1;
	s4 =	sadd.s32 s21, s2  }
0x9d: {  	[timem:s6], [sflag:s22] =	dma.local [hbm:s4], s20  }
0x9e: {  	_ =	swait.ge [sflag:s22], s20  }
0x9f: {  	s3 =	ssub.s32 $0x0, s20;
	[sflag:s22] =	ssyncset.done $0x0  }
0xa0: {  	[sflag:s22] =	ssyncadd.s32 s3;
	_ =	sdelay $0x1  }
0xa1: {  	s23 =	simm.s32 $0x1B8B  }
0xa2: {  	_ =	swait.ge [sflag:s23], $0x1  }
0xa3: {  	[sflag:s23] =	ssyncset.done $0x0  }
0xa4: {  	s25 =	simm.s32 $0x1B8E;
	s24 =	sld [smem:$0x3FFE];
	[sflag:s23] =	ssyncadd.s32 $0xFFFFFFFF  }
0xa5: {  	s26 =	simm.s32 $execute0_lowered;
	[smem:$0x3FD2] =	sst s25  }
0xa6: {  	s4 =	sshll.u32 s26, $0x1;
	_ =	strace $0x80000046;
	[dreg:$0x1] =	wrdreg $0xFFFFFFFF  }
0xa7: {  	s28 =	simm.s32 $_size_execute0_lowered;
	s2 =	sadd.s32 s2, s4;
	[dreg:$0x0] =	wrdreg $0x0  }
0xa8: {  	s4 =	sshll.u32 s28, $0x1;
	[dreg:$0x2] =	wrdreg s2  }
0xa9: {  	[dreg:$0x3] =	wrdreg s4  }
0xaa: {  	[dreg:$0x4] =	wrdreg $0xC0  }
0xab: {  	_ =	task [dreg:s6], $0x5FFFF  }
0xac: {  	[dreg:$0x1] =	wrdreg $0xFFFFFFFF  }
0xad: {  	[dreg:$0x0] =	wrdreg $0x60  }
0xae: {  	[dreg:$0x2] =	wrdreg s24  }
0xaf: {  	[dreg:$0x3] =	wrdreg $0x90800  }
0xb0: {  	[dreg:$0x4] =	wrdreg $0x9  }
0xb1: {  	_ =	task.clear_ibuf [dreg:s6], $0x5FFFF;
	_ =	strace $0x90000046  }
0xb2: {  	s29 =	simm.s32 $0x9;
	_ =	strace $0x80000048  }
0xb3: {  	_ =	swait.ge [sflag:s29], $0x1  }
0xb4: {  	[sflag:s29] =	ssyncadd.s32 $0xFFFFFFFF  }
0xb5: {  	_ =	strace $0x90000048  }
0xb6: {  	_ =	sfence  }
0xb7: {  	s30 =	sld [smem:$0x0];
	_ =	sdelay $0x2  }
0xb8: {  	s31 =	sshll.u32 s1, $0xD;
	s1 =	sshrl.u32 s1, $0x2  }
0xb9: {  	s3 =	sand.u32 $0x4000, s31;
	s1 =	sadd.s32 s1, s30  }
0xba: {  	s0 =	sor.u32 s3, s0;
	s1 =	sshll.u32 s1, $0x11  }
0xbb: {  	s0 =	sor.u32 s1, s0  }
0xbc: {  	s0 =	sadd.s32 $0x8F2B, s0  }
0xbd: {  	[sflag:s0] =	ssyncadd.remote.s32 $0x1  }
0xbe: {  	_ =	sfence.sel $0xFFFF  }
0xbf: {  	[dreg:$0x0] =	wrdreg $0xFFFFFFFF;
	(pc) =	sbr.abs _section_cstart, $3  }
0xc0: {  	[dreg:$0x1] =	wrdreg $0xFFFFFFFF  }
0xc1: {  	_ =	task.clear_ibuf [dreg:s6], $0x2FFFF;
	_ =	strace $0x9FFFFFFF  }
0xc2: {  	(tm) =	ssettm $0x7FFFFFFF  }
0xc3: {  	_ =	shalt  }
tec
execute0_lowered:
.L_overlay_start_1:
0x0: {  	(tag) =	ssettag $0x1  }
0x1: {  	s0 =	stileid.u32  }
0x2: {  	s1 =	srdreg.scid;
	s4 =	smul.u32 $0x2800, s0  }
0x3: {  	s5 =	rddreg [dreg:$0x0];
	s8 =	smul.u32 $0x28000, s0  }
0x4: {  	s2 =	rddreg [dreg:$0x1];
	s3 =	simm.s32 $0x0;
	s28 =	smul.u32 $0xA00, s0  }
0x5: {  	s6 =	sand.u32 $0x1, s1;
	s1 =	rddreg [dreg:$0x2];
	s11 =	smul.u32 $0x14000, s0  }
0x6: {  	[smem:$0x7FF] =	sst s3;
	s7 =	smul.u32 $0x1400, s6  }
0x7: {  	_ =	strace $0x80000047;
	s9 =	smul.u32 $0xA000, s6;
	s29 =	ssub.s32 $0x2, s6  }
0x8: {  	s13 =	smul.u32 $0x14000, s6;
	s8 =	sadd.s32 s8, s5;
	s12 =	sshrl.u32 s29, $0x1  }
0x9: {  	s11 =	sshrl.u32 s11, $0x2;
	s4 =	sadd.s32 s7, s4;
	s7 =	sadd.s32 s28, s9  }
0xa: {  	s31 =	ssub.s32 s29, s12;
	s8 =	sadd.s32 s13, s8;
	s12 =	simm.s32 $0x80  }
0xb: {  	s13 =	simm.s32 $0x0;
	s4 =	sshrl.u32 s4, $0x3;
	s30 =	sadd.s32 s7, s5  }
0xc: {  	s7 =	smax.u32 s31, $0x1;
	s8 =	sadd.s32 $0x781C00, s8;
	s10 =	sadd.s32 s4, s5  }
0xd: {  	s4 =	sadd.s32 $0x10C00, s5;
	s5 =	sadd.s32 s11, s2;
	s6 =	sadd.s32 $0x11600, s30  }
0xe: {  	s11 =	simm.s32 $0x1;
	s9 =	sadd.s32 $0xBC00, s10;
	s10 =	simm.s32 $0x4080  }
.LBB2_1:
0xf: {  	[tilespmem:s10], [sflag:$0x1] =	stream.linear.gather [hbm4b:s4+s3], $0x5000, $0x38;
	[tilespmem:$0xE080] =	vst v63  }
0x10: {  	_ =	swait.ge [sflag:s11], $0x5000  }
0x11: {  	[sflag:s11] =	ssyncset.done $0x0  }
0x12: {  	[sflag:s11] =	ssyncadd.s32 $0xFFFFB000  }
0x13: {  	[spmem:s5] =	stream.linear.scatter [tilespmem:s10], [sflag:$0x1], $0x5000, $0x38;
	[tilespmem:$0xE080] =	vst v63  }
0x14: {  	_ =	swait.ge [sflag:s11], $0x5000  }
0x15: {  	[sflag:s11] =	ssyncset.done $0x0  }
0x16: {  	[sflag:s11] =	ssyncadd.s32 $0xFFFFB000  }
0x17: {  	s14 =	sadd.s32 $0x0, s9;
	[bflag:$0x0] =	sbarrier.arrive $0xFFFF  }
0x18: {  	[tilespmem:s3], [sflag:$0x1] =	stream.linear.gather [hbm4b:s14+s3], $0x80, $0x38;
	[tilespmem:$0xE080] =	vst v63  }
0x19: {  	_ =	swait.ge [sflag:s11], $0x80  }
0x1a: {  	[sflag:s11] =	ssyncset.done $0x0  }
0x1b: {  	[sflag:s11] =	ssyncadd.s32 $0xFFFFFF80  }
0x1c: {  	[tilespmem:s12], [sflag:$0x1] =	stream.linear.gather [hbm4b:s8+s3], $0x4000, $0x38;
	[tilespmem:$0xE080] =	vst v63  }
0x1d: {  	_ =	swait.ge [sflag:s11], $0x4000  }
0x1e: {  	[sflag:s11] =	ssyncset.done $0x0  }
0x1f: {  	[sflag:s11] =	ssyncadd.s32 $0xFFFFC000  }
0x20: {  	[spmem:s2] =	stream.indirect.scatter.add.f32 [tilespmem:s12], [sflag:$0x1], $0x80, s3, s12, $0xb8;
	[tilespmem:$0xE080] =	vst v63  }
0x21: {  	s15 =	simm.s32 $0x10;
	_ =	swait.ge [sflag:s11], $0x4000  }
0x22: {  	s16 =	simm.s32 $0x20;
	s14 =	sadd.s32 $0x800, s8;
	[sflag:s11] =	ssyncset.done $0x0  }
.LBB2_2:
0x23: {  	s17 =	sadd.s32 s15, s9  }
0x24: {  	[sflag:s11] =	ssyncadd.s32 $0xFFFFC000;
	s15 =	smov.u32 s16;
	s18 =	sadd.s32 $0x10, s16  }
0x25: {  	[tilespmem:s3], [sflag:$0x1] =	stream.linear.gather [hbm4b:s17+s3], $0x80, $0x38;
	[tilespmem:$0xE080] =	vst v63  }
0x26: {  	p0 =	sne.s32 s16, $0x270;
	_ =	swait.ge [sflag:s11], $0x80  }
0x27: {  	[sflag:s11] =	ssyncset.done $0x0  }
0x28: {  	[sflag:s11] =	ssyncadd.s32 $0xFFFFFF80  }
0x29: {  	[tilespmem:s12], [sflag:$0x1] =	stream.linear.gather [hbm4b:s14+s3], $0x4000, $0x38;
	[tilespmem:$0xE080] =	vst v63  }
0x2a: {  	_ =	swait.ge [sflag:s11], $0x4000  }
.Ltmp0:
0x2b: {  	[sflag:s11] =	ssyncset.done $0x0;
	(pc) =	sbr.rel @p0 .LBB2_2-.Ltmp0, $4  }
0x2c: {  	[sflag:s11] =	ssyncadd.s32 $0xFFFFC000  }
0x2d: {  	[spmem:s2] =	stream.indirect.scatter.add.f32 [tilespmem:s12], [sflag:$0x1], $0x80, s3, s12, $0xb8;
	[tilespmem:$0xE080] =	vst v63  }
0x2e: {  	_ =	swait.ge [sflag:s11], $0x4000  }
0x2f: {  	s16 =	smov.u32 s18;
	s14 =	sadd.s32 $0x800, s14;
	[sflag:s11] =	ssyncset.done $0x0  }
0x30: {  	s15 =	sadd.s32 s15, s9;
	[sflag:s11] =	ssyncadd.s32 $0xFFFFC000  }
0x31: {  	[tilespmem:s3], [sflag:$0x1] =	stream.linear.gather [hbm4b:s15+s3], $0x80, $0x38;
	[tilespmem:$0xE080] =	vst v63  }
0x32: {  	_ =	swait.ge [sflag:s11], $0x80  }
0x33: {  	[sflag:s11] =	ssyncset.done $0x0  }
0x34: {  	[sflag:s11] =	ssyncadd.s32 $0xFFFFFF80  }
0x35: {  	[tilespmem:s12], [sflag:$0x1] =	stream.linear.gather [hbm4b:s14+s3], $0x4000, $0x38;
	[tilespmem:$0xE080] =	vst v63  }
0x36: {  	_ =	swait.ge [sflag:s11], $0x4000  }
0x37: {  	[sflag:s11] =	ssyncset.done $0x0  }
0x38: {  	[sflag:s11] =	ssyncadd.s32 $0xFFFFC000  }
0x39: {  	[spmem:s2] =	stream.indirect.scatter.add.f32 [tilespmem:s12], [sflag:$0x1], $0x80, s3, s12, $0xb8;
	[tilespmem:$0xE080] =	vst v63  }
0x3a: {  	_ =	swait.ge [sflag:s11], $0x4000  }
0x3b: {  	[sflag:s11] =	ssyncset.done $0x0  }
0x3c: {  	[sflag:s11] =	ssyncadd.s32 $0xFFFFC000  }
0x3d: {  	[bflag:$0x0] =	sbarrier.arrive $0xFFFF  }
0x3e: {  	[tilespmem:s10], [sflag:$0x1] =	stream.linear.gather [spmem:s5], $0x5000, $0x38;
	[tilespmem:$0xE080] =	vst v63  }
0x3f: {  	s13 =	sadd.s32 $0x1, s13;
	_ =	swait.ge [sflag:s11], $0x5000  }
0x40: {  	p0 =	sne.s32 s13, s7;
	[sflag:s11] =	ssyncset.done $0x0  }
.Ltmp1:
0x41: {  	[sflag:s11] =	ssyncadd.s32 $0xFFFFB000;
	(pc) =	sbr.rel @p0 .LBB2_1-.Ltmp1, $4  }
0x42: {  	[hbm4b:s6+s3] =	stream.linear.scatter [tilespmem:s10], [sflag:$0x1], $0x5000, $0x38;
	[tilespmem:$0xE080] =	vst v63  }
0x43: {  	_ =	swait.ge [sflag:s11], $0x5000  }
0x44: {  	[sflag:s11] =	ssyncset.done $0x0  }
0x45: {  	[sflag:s11] =	ssyncadd.s32 $0xFFFFB000  }
0x46: {  	_ =	sfence.sel $0x180000  }
0x47: {  	[bflag:$0x0] =	sbarrier.arrive $0xFFFF  }
0x48: {  	p0 =	sne.s32 s0, $0x0;
	_ =	strace $0x90000047  }
0x49: {  	s0 =	sadd.s32 @!p0 $0x100000, s1;
	[bflag:$0x2] =	sbarrier.arrive $0xFFFF  }
0x4a: {  	[sflag:s0] =	ssyncadd.tile.s32 @!p0 $0x1;
	_ =	shalt  }
.Lfunc_end2:
_tile_overlayer_lowered:
.L_overlay_start_2:
0x4b: {  	(tag) =	ssettag $0x2  }
0x4c: {  	s0 =	rddreg [dreg:$0x0];
	s2 =	stileid.u32  }
0x4d: {  	s1 =	rddreg [dreg:$0x1];
	p0 =	sne.s32 s2, $0x0  }
0x4e: {  	s3 =	rddreg [dreg:$0x2];
	[bflag:$0x3] =	sbarrier.arrive $0xFFFF;
	s2 =	simm.s32 @!p0 $0x1C01  }
0x4f: {  	[timem:s3], [sflag:s2] =	dma.local @!p0 [hbm:s0], s1  }
0x50: {  	s0 =	simm.s32 @!p0 $0x1  }
0x51: {  	_ =	swait.ge @!p0 [sflag:s0], s1  }
0x52: {  	s1 =	ssub.s32 @!p0 $0x0, s1;
	[sflag:s0] =	ssyncset.done @!p0 $0x0  }
0x53: {  	[sflag:s0] =	ssyncadd.s32 @!p0 s1  }
0x54: {  	[bflag:$0x3] =	sbarrier.arrive $0xFFFF  }
0x55: {  	_ =	shalt  }

// kernel: kernel.14.cloned.1.call-start
scs
__scs_entry_jumppad:
0x0: {  	(pc) =	sbr.rel $0x88, $3  }
0x1: {  	(tag) =	ssettag $0x0;
	lr =	simm.s32 $0x1  }
0x2: {  	[smem:$0x3F91] =	sst lr;
	_ =	strace $0xD0000000  }
0x3: {  	_ = 	snop  }
0x4: {  	_ = 	snop  }
0x5: {  	_ = 	snop  }
0x6: {  	_ = 	snop  }
0x7: {  	_ = 	snop  }
__scs_overlays_trampoline_lowered:
0x8: {  	[smem:$0x3FA0] =	sst s0  }
0x9: {  	[smem:$0x3FA1] =	sst s1  }
0xa: {  	[smem:$0x3FA2] =	sst s2  }
0xb: {  	[smem:$0x3FA3] =	sst s3  }
0xc: {  	[smem:$0x3FA4] =	sst s4  }
0xd: {  	[smem:$0x3FA5] =	sst s5  }
0xe: {  	[smem:$0x3FA6] =	sst s6  }
0xf: {  	[smem:$0x3FA7] =	sst s7  }
0x10: {  	[smem:$0x3FA8] =	sst s8  }
0x11: {  	[smem:$0x3FA9] =	sst s9;
	s0 =	simm.s32 @!p0 $0x0  }
0x12: {  	s1 =	sld [smem:$0x3F8F];
	s0 =	simm.s32 @p0 $0x1  }
0x13: {  	[smem:$0x3FAA] =	sst s0;
	s0 =	simm.s32 @!p1 $0x0  }
0x14: {  	s2 =	sld [smem:$0x3F8E];
	s0 =	simm.s32 @p1 $0x1  }
0x15: {  	[smem:$0x3FAB] =	sst s0;
	s0 =	simm.s32 @!p2 $0x0  }
0x16: {  	s3 =	sld [smem:$0x3FDB];
	s0 =	simm.s32 @p2 $0x1  }
0x17: {  	s4 =	simm.s32 $0x1BF5;
	[smem:$0x3FAD] =	sst s0  }
0x18: {  	s0 =	sld [smem:$0x3F90];
	_ =	swait.ge [sflag:s4], $0x0  }
0x19: {  	s7 =	sld [smem:$0x3F91]  }
0x1a: {  	s8 =	sadd.s32 $0xFFFFE003, lr  }
0x1b: {  	s9 =	sadd.s32 $0xFFFFFEF7, lr;
	s5 =	simm.s32 $0xFFFFFFFF;
	p2 =	slt.u32 s8, $0xFFFFF086  }
0x1c: {  	p1 =	slt.u32 s9, $0xF7A;
	s5 =	simm.s32 @!p2 $0x0  }
0x1d: {  	s5 =	simm.s32 @p1 $0x1;
	p0 =	seq.s32 s7, s2  }
0x1e: {  	s7 =	smul.u32 @!p0 $0xF7A, s2;
	p2 =	seq.s32 @!p0 s5, $0x0  }
0x1f: {  	s9 =	smul.u32 $0xF7A, s1;
	s8 =	simm.s32 @!p0 $0x1BF5;
	p2 =	por !p2, p0  }
0x20: {  	[sflag:s8] =	ssyncset.s32 @!p0 $0xFFFFF086;
	s6 =	sadd.s32 @!p0 s3, s7;
	s7 =	simm.s32 @!p0 $0x108  }
0x21: {  	s3 =	sadd.s32 s3, s9;
	s6 =	sadd.s32 @!p0 $0x88, s6;
	s7 =	simm.s32 @p2 $0x1082  }
0x22: {  	[simem:s7], [sflag:s8] =	dma.local @!p0 [hbm:s6], $0xF7A  }
0x23: {  	s9 =	sor.u32 $0xD0000000, s2;
	s6 =	simm.s32 $0x108;
	_ =	swait.ge @!p0 [sflag:s8], $0x0  }
0x24: {  	s3 =	sadd.s32 $0x88, s3;
	s6 =	simm.s32 @!p1 $0x1082;
	[sflag:s4] =	ssyncset.s32 $0xFFFFF086  }
0x25: {  	[simem:s6], [sflag:s4] =	dma.local [hbm:s3], $0xF7A  }
0x26: {  	[smem:$0x3F91] =	sst s1;
	(tag) =	ssettag s2;
	_ =	strace s9  }
0x27: {  	s1 =	sld [smem:$0x3FA1]  }
0x28: {  	s2 =	sld [smem:$0x3FA2]  }
0x29: {  	s4 =	sld [smem:$0x3FA4]  }
0x2a: {  	p0 =	seq.s32 s5, $0x0;
	s5 =	sld [smem:$0x3FA5]  }
0x2b: {  	s6 =	sld [smem:$0x3FA6]  }
0x2c: {  	s7 =	sld [smem:$0x3FA7]  }
0x2d: {  	s3 =	simm.s32 $0x108;
	s8 =	sld [smem:$0x3FA8]  }
0x2e: {  	s3 =	simm.s32 @!p0 $0x1082;
	s9 =	sld [smem:$0x3FA9]  }
0x2f: {  	lr =	sadd.s32 s0, s3;
	s0 =	sld [smem:$0x3FA0]  }
0x30: {  	s3 =	sld [smem:$0x3FA3]  }
0x31: {  	[smem:$0x3FAC] =	sst s10  }
0x32: {  	s10 =	sld [smem:$0x3FAA];
	_ =	sdelay $0x3  }
0x33: {  	p0 =	seq.s32 s10, $0x1;
	s10 =	sld [smem:$0x3FAC];
	_ =	sdelay $0x3  }
0x34: {  	[smem:$0x3FAC] =	sst s10  }
0x35: {  	s10 =	sld [smem:$0x3FAB];
	_ =	sdelay $0x3  }
0x36: {  	p1 =	seq.s32 s10, $0x1;
	s10 =	sld [smem:$0x3FAC];
	_ =	sdelay $0x3  }
0x37: {  	[smem:$0x3FAC] =	sst s10  }
0x38: {  	s10 =	sld [smem:$0x3FAD]  }
0x39: {  	_ = 	snop;
	(pc) =	sbr.ind lr, $3  }
0x3a: {  	_ = 	snop  }
0x3b: {  	_ = 	snop  }
0x3c: {  	p2 =	seq.s32 s10, $0x1;
	s10 =	sld [smem:$0x3FAC]  }
0x3d: {  	_ =	shalt  }
0x3e: {  	_ =	shalt  }
0x3f: {  	_ =	shalt  }
0x40: {  	_ =	shalt  }
0x41: {  	_ =	shalt  }
0x42: {  	_ =	shalt  }
0x43: {  	_ =	shalt  }
0x44: {  	_ =	shalt  }
0x45: {  	_ =	shalt  }
0x46: {  	_ =	shalt  }
0x47: {  	_ =	shalt  }
0x48: {  	_ =	shalt  }
0x49: {  	_ =	shalt  }
0x4a: {  	_ =	shalt  }
0x4b: {  	_ =	shalt  }
0x4c: {  	_ =	shalt  }
0x4d: {  	_ =	shalt  }
0x4e: {  	_ =	shalt  }
0x4f: {  	_ =	shalt  }
0x50: {  	_ =	shalt  }
0x51: {  	_ =	shalt  }
0x52: {  	_ =	shalt  }
0x53: {  	_ =	shalt  }
0x54: {  	_ =	shalt  }
0x55: {  	_ =	shalt  }
0x56: {  	_ =	shalt  }
0x57: {  	_ =	shalt  }
0x58: {  	_ =	shalt  }
0x59: {  	_ =	shalt  }
0x5a: {  	_ =	shalt  }
0x5b: {  	_ =	shalt  }
0x5c: {  	_ =	shalt  }
0x5d: {  	_ =	shalt  }
0x5e: {  	_ =	shalt  }
0x5f: {  	_ =	shalt  }
0x60: {  	_ =	shalt  }
0x61: {  	_ =	shalt  }
0x62: {  	_ =	shalt  }
0x63: {  	_ =	shalt  }
0x64: {  	_ =	shalt  }
0x65: {  	_ =	shalt  }
0x66: {  	_ =	shalt  }
0x67: {  	_ =	shalt  }
0x68: {  	_ =	shalt  }
0x69: {  	_ =	shalt  }
0x6a: {  	_ =	shalt  }
0x6b: {  	_ =	shalt  }
0x6c: {  	_ =	shalt  }
0x6d: {  	_ =	shalt  }
0x6e: {  	_ =	shalt  }
0x6f: {  	_ =	shalt  }
0x70: {  	_ =	shalt  }
0x71: {  	_ =	shalt  }
0x72: {  	_ =	shalt  }
0x73: {  	_ =	shalt  }
0x74: {  	_ =	shalt  }
0x75: {  	_ =	shalt  }
0x76: {  	_ =	shalt  }
0x77: {  	_ =	shalt  }
0x78: {  	_ =	shalt  }
0x79: {  	_ =	shalt  }
0x7a: {  	_ =	shalt  }
0x7b: {  	_ =	shalt  }
0x7c: {  	_ =	shalt  }
0x7d: {  	_ =	shalt  }
0x7e: {  	_ =	shalt  }
0x7f: {  	_ =	shalt  }
0x80: {  	_ =	shalt  }
0x81: {  	_ =	shalt  }
0x82: {  	_ =	shalt  }
0x83: {  	_ =	shalt  }
0x84: {  	_ =	shalt  }
0x85: {  	_ =	shalt  }
0x86: {  	_ =	shalt  }
0x87: {  	_ =	shalt  }
.Lfunc_end0:
.L_simem_size_0:
called_computation.1_lowered:
.L_overlay_start_0:
0x88: {  	s2 =	sld [smem:$0x3FD9]  }
0x89: {  	s3 =	sld [smem:$0x3FFE];
	_ =	sdelay $0x1  }
0x8a: {  	s1 =	srdreg.scid  }
0x8b: {  	s0 =	sand.u32 $0x1, s1  }
0x8c: {  	s17 =	sshll.u32 s0, $0xA;
	s2 =	sadd.s32 s3, s2  }
0x8d: {  	s2 =	sadd.s32 s2, s17  }
0x8e: {  	[smem:$0x3FB8] =	sst s2  }
0x8f: {  	_ = 	snop  }
0x90: {  	(tm) =	ssettm $0x1  }
0x91: {  	s18 =	sld [smem:$0x3FFB];
	_ =	sdelay $0x3  }
0x92: {  	_ =	strace s18  }
0x93: {  	s2 =	sld [smem:$0x3FFC];
	_ =	sdelay $0x3  }
0x94: {  	_ =	strace s2  }
0x95: {  	s2 =	sld [smem:$0x3FFD];
	_ =	sdelay $0x3  }
0x96: {  	_ =	strace s2  }
0x97: {  	_ =	strace $0x8FFFFFFF  }
0x98: {  	s19 =	sld [smem:$0x3FDB];
	_ =	sdelay $0x1  }
0x99: {  	s20 =	simm.s32 $_scs_section_size  }
0x9a: {  	s4 =	simm.s32 $_size__tile_overlayer_lowered;
	s5 =	simm.s32 $_tile_overlayer_lowered  }
0x9b: {  	s6 =	simm.s32 $0x1BFF;
	s21 =	sshll.u32 s5, $0x1;
	s3 =	sadd.s32 s20, s19  }
0x9c: {  	s22 =	simm.s32 $0x0;
	s4 =	sshll.u32 s4, $0x1;
	s5 =	sadd.s32 s21, s3  }
0x9d: {  	[timem:s22], [sflag:s6] =	dma.local [hbm:s5], s4  }
0x9e: {  	_ =	swait.ge [sflag:s6], s4  }
0x9f: {  	s4 =	ssub.s32 $0x0, s4;
	[sflag:s6] =	ssyncset.done $0x0  }
0xa0: {  	[sflag:s6] =	ssyncadd.s32 s4;
	_ =	sdelay $0x1  }
0xa1: {  	s23 =	simm.s32 $0x1B8B  }
0xa2: {  	_ =	swait.ge [sflag:s23], $0x1  }
0xa3: {  	[sflag:s23] =	ssyncset.done $0x0  }
0xa4: {  	[sflag:s23] =	ssyncadd.s32 $0xFFFFFFFF  }
0xa5: {  	s4 =	sld [smem:$0x0]  }
0xa6: {  	s5 =	sand.u32 $0xFFFFFFFE, s1  }
0xa7: {  	p0 =	sne.s32 s1, s5  }
0xa8: {  	s5 =	sshll.u32 @p0 s5, $0xE  }
0xa9: {  	s5 =	sadd.s32 @p0 $0x11B8D, s5;
	s6 =	sshll.u32 @p0 s4, $0x11  }
0xaa: {  	s5 =	sor.u32 @p0 s6, s5  }
0xab: {  	[sflag:s5] =	ssyncadd.remote.s32 @p0 $0x1;
	_ =	sdelay $0x1  }
0xac: {  	s5 =	simm.s32 @p0 $0x1B8D  }
0xad: {  	_ =	swait.eq @p0 [sflag:s5], $0x1  }
0xae: {  	[sflag:s5] =	ssyncadd.s32 @p0 $0xFFFFFFFF  }
0xaf: {  	s6 =	sshll.u32 @!p0 s1, $0xE  }
0xb0: {  	s6 =	sor.u32 @!p0 $0x4000, s6;
	s5 =	simm.s32 @!p0 $0x1B8D  }
0xb1: {  	s4 =	sshll.u32 @!p0 s4, $0x11;
	s6 =	sadd.s32 @!p0 $0x11B8D, s6;
	_ =	swait.eq @!p0 [sflag:s5], $0x1  }
0xb2: {  	s4 =	sor.u32 @!p0 s4, s6;
	[sflag:s5] =	ssyncadd.s32 @!p0 $0xFFFFFFFF  }
0xb3: {  	s25 =	simm.s32 $0x1B8E;
	s24 =	sld [smem:$0x3FFE];
	[sflag:s4] =	ssyncadd.remote.s32 @!p0 $0x1  }
0xb4: {  	s26 =	simm.s32 $execute0_lowered;
	[smem:$0x3FD2] =	sst s25  }
0xb5: {  	s5 =	sshll.u32 s26, $0x1;
	_ =	strace $0x80000049;
	[dreg:$0x1] =	wrdreg $0xFFFFFFFF  }
0xb6: {  	s28 =	simm.s32 $_size_execute0_lowered;
	s3 =	sadd.s32 s3, s5;
	[dreg:$0x0] =	wrdreg $0x0  }
0xb7: {  	s5 =	sshll.u32 s28, $0x1;
	[dreg:$0x2] =	wrdreg s3  }
0xb8: {  	[dreg:$0x3] =	wrdreg s5  }
0xb9: {  	[dreg:$0x4] =	wrdreg $0xC0  }
0xba: {  	_ =	task [dreg:s22], $0x5FFFF  }
0xbb: {  	[dreg:$0x1] =	wrdreg $0xFFFFFFFF  }
0xbc: {  	[dreg:$0x0] =	wrdreg $0x60  }
0xbd: {  	[dreg:$0x2] =	wrdreg s24  }
0xbe: {  	[dreg:$0x3] =	wrdreg $0xA  }
0xbf: {  	_ =	task.clear_ibuf [dreg:s22], $0x4FFFF;
	_ =	strace $0x90000049  }
0xc0: {  	s29 =	simm.s32 $0xA;
	_ =	strace $0x8000004B  }
0xc1: {  	_ =	swait.ge [sflag:s29], $0x1  }
0xc2: {  	[sflag:s29] =	ssyncadd.s32 $0xFFFFFFFF  }
0xc3: {  	_ =	strace $0x9000004B  }
0xc4: {  	_ =	sfence  }
0xc5: {  	s30 =	sld [smem:$0x0];
	_ =	sdelay $0x2  }
0xc6: {  	s31 =	sshll.u32 s1, $0xD;
	s1 =	sshrl.u32 s1, $0x2  }
0xc7: {  	s4 =	sand.u32 $0x4000, s31;
	s1 =	sadd.s32 s1, s30  }
0xc8: {  	s0 =	sor.u32 s4, s0;
	s1 =	sshll.u32 s1, $0x11  }
0xc9: {  	s0 =	sor.u32 s1, s0  }
0xca: {  	s0 =	sadd.s32 $0x8F2B, s0  }
0xcb: {  	[sflag:s0] =	ssyncadd.remote.s32 $0x1  }
0xcc: {  	_ =	sfence.sel $0xFFFF  }
0xcd: {  	[dreg:$0x0] =	wrdreg $0xFFFFFFFF;
	(pc) =	sbr.abs _section_cstart, $3  }
0xce: {  	[dreg:$0x1] =	wrdreg $0xFFFFFFFF  }
0xcf: {  	_ =	task.clear_ibuf [dreg:s22], $0x2FFFF;
	_ =	strace $0x9FFFFFFF  }
0xd0: {  	(tm) =	ssettm $0x7FFFFFFF  }
0xd1: {  	_ =	shalt  }
tec
execute0_lowered:
.L_overlay_start_1:
0x0: {  	(tag) =	ssettag $0x1  }
0x1: {  	s0 =	srdreg.scid  }
0x2: {  	s15 =	stileid.u32;
	s1 =	rddreg [dreg:$0x0]  }
0x3: {  	s2 =	simm.s32 $0x0;
	s17 =	simm.s32 $0x5400;
	s18 =	simm.s32 $0xA800  }
0x4: {  	s19 =	simm.s32 $0xE800;
	s20 =	simm.s32 $0x80;
	s21 =	simm.s32 $0x12800  }
0x5: {  	s22 =	simm.s32 $0x16800;
	s23 =	simm.s32 $0x1;
	s24 =	simm.s32 $0x2  }
0x6: {  	s25 =	simm.s32 $0x3;
	s26 =	simm.s32 $0x4;
	s11 =	smul.u32 $0x540000, s15  }
0x7: {  	s0 =	sand.u32 $0x1, s0;
	s3 =	sshll.u32 s15, $0x1;
	s15 =	smul.u32 $0xA8000, s15  }
0x8: {  	s30 =	simm.s32 $0x0;
	[smem:$0x7FF] =	sst s2;
	s12 =	smul.u32 $0x2A0000, s0  }
0x9: {  	s6 =	sor.u32 s0, s3;
	s7 =	ssub.s32 $0x2, s0;
	s0 =	smul.u32 $0x54000, s0  }
0xa: {  	s4 =	sadd.s32 $0xCAA00, s1;
	s13 =	sadd.s32 $0xA01C00, s1;
	s5 =	smul.u32 $0x5400, s6  }
0xb: {  	_ =	strace $0x8000004A;
	s3 =	sadd.s32 $0x2AA00, s1;
	s9 =	smul.u32 $0x2A0000, s6  }
0xc: {  	s29 =	sshrl.u32 s7, $0x1;
	s10 =	smul.u32 $0x54000, s6;
	s16 =	sadd.s32 s15, s13  }
0xd: {  	s7 =	ssub.s32 s7, s29;
	s12 =	sadd.s32 s12, s11;
	s16 =	sadd.s32 s0, s16  }
0xe: {  	s5 =	sshrl.u32 s5, $0x3;
	s9 =	sshrl.u32 s9, $0x3;
	s7 =	smax.u32 s7, $0x1  }
0xf: {  	s14 =	sadd.s32 $0x53800, s10;
	s8 =	sadd.s32 s5, s1;
	s1 =	sadd.s32 $0x1481C00, s1  }
0x10: {  	s31 =	sshrl.u32 s12, $0x3;
	s9 =	sadd.s32 $0x53000, s9;
	s5 =	sadd.s32 $0x17FA00, s8  }
0x11: {  	s6 =	sadd.s32 $0x16AA00, s8;
	s8 =	sadd.s32 s13, s9;
	s9 =	sadd.s32 s1, s9  }
0x12: {  	s11 =	sadd.s32 s1, s14;
	s12 =	sadd.s32 s31, s1;
	s1 =	sadd.s32 s15, s1  }
0x13: {  	s10 =	sadd.s32 s13, s14;
	s13 =	sadd.s32 s31, s13;
	s0 =	sadd.s32 s0, s1  }
0x14: {  	s14 =	sadd.s32 $0x800, s16;
	s16 =	simm.s32 $0x5;
	s15 =	sadd.s32 $0x800, s0  }
.LBB2_1:
0x15: {  	[tilespmem:s2], [sflag:$0x5] =	stream.linear.gather [hbm4b:s5+s2], $0x5400, $0x38;
	[tilespmem:$0x1A800] =	vst v63  }
0x16: {  	_ =	swait.ge [sflag:s16], $0x5400  }
0x17: {  	[sflag:s16] =	ssyncset.done $0x0  }
0x18: {  	[sflag:s16] =	ssyncadd.s32 $0xFFFFAC00  }
0x19: {  	[tilespmem:s17], [sflag:$0x5] =	stream.linear.gather [hbm4b:s6+s2], $0x5400, $0x38;
	[tilespmem:$0x1A800] =	vst v63  }
0x1a: {  	_ =	swait.ge [sflag:s16], $0x5400  }
0x1b: {  	[sflag:s16] =	ssyncset.done $0x0  }
0x1c: {  	[sflag:s16] =	ssyncadd.s32 $0xFFFFAC00  }
0x1d: {  	[tilespmem:s18], [sflag:$0x1] =	stream.indirect.gather [hbm4b:s3+s20], $0x80, s2, s20, $0xb8;
	[tilespmem:$0x1A800] =	vst v63  }
0x1e: {  	_ = 	snop  }
0x1f: {  	[tilespmem:s19], [sflag:$0x2] =	stream.indirect.gather [hbm4b:s4+s20], $0x80, s17, s20, $0xb8;
	[tilespmem:$0x1A800] =	vst v63  }
0x20: {  	_ = 	snop  }
0x21: {  	[tilespmem:s21], [sflag:$0x3] =	stream.indirect.gather [hbm4b:s3+s20], $0x80, s20, s20, $0xb8;
	[tilespmem:$0x1A800] =	vst v63  }
0x22: {  	s31 =	simm.s32 $0x5480  }
0x23: {  	[tilespmem:s22], [sflag:$0x4] =	stream.indirect.gather [hbm4b:s4+s20], $0x80, s31, s20, $0xb8;
	[tilespmem:$0x1A800] =	vst v63  }
0x24: {  	_ =	swait.ge [sflag:s23], $0x4000  }
0x25: {  	[sflag:s23] =	ssyncset.done $0x0  }
0x26: {  	[sflag:s23] =	ssyncadd.s32 $0xFFFFC000  }
0x27: {  	_ =	swait.ge [sflag:s24], $0x4000  }
0x28: {  	[sflag:s24] =	ssyncset.done $0x0  }
0x29: {  	s0 =	sadd.s32 $0x0, s13;
	[sflag:s24] =	ssyncadd.s32 $0xFFFFC000  }
0x2a: {  	[hbm4b:s0+s2] =	stream.linear.scatter [tilespmem:s18], [sflag:$0x5], $0x4000, $0x38;
	[tilespmem:$0x1A800] =	vst v63  }
0x2b: {  	_ =	swait.ge [sflag:s16], $0x4000  }
0x2c: {  	[sflag:s16] =	ssyncset.done $0x0  }
0x2d: {  	s28 =	sadd.s32 $0x0, s12;
	[sflag:s16] =	ssyncadd.s32 $0xFFFFC000  }
0x2e: {  	[hbm4b:s28+s2] =	stream.linear.scatter [tilespmem:s19], [sflag:$0x5], $0x4000, $0x38;
	[tilespmem:$0x1A800] =	vst v63  }
0x2f: {  	_ =	swait.ge [sflag:s16], $0x4000  }
0x30: {  	[sflag:s16] =	ssyncset.done $0x0  }
0x31: {  	s29 =	simm.s32 $0x100;
	[sflag:s16] =	ssyncadd.s32 $0xFFFFC000  }
0x32: {  	[tilespmem:s18], [sflag:$0x1] =	stream.indirect.gather [hbm4b:s3+s20], $0x80, s29, s20, $0xb8;
	[tilespmem:$0x1A800] =	vst v63  }
0x33: {  	s1 =	simm.s32 $0x5500  }
0x34: {  	[tilespmem:s19], [sflag:$0x2] =	stream.indirect.gather [hbm4b:s4+s20], $0x80, s1, s20, $0xb8;
	[tilespmem:$0x1A800] =	vst v63  }
0x35: {  	_ =	swait.ge [sflag:s25], $0x4000  }
0x36: {  	[sflag:s25] =	ssyncset.done $0x0  }
0x37: {  	[sflag:s25] =	ssyncadd.s32 $0xFFFFC000  }
0x38: {  	_ =	swait.ge [sflag:s26], $0x4000  }
0x39: {  	[sflag:s26] =	ssyncset.done $0x0  }
0x3a: {  	s28 =	sadd.s32 $0x0, s14;
	[sflag:s26] =	ssyncadd.s32 $0xFFFFC000  }
0x3b: {  	[hbm4b:s28+s2] =	stream.linear.scatter [tilespmem:s21], [sflag:$0x5], $0x4000, $0x38;
	[tilespmem:$0x1A800] =	vst v63  }
0x3c: {  	_ =	swait.ge [sflag:s16], $0x4000  }
0x3d: {  	[sflag:s16] =	ssyncset.done $0x0  }
0x3e: {  	s29 =	sadd.s32 $0x0, s15;
	[sflag:s16] =	ssyncadd.s32 $0xFFFFC000  }
0x3f: {  	[hbm4b:s29+s2] =	stream.linear.scatter [tilespmem:s22], [sflag:$0x5], $0x4000, $0x38;
	[tilespmem:$0x1A800] =	vst v63  }
0x40: {  	_ =	swait.ge [sflag:s16], $0x4000  }
0x41: {  	s0 =	simm.s32 $0x80;
	s1 =	simm.s32 $0x1000;
	[sflag:s16] =	ssyncset.done $0x0  }
.LBB2_2:
0x42: {  	[sflag:s16] =	ssyncadd.s32 $0xFFFFC000;
	s31 =	sadd.s32 $0x100, s31;
	s0 =	sadd.s32 $0x100, s0  }
0x43: {  	[tilespmem:s21], [sflag:$0x3] =	stream.indirect.gather [hbm4b:s3+s20], $0x80, s0, s20, $0xb8;
	[tilespmem:$0x1A800] =	vst v63  }
0x44: {  	p0 =	sne.s32 s1, $0x52000;
	s28 =	smov.u32 s1;
	s1 =	sadd.s32 $0x1000, s1  }
0x45: {  	[tilespmem:s22], [sflag:$0x4] =	stream.indirect.gather [hbm4b:s4+s20], $0x80, s31, s20, $0xb8;
	[tilespmem:$0x1A800] =	vst v63  }
0x46: {  	_ =	swait.ge [sflag:s23], $0x4000  }
0x47: {  	[sflag:s23] =	ssyncset.done $0x0  }
0x48: {  	[sflag:s23] =	ssyncadd.s32 $0xFFFFC000  }
0x49: {  	_ =	swait.ge [sflag:s24], $0x4000  }
0x4a: {  	[sflag:s24] =	ssyncset.done $0x0  }
0x4b: {  	s29 =	sadd.s32 s28, s13;
	[sflag:s24] =	ssyncadd.s32 $0xFFFFC000  }
0x4c: {  	[hbm4b:s29+s2] =	stream.linear.scatter [tilespmem:s18], [sflag:$0x5], $0x4000, $0x38;
	[tilespmem:$0x1A800] =	vst v63  }
0x4d: {  	_ =	swait.ge [sflag:s16], $0x4000  }
0x4e: {  	[sflag:s16] =	ssyncset.done $0x0  }
0x4f: {  	s29 =	sadd.s32 s28, s12;
	[sflag:s16] =	ssyncadd.s32 $0xFFFFC000  }
0x50: {  	[hbm4b:s29+s2] =	stream.linear.scatter [tilespmem:s19], [sflag:$0x5], $0x4000, $0x38;
	[tilespmem:$0x1A800] =	vst v63  }
0x51: {  	_ =	swait.ge [sflag:s16], $0x4000  }
0x52: {  	[sflag:s16] =	ssyncset.done $0x0  }
0x53: {  	s29 =	sadd.s32 $0x80, s0;
	[sflag:s16] =	ssyncadd.s32 $0xFFFFC000  }
0x54: {  	[tilespmem:s18], [sflag:$0x1] =	stream.indirect.gather [hbm4b:s3+s20], $0x80, s29, s20, $0xb8;
	[tilespmem:$0x1A800] =	vst v63  }
0x55: {  	s29 =	sadd.s32 $0x80, s31  }
0x56: {  	[tilespmem:s19], [sflag:$0x2] =	stream.indirect.gather [hbm4b:s4+s20], $0x80, s29, s20, $0xb8;
	[tilespmem:$0x1A800] =	vst v63  }
0x57: {  	_ =	swait.ge [sflag:s25], $0x4000  }
0x58: {  	[sflag:s25] =	ssyncset.done $0x0  }
0x59: {  	[sflag:s25] =	ssyncadd.s32 $0xFFFFC000  }
0x5a: {  	_ =	swait.ge [sflag:s26], $0x4000  }
0x5b: {  	[sflag:s26] =	ssyncset.done $0x0  }
0x5c: {  	s29 =	sadd.s32 s28, s14;
	[sflag:s26] =	ssyncadd.s32 $0xFFFFC000  }
0x5d: {  	[hbm4b:s29+s2] =	stream.linear.scatter [tilespmem:s21], [sflag:$0x5], $0x4000, $0x38;
	[tilespmem:$0x1A800] =	vst v63  }
0x5e: {  	_ =	swait.ge [sflag:s16], $0x4000  }
.Ltmp0:
0x5f: {  	[sflag:s16] =	ssyncset.done $0x0;
	(pc) =	sbr.rel @p0 .LBB2_2-.Ltmp0, $4  }
0x60: {  	s28 =	sadd.s32 s28, s15;
	[sflag:s16] =	ssyncadd.s32 $0xFFFFC000  }
0x61: {  	[hbm4b:s28+s2] =	stream.linear.scatter [tilespmem:s22], [sflag:$0x5], $0x4000, $0x38;
	[tilespmem:$0x1A800] =	vst v63  }
0x62: {  	_ =	swait.ge [sflag:s16], $0x4000  }
0x63: {  	[sflag:s16] =	ssyncset.done $0x0  }
0x64: {  	[sflag:s16] =	ssyncadd.s32 $0xFFFFC000;
	s0 =	simm.s32 $0x5380  }
0x65: {  	[tilespmem:s21], [sflag:$0x3] =	stream.indirect.gather [hbm4b:s3+s20], $0x80, s0, s20, $0xb8;
	[tilespmem:$0x1A800] =	vst v63  }
0x66: {  	s31 =	simm.s32 $0xA780  }
0x67: {  	[tilespmem:s22], [sflag:$0x4] =	stream.indirect.gather [hbm4b:s4+s20], $0x80, s31, s20, $0xb8;
	[tilespmem:$0x1A800] =	vst v63  }
0x68: {  	_ =	swait.ge [sflag:s23], $0x4000  }
0x69: {  	[sflag:s23] =	ssyncset.done $0x0  }
0x6a: {  	[sflag:s23] =	ssyncadd.s32 $0xFFFFC000  }
0x6b: {  	_ =	swait.ge [sflag:s24], $0x4000  }
0x6c: {  	[sflag:s24] =	ssyncset.done $0x0  }
0x6d: {  	[sflag:s24] =	ssyncadd.s32 $0xFFFFC000  }
0x6e: {  	[hbm4b:s8+s2] =	stream.linear.scatter [tilespmem:s18], [sflag:$0x5], $0x4000, $0x38;
	[tilespmem:$0x1A800] =	vst v63  }
0x6f: {  	_ =	swait.ge [sflag:s16], $0x4000  }
0x70: {  	[sflag:s16] =	ssyncset.done $0x0  }
0x71: {  	[sflag:s16] =	ssyncadd.s32 $0xFFFFC000  }
0x72: {  	[hbm4b:s9+s2] =	stream.linear.scatter [tilespmem:s19], [sflag:$0x5], $0x4000, $0x38;
	[tilespmem:$0x1A800] =	vst v63  }
0x73: {  	_ =	swait.ge [sflag:s16], $0x4000  }
0x74: {  	[sflag:s16] =	ssyncset.done $0x0  }
0x75: {  	[sflag:s16] =	ssyncadd.s32 $0xFFFFC000  }
0x76: {  	_ =	swait.ge [sflag:s25], $0x4000  }
0x77: {  	[sflag:s25] =	ssyncset.done $0x0  }
0x78: {  	[sflag:s25] =	ssyncadd.s32 $0xFFFFC000  }
0x79: {  	_ =	swait.ge [sflag:s26], $0x4000  }
0x7a: {  	[sflag:s26] =	ssyncset.done $0x0  }
0x7b: {  	[sflag:s26] =	ssyncadd.s32 $0xFFFFC000  }
0x7c: {  	[hbm4b:s10+s2] =	stream.linear.scatter [tilespmem:s21], [sflag:$0x5], $0x4000, $0x38;
	[tilespmem:$0x1A800] =	vst v63  }
0x7d: {  	s30 =	sadd.s32 $0x1, s30;
	_ =	swait.ge [sflag:s16], $0x4000  }
0x7e: {  	p0 =	sne.s32 s30, s7;
	[sflag:s16] =	ssyncset.done $0x0  }
.Ltmp1:
0x7f: {  	[sflag:s16] =	ssyncadd.s32 $0xFFFFC000;
	(pc) =	sbr.rel @p0 .LBB2_1-.Ltmp1, $4  }
0x80: {  	[hbm4b:s11+s2] =	stream.linear.scatter [tilespmem:s22], [sflag:$0x5], $0x4000, $0x38;
	[tilespmem:$0x1A800] =	vst v63  }
0x81: {  	_ =	swait.ge [sflag:s16], $0x4000  }
0x82: {  	[sflag:s16] =	ssyncset.done $0x0  }
0x83: {  	[sflag:s16] =	ssyncadd.s32 $0xFFFFC000  }
0x84: {  	_ =	sfence.sel $0x180000  }
0x85: {  	[bflag:$0x0] =	sbarrier.arrive $0xFFFF  }
0x86: {  	_ =	strace $0x9000004A  }
0x87: {  	s0 =	stileid.u32;
	[bflag:$0x2] =	sbarrier.arrive $0xFFFF  }
0x88: {  	p0 =	sne.s32 s0, $0x0;
	s0 =	rddreg [dreg:$0x1]  }
0x89: {  	s0 =	sadd.s32 @!p0 $0x100000, s0  }
0x8a: {  	[sflag:s0] =	ssyncadd.tile.s32 @!p0 $0x1;
	_ =	shalt  }
.Lfunc_end2:
_tile_overlayer_lowered:
.L_overlay_start_2:
0x8b: {  	(tag) =	ssettag $0x2  }
0x8c: {  	s0 =	rddreg [dreg:$0x0];
	s2 =	stileid.u32  }
0x8d: {  	s1 =	rddreg [dreg:$0x1];
	p0 =	sne.s32 s2, $0x0  }
0x8e: {  	s3 =	rddreg [dreg:$0x2];
	[bflag:$0x3] =	sbarrier.arrive $0xFFFF;
	s2 =	simm.s32 @!p0 $0x1C05  }
0x8f: {  	[timem:s3], [sflag:s2] =	dma.local @!p0 [hbm:s0], s1  }
0x90: {  	s0 =	simm.s32 @!p0 $0x5  }
0x91: {  	_ =	swait.ge @!p0 [sflag:s0], s1  }
0x92: {  	s1 =	ssub.s32 @!p0 $0x0, s1;
	[sflag:s0] =	ssyncset.done @!p0 $0x0  }
0x93: {  	[sflag:s0] =	ssyncadd.s32 @!p0 s1  }
0x94: {  	[bflag:$0x3] =	sbarrier.arrive $0xFFFF  }
0x95: {  	_ =	shalt  }

// kernel: kernel.17.cloned.1.call-start
scs
__scs_entry_jumppad:
0x0: {  	(pc) =	sbr.rel $0x88, $3  }
0x1: {  	(tag) =	ssettag $0x0;
	lr =	simm.s32 $0x1  }
0x2: {  	[smem:$0x3F91] =	sst lr;
	_ =	strace $0xD0000000  }
0x3: {  	_ = 	snop  }
0x4: {  	_ = 	snop  }
0x5: {  	_ = 	snop  }
0x6: {  	_ = 	snop  }
0x7: {  	_ = 	snop  }
__scs_overlays_trampoline_lowered:
0x8: {  	[smem:$0x3FA0] =	sst s0  }
0x9: {  	[smem:$0x3FA1] =	sst s1  }
0xa: {  	[smem:$0x3FA2] =	sst s2  }
0xb: {  	[smem:$0x3FA3] =	sst s3  }
0xc: {  	[smem:$0x3FA4] =	sst s4  }
0xd: {  	[smem:$0x3FA5] =	sst s5  }
0xe: {  	[smem:$0x3FA6] =	sst s6  }
0xf: {  	[smem:$0x3FA7] =	sst s7  }
0x10: {  	[smem:$0x3FA8] =	sst s8  }
0x11: {  	[smem:$0x3FA9] =	sst s9;
	s0 =	simm.s32 @!p0 $0x0  }
0x12: {  	s1 =	sld [smem:$0x3F8F];
	s0 =	simm.s32 @p0 $0x1  }
0x13: {  	[smem:$0x3FAA] =	sst s0;
	s0 =	simm.s32 @!p1 $0x0  }
0x14: {  	s2 =	sld [smem:$0x3F8E];
	s0 =	simm.s32 @p1 $0x1  }
0x15: {  	[smem:$0x3FAB] =	sst s0;
	s0 =	simm.s32 @!p2 $0x0  }
0x16: {  	s3 =	sld [smem:$0x3FDB];
	s0 =	simm.s32 @p2 $0x1  }
0x17: {  	s4 =	simm.s32 $0x1BF5;
	[smem:$0x3FAD] =	sst s0  }
0x18: {  	s0 =	sld [smem:$0x3F90];
	_ =	swait.ge [sflag:s4], $0x0  }
0x19: {  	s7 =	sld [smem:$0x3F91]  }
0x1a: {  	s8 =	sadd.s32 $0xFFFFE003, lr  }
0x1b: {  	s9 =	sadd.s32 $0xFFFFFEF7, lr;
	s5 =	simm.s32 $0xFFFFFFFF;
	p2 =	slt.u32 s8, $0xFFFFF086  }
0x1c: {  	p1 =	slt.u32 s9, $0xF7A;
	s5 =	simm.s32 @!p2 $0x0  }
0x1d: {  	s5 =	simm.s32 @p1 $0x1;
	p0 =	seq.s32 s7, s2  }
0x1e: {  	s7 =	smul.u32 @!p0 $0xF7A, s2;
	p2 =	seq.s32 @!p0 s5, $0x0  }
0x1f: {  	s9 =	smul.u32 $0xF7A, s1;
	s8 =	simm.s32 @!p0 $0x1BF5;
	p2 =	por !p2, p0  }
0x20: {  	[sflag:s8] =	ssyncset.s32 @!p0 $0xFFFFF086;
	s6 =	sadd.s32 @!p0 s3, s7;
	s7 =	simm.s32 @!p0 $0x108  }
0x21: {  	s3 =	sadd.s32 s3, s9;
	s6 =	sadd.s32 @!p0 $0x88, s6;
	s7 =	simm.s32 @p2 $0x1082  }
0x22: {  	[simem:s7], [sflag:s8] =	dma.local @!p0 [hbm:s6], $0xF7A  }
0x23: {  	s9 =	sor.u32 $0xD0000000, s2;
	s6 =	simm.s32 $0x108;
	_ =	swait.ge @!p0 [sflag:s8], $0x0  }
0x24: {  	s3 =	sadd.s32 $0x88, s3;
	s6 =	simm.s32 @!p1 $0x1082;
	[sflag:s4] =	ssyncset.s32 $0xFFFFF086  }
0x25: {  	[simem:s6], [sflag:s4] =	dma.local [hbm:s3], $0xF7A  }
0x26: {  	[smem:$0x3F91] =	sst s1;
	(tag) =	ssettag s2;
	_ =	strace s9  }
0x27: {  	s1 =	sld [smem:$0x3FA1]  }
0x28: {  	s2 =	sld [smem:$0x3FA2]  }
0x29: {  	s4 =	sld [smem:$0x3FA4]  }
0x2a: {  	p0 =	seq.s32 s5, $0x0;
	s5 =	sld [smem:$0x3FA5]  }
0x2b: {  	s6 =	sld [smem:$0x3FA6]  }
0x2c: {  	s7 =	sld [smem:$0x3FA7]  }
0x2d: {  	s3 =	simm.s32 $0x108;
	s8 =	sld [smem:$0x3FA8]  }
0x2e: {  	s3 =	simm.s32 @!p0 $0x1082;
	s9 =	sld [smem:$0x3FA9]  }
0x2f: {  	lr =	sadd.s32 s0, s3;
	s0 =	sld [smem:$0x3FA0]  }
0x30: {  	s3 =	sld [smem:$0x3FA3]  }
0x31: {  	[smem:$0x3FAC] =	sst s10  }
0x32: {  	s10 =	sld [smem:$0x3FAA];
	_ =	sdelay $0x3  }
0x33: {  	p0 =	seq.s32 s10, $0x1;
	s10 =	sld [smem:$0x3FAC];
	_ =	sdelay $0x3  }
0x34: {  	[smem:$0x3FAC] =	sst s10  }
0x35: {  	s10 =	sld [smem:$0x3FAB];
	_ =	sdelay $0x3  }
0x36: {  	p1 =	seq.s32 s10, $0x1;
	s10 =	sld [smem:$0x3FAC];
	_ =	sdelay $0x3  }
0x37: {  	[smem:$0x3FAC] =	sst s10  }
0x38: {  	s10 =	sld [smem:$0x3FAD]  }
0x39: {  	_ = 	snop;
	(pc) =	sbr.ind lr, $3  }
0x3a: {  	_ = 	snop  }
0x3b: {  	_ = 	snop  }
0x3c: {  	p2 =	seq.s32 s10, $0x1;
	s10 =	sld [smem:$0x3FAC]  }
0x3d: {  	_ =	shalt  }
0x3e: {  	_ =	shalt  }
0x3f: {  	_ =	shalt  }
0x40: {  	_ =	shalt  }
0x41: {  	_ =	shalt  }
0x42: {  	_ =	shalt  }
0x43: {  	_ =	shalt  }
0x44: {  	_ =	shalt  }
0x45: {  	_ =	shalt  }
0x46: {  	_ =	shalt  }
0x47: {  	_ =	shalt  }
0x48: {  	_ =	shalt  }
0x49: {  	_ =	shalt  }
0x4a: {  	_ =	shalt  }
0x4b: {  	_ =	shalt  }
0x4c: {  	_ =	shalt  }
0x4d: {  	_ =	shalt  }
0x4e: {  	_ =	shalt  }
0x4f: {  	_ =	shalt  }
0x50: {  	_ =	shalt  }
0x51: {  	_ =	shalt  }
0x52: {  	_ =	shalt  }
0x53: {  	_ =	shalt  }
0x54: {  	_ =	shalt  }
0x55: {  	_ =	shalt  }
0x56: {  	_ =	shalt  }
0x57: {  	_ =	shalt  }
0x58: {  	_ =	shalt  }
0x59: {  	_ =	shalt  }
0x5a: {  	_ =	shalt  }
0x5b: {  	_ =	shalt  }
0x5c: {  	_ =	shalt  }
0x5d: {  	_ =	shalt  }
0x5e: {  	_ =	shalt  }
0x5f: {  	_ =	shalt  }
0x60: {  	_ =	shalt  }
0x61: {  	_ =	shalt  }
0x62: {  	_ =	shalt  }
0x63: {  	_ =	shalt  }
0x64: {  	_ =	shalt  }
0x65: {  	_ =	shalt  }
0x66: {  	_ =	shalt  }
0x67: {  	_ =	shalt  }
0x68: {  	_ =	shalt  }
0x69: {  	_ =	shalt  }
0x6a: {  	_ =	shalt  }
0x6b: {  	_ =	shalt  }
0x6c: {  	_ =	shalt  }
0x6d: {  	_ =	shalt  }
0x6e: {  	_ =	shalt  }
0x6f: {  	_ =	shalt  }
0x70: {  	_ =	shalt  }
0x71: {  	_ =	shalt  }
0x72: {  	_ =	shalt  }
0x73: {  	_ =	shalt  }
0x74: {  	_ =	shalt  }
0x75: {  	_ =	shalt  }
0x76: {  	_ =	shalt  }
0x77: {  	_ =	shalt  }
0x78: {  	_ =	shalt  }
0x79: {  	_ =	shalt  }
0x7a: {  	_ =	shalt  }
0x7b: {  	_ =	shalt  }
0x7c: {  	_ =	shalt  }
0x7d: {  	_ =	shalt  }
0x7e: {  	_ =	shalt  }
0x7f: {  	_ =	shalt  }
0x80: {  	_ =	shalt  }
0x81: {  	_ =	shalt  }
0x82: {  	_ =	shalt  }
0x83: {  	_ =	shalt  }
0x84: {  	_ =	shalt  }
0x85: {  	_ =	shalt  }
0x86: {  	_ =	shalt  }
0x87: {  	_ =	shalt  }
.Lfunc_end0:
.L_simem_size_0:
called_computation.2_lowered:
.L_overlay_start_0:
0x88: {  	s2 =	sld [smem:$0x3FD9]  }
0x89: {  	s3 =	sld [smem:$0x3FFE];
	_ =	sdelay $0x1  }
0x8a: {  	s1 =	srdreg.scid  }
0x8b: {  	s0 =	sand.u32 $0x1, s1  }
0x8c: {  	s16 =	sshll.u32 s0, $0xA;
	s2 =	sadd.s32 s3, s2  }
0x8d: {  	s2 =	sadd.s32 s2, s16  }
0x8e: {  	[smem:$0x3FB8] =	sst s2  }
0x8f: {  	_ = 	snop  }
0x90: {  	(tm) =	ssettm $0x1  }
0x91: {  	s17 =	sld [smem:$0x3FFB];
	_ =	sdelay $0x3  }
0x92: {  	_ =	strace s17  }
0x93: {  	s2 =	sld [smem:$0x3FFC];
	_ =	sdelay $0x3  }
0x94: {  	_ =	strace s2  }
0x95: {  	s2 =	sld [smem:$0x3FFD];
	_ =	sdelay $0x3  }
0x96: {  	_ =	strace s2  }
0x97: {  	_ =	strace $0x8FFFFFFF  }
0x98: {  	s18 =	sld [smem:$0x3FDB];
	_ =	sdelay $0x1  }
0x99: {  	s19 =	simm.s32 $_scs_section_size  }
0x9a: {  	s4 =	simm.s32 $_size__tile_overlayer_lowered;
	s5 =	simm.s32 $_tile_overlayer_lowered  }
0x9b: {  	s22 =	simm.s32 $0x1BFF;
	s21 =	sshll.u32 s5, $0x1;
	s2 =	sadd.s32 s19, s18  }
0x9c: {  	s6 =	simm.s32 $0x0;
	s20 =	sshll.u32 s4, $0x1;
	s4 =	sadd.s32 s21, s2  }
0x9d: {  	[timem:s6], [sflag:s22] =	dma.local [hbm:s4], s20  }
0x9e: {  	_ =	swait.ge [sflag:s22], s20  }
0x9f: {  	s3 =	ssub.s32 $0x0, s20;
	[sflag:s22] =	ssyncset.done $0x0  }
0xa0: {  	[sflag:s22] =	ssyncadd.s32 s3;
	_ =	sdelay $0x1  }
0xa1: {  	s23 =	simm.s32 $0x1B8B  }
0xa2: {  	_ =	swait.ge [sflag:s23], $0x1  }
0xa3: {  	[sflag:s23] =	ssyncset.done $0x0  }
0xa4: {  	s25 =	simm.s32 $0x1B8E;
	s24 =	sld [smem:$0x3FFE];
	[sflag:s23] =	ssyncadd.s32 $0xFFFFFFFF  }
0xa5: {  	s26 =	simm.s32 $execute0_lowered;
	[smem:$0x3FD2] =	sst s25  }
0xa6: {  	s4 =	sshll.u32 s26, $0x1;
	_ =	strace $0x8000004C;
	[dreg:$0x1] =	wrdreg $0xFFFFFFFF  }
0xa7: {  	s28 =	simm.s32 $_size_execute0_lowered;
	s2 =	sadd.s32 s2, s4;
	[dreg:$0x0] =	wrdreg $0x0  }
0xa8: {  	s4 =	sshll.u32 s28, $0x1;
	[dreg:$0x2] =	wrdreg s2  }
0xa9: {  	[dreg:$0x3] =	wrdreg s4  }
0xaa: {  	[dreg:$0x4] =	wrdreg $0xC0  }
0xab: {  	_ =	task [dreg:s6], $0x5FFFF  }
0xac: {  	[dreg:$0x1] =	wrdreg $0xFFFFFFFF  }
0xad: {  	[dreg:$0x0] =	wrdreg $0x60  }
0xae: {  	[dreg:$0x2] =	wrdreg s24  }
0xaf: {  	[dreg:$0x3] =	wrdreg $0x82000  }
0xb0: {  	[dreg:$0x4] =	wrdreg $0x1C2000  }
0xb1: {  	[dreg:$0x5] =	wrdreg $0x9  }
0xb2: {  	_ =	task.clear_ibuf [dreg:s6], $0x6FFFF;
	_ =	strace $0x9000004C  }
0xb3: {  	s29 =	simm.s32 $0x9;
	_ =	strace $0x8000004E  }
0xb4: {  	_ =	swait.ge [sflag:s29], $0x1  }
0xb5: {  	[sflag:s29] =	ssyncadd.s32 $0xFFFFFFFF  }
0xb6: {  	_ =	strace $0x9000004E  }
0xb7: {  	_ =	sfence  }
0xb8: {  	s30 =	sld [smem:$0x0];
	_ =	sdelay $0x2  }
0xb9: {  	s31 =	sshll.u32 s1, $0xD;
	s1 =	sshrl.u32 s1, $0x2  }
0xba: {  	s3 =	sand.u32 $0x4000, s31;
	s1 =	sadd.s32 s1, s30  }
0xbb: {  	s0 =	sor.u32 s3, s0;
	s1 =	sshll.u32 s1, $0x11  }
0xbc: {  	s0 =	sor.u32 s1, s0  }
0xbd: {  	s0 =	sadd.s32 $0x8F2B, s0  }
0xbe: {  	[sflag:s0] =	ssyncadd.remote.s32 $0x1  }
0xbf: {  	_ =	sfence.sel $0xFFFF  }
0xc0: {  	[dreg:$0x0] =	wrdreg $0xFFFFFFFF;
	(pc) =	sbr.abs _section_cstart, $3  }
0xc1: {  	[dreg:$0x1] =	wrdreg $0xFFFFFFFF  }
0xc2: {  	_ =	task.clear_ibuf [dreg:s6], $0x2FFFF;
	_ =	strace $0x9FFFFFFF  }
0xc3: {  	(tm) =	ssettm $0x7FFFFFFF  }
tec
execute0_lowered:
.L_overlay_start_1:
0x0: {  	(tag) =	ssettag $0x1  }
0x1: {  	s23 =	stileid.u32  }
0x2: {  	s0 =	srdreg.scid;
	s1 =	smul.u32 $0x28, s23  }
0x3: {  	s0 =	sand.u32 $0x1, s0;
	s9 =	smul.u32 $0x280, s23  }
0x4: {  	s2 =	smul.u32 $0x280, s0  }
0x5: {  	s4 =	sshll.u32 s23, $0x1;
	s17 =	smul.u32 $0x2800, s0  }
0x6: {  	s3 =	rddreg [dreg:$0x0];
	s15 =	sor.u32 s0, s4;
	s4 =	sadd.s32 $0x80, s9  }
0x7: {  	s8 =	sadd.s32 s1, s2;
	s2 =	ssub.s32 $0x2, s0;
	s7 =	sadd.s32 s17, s4  }
0x8: {  	s14 =	sadd.s32 $0x2AA00, s3;
	s5 =	sshrl.u32 s2, $0x1;
	s10 =	sshll.u32 s7, $0x4  }
0x9: {  	s7 =	sadd.s32 $0x140, s9;
	s8 =	sshll.u32 s8, $0x4;
	s1 =	ssub.s32 s2, s5  }
0xa: {  	s2 =	sor.u32 $0x40, s9;
	s5 =	sadd.s32 s17, s9;
	s12 =	sadd.s32 s17, s7  }
0xb: {  	s8 =	sadd.s32 s8, s3;
	s6 =	sadd.s32 s17, s2;
	s5 =	sshll.u32 s5, $0x4  }
0xc: {  	s13 =	sshll.u32 s12, $0x4;
	s6 =	sshll.u32 s6, $0x4;
	s5 =	sadd.s32 s14, s5  }
0xd: {  	s12 =	sadd.s32 $0x200, s9;
	[dreg:$0x5] =	wrdreg s5;
	s6 =	sadd.s32 s14, s6  }
0xe: {  	s18 =	sadd.s32 s17, s12;
	s5 =	sadd.s32 s14, s10;
	[dreg:$0x6] =	wrdreg s6  }
0xf: {  	s19 =	sshll.u32 s18, $0x4;
	s18 =	sadd.s32 $0x5000, s17;
	[dreg:$0x7] =	wrdreg s5  }
0x10: {  	s6 =	sadd.s32 $0xC0, s9;
	s5 =	sadd.s32 $0x100, s9;
	s20 =	sadd.s32 s9, s18  }
0x11: {  	s21 =	sadd.s32 s2, s18;
	s24 =	sadd.s32 s4, s18;
	s10 =	sadd.s32 s17, s6  }
0x12: {  	s11 =	sadd.s32 s17, s5;
	s20 =	sshll.u32 s20, $0x4;
	s21 =	sshll.u32 s21, $0x4  }
0x13: {  	s25 =	sadd.s32 s6, s18;
	s26 =	sadd.s32 s5, s18;
	s10 =	sshll.u32 s10, $0x4  }
0x14: {  	s11 =	sshll.u32 s11, $0x4;
	s22 =	sadd.s32 s14, s21;
	s10 =	sadd.s32 s14, s10  }
0x15: {  	s29 =	sshll.u32 s26, $0x4;
	s11 =	sadd.s32 s14, s11;
	[dreg:$0x8] =	wrdreg s10  }
0x16: {  	[dreg:$0x9] =	wrdreg s11;
	s10 =	sadd.s32 s14, s13;
	s11 =	sadd.s32 $0x180, s9  }
0x17: {  	[dreg:$0xa] =	wrdreg s10;
	s10 =	sadd.s32 $0x1C0, s9;
	s13 =	sadd.s32 s17, s11  }
0x18: {  	s21 =	sadd.s32 s14, s29;
	s16 =	sadd.s32 s17, s10;
	s13 =	sshll.u32 s13, $0x4  }
0x19: {  	[dreg:$0x13] =	wrdreg s21;
	s16 =	sshll.u32 s16, $0x4;
	s13 =	sadd.s32 s14, s13  }
0x1a: {  	[dreg:$0xb] =	wrdreg s13;
	s16 =	sadd.s32 s14, s16;
	s13 =	sadd.s32 s14, s19  }
0x1b: {  	s19 =	sadd.s32 $0xA000, s17;
	[dreg:$0xd] =	wrdreg s13;
	s13 =	sadd.s32 $0x240, s9  }
0x1c: {  	[dreg:$0xc] =	wrdreg s16;
	s16 =	sadd.s32 $0xF000, s17;
	s17 =	sadd.s32 s17, s13  }
0x1d: {  	s21 =	sadd.s32 s9, s19;
	s9 =	sadd.s32 s9, s16;
	s17 =	sshll.u32 s17, $0x4  }
0x1e: {  	[dreg:$0x10] =	wrdreg s22;
	s9 =	sshll.u32 s9, $0x4;
	s17 =	sadd.s32 s14, s17  }
0x1f: {  	s28 =	sshll.u32 s25, $0x4;
	s9 =	sadd.s32 s14, s9;
	[dreg:$0xe] =	wrdreg s17  }
0x20: {  	s22 =	sadd.s32 s7, s18;
	s17 =	sadd.s32 s14, s20;
	[smem:$0x7C5] =	sst s9  }
0x21: {  	s25 =	sadd.s32 s10, s18;
	s20 =	sadd.s32 s12, s18;
	[dreg:$0xf] =	wrdreg s17  }
0x22: {  	s17 =	sshll.u32 s24, $0x4;
	s24 =	sadd.s32 s11, s18;
	s18 =	sadd.s32 s13, s18  }
0x23: {  	s17 =	sadd.s32 s14, s17;
	s26 =	sshll.u32 s24, $0x4;
	s24 =	sshll.u32 s21, $0x4  }
0x24: {  	[dreg:$0x11] =	wrdreg s17;
	s17 =	sadd.s32 s14, s28;
	s28 =	sshll.u32 s25, $0x4  }
0x25: {  	s25 =	sadd.s32 s14, s24;
	s24 =	sadd.s32 s7, s19;
	[dreg:$0x12] =	wrdreg s17  }
0x26: {  	s17 =	sshll.u32 s22, $0x4;
	s29 =	sadd.s32 s14, s28;
	s22 =	sshll.u32 s18, $0x4  }
0x27: {  	[dreg:$0x19] =	wrdreg s25;
	s28 =	sadd.s32 s4, s19;
	s25 =	sadd.s32 s11, s19  }
0x28: {  	s17 =	sadd.s32 s14, s17;
	[dreg:$0x16] =	wrdreg s29;
	s29 =	sadd.s32 s6, s19  }
0x29: {  	s18 =	sshll.u32 s28, $0x4;
	s28 =	sshll.u32 s25, $0x4;
	s25 =	sadd.s32 s2, s16  }
0x2a: {  	[dreg:$0x14] =	wrdreg s17;
	s17 =	sadd.s32 s14, s26;
	s26 =	sadd.s32 s2, s19  }
0x2b: {  	[dreg:$0x15] =	wrdreg s17;
	s17 =	sshll.u32 s20, $0x4;
	s20 =	sshll.u32 s29, $0x4  }
0x2c: {  	s29 =	sadd.s32 s14, s28;
	s28 =	sshll.u32 s25, $0x4;
	s17 =	sadd.s32 s14, s17  }
0x2d: {  	s21 =	sadd.s32 s14, s20;
	[dreg:$0x1f] =	wrdreg s29;
	s20 =	sadd.s32 s12, s19  }
0x2e: {  	s9 =	sadd.s32 s14, s28;
	s28 =	sadd.s32 s10, s16;
	[dreg:$0x17] =	wrdreg s17  }
0x2f: {  	s17 =	sadd.s32 s14, s22;
	[dreg:$0x1c] =	wrdreg s21;
	s22 =	sadd.s32 s5, s19  }
0x30: {  	s21 =	sshll.u32 s20, $0x4;
	[dreg:$0x18] =	wrdreg s17;
	s17 =	sshll.u32 s26, $0x4  }
0x31: {  	[smem:$0x7C6] =	sst s9;
	s20 =	sadd.s32 s5, s16;
	s17 =	sadd.s32 s14, s17  }
0x32: {  	s26 =	sshll.u32 s24, $0x4;
	[dreg:$0x1a] =	wrdreg s17;
	s17 =	sadd.s32 s14, s18  }
0x33: {  	s18 =	sadd.s32 s10, s19;
	s19 =	sadd.s32 s13, s19;
	[dreg:$0x1b] =	wrdreg s17  }
0x34: {  	s17 =	sshll.u32 s22, $0x4;
	s22 =	sshll.u32 s19, $0x4;
	s19 =	sadd.s32 s6, s16  }
0x35: {  	s17 =	sadd.s32 s14, s17;
	s24 =	sadd.s32 s14, s22;
	s9 =	sshll.u32 s19, $0x4  }
0x36: {  	s22 =	sshll.u32 s20, $0x4;
	s19 =	sshll.u32 s28, $0x4;
	[dreg:$0x1d] =	wrdreg s17  }
0x37: {  	s17 =	sadd.s32 s14, s26;
	[smem:$0x7C4] =	sst s24;
	s26 =	sadd.s32 s4, s16  }
0x38: {  	s9 =	sadd.s32 s14, s9;
	[dreg:$0x1e] =	wrdreg s17;
	s17 =	sshll.u32 s18, $0x4  }
0x39: {  	s29 =	sshll.u32 s26, $0x4;
	[smem:$0x7C8] =	sst s9;
	s9 =	sadd.s32 s14, s22  }
0x3a: {  	s26 =	sadd.s32 s11, s16;
	s17 =	sadd.s32 s14, s17;
	[smem:$0x7C9] =	sst s9  }
0x3b: {  	s22 =	sadd.s32 s13, s16;
	s18 =	sadd.s32 s14, s29;
	[smem:$0x7C2] =	sst s17  }
0x3c: {  	s9 =	sshll.u32 s26, $0x4;
	s17 =	sadd.s32 s14, s21;
	[smem:$0x7C7] =	sst s18  }
0x3d: {  	s29 =	sadd.s32 s12, s16;
	s9 =	sadd.s32 s14, s9;
	[smem:$0x7C3] =	sst s17  }
0x3e: {  	s21 =	sadd.s32 s7, s16;
	s20 =	sshll.u32 s29, $0x4;
	[smem:$0x7CB] =	sst s9  }
0x3f: {  	s16 =	sshll.u32 s22, $0x4;
	s9 =	sadd.s32 s14, s19;
	s19 =	rddreg [dreg:$0x1]  }
0x40: {  	s24 =	sshll.u32 s21, $0x4;
	s21 =	sadd.s32 s14, s20;
	[smem:$0x7CC] =	sst s9  }
0x41: {  	s17 =	smul.u32 $0x1500, s15;
	s25 =	sadd.s32 s14, s24;
	[smem:$0x7CD] =	sst s21  }
0x42: {  	s9 =	simm.s32 $0x0;
	s14 =	sadd.s32 s14, s16;
	[smem:$0x7CA] =	sst s25  }
0x43: {  	s24 =	smul.u32 $0x15000, s15;
	s15 =	sadd.s32 $0x1F01C00, s3;
	[smem:$0x7CE] =	sst s14  }
0x44: {  	s22 =	smul.u32 $0x2A000, s23;
	s16 =	sadd.s32 $0x2981C00, s3;
	[smem:$0x7FF] =	sst s9  }
0x45: {  	s25 =	sshll.u32 s17, $0x4;
	s26 =	sadd.s32 s15, s24;
	s14 =	sadd.s32 s16, s24  }
0x46: {  	s28 =	sadd.s32 $0x2A0000, s25;
	s20 =	sadd.s32 $0x540000, s25;
	[smem:$0x7CF] =	sst s26  }
0x47: {  	s18 =	sadd.s32 $0x7E0000, s25;
	[smem:$0x7D0] =	sst s14;
	s29 =	sadd.s32 s15, s28  }
0x48: {  	s25 =	smul.u32 $0x2A00, s23;
	s14 =	sadd.s32 s16, s28;
	[smem:$0x7D1] =	sst s29  }
0x49: {  	s21 =	sadd.s32 s15, s20;
	s24 =	sadd.s32 s15, s18;
	[smem:$0x7D2] =	sst s14  }
0x4a: {  	s18 =	sadd.s32 s16, s18;
	s26 =	smul.u32 $0x1500, s0;
	[smem:$0x7D3] =	sst s21  }
0x4b: {  	s28 =	smul.u32 $0x50000, s23;
	s14 =	sadd.s32 s16, s20;
	[smem:$0x7D5] =	sst s24  }
0x4c: {  	[smem:$0x7D6] =	sst s18;
	s21 =	sadd.s32 s22, s15;
	s20 =	sadd.s32 s22, s16  }
0x4d: {  	s22 =	rddreg [dreg:$0x2];
	s29 =	smul.u32 $0x5000, s23;
	s18 =	sadd.s32 $0x25600, s3  }
0x4e: {  	s23 =	sadd.s32 $0x405A00, s3;
	s3 =	sadd.s32 $0x6E00, s3;
	[smem:$0x7D4] =	sst s14  }
0x4f: {  	s24 =	sadd.s32 $0x7200, s8;
	_ =	strace $0x8000004D;
	[smem:$0x7D7] =	sst s3  }
0x50: {  	s14 =	sadd.s32 s26, s25;
	s25 =	sadd.s32 $0xC200, s8;
	[smem:$0x7DA] =	sst s24  }
0x51: {  	s15 =	sshrl.u32 s28, $0x2;
	s28 =	sadd.s32 $0x11200, s8;
	[smem:$0x7DB] =	sst s25  }
0x52: {  	s1 =	smax.u32 s1, $0x1;
	[smem:$0x7DC] =	sst s28  }
0x53: {  	[smem:$0x7DE] =	sst s1  }
0x54: {  	[smem:$0x7F1] =	sst s21  }
0x55: {  	[smem:$0x7F2] =	sst s20  }
0x56: {  	s17 =	sshrl.u32 s17, $0x3;
	[smem:$0x7F5] =	sst s23  }
0x57: {  	s4 =	sshll.u32 s4, $0x7;
	s3 =	sadd.s32 s23, s17;
	[smem:$0x7F6] =	sst s18  }
0x58: {  	s16 =	sshrl.u32 s29, $0x2;
	s29 =	sadd.s32 $0x16200, s8;
	[smem:$0x7D9] =	sst s3  }
0x59: {  	s8 =	sadd.s32 s4, s19;
	[smem:$0x7DD] =	sst s29  }
0x5a: {  	s26 =	sadd.s32 s15, s19;
	[smem:$0x7E0] =	sst s8  }
0x5b: {  	s15 =	sadd.s32 s16, s22;
	s22 =	sadd.s32 s18, s17;
	[smem:$0x7F7] =	sst s26  }
0x5c: {  	s8 =	sadd.s32 $0x4000, s26;
	[smem:$0x7D8] =	sst s22  }
0x5d: {  	s28 =	sshll.u32 s10, $0x7;
	s10 =	sadd.s32 $0x6000, s26;
	[smem:$0x7E9] =	sst s8  }
0x5e: {  	s29 =	sshll.u32 s12, $0x7;
	s12 =	sadd.s32 $0x8000, s26;
	[smem:$0x7EA] =	sst s10  }
0x5f: {  	s4 =	sshll.u32 s13, $0x7;
	s13 =	sadd.s32 $0xA000, s26;
	[smem:$0x7EB] =	sst s12  }
0x60: {  	s3 =	sshll.u32 s2, $0x7;
	s16 =	sshll.u32 s6, $0x7;
	[smem:$0x7EC] =	sst s13  }
0x61: {  	s17 =	sshll.u32 s5, $0x7;
	s1 =	sadd.s32 s3, s19;
	[smem:$0x7F8] =	sst s15  }
0x62: {  	s5 =	sor.u32 $0x80, s14;
	s3 =	sadd.s32 s29, s19;
	[smem:$0x7DF] =	sst s1  }
0x63: {  	s22 =	sshll.u32 s7, $0x7;
	s7 =	sadd.s32 $0x2000, s26;
	[smem:$0x7E6] =	sst s3  }
0x64: {  	s6 =	sor.u32 $0x40, s14;
	s30 =	sshrl.u32 s5, $0x3;
	[smem:$0x7E8] =	sst s7  }
0x65: {  	s25 =	sshll.u32 s11, $0x7;
	s11 =	sshrl.u32 s6, $0x3;
	[smem:$0x7F9] =	sst s30  }
0x66: {  	s1 =	sadd.s32 s16, s19;
	[smem:$0x7FA] =	sst s11  }
0x67: {  	s24 =	sadd.s32 s22, s19;
	[smem:$0x7E1] =	sst s1  }
0x68: {  	s14 =	smul.u32 $0x15000, s0;
	s16 =	sadd.s32 $0xC000, s26;
	[smem:$0x7E3] =	sst s24  }
0x69: {  	s22 =	sadd.s32 $0x12000, s26;
	[smem:$0x7ED] =	sst s16  }
0x6a: {  	s5 =	sadd.s32 s14, s21;
	[smem:$0x7F0] =	sst s22  }
0x6b: {  	s6 =	sadd.s32 s14, s20;
	[smem:$0x7FB] =	sst s5  }
0x6c: {  	s29 =	sadd.s32 s30, s18;
	[smem:$0x7FC] =	sst s6  }
0x6d: {  	s31 =	simm.s32 $0x1;
	s1 =	sadd.s32 s17, s19;
	[smem:$0x7FD] =	sst s29  }
0x6e: {  	s0 =	simm.s32 $0x2;
	s17 =	sadd.s32 $0xE000, s26;
	[smem:$0x7E2] =	sst s1  }
0x6f: {  	s2 =	simm.s32 $0x6;
	s24 =	sadd.s32 s11, s23;
	[smem:$0x7EE] =	sst s17  }
0x70: {  	s8 =	simm.s32 $0x9;
	s1 =	sadd.s32 s25, s19;
	[smem:$0x7F3] =	sst s24  }
0x71: {  	s10 =	simm.s32 $0x0;
	s25 =	sadd.s32 s11, s18;
	[smem:$0x7E4] =	sst s1  }
0x72: {  	s3 =	simm.s32 $0x40;
	s1 =	sadd.s32 s28, s19;
	[smem:$0x7F4] =	sst s25  }
0x73: {  	s20 =	simm.s32 $0x7;
	s28 =	sadd.s32 s30, s23;
	[smem:$0x7E5] =	sst s1  }
0x74: {  	s21 =	simm.s32 $0x8;
	s1 =	sadd.s32 s4, s19;
	[dreg:$0x4] =	wrdreg s28  }
0x75: {  	s24 =	simm.s32 $0x4;
	s19 =	sadd.s32 $0x10000, s26;
	[smem:$0x7E7] =	sst s1  }
0x76: {  	s23 =	simm.s32 $0x3;
	[smem:$0x7EF] =	sst s19;
	s1 =	simm.s32 $0x5  }
.LBB2_1:
0x77: {  	s7 =	sld [smem:$0x7D7];
	_ =	sdelay $0x1  }
0x78: {  	[smem:$0x7C1] =	sst s10;
	s25 =	simm.s32 $0x200  }
0x79: {  	[tilespmem:s25], [sflag:$0x9] =	stream.linear.gather [hbm4b:s7+s9], $0x2000, $0x38;
	[tilespmem:$0x1D600] =	vst v63  }
0x7a: {  	_ =	swait.ge [sflag:s8], $0x2000  }
0x7b: {  	[sflag:s8] =	ssyncset.done $0x0  }
0x7c: {  	[sflag:s8] =	ssyncadd.s32 $0xFFFFE000  }
0x7d: {  	[spmem:s26] =	stream.linear.scatter [tilespmem:s25], [sflag:$0x9], $0x2000, $0x38;
	[tilespmem:$0x1D600] =	vst v63  }
0x7e: {  	_ =	swait.ge [sflag:s8], $0x2000  }
0x7f: {  	s4 =	sld [smem:$0x7E8]  }
0x80: {  	[sflag:s8] =	ssyncset.done $0x0  }
0x81: {  	[sflag:s8] =	ssyncadd.s32 $0xFFFFE000  }
0x82: {  	[spmem:s4] =	stream.linear.scatter [tilespmem:s25], [sflag:$0x9], $0x2000, $0x38;
	[tilespmem:$0x1D600] =	vst v63  }
0x83: {  	_ =	swait.ge [sflag:s8], $0x2000  }
0x84: {  	s26 =	sld [smem:$0x7E9]  }
0x85: {  	[sflag:s8] =	ssyncset.done $0x0  }
0x86: {  	[sflag:s8] =	ssyncadd.s32 $0xFFFFE000  }
0x87: {  	[spmem:s26] =	stream.linear.scatter [tilespmem:s25], [sflag:$0x9], $0x2000, $0x38;
	[tilespmem:$0x1D600] =	vst v63  }
0x88: {  	_ =	swait.ge [sflag:s8], $0x2000  }
0x89: {  	s29 =	sld [smem:$0x7EA]  }
0x8a: {  	[sflag:s8] =	ssyncset.done $0x0  }
0x8b: {  	[sflag:s8] =	ssyncadd.s32 $0xFFFFE000  }
0x8c: {  	[spmem:s29] =	stream.linear.scatter [tilespmem:s25], [sflag:$0x9], $0x2000, $0x38;
	[tilespmem:$0x1D600] =	vst v63  }
0x8d: {  	_ =	swait.ge [sflag:s8], $0x2000  }
0x8e: {  	s7 =	sld [smem:$0x7EB]  }
0x8f: {  	[sflag:s8] =	ssyncset.done $0x0  }
0x90: {  	[sflag:s8] =	ssyncadd.s32 $0xFFFFE000  }
0x91: {  	[spmem:s7] =	stream.linear.scatter [tilespmem:s25], [sflag:$0x9], $0x2000, $0x38;
	[tilespmem:$0x1D600] =	vst v63  }
0x92: {  	_ =	swait.ge [sflag:s8], $0x2000  }
0x93: {  	s10 =	sld [smem:$0x7EC]  }
0x94: {  	[sflag:s8] =	ssyncset.done $0x0  }
0x95: {  	[sflag:s8] =	ssyncadd.s32 $0xFFFFE000  }
0x96: {  	[spmem:s10] =	stream.linear.scatter [tilespmem:s25], [sflag:$0x9], $0x2000, $0x38;
	[tilespmem:$0x1D600] =	vst v63  }
0x97: {  	_ =	swait.ge [sflag:s8], $0x2000  }
0x98: {  	s12 =	sld [smem:$0x7ED]  }
0x99: {  	[sflag:s8] =	ssyncset.done $0x0  }
0x9a: {  	[sflag:s8] =	ssyncadd.s32 $0xFFFFE000  }
0x9b: {  	[spmem:s12] =	stream.linear.scatter [tilespmem:s25], [sflag:$0x9], $0x2000, $0x38;
	[tilespmem:$0x1D600] =	vst v63  }
0x9c: {  	_ =	swait.ge [sflag:s8], $0x2000  }
0x9d: {  	s13 =	sld [smem:$0x7EE]  }
0x9e: {  	[sflag:s8] =	ssyncset.done $0x0  }
0x9f: {  	[sflag:s8] =	ssyncadd.s32 $0xFFFFE000  }
0xa0: {  	[spmem:s13] =	stream.linear.scatter [tilespmem:s25], [sflag:$0x9], $0x2000, $0x38;
	[tilespmem:$0x1D600] =	vst v63  }
0xa1: {  	_ =	swait.ge [sflag:s8], $0x2000  }
0xa2: {  	s16 =	sld [smem:$0x7EF]  }
0xa3: {  	[sflag:s8] =	ssyncset.done $0x0  }
0xa4: {  	[sflag:s8] =	ssyncadd.s32 $0xFFFFE000  }
0xa5: {  	[spmem:s16] =	stream.linear.scatter [tilespmem:s25], [sflag:$0x9], $0x2000, $0x38;
	[tilespmem:$0x1D600] =	vst v63  }
0xa6: {  	_ =	swait.ge [sflag:s8], $0x2000  }
0xa7: {  	s17 =	sld [smem:$0x7F0]  }
0xa8: {  	[sflag:s8] =	ssyncset.done $0x0  }
0xa9: {  	[sflag:s8] =	ssyncadd.s32 $0xFFFFE000  }
0xaa: {  	[spmem:s17] =	stream.linear.scatter [tilespmem:s25], [sflag:$0x9], $0x2000, $0x38;
	[tilespmem:$0x1D600] =	vst v63  }
0xab: {  	_ =	swait.ge [sflag:s8], $0x2000  }
0xac: {  	[sflag:s8] =	ssyncset.done $0x0  }
0xad: {  	[sflag:s8] =	ssyncadd.s32 $0xFFFFE000  }
0xae: {  	[spmem:s15] =	stream.linear.scatter [tilespmem:s25], [sflag:$0x9], $0x1400, $0x38;
	[tilespmem:$0x1D600] =	vst v63  }
0xaf: {  	_ =	swait.ge [sflag:s8], $0x1400  }
0xb0: {  	[sflag:s8] =	ssyncset.done $0x0  }
0xb1: {  	[sflag:s8] =	ssyncadd.s32 $0xFFFFEC00  }
0xb2: {  	[bflag:$0x0] =	sbarrier.arrive $0xFFFF  }
0xb3: {  	s18 =	sld [smem:$0x7CF];
	_ =	sdelay $0x1  }
0xb4: {  	s19 =	sld [smem:$0x7D0]  }
0xb5: {  	[tilespmem:s25], [sflag:$0x1] =	stream.linear.gather [hbm4b:s18+s9], $0x2000, $0x38;
	[tilespmem:$0x1D600] =	vst v63  }
0xb6: {  	s22 =	simm.s32 $0x2200;
	s26 =	sld [smem:$0x7D8]  }
0xb7: {  	[tilespmem:s22], [sflag:$0x2] =	stream.linear.gather [hbm4b:s19+s9], $0x2000, $0x38;
	[tilespmem:$0x1D600] =	vst v63  }
0xb8: {  	s29 =	sld [smem:$0x7D9]  }
0xb9: {  	[tilespmem:s9], [sflag:$0x5] =	stream.linear.gather [hbm4b:s26+s9], $0x40, $0x38;
	[tilespmem:$0x1D600] =	vst v63  }
0xba: {  	s4 =	simm.s32 $0x80;
	s7 =	sadd.s32 $0x0, s5  }
0xbb: {  	[tilespmem:s4], [sflag:$0x6] =	stream.linear.gather [hbm4b:s29+s9], $0x40, $0x38;
	[tilespmem:$0x1D600] =	vst v63  }
0xbc: {  	s16 =	sadd.s32 $0x0, s6;
	s15 =	sadd.s32 $0x400, s7;
	s18 =	simm.s32 $0x4200  }
0xbd: {  	[tilespmem:s18], [sflag:$0x3] =	stream.linear.gather [hbm4b:s15+s9], $0x2000, $0x38;
	[tilespmem:$0x1D600] =	vst v63  }
0xbe: {  	s10 =	sadd.s32 $0x400, s16;
	s7 =	sld [smem:$0x7F6];
	s19 =	simm.s32 $0x6200  }
0xbf: {  	[tilespmem:s19], [sflag:$0x4] =	stream.linear.gather [hbm4b:s10+s9], $0x2000, $0x38;
	[tilespmem:$0x1D600] =	vst v63  }
0xc0: {  	s10 =	sld [smem:$0x7F5]  }
0xc1: {  	s13 =	simm.s32 $0x100;
	s12 =	sadd.s32 s7, s11  }
0xc2: {  	[tilespmem:s13], [sflag:$0x7] =	stream.linear.gather [hbm4b:s12+s9], $0x40, $0x38;
	[tilespmem:$0x1D600] =	vst v63  }
0xc3: {  	s17 =	simm.s32 $0x180;
	s16 =	sadd.s32 s10, s11  }
0xc4: {  	[tilespmem:s17], [sflag:$0x8] =	stream.linear.gather [hbm4b:s16+s9], $0x40, $0x38;
	[tilespmem:$0x1D600] =	vst v63  }
0xc5: {  	_ =	swait.ge [sflag:s31], $0x2000  }
0xc6: {  	[sflag:s31] =	ssyncset.done $0x0  }
0xc7: {  	[sflag:s31] =	ssyncadd.s32 $0xFFFFE000  }
0xc8: {  	_ =	swait.ge [sflag:s0], $0x2000  }
0xc9: {  	[sflag:s0] =	ssyncset.done $0x0  }
0xca: {  	[sflag:s0] =	ssyncadd.s32 $0xFFFFE000  }
0xcb: {  	_ =	swait.ge [sflag:s1], $0x40  }
0xcc: {  	[sflag:s1] =	ssyncset.done $0x0  }
0xcd: {  	[sflag:s1] =	ssyncadd.s32 $0xFFFFFFC0  }
0xce: {  	_ =	swait.ge [sflag:s2], $0x40  }
0xcf: {  	[sflag:s2] =	ssyncset.done $0x0  }
0xd0: {  	[sflag:s2] =	ssyncadd.s32 $0xFFFFFFC0  }
0xd1: {  	s29 =	rddreg [dreg:$0x1]  }
0xd2: {  	[spmem:s29] =	stream.indirect.scatter.add.f32 [tilespmem:s25], [sflag:$0x9], $0x80, s9, s3, $0xb8;
	[tilespmem:$0x1D600] =	vst v63  }
0xd3: {  	_ =	swait.ge [sflag:s8], $0x2000  }
0xd4: {  	[sflag:s8] =	ssyncset.done $0x0  }
0xd5: {  	[sflag:s8] =	ssyncadd.s32 $0xFFFFE000  }
0xd6: {  	p0 =	por $0x0, $0x0;
	s12 =	rddreg [dreg:$0x2]  }
0xd7: {  	[spmem:s12] =	stream.indirect.scatter.add.f32 [tilespmem:s22], [sflag:$0x9], $0x80, s4, s3, $0xb8;
	[tilespmem:$0x1D600] =	vst v63  }
0xd8: {  	s15 =	sadd.s32 @!p0 $0x0, s5;
	_ =	swait.ge [sflag:s8], $0x2000  }
0xd9: {  	s26 =	sadd.s32 @!p0 $0x0, s6;
	s15 =	sadd.s32 @!p0 $0x800, s15;
	[sflag:s8] =	ssyncset.done $0x0  }
0xda: {  	s16 =	simm.s32 @!p0 $0x0;
	s25 =	simm.s32 @!p0 $0x200;
	[sflag:s8] =	ssyncadd.s32 $0xFFFFE000  }
0xdb: {  	[tilespmem:s25], [sflag:$0x1] =	stream.linear.gather @!p0 [hbm4b:s15+s16], $0x2000, $0x38;
	[tilespmem:$0x1D600] =	vst v63  }
0xdc: {  	s15 =	simm.s32 @!p0 $0x2200;
	s25 =	sadd.s32 @!p0 $0x800, s26  }
0xdd: {  	[tilespmem:s15], [sflag:$0x2] =	stream.linear.gather @!p0 [hbm4b:s25+s16], $0x2000, $0x38;
	[tilespmem:$0x1D600] =	vst v63  }
0xde: {  	s15 =	sadd.s32 @!p0 s7, s30  }
0xdf: {  	[tilespmem:s16], [sflag:$0x5] =	stream.linear.gather @!p0 [hbm4b:s15+s16], $0x40, $0x38;
	[tilespmem:$0x1D600] =	vst v63  }
0xe0: {  	s25 =	simm.s32 @!p0 $0x80;
	s15 =	sadd.s32 @!p0 s10, s30  }
0xe1: {  	[tilespmem:s25], [sflag:$0x6] =	stream.linear.gather @!p0 [hbm4b:s15+s16], $0x40, $0x38;
	[tilespmem:$0x1D600] =	vst v63  }
0xe2: {  	_ =	swait.ge [sflag:s23], $0x2000  }
0xe3: {  	[sflag:s23] =	ssyncset.done $0x0  }
0xe4: {  	[sflag:s23] =	ssyncadd.s32 $0xFFFFE000  }
0xe5: {  	_ =	swait.ge [sflag:s24], $0x2000  }
0xe6: {  	[sflag:s24] =	ssyncset.done $0x0  }
0xe7: {  	[sflag:s24] =	ssyncadd.s32 $0xFFFFE000  }
0xe8: {  	_ =	swait.ge [sflag:s20], $0x40  }
0xe9: {  	[sflag:s20] =	ssyncset.done $0x0  }
0xea: {  	[sflag:s20] =	ssyncadd.s32 $0xFFFFFFC0  }
0xeb: {  	_ =	swait.ge [sflag:s21], $0x40  }
0xec: {  	[sflag:s21] =	ssyncset.done $0x0  }
0xed: {  	[sflag:s21] =	ssyncadd.s32 $0xFFFFFFC0  }
0xee: {  	[spmem:s29] =	stream.indirect.scatter.add.f32 [tilespmem:s18], [sflag:$0x9], $0x80, s13, s3, $0xb8;
	[tilespmem:$0x1D600] =	vst v63  }
0xef: {  	_ =	swait.ge [sflag:s8], $0x2000  }
0xf0: {  	s28 =	sadd.s32 $0x10, s7;
	s4 =	smov.u32 s11;
	[sflag:s8] =	ssyncset.done $0x0  }
0xf1: {  	s26 =	sadd.s32 $0x10, s10;
	s15 =	simm.s32 $0x800;
	[sflag:s8] =	ssyncadd.s32 $0xFFFFE000  }
0xf2: {  	[spmem:s12] =	stream.indirect.scatter.add.f32 [tilespmem:s19], [sflag:$0x9], $0x80, s17, s3, $0xb8;
	[tilespmem:$0x1D600] =	vst v63  }
0xf3: {  	s16 =	simm.s32 $0x1000;
	s25 =	sadd.s32 $0x800, s5;
	_ =	swait.ge [sflag:s8], $0x2000  }
.LBB2_2:
0xf4: {  	s29 =	sadd.s32 $0x400, s25;
	[sflag:s8] =	ssyncset.done $0x0  }
0xf5: {  	s11 =	sadd.s32 s15, s6;
	s18 =	simm.s32 $0x4200;
	[sflag:s8] =	ssyncadd.s32 $0xFFFFE000  }
0xf6: {  	[tilespmem:s18], [sflag:$0x3] =	stream.linear.gather [hbm4b:s29+s9], $0x2000, $0x38;
	[tilespmem:$0x1D600] =	vst v63  }
0xf7: {  	s19 =	simm.s32 $0x6200;
	s11 =	sadd.s32 $0x400, s11  }
0xf8: {  	[tilespmem:s19], [sflag:$0x4] =	stream.linear.gather [hbm4b:s11+s9], $0x2000, $0x38;
	[tilespmem:$0x1D600] =	vst v63  }
0xf9: {  	s17 =	sadd.s32 s28, s4;
	s13 =	simm.s32 $0x100  }
0xfa: {  	[tilespmem:s13], [sflag:$0x7] =	stream.linear.gather [hbm4b:s17+s9], $0x40, $0x38;
	[tilespmem:$0x1D600] =	vst v63  }
0xfb: {  	s22 =	sadd.s32 s26, s4;
	s17 =	simm.s32 $0x180  }
0xfc: {  	[tilespmem:s17], [sflag:$0x8] =	stream.linear.gather [hbm4b:s22+s9], $0x40, $0x38;
	[tilespmem:$0x1D600] =	vst v63  }
0xfd: {  	_ =	swait.ge [sflag:s31], $0x2000  }
0xfe: {  	[sflag:s31] =	ssyncset.done $0x0  }
0xff: {  	[sflag:s31] =	ssyncadd.s32 $0xFFFFE000  }
0x100: {  	_ =	swait.ge [sflag:s0], $0x2000  }
0x101: {  	[sflag:s0] =	ssyncset.done $0x0  }
0x102: {  	[sflag:s0] =	ssyncadd.s32 $0xFFFFE000  }
0x103: {  	_ =	swait.ge [sflag:s1], $0x40  }
0x104: {  	[sflag:s1] =	ssyncset.done $0x0  }
0x105: {  	[sflag:s1] =	ssyncadd.s32 $0xFFFFFFC0  }
0x106: {  	_ =	swait.ge [sflag:s2], $0x40  }
0x107: {  	[sflag:s2] =	ssyncset.done $0x0  }
0x108: {  	[sflag:s2] =	ssyncadd.s32 $0xFFFFFFC0  }
0x109: {  	s7 =	simm.s32 $0x200;
	s22 =	rddreg [dreg:$0x1]  }
0x10a: {  	[spmem:s22] =	stream.indirect.scatter.add.f32 [tilespmem:s7], [sflag:$0x9], $0x80, s9, s3, $0xb8;
	[tilespmem:$0x1D600] =	vst v63  }
0x10b: {  	_ =	swait.ge [sflag:s8], $0x2000  }
0x10c: {  	[sflag:s8] =	ssyncset.done $0x0  }
0x10d: {  	p1 =	seq.s32 s15, $0x14800;
	[sflag:s8] =	ssyncadd.s32 $0xFFFFE000  }
0x10e: {  	s10 =	simm.s32 $0x80;
	s29 =	simm.s32 $0x2200;
	s12 =	rddreg [dreg:$0x2]  }
0x10f: {  	[spmem:s12] =	stream.indirect.scatter.add.f32 [tilespmem:s29], [sflag:$0x9], $0x80, s10, s3, $0xb8;
	[tilespmem:$0x1D600] =	vst v63  }
0x110: {  	s11 =	sadd.s32 @!p1 s15, s5;
	_ =	swait.ge [sflag:s8], $0x2000  }
0x111: {  	s15 =	sadd.s32 @!p1 s15, s6;
	s11 =	sadd.s32 @!p1 $0x800, s11;
	[sflag:s8] =	ssyncset.done $0x0  }
0x112: {  	s29 =	simm.s32 @!p1 $0x0;
	s10 =	simm.s32 @!p1 $0x200;
	[sflag:s8] =	ssyncadd.s32 $0xFFFFE000  }
0x113: {  	[tilespmem:s10], [sflag:$0x1] =	stream.linear.gather @!p1 [hbm4b:s11+s29], $0x2000, $0x38;
	[tilespmem:$0x1D600] =	vst v63  }
0x114: {  	s7 =	simm.s32 @!p1 $0x2200;
	s10 =	sadd.s32 @!p1 $0x800, s15  }
0x115: {  	[tilespmem:s7], [sflag:$0x2] =	stream.linear.gather @!p1 [hbm4b:s10+s29], $0x2000, $0x38;
	[tilespmem:$0x1D600] =	vst v63  }
0x116: {  	s11 =	sadd.s32 @!p1 s28, s30  }
0x117: {  	[tilespmem:s29], [sflag:$0x5] =	stream.linear.gather @!p1 [hbm4b:s11+s29], $0x40, $0x38;
	[tilespmem:$0x1D600] =	vst v63  }
0x118: {  	s7 =	sadd.s32 @!p1 s26, s30;
	s10 =	simm.s32 @!p1 $0x80  }
0x119: {  	[tilespmem:s10], [sflag:$0x6] =	stream.linear.gather @!p1 [hbm4b:s7+s29], $0x40, $0x38;
	[tilespmem:$0x1D600] =	vst v63  }
0x11a: {  	_ =	swait.ge [sflag:s23], $0x2000  }
0x11b: {  	[sflag:s23] =	ssyncset.done $0x0  }
0x11c: {  	[sflag:s23] =	ssyncadd.s32 $0xFFFFE000  }
0x11d: {  	_ =	swait.ge [sflag:s24], $0x2000  }
0x11e: {  	[sflag:s24] =	ssyncset.done $0x0  }
0x11f: {  	[sflag:s24] =	ssyncadd.s32 $0xFFFFE000  }
0x120: {  	_ =	swait.ge [sflag:s20], $0x40  }
0x121: {  	[sflag:s20] =	ssyncset.done $0x0  }
0x122: {  	[sflag:s20] =	ssyncadd.s32 $0xFFFFFFC0  }
0x123: {  	_ =	swait.ge [sflag:s21], $0x40  }
0x124: {  	s25 =	smov.u32 s16;
	s16 =	sadd.s32 $0x800, s16;
	[sflag:s21] =	ssyncset.done $0x0  }
0x125: {  	p0 =	sne.s32 s16, $0x15000;
	[sflag:s21] =	ssyncadd.s32 $0xFFFFFFC0  }
0x126: {  	[spmem:s22] =	stream.indirect.scatter.add.f32 [tilespmem:s18], [sflag:$0x9], $0x80, s13, s3, $0xb8;
	[tilespmem:$0x1D600] =	vst v63  }
.Ltmp0:
0x127: {  	_ =	swait.ge [sflag:s8], $0x2000;
	(pc) =	sbr.rel @p0 .LBB2_2-.Ltmp0, $4  }
0x128: {  	[sflag:s8] =	ssyncset.done $0x0  }
0x129: {  	s15 =	smov.u32 s25;
	s28 =	sadd.s32 $0x10, s28;
	[sflag:s8] =	ssyncadd.s32 $0xFFFFE000  }
0x12a: {  	[spmem:s12] =	stream.indirect.scatter.add.f32 [tilespmem:s19], [sflag:$0x9], $0x80, s17, s3, $0xb8;
	[tilespmem:$0x1D600] =	vst v63  }
0x12b: {  	s25 =	sadd.s32 s15, s5;
	s26 =	sadd.s32 $0x10, s26;
	_ =	swait.ge [sflag:s8], $0x2000  }
0x12c: {  	[sflag:s8] =	ssyncset.done $0x0;
	s7 =	sadd.s32 $0x400, s25  }
0x12d: {  	s10 =	sadd.s32 s15, s6;
	s29 =	simm.s32 $0x4200;
	[sflag:s8] =	ssyncadd.s32 $0xFFFFE000  }
0x12e: {  	[tilespmem:s29], [sflag:$0x3] =	stream.linear.gather [hbm4b:s7+s9], $0x2000, $0x38;
	[tilespmem:$0x1D600] =	vst v63  }
0x12f: {  	s18 =	simm.s32 $0x6200;
	s22 =	sadd.s32 $0x400, s10  }
0x130: {  	[tilespmem:s18], [sflag:$0x4] =	stream.linear.gather [hbm4b:s22+s9], $0x2000, $0x38;
	[tilespmem:$0x1D600] =	vst v63  }
0x131: {  	s25 =	sadd.s32 s28, s4;
	s19 =	simm.s32 $0x100  }
0x132: {  	[tilespmem:s19], [sflag:$0x7] =	stream.linear.gather [hbm4b:s25+s9], $0x40, $0x38;
	[tilespmem:$0x1D600] =	vst v63  }
0x133: {  	s13 =	simm.s32 $0x180;
	s10 =	sadd.s32 s26, s4  }
0x134: {  	[tilespmem:s13], [sflag:$0x8] =	stream.linear.gather [hbm4b:s10+s9], $0x40, $0x38;
	[tilespmem:$0x1D600] =	vst v63  }
0x135: {  	_ =	swait.ge [sflag:s31], $0x2000  }
0x136: {  	[sflag:s31] =	ssyncset.done $0x0  }
0x137: {  	[sflag:s31] =	ssyncadd.s32 $0xFFFFE000  }
0x138: {  	_ =	swait.ge [sflag:s0], $0x2000  }
0x139: {  	[sflag:s0] =	ssyncset.done $0x0  }
0x13a: {  	[sflag:s0] =	ssyncadd.s32 $0xFFFFE000  }
0x13b: {  	_ =	swait.ge [sflag:s1], $0x40  }
0x13c: {  	[sflag:s1] =	ssyncset.done $0x0  }
0x13d: {  	[sflag:s1] =	ssyncadd.s32 $0xFFFFFFC0  }
0x13e: {  	_ =	swait.ge [sflag:s2], $0x40  }
0x13f: {  	[sflag:s2] =	ssyncset.done $0x0  }
0x140: {  	[sflag:s2] =	ssyncadd.s32 $0xFFFFFFC0  }
0x141: {  	s4 =	simm.s32 $0x200;
	s16 =	rddreg [dreg:$0x1]  }
0x142: {  	[spmem:s16] =	stream.indirect.scatter.add.f32 [tilespmem:s4], [sflag:$0x9], $0x80, s9, s3, $0xb8;
	[tilespmem:$0x1D600] =	vst v63  }
0x143: {  	_ =	swait.ge [sflag:s8], $0x2000  }
0x144: {  	[sflag:s8] =	ssyncset.done $0x0  }
0x145: {  	p0 =	seq.s32 s15, $0x14800;
	[sflag:s8] =	ssyncadd.s32 $0xFFFFE000  }
0x146: {  	s12 =	simm.s32 $0x2200;
	s17 =	simm.s32 $0x80;
	s22 =	rddreg [dreg:$0x2]  }
0x147: {  	[spmem:s22] =	stream.indirect.scatter.add.f32 [tilespmem:s12], [sflag:$0x9], $0x80, s17, s3, $0xb8;
	[tilespmem:$0x1D600] =	vst v63  }
0x148: {  	s11 =	simm.s32 @!p0 $0x200;
	_ =	swait.ge [sflag:s8], $0x2000  }
0x149: {  	s7 =	sadd.s32 @!p0 s15, s5;
	s15 =	sadd.s32 @!p0 s15, s6;
	[sflag:s8] =	ssyncset.done $0x0  }
0x14a: {  	s7 =	sadd.s32 @!p0 $0x800, s7;
	s10 =	simm.s32 @!p0 $0x0;
	[sflag:s8] =	ssyncadd.s32 $0xFFFFE000  }
0x14b: {  	[tilespmem:s11], [sflag:$0x1] =	stream.linear.gather @!p0 [hbm4b:s7+s10], $0x2000, $0x38;
	[tilespmem:$0x1D600] =	vst v63  }
0x14c: {  	s7 =	simm.s32 @!p0 $0x2200;
	s11 =	sadd.s32 @!p0 $0x800, s15  }
0x14d: {  	[tilespmem:s7], [sflag:$0x2] =	stream.linear.gather @!p0 [hbm4b:s11+s10], $0x2000, $0x38;
	[tilespmem:$0x1D600] =	vst v63  }
0x14e: {  	s7 =	sadd.s32 @!p0 s28, s30  }
0x14f: {  	[tilespmem:s10], [sflag:$0x5] =	stream.linear.gather @!p0 [hbm4b:s7+s10], $0x40, $0x38;
	[tilespmem:$0x1D600] =	vst v63  }
0x150: {  	s11 =	simm.s32 @!p0 $0x80;
	s7 =	sadd.s32 @!p0 s26, s30  }
0x151: {  	[tilespmem:s11], [sflag:$0x6] =	stream.linear.gather @!p0 [hbm4b:s7+s10], $0x40, $0x38;
	[tilespmem:$0x1D600] =	vst v63  }
0x152: {  	_ =	swait.ge [sflag:s23], $0x2000  }
0x153: {  	[sflag:s23] =	ssyncset.done $0x0  }
0x154: {  	[sflag:s23] =	ssyncadd.s32 $0xFFFFE000  }
0x155: {  	_ =	swait.ge [sflag:s24], $0x2000  }
0x156: {  	[sflag:s24] =	ssyncset.done $0x0  }
0x157: {  	[sflag:s24] =	ssyncadd.s32 $0xFFFFE000  }
0x158: {  	_ =	swait.ge [sflag:s20], $0x40  }
0x159: {  	[sflag:s20] =	ssyncset.done $0x0  }
0x15a: {  	[sflag:s20] =	ssyncadd.s32 $0xFFFFFFC0  }
0x15b: {  	_ =	swait.ge [sflag:s21], $0x40  }
0x15c: {  	[sflag:s21] =	ssyncset.done $0x0  }
0x15d: {  	[sflag:s21] =	ssyncadd.s32 $0xFFFFFFC0  }
0x15e: {  	[spmem:s16] =	stream.indirect.scatter.add.f32 [tilespmem:s29], [sflag:$0x9], $0x80, s19, s3, $0xb8;
	[tilespmem:$0x1D600] =	vst v63  }
0x15f: {  	_ =	swait.ge [sflag:s8], $0x2000  }
0x160: {  	[sflag:s8] =	ssyncset.done $0x0  }
0x161: {  	[sflag:s8] =	ssyncadd.s32 $0xFFFFE000  }
0x162: {  	[spmem:s22] =	stream.indirect.scatter.add.f32 [tilespmem:s18], [sflag:$0x9], $0x80, s13, s3, $0xb8;
	[tilespmem:$0x1D600] =	vst v63  }
0x163: {  	_ =	swait.ge [sflag:s8], $0x2000  }
0x164: {  	[sflag:s8] =	ssyncset.done $0x0  }
0x165: {  	[sflag:s8] =	ssyncadd.s32 $0xFFFFE000  }
0x166: {  	[bflag:$0x0] =	sbarrier.arrive $0xFFFF  }
0x167: {  	s5 =	sld [smem:$0x7F7];
	_ =	sdelay $0x2  }
0x168: {  	[tilespmem:s4], [sflag:$0x9] =	stream.linear.gather [spmem:s5], $0x2000, $0x38;
	[tilespmem:$0x1D600] =	vst v63  }
0x169: {  	_ =	swait.ge [sflag:s8], $0x2000  }
0x16a: {  	[sflag:s8] =	ssyncset.done $0x0  }
0x16b: {  	s15 =	simm.s32 $0x0;
	s11 =	rddreg [dreg:$0x5];
	[sflag:s8] =	ssyncadd.s32 $0xFFFFE000  }
0x16c: {  	[hbm4b:s11+s15] =	stream.linear.scatter [tilespmem:s4], [sflag:$0x9], $0x2000, $0x38;
	[tilespmem:$0x1D600] =	vst v63  }
0x16d: {  	_ =	swait.ge [sflag:s8], $0x2000  }
0x16e: {  	s25 =	sld [smem:$0x7DF]  }
0x16f: {  	[sflag:s8] =	ssyncset.done $0x0  }
0x170: {  	[sflag:s8] =	ssyncadd.s32 $0xFFFFE000  }
0x171: {  	[tilespmem:s4], [sflag:$0x9] =	stream.linear.gather [spmem:s25], $0x2000, $0x38;
	[tilespmem:$0x1D600] =	vst v63  }
0x172: {  	_ =	swait.ge [sflag:s8], $0x2000  }
0x173: {  	[sflag:s8] =	ssyncset.done $0x0  }
0x174: {  	s26 =	rddreg [dreg:$0x6];
	[sflag:s8] =	ssyncadd.s32 $0xFFFFE000  }
0x175: {  	[hbm4b:s26+s15] =	stream.linear.scatter [tilespmem:s4], [sflag:$0x9], $0x2000, $0x38;
	[tilespmem:$0x1D600] =	vst v63  }
0x176: {  	_ =	swait.ge [sflag:s8], $0x2000  }
0x177: {  	s30 =	sld [smem:$0x7E0]  }
0x178: {  	[sflag:s8] =	ssyncset.done $0x0  }
0x179: {  	[sflag:s8] =	ssyncadd.s32 $0xFFFFE000  }
0x17a: {  	[tilespmem:s4], [sflag:$0x9] =	stream.linear.gather [spmem:s30], $0x2000, $0x38;
	[tilespmem:$0x1D600] =	vst v63  }
0x17b: {  	_ =	swait.ge [sflag:s8], $0x2000  }
0x17c: {  	[sflag:s8] =	ssyncset.done $0x0  }
0x17d: {  	s6 =	rddreg [dreg:$0x7];
	[sflag:s8] =	ssyncadd.s32 $0xFFFFE000  }
0x17e: {  	[hbm4b:s6+s15] =	stream.linear.scatter [tilespmem:s4], [sflag:$0x9], $0x2000, $0x38;
	[tilespmem:$0x1D600] =	vst v63  }
0x17f: {  	_ =	swait.ge [sflag:s8], $0x2000  }
0x180: {  	s10 =	sld [smem:$0x7E1]  }
0x181: {  	[sflag:s8] =	ssyncset.done $0x0  }
0x182: {  	[sflag:s8] =	ssyncadd.s32 $0xFFFFE000  }
0x183: {  	[tilespmem:s4], [sflag:$0x9] =	stream.linear.gather [spmem:s10], $0x2000, $0x38;
	[tilespmem:$0x1D600] =	vst v63  }
0x184: {  	_ =	swait.ge [sflag:s8], $0x2000  }
0x185: {  	[sflag:s8] =	ssyncset.done $0x0  }
0x186: {  	s11 =	rddreg [dreg:$0x8];
	[sflag:s8] =	ssyncadd.s32 $0xFFFFE000  }
0x187: {  	[hbm4b:s11+s15] =	stream.linear.scatter [tilespmem:s4], [sflag:$0x9], $0x2000, $0x38;
	[tilespmem:$0x1D600] =	vst v63  }
0x188: {  	_ =	swait.ge [sflag:s8], $0x2000  }
0x189: {  	s25 =	sld [smem:$0x7E2]  }
0x18a: {  	[sflag:s8] =	ssyncset.done $0x0  }
0x18b: {  	[sflag:s8] =	ssyncadd.s32 $0xFFFFE000  }
0x18c: {  	[tilespmem:s4], [sflag:$0x9] =	stream.linear.gather [spmem:s25], $0x2000, $0x38;
	[tilespmem:$0x1D600] =	vst v63  }
0x18d: {  	_ =	swait.ge [sflag:s8], $0x2000  }
0x18e: {  	[sflag:s8] =	ssyncset.done $0x0  }
0x18f: {  	s26 =	rddreg [dreg:$0x9];
	[sflag:s8] =	ssyncadd.s32 $0xFFFFE000  }
0x190: {  	[hbm4b:s26+s15] =	stream.linear.scatter [tilespmem:s4], [sflag:$0x9], $0x2000, $0x38;
	[tilespmem:$0x1D600] =	vst v63  }
0x191: {  	_ =	swait.ge [sflag:s8], $0x2000  }
0x192: {  	s30 =	sld [smem:$0x7E3]  }
0x193: {  	[sflag:s8] =	ssyncset.done $0x0  }
0x194: {  	[sflag:s8] =	ssyncadd.s32 $0xFFFFE000  }
0x195: {  	[tilespmem:s4], [sflag:$0x9] =	stream.linear.gather [spmem:s30], $0x2000, $0x38;
	[tilespmem:$0x1D600] =	vst v63  }
0x196: {  	_ =	swait.ge [sflag:s8], $0x2000  }
0x197: {  	[sflag:s8] =	ssyncset.done $0x0  }
0x198: {  	s6 =	rddreg [dreg:$0xa];
	[sflag:s8] =	ssyncadd.s32 $0xFFFFE000  }
0x199: {  	[hbm4b:s6+s15] =	stream.linear.scatter [tilespmem:s4], [sflag:$0x9], $0x2000, $0x38;
	[tilespmem:$0x1D600] =	vst v63  }
0x19a: {  	_ =	swait.ge [sflag:s8], $0x2000  }
0x19b: {  	s10 =	sld [smem:$0x7E4]  }
0x19c: {  	[sflag:s8] =	ssyncset.done $0x0  }
0x19d: {  	[sflag:s8] =	ssyncadd.s32 $0xFFFFE000  }
0x19e: {  	[tilespmem:s4], [sflag:$0x9] =	stream.linear.gather [spmem:s10], $0x2000, $0x38;
	[tilespmem:$0x1D600] =	vst v63  }
0x19f: {  	_ =	swait.ge [sflag:s8], $0x2000  }
0x1a0: {  	[sflag:s8] =	ssyncset.done $0x0  }
0x1a1: {  	s11 =	rddreg [dreg:$0xb];
	[sflag:s8] =	ssyncadd.s32 $0xFFFFE000  }
0x1a2: {  	[hbm4b:s11+s15] =	stream.linear.scatter [tilespmem:s4], [sflag:$0x9], $0x2000, $0x38;
	[tilespmem:$0x1D600] =	vst v63  }
0x1a3: {  	_ =	swait.ge [sflag:s8], $0x2000  }
0x1a4: {  	s25 =	sld [smem:$0x7E5]  }
0x1a5: {  	[sflag:s8] =	ssyncset.done $0x0  }
0x1a6: {  	[sflag:s8] =	ssyncadd.s32 $0xFFFFE000  }
0x1a7: {  	[tilespmem:s4], [sflag:$0x9] =	stream.linear.gather [spmem:s25], $0x2000, $0x38;
	[tilespmem:$0x1D600] =	vst v63  }
0x1a8: {  	_ =	swait.ge [sflag:s8], $0x2000  }
0x1a9: {  	[sflag:s8] =	ssyncset.done $0x0  }
0x1aa: {  	s26 =	rddreg [dreg:$0xc];
	[sflag:s8] =	ssyncadd.s32 $0xFFFFE000  }
0x1ab: {  	[hbm4b:s26+s15] =	stream.linear.scatter [tilespmem:s4], [sflag:$0x9], $0x2000, $0x38;
	[tilespmem:$0x1D600] =	vst v63  }
0x1ac: {  	_ =	swait.ge [sflag:s8], $0x2000  }
0x1ad: {  	s30 =	sld [smem:$0x7E6]  }
0x1ae: {  	[sflag:s8] =	ssyncset.done $0x0  }
0x1af: {  	[sflag:s8] =	ssyncadd.s32 $0xFFFFE000  }
0x1b0: {  	[tilespmem:s4], [sflag:$0x9] =	stream.linear.gather [spmem:s30], $0x2000, $0x38;
	[tilespmem:$0x1D600] =	vst v63  }
0x1b1: {  	_ =	swait.ge [sflag:s8], $0x2000  }
0x1b2: {  	[sflag:s8] =	ssyncset.done $0x0  }
0x1b3: {  	s6 =	rddreg [dreg:$0xd];
	[sflag:s8] =	ssyncadd.s32 $0xFFFFE000  }
0x1b4: {  	[hbm4b:s6+s15] =	stream.linear.scatter [tilespmem:s4], [sflag:$0x9], $0x2000, $0x38;
	[tilespmem:$0x1D600] =	vst v63  }
0x1b5: {  	_ =	swait.ge [sflag:s8], $0x2000  }
0x1b6: {  	s10 =	sld [smem:$0x7E7]  }
0x1b7: {  	[sflag:s8] =	ssyncset.done $0x0  }
0x1b8: {  	[sflag:s8] =	ssyncadd.s32 $0xFFFFE000  }
0x1b9: {  	[tilespmem:s4], [sflag:$0x9] =	stream.linear.gather [spmem:s10], $0x2000, $0x38;
	[tilespmem:$0x1D600] =	vst v63  }
0x1ba: {  	_ =	swait.ge [sflag:s8], $0x2000  }
0x1bb: {  	[sflag:s8] =	ssyncset.done $0x0  }
0x1bc: {  	s11 =	rddreg [dreg:$0xe];
	[sflag:s8] =	ssyncadd.s32 $0xFFFFE000  }
0x1bd: {  	[hbm4b:s11+s15] =	stream.linear.scatter [tilespmem:s4], [sflag:$0x9], $0x2000, $0x38;
	[tilespmem:$0x1D600] =	vst v63  }
0x1be: {  	_ =	swait.ge [sflag:s8], $0x2000  }
0x1bf: {  	s10 =	sld [smem:$0x7F8]  }
0x1c0: {  	[sflag:s8] =	ssyncset.done $0x0  }
0x1c1: {  	[sflag:s8] =	ssyncadd.s32 $0xFFFFE000  }
0x1c2: {  	[tilespmem:s12], [sflag:$0x9] =	stream.linear.gather [spmem:s10], $0x1400, $0x38;
	[tilespmem:$0x1D600] =	vst v63  }
0x1c3: {  	_ =	swait.ge [sflag:s8], $0x1400  }
0x1c4: {  	s25 =	sld [smem:$0x7DA]  }
0x1c5: {  	[sflag:s8] =	ssyncset.done $0x0  }
0x1c6: {  	[sflag:s8] =	ssyncadd.s32 $0xFFFFEC00  }
0x1c7: {  	[hbm4b:s25+s15] =	stream.linear.scatter [tilespmem:s12], [sflag:$0x9], $0x1400, $0x38;
	[tilespmem:$0x1D600] =	vst v63  }
0x1c8: {  	_ =	swait.ge [sflag:s8], $0x1400  }
0x1c9: {  	[sflag:s8] =	ssyncset.done $0x0  }
0x1ca: {  	[sflag:s8] =	ssyncadd.s32 $0xFFFFEC00  }
0x1cb: {  	[bflag:$0x0] =	sbarrier.arrive $0xFFFF  }
0x1cc: {  	s26 =	sld [smem:$0x7D7];
	_ =	sdelay $0x2  }
0x1cd: {  	[tilespmem:s4], [sflag:$0x9] =	stream.linear.gather [hbm4b:s26+s15], $0x2000, $0x38;
	[tilespmem:$0x1D600] =	vst v63  }
0x1ce: {  	_ =	swait.ge [sflag:s8], $0x2000  }
0x1cf: {  	[sflag:s8] =	ssyncset.done $0x0  }
0x1d0: {  	[sflag:s8] =	ssyncadd.s32 $0xFFFFE000  }
0x1d1: {  	[spmem:s5] =	stream.linear.scatter [tilespmem:s4], [sflag:$0x9], $0x2000, $0x38;
	[tilespmem:$0x1D600] =	vst v63  }
0x1d2: {  	_ =	swait.ge [sflag:s8], $0x2000  }
0x1d3: {  	s30 =	sld [smem:$0x7E8]  }
0x1d4: {  	[sflag:s8] =	ssyncset.done $0x0  }
0x1d5: {  	[sflag:s8] =	ssyncadd.s32 $0xFFFFE000  }
0x1d6: {  	[spmem:s30] =	stream.linear.scatter [tilespmem:s4], [sflag:$0x9], $0x2000, $0x38;
	[tilespmem:$0x1D600] =	vst v63  }
0x1d7: {  	_ =	swait.ge [sflag:s8], $0x2000  }
0x1d8: {  	s5 =	sld [smem:$0x7E9]  }
0x1d9: {  	[sflag:s8] =	ssyncset.done $0x0  }
0x1da: {  	[sflag:s8] =	ssyncadd.s32 $0xFFFFE000  }
0x1db: {  	[spmem:s5] =	stream.linear.scatter [tilespmem:s4], [sflag:$0x9], $0x2000, $0x38;
	[tilespmem:$0x1D600] =	vst v63  }
0x1dc: {  	_ =	swait.ge [sflag:s8], $0x2000  }
0x1dd: {  	s6 =	sld [smem:$0x7EA]  }
0x1de: {  	[sflag:s8] =	ssyncset.done $0x0  }
0x1df: {  	[sflag:s8] =	ssyncadd.s32 $0xFFFFE000  }
0x1e0: {  	[spmem:s6] =	stream.linear.scatter [tilespmem:s4], [sflag:$0x9], $0x2000, $0x38;
	[tilespmem:$0x1D600] =	vst v63  }
0x1e1: {  	_ =	swait.ge [sflag:s8], $0x2000  }
0x1e2: {  	s11 =	sld [smem:$0x7EB]  }
0x1e3: {  	[sflag:s8] =	ssyncset.done $0x0  }
0x1e4: {  	[sflag:s8] =	ssyncadd.s32 $0xFFFFE000  }
0x1e5: {  	[spmem:s11] =	stream.linear.scatter [tilespmem:s4], [sflag:$0x9], $0x2000, $0x38;
	[tilespmem:$0x1D600] =	vst v63  }
0x1e6: {  	_ =	swait.ge [sflag:s8], $0x2000  }
0x1e7: {  	s25 =	sld [smem:$0x7EC]  }
0x1e8: {  	[sflag:s8] =	ssyncset.done $0x0  }
0x1e9: {  	[sflag:s8] =	ssyncadd.s32 $0xFFFFE000  }
0x1ea: {  	[spmem:s25] =	stream.linear.scatter [tilespmem:s4], [sflag:$0x9], $0x2000, $0x38;
	[tilespmem:$0x1D600] =	vst v63  }
0x1eb: {  	_ =	swait.ge [sflag:s8], $0x2000  }
0x1ec: {  	s26 =	sld [smem:$0x7ED]  }
0x1ed: {  	[sflag:s8] =	ssyncset.done $0x0  }
0x1ee: {  	[sflag:s8] =	ssyncadd.s32 $0xFFFFE000  }
0x1ef: {  	[spmem:s26] =	stream.linear.scatter [tilespmem:s4], [sflag:$0x9], $0x2000, $0x38;
	[tilespmem:$0x1D600] =	vst v63  }
0x1f0: {  	_ =	swait.ge [sflag:s8], $0x2000  }
0x1f1: {  	s30 =	sld [smem:$0x7EE]  }
0x1f2: {  	[sflag:s8] =	ssyncset.done $0x0  }
0x1f3: {  	[sflag:s8] =	ssyncadd.s32 $0xFFFFE000  }
0x1f4: {  	[spmem:s30] =	stream.linear.scatter [tilespmem:s4], [sflag:$0x9], $0x2000, $0x38;
	[tilespmem:$0x1D600] =	vst v63  }
0x1f5: {  	_ =	swait.ge [sflag:s8], $0x2000  }
0x1f6: {  	s5 =	sld [smem:$0x7EF]  }
0x1f7: {  	[sflag:s8] =	ssyncset.done $0x0  }
0x1f8: {  	[sflag:s8] =	ssyncadd.s32 $0xFFFFE000  }
0x1f9: {  	[spmem:s5] =	stream.linear.scatter [tilespmem:s4], [sflag:$0x9], $0x2000, $0x38;
	[tilespmem:$0x1D600] =	vst v63  }
0x1fa: {  	_ =	swait.ge [sflag:s8], $0x2000  }
0x1fb: {  	s6 =	sld [smem:$0x7F0]  }
0x1fc: {  	[sflag:s8] =	ssyncset.done $0x0  }
0x1fd: {  	[sflag:s8] =	ssyncadd.s32 $0xFFFFE000  }
0x1fe: {  	[spmem:s6] =	stream.linear.scatter [tilespmem:s4], [sflag:$0x9], $0x2000, $0x38;
	[tilespmem:$0x1D600] =	vst v63  }
0x1ff: {  	_ =	swait.ge [sflag:s8], $0x2000  }
0x200: {  	[sflag:s8] =	ssyncset.done $0x0  }
0x201: {  	[sflag:s8] =	ssyncadd.s32 $0xFFFFE000  }
0x202: {  	[spmem:s10] =	stream.linear.scatter [tilespmem:s4], [sflag:$0x9], $0x1400, $0x38;
	[tilespmem:$0x1D600] =	vst v63  }
0x203: {  	_ =	swait.ge [sflag:s8], $0x1400  }
0x204: {  	[sflag:s8] =	ssyncset.done $0x0  }
0x205: {  	[sflag:s8] =	ssyncadd.s32 $0xFFFFEC00  }
0x206: {  	[bflag:$0x0] =	sbarrier.arrive $0xFFFF  }
0x207: {  	s10 =	sld [smem:$0x7D1];
	_ =	sdelay $0x1  }
0x208: {  	s11 =	sld [smem:$0x7D2]  }
0x209: {  	[tilespmem:s4], [sflag:$0x1] =	stream.linear.gather [hbm4b:s10+s15], $0x2000, $0x38;
	[tilespmem:$0x1D600] =	vst v63  }
0x20a: {  	s25 =	sld [smem:$0x7D8]  }
0x20b: {  	[tilespmem:s12], [sflag:$0x2] =	stream.linear.gather [hbm4b:s11+s15], $0x2000, $0x38;
	[tilespmem:$0x1D600] =	vst v63  }
0x20c: {  	s26 =	sld [smem:$0x7D9]  }
0x20d: {  	[tilespmem:s15], [sflag:$0x5] =	stream.linear.gather [hbm4b:s25+s15], $0x40, $0x38;
	[tilespmem:$0x1D600] =	vst v63  }
0x20e: {  	s25 =	sld [smem:$0x7F1];
	_ =	sdelay $0x1  }
0x20f: {  	[tilespmem:s17], [sflag:$0x6] =	stream.linear.gather [hbm4b:s26+s15], $0x40, $0x38;
	[tilespmem:$0x1D600] =	vst v63  }
0x210: {  	s26 =	sld [smem:$0x7F2];
	s30 =	sadd.s32 s25, s14  }
0x211: {  	s6 =	sadd.s32 $0x2A0400, s30  }
0x212: {  	[tilespmem:s29], [sflag:$0x3] =	stream.linear.gather [hbm4b:s6+s9], $0x2000, $0x38;
	[tilespmem:$0x1D600] =	vst v63  }
0x213: {  	s10 =	sadd.s32 s26, s14;
	s6 =	sld [smem:$0x7F4]  }
0x214: {  	s5 =	sld [smem:$0x7F3];
	s11 =	sadd.s32 $0x2A0400, s10  }
0x215: {  	[tilespmem:s18], [sflag:$0x4] =	stream.linear.gather [hbm4b:s11+s9], $0x2000, $0x38;
	[tilespmem:$0x1D600] =	vst v63  }
0x216: {  	[smem:$0x7BF] =	sst s30;
	s15 =	sadd.s32 $0x0, s6  }
0x217: {  	[tilespmem:s19], [sflag:$0x7] =	stream.linear.gather [hbm4b:s15+s9], $0x40, $0x38;
	[tilespmem:$0x1D600] =	vst v63  }
0x218: {  	s30 =	sadd.s32 $0x0, s5;
	[smem:$0x7C0] =	sst s10  }
0x219: {  	[tilespmem:s13], [sflag:$0x8] =	stream.linear.gather [hbm4b:s30+s9], $0x40, $0x38;
	[tilespmem:$0x1D600] =	vst v63  }
0x21a: {  	_ =	swait.ge [sflag:s31], $0x2000  }
0x21b: {  	[sflag:s31] =	ssyncset.done $0x0  }
0x21c: {  	[sflag:s31] =	ssyncadd.s32 $0xFFFFE000  }
0x21d: {  	_ =	swait.ge [sflag:s0], $0x2000  }
0x21e: {  	[sflag:s0] =	ssyncset.done $0x0  }
0x21f: {  	[sflag:s0] =	ssyncadd.s32 $0xFFFFE000  }
0x220: {  	_ =	swait.ge [sflag:s1], $0x40  }
0x221: {  	[sflag:s1] =	ssyncset.done $0x0  }
0x222: {  	[sflag:s1] =	ssyncadd.s32 $0xFFFFFFC0  }
0x223: {  	_ =	swait.ge [sflag:s2], $0x40  }
0x224: {  	[sflag:s2] =	ssyncset.done $0x0  }
0x225: {  	[sflag:s2] =	ssyncadd.s32 $0xFFFFFFC0  }
0x226: {  	[spmem:s16] =	stream.indirect.scatter.add.f32 [tilespmem:s4], [sflag:$0x9], $0x80, s9, s3, $0xb8;
	[tilespmem:$0x1D600] =	vst v63  }
0x227: {  	_ =	swait.ge [sflag:s8], $0x2000  }
0x228: {  	p0 =	por $0x0, $0x0;
	[sflag:s8] =	ssyncset.done $0x0  }
0x229: {  	s7 =	sadd.s32 @!p0 s25, s14;
	[sflag:s8] =	ssyncadd.s32 $0xFFFFE000  }
0x22a: {  	[spmem:s22] =	stream.indirect.scatter.add.f32 [tilespmem:s12], [sflag:$0x9], $0x80, s17, s3, $0xb8;
	[tilespmem:$0x1D600] =	vst v63  }
0x22b: {  	s7 =	sadd.s32 @!p0 $0x2A0800, s7;
	_ =	swait.ge [sflag:s8], $0x2000  }
0x22c: {  	s10 =	simm.s32 @!p0 $0x0;
	s11 =	simm.s32 @!p0 $0x200;
	[sflag:s8] =	ssyncset.done $0x0  }
0x22d: {  	s15 =	sadd.s32 @!p0 s26, s14;
	s4 =	sld [smem:$0x7FD];
	[sflag:s8] =	ssyncadd.s32 $0xFFFFE000  }
0x22e: {  	[tilespmem:s11], [sflag:$0x1] =	stream.linear.gather @!p0 [hbm4b:s7+s10], $0x2000, $0x38;
	[tilespmem:$0x1D600] =	vst v63  }
0x22f: {  	s7 =	simm.s32 @!p0 $0x2200;
	s11 =	sadd.s32 @!p0 $0x2A0800, s15  }
0x230: {  	[tilespmem:s7], [sflag:$0x2] =	stream.linear.gather @!p0 [hbm4b:s11+s10], $0x2000, $0x38;
	[tilespmem:$0x1D600] =	vst v63  }
0x231: {  	s7 =	sadd.s32 @!p0 $0x0, s4  }
0x232: {  	[tilespmem:s10], [sflag:$0x5] =	stream.linear.gather @!p0 [hbm4b:s7+s10], $0x40, $0x38;
	[tilespmem:$0x1D600] =	vst v63  }
0x233: {  	s7 =	rddreg [dreg:$0x4]  }
0x234: {  	s11 =	simm.s32 @!p0 $0x80;
	s7 =	sadd.s32 @!p0 $0x0, s7  }
0x235: {  	[tilespmem:s11], [sflag:$0x6] =	stream.linear.gather @!p0 [hbm4b:s7+s10], $0x40, $0x38;
	[tilespmem:$0x1D600] =	vst v63  }
0x236: {  	_ =	swait.ge [sflag:s23], $0x2000  }
0x237: {  	[sflag:s23] =	ssyncset.done $0x0  }
0x238: {  	[sflag:s23] =	ssyncadd.s32 $0xFFFFE000  }
0x239: {  	_ =	swait.ge [sflag:s24], $0x2000  }
0x23a: {  	[sflag:s24] =	ssyncset.done $0x0  }
0x23b: {  	[sflag:s24] =	ssyncadd.s32 $0xFFFFE000  }
0x23c: {  	_ =	swait.ge [sflag:s20], $0x40  }
0x23d: {  	[sflag:s20] =	ssyncset.done $0x0  }
0x23e: {  	[sflag:s20] =	ssyncadd.s32 $0xFFFFFFC0  }
0x23f: {  	_ =	swait.ge [sflag:s21], $0x40  }
0x240: {  	[sflag:s21] =	ssyncset.done $0x0  }
0x241: {  	[sflag:s21] =	ssyncadd.s32 $0xFFFFFFC0  }
0x242: {  	[spmem:s16] =	stream.indirect.scatter.add.f32 [tilespmem:s29], [sflag:$0x9], $0x80, s19, s3, $0xb8;
	[tilespmem:$0x1D600] =	vst v63  }
0x243: {  	_ =	swait.ge [sflag:s8], $0x2000  }
0x244: {  	s28 =	simm.s32 $0x10;
	[sflag:s8] =	ssyncset.done $0x0  }
0x245: {  	s26 =	sadd.s32 $0x800, s26;
	s15 =	sadd.s32 $0x800, s25;
	[sflag:s8] =	ssyncadd.s32 $0xFFFFE000  }
0x246: {  	[spmem:s22] =	stream.indirect.scatter.add.f32 [tilespmem:s18], [sflag:$0x9], $0x80, s13, s3, $0xb8;
	[tilespmem:$0x1D600] =	vst v63  }
0x247: {  	s25 =	sadd.s32 s15, s14;
	s16 =	simm.s32 $0x20;
	_ =	swait.ge [sflag:s8], $0x2000  }
.LBB2_4:
0x248: {  	s7 =	sadd.s32 $0x2A0400, s25;
	[sflag:s8] =	ssyncset.done $0x0  }
0x249: {  	s10 =	sadd.s32 s26, s14;
	s18 =	simm.s32 $0x4200;
	[sflag:s8] =	ssyncadd.s32 $0xFFFFE000  }
0x24a: {  	[tilespmem:s18], [sflag:$0x3] =	stream.linear.gather [hbm4b:s7+s9], $0x2000, $0x38;
	[tilespmem:$0x1D600] =	vst v63  }
0x24b: {  	s19 =	simm.s32 $0x6200;
	s17 =	sadd.s32 $0x2A0400, s10  }
0x24c: {  	[tilespmem:s19], [sflag:$0x4] =	stream.linear.gather [hbm4b:s17+s9], $0x2000, $0x38;
	[tilespmem:$0x1D600] =	vst v63  }
0x24d: {  	s22 =	sadd.s32 s28, s6;
	s13 =	simm.s32 $0x100  }
0x24e: {  	[tilespmem:s13], [sflag:$0x7] =	stream.linear.gather [hbm4b:s22+s9], $0x40, $0x38;
	[tilespmem:$0x1D600] =	vst v63  }
0x24f: {  	s29 =	sadd.s32 s28, s5;
	s17 =	simm.s32 $0x180  }
0x250: {  	[tilespmem:s17], [sflag:$0x8] =	stream.linear.gather [hbm4b:s29+s9], $0x40, $0x38;
	[tilespmem:$0x1D600] =	vst v63  }
0x251: {  	_ =	swait.ge [sflag:s31], $0x2000  }
0x252: {  	[sflag:s31] =	ssyncset.done $0x0  }
0x253: {  	[sflag:s31] =	ssyncadd.s32 $0xFFFFE000  }
0x254: {  	_ =	swait.ge [sflag:s0], $0x2000  }
0x255: {  	[sflag:s0] =	ssyncset.done $0x0  }
0x256: {  	[sflag:s0] =	ssyncadd.s32 $0xFFFFE000  }
0x257: {  	_ =	swait.ge [sflag:s1], $0x40  }
0x258: {  	[sflag:s1] =	ssyncset.done $0x0  }
0x259: {  	[sflag:s1] =	ssyncadd.s32 $0xFFFFFFC0  }
0x25a: {  	_ =	swait.ge [sflag:s2], $0x40  }
0x25b: {  	[sflag:s2] =	ssyncset.done $0x0  }
0x25c: {  	[sflag:s2] =	ssyncadd.s32 $0xFFFFFFC0  }
0x25d: {  	s10 =	simm.s32 $0x200;
	s22 =	rddreg [dreg:$0x1]  }
0x25e: {  	[spmem:s22] =	stream.indirect.scatter.add.f32 [tilespmem:s10], [sflag:$0x9], $0x80, s9, s3, $0xb8;
	[tilespmem:$0x1D600] =	vst v63  }
0x25f: {  	_ =	swait.ge [sflag:s8], $0x2000  }
0x260: {  	[sflag:s8] =	ssyncset.done $0x0  }
0x261: {  	p1 =	seq.s32 s28, $0x290;
	[sflag:s8] =	ssyncadd.s32 $0xFFFFE000  }
0x262: {  	s11 =	simm.s32 $0x2200;
	s29 =	simm.s32 $0x80;
	s12 =	rddreg [dreg:$0x2]  }
0x263: {  	[spmem:s12] =	stream.indirect.scatter.add.f32 [tilespmem:s11], [sflag:$0x9], $0x80, s29, s3, $0xb8;
	[tilespmem:$0x1D600] =	vst v63  }
0x264: {  	s7 =	sadd.s32 @!p1 s15, s14;
	_ =	swait.ge [sflag:s8], $0x2000  }
0x265: {  	s7 =	sadd.s32 @!p1 $0x2A0800, s7;
	s10 =	simm.s32 @!p1 $0x0;
	[sflag:s8] =	ssyncset.done $0x0  }
0x266: {  	s11 =	simm.s32 @!p1 $0x200;
	s29 =	sadd.s32 @!p1 s26, s14;
	[sflag:s8] =	ssyncadd.s32 $0xFFFFE000  }
0x267: {  	[tilespmem:s11], [sflag:$0x1] =	stream.linear.gather @!p1 [hbm4b:s7+s10], $0x2000, $0x38;
	[tilespmem:$0x1D600] =	vst v63  }
0x268: {  	s30 =	simm.s32 @!p1 $0x2200;
	s7 =	sadd.s32 @!p1 $0x2A0800, s29  }
0x269: {  	[tilespmem:s30], [sflag:$0x2] =	stream.linear.gather @!p1 [hbm4b:s7+s10], $0x2000, $0x38;
	[tilespmem:$0x1D600] =	vst v63  }
0x26a: {  	s11 =	sadd.s32 @!p1 s28, s4;
	s30 =	rddreg [dreg:$0x4]  }
0x26b: {  	[tilespmem:s10], [sflag:$0x5] =	stream.linear.gather @!p1 [hbm4b:s11+s10], $0x40, $0x38;
	[tilespmem:$0x1D600] =	vst v63  }
0x26c: {  	s29 =	simm.s32 @!p1 $0x80;
	s7 =	sadd.s32 @!p1 s28, s30  }
0x26d: {  	[tilespmem:s29], [sflag:$0x6] =	stream.linear.gather @!p1 [hbm4b:s7+s10], $0x40, $0x38;
	[tilespmem:$0x1D600] =	vst v63  }
0x26e: {  	_ =	swait.ge [sflag:s23], $0x2000  }
0x26f: {  	[sflag:s23] =	ssyncset.done $0x0  }
0x270: {  	[sflag:s23] =	ssyncadd.s32 $0xFFFFE000  }
0x271: {  	_ =	swait.ge [sflag:s24], $0x2000  }
0x272: {  	[sflag:s24] =	ssyncset.done $0x0  }
0x273: {  	[sflag:s24] =	ssyncadd.s32 $0xFFFFE000  }
0x274: {  	_ =	swait.ge [sflag:s20], $0x40  }
0x275: {  	[sflag:s20] =	ssyncset.done $0x0  }
0x276: {  	[sflag:s20] =	ssyncadd.s32 $0xFFFFFFC0  }
0x277: {  	_ =	swait.ge [sflag:s21], $0x40  }
0x278: {  	s25 =	smov.u32 s16;
	s16 =	sadd.s32 $0x10, s16;
	[sflag:s21] =	ssyncset.done $0x0  }
0x279: {  	p0 =	sne.s32 s16, $0x2A0;
	[sflag:s21] =	ssyncadd.s32 $0xFFFFFFC0  }
0x27a: {  	[spmem:s22] =	stream.indirect.scatter.add.f32 [tilespmem:s18], [sflag:$0x9], $0x80, s13, s3, $0xb8;
	[tilespmem:$0x1D600] =	vst v63  }
.Ltmp1:
0x27b: {  	_ =	swait.ge [sflag:s8], $0x2000;
	(pc) =	sbr.rel @p0 .LBB2_4-.Ltmp1, $4  }
0x27c: {  	[sflag:s8] =	ssyncset.done $0x0  }
0x27d: {  	s15 =	sadd.s32 $0x800, s15;
	s26 =	sadd.s32 $0x800, s26;
	[sflag:s8] =	ssyncadd.s32 $0xFFFFE000  }
0x27e: {  	[spmem:s12] =	stream.indirect.scatter.add.f32 [tilespmem:s19], [sflag:$0x9], $0x80, s17, s3, $0xb8;
	[tilespmem:$0x1D600] =	vst v63  }
0x27f: {  	s28 =	smov.u32 s25;
	s25 =	sadd.s32 s15, s14;
	_ =	swait.ge [sflag:s8], $0x2000  }
0x280: {  	[sflag:s8] =	ssyncset.done $0x0;
	s7 =	sadd.s32 $0x2A0400, s25  }
0x281: {  	s10 =	sadd.s32 s26, s14;
	s17 =	simm.s32 $0x4200;
	[sflag:s8] =	ssyncadd.s32 $0xFFFFE000  }
0x282: {  	[tilespmem:s17], [sflag:$0x3] =	stream.linear.gather [hbm4b:s7+s9], $0x2000, $0x38;
	[tilespmem:$0x1D600] =	vst v63  }
0x283: {  	s18 =	simm.s32 $0x6200;
	s25 =	sadd.s32 $0x2A0400, s10  }
0x284: {  	[tilespmem:s18], [sflag:$0x4] =	stream.linear.gather [hbm4b:s25+s9], $0x2000, $0x38;
	[tilespmem:$0x1D600] =	vst v63  }
0x285: {  	s29 =	sadd.s32 s28, s6;
	s19 =	simm.s32 $0x100  }
0x286: {  	[tilespmem:s19], [sflag:$0x7] =	stream.linear.gather [hbm4b:s29+s9], $0x40, $0x38;
	[tilespmem:$0x1D600] =	vst v63  }
0x287: {  	s13 =	simm.s32 $0x180;
	s10 =	sadd.s32 s28, s5  }
0x288: {  	[tilespmem:s13], [sflag:$0x8] =	stream.linear.gather [hbm4b:s10+s9], $0x40, $0x38;
	[tilespmem:$0x1D600] =	vst v63  }
0x289: {  	_ =	swait.ge [sflag:s31], $0x2000  }
0x28a: {  	[sflag:s31] =	ssyncset.done $0x0  }
0x28b: {  	[sflag:s31] =	ssyncadd.s32 $0xFFFFE000  }
0x28c: {  	_ =	swait.ge [sflag:s0], $0x2000  }
0x28d: {  	[sflag:s0] =	ssyncset.done $0x0  }
0x28e: {  	[sflag:s0] =	ssyncadd.s32 $0xFFFFE000  }
0x28f: {  	_ =	swait.ge [sflag:s1], $0x40  }
0x290: {  	[sflag:s1] =	ssyncset.done $0x0  }
0x291: {  	[sflag:s1] =	ssyncadd.s32 $0xFFFFFFC0  }
0x292: {  	_ =	swait.ge [sflag:s2], $0x40  }
0x293: {  	[sflag:s2] =	ssyncset.done $0x0  }
0x294: {  	[sflag:s2] =	ssyncadd.s32 $0xFFFFFFC0  }
0x295: {  	s16 =	simm.s32 $0x200;
	s29 =	rddreg [dreg:$0x1]  }
0x296: {  	[spmem:s29] =	stream.indirect.scatter.add.f32 [tilespmem:s16], [sflag:$0x9], $0x80, s9, s3, $0xb8;
	[tilespmem:$0x1D600] =	vst v63  }
0x297: {  	_ =	swait.ge [sflag:s8], $0x2000  }
0x298: {  	[sflag:s8] =	ssyncset.done $0x0  }
0x299: {  	p0 =	seq.s32 s28, $0x290;
	[sflag:s8] =	ssyncadd.s32 $0xFFFFE000  }
0x29a: {  	s12 =	simm.s32 $0x2200;
	s25 =	simm.s32 $0x80;
	s22 =	rddreg [dreg:$0x2]  }
0x29b: {  	[spmem:s22] =	stream.indirect.scatter.add.f32 [tilespmem:s12], [sflag:$0x9], $0x80, s25, s3, $0xb8;
	[tilespmem:$0x1D600] =	vst v63  }
0x29c: {  	s11 =	simm.s32 @!p0 $0x200;
	_ =	swait.ge [sflag:s8], $0x2000  }
0x29d: {  	s7 =	sadd.s32 @!p0 s15, s14;
	s15 =	sadd.s32 @!p0 s26, s14;
	[sflag:s8] =	ssyncset.done $0x0  }
0x29e: {  	s7 =	sadd.s32 @!p0 $0x2A0800, s7;
	s10 =	simm.s32 @!p0 $0x0;
	[sflag:s8] =	ssyncadd.s32 $0xFFFFE000  }
0x29f: {  	[tilespmem:s11], [sflag:$0x1] =	stream.linear.gather @!p0 [hbm4b:s7+s10], $0x2000, $0x38;
	[tilespmem:$0x1D600] =	vst v63  }
0x2a0: {  	s7 =	simm.s32 @!p0 $0x2200;
	s11 =	sadd.s32 @!p0 $0x2A0800, s15  }
0x2a1: {  	[tilespmem:s7], [sflag:$0x2] =	stream.linear.gather @!p0 [hbm4b:s11+s10], $0x2000, $0x38;
	[tilespmem:$0x1D600] =	vst v63  }
0x2a2: {  	s7 =	sadd.s32 @!p0 s28, s4  }
0x2a3: {  	[tilespmem:s10], [sflag:$0x5] =	stream.linear.gather @!p0 [hbm4b:s7+s10], $0x40, $0x38;
	[tilespmem:$0x1D600] =	vst v63  }
0x2a4: {  	s11 =	simm.s32 @!p0 $0x80;
	s7 =	sadd.s32 @!p0 s28, s30  }
0x2a5: {  	[tilespmem:s11], [sflag:$0x6] =	stream.linear.gather @!p0 [hbm4b:s7+s10], $0x40, $0x38;
	[tilespmem:$0x1D600] =	vst v63  }
0x2a6: {  	_ =	swait.ge [sflag:s23], $0x2000  }
0x2a7: {  	[sflag:s23] =	ssyncset.done $0x0  }
0x2a8: {  	[sflag:s23] =	ssyncadd.s32 $0xFFFFE000  }
0x2a9: {  	_ =	swait.ge [sflag:s24], $0x2000  }
0x2aa: {  	[sflag:s24] =	ssyncset.done $0x0  }
0x2ab: {  	[sflag:s24] =	ssyncadd.s32 $0xFFFFE000  }
0x2ac: {  	_ =	swait.ge [sflag:s20], $0x40  }
0x2ad: {  	[sflag:s20] =	ssyncset.done $0x0  }
0x2ae: {  	[sflag:s20] =	ssyncadd.s32 $0xFFFFFFC0  }
0x2af: {  	_ =	swait.ge [sflag:s21], $0x40  }
0x2b0: {  	[sflag:s21] =	ssyncset.done $0x0  }
0x2b1: {  	[sflag:s21] =	ssyncadd.s32 $0xFFFFFFC0  }
0x2b2: {  	[spmem:s29] =	stream.indirect.scatter.add.f32 [tilespmem:s17], [sflag:$0x9], $0x80, s19, s3, $0xb8;
	[tilespmem:$0x1D600] =	vst v63  }
0x2b3: {  	_ =	swait.ge [sflag:s8], $0x2000  }
0x2b4: {  	[sflag:s8] =	ssyncset.done $0x0  }
0x2b5: {  	[sflag:s8] =	ssyncadd.s32 $0xFFFFE000  }
0x2b6: {  	[spmem:s22] =	stream.indirect.scatter.add.f32 [tilespmem:s18], [sflag:$0x9], $0x80, s13, s3, $0xb8;
	[tilespmem:$0x1D600] =	vst v63  }
0x2b7: {  	_ =	swait.ge [sflag:s8], $0x2000  }
0x2b8: {  	[sflag:s8] =	ssyncset.done $0x0  }
0x2b9: {  	[sflag:s8] =	ssyncadd.s32 $0xFFFFE000  }
0x2ba: {  	[bflag:$0x0] =	sbarrier.arrive $0xFFFF  }
0x2bb: {  	s10 =	sld [smem:$0x7F7];
	_ =	sdelay $0x2  }
0x2bc: {  	[tilespmem:s16], [sflag:$0x9] =	stream.linear.gather [spmem:s10], $0x2000, $0x38;
	[tilespmem:$0x1D600] =	vst v63  }
0x2bd: {  	_ =	swait.ge [sflag:s8], $0x2000  }
0x2be: {  	[sflag:s8] =	ssyncset.done $0x0  }
0x2bf: {  	s15 =	simm.s32 $0x0;
	s11 =	rddreg [dreg:$0xf];
	[sflag:s8] =	ssyncadd.s32 $0xFFFFE000  }
0x2c0: {  	[hbm4b:s11+s15] =	stream.linear.scatter [tilespmem:s16], [sflag:$0x9], $0x2000, $0x38;
	[tilespmem:$0x1D600] =	vst v63  }
0x2c1: {  	_ =	swait.ge [sflag:s8], $0x2000  }
0x2c2: {  	s26 =	sld [smem:$0x7DF]  }
0x2c3: {  	[sflag:s8] =	ssyncset.done $0x0  }
0x2c4: {  	[sflag:s8] =	ssyncadd.s32 $0xFFFFE000  }
0x2c5: {  	[tilespmem:s16], [sflag:$0x9] =	stream.linear.gather [spmem:s26], $0x2000, $0x38;
	[tilespmem:$0x1D600] =	vst v63  }
0x2c6: {  	_ =	swait.ge [sflag:s8], $0x2000  }
0x2c7: {  	[sflag:s8] =	ssyncset.done $0x0  }
0x2c8: {  	s11 =	rddreg [dreg:$0x10];
	[sflag:s8] =	ssyncadd.s32 $0xFFFFE000  }
0x2c9: {  	[hbm4b:s11+s15] =	stream.linear.scatter [tilespmem:s16], [sflag:$0x9], $0x2000, $0x38;
	[tilespmem:$0x1D600] =	vst v63  }
0x2ca: {  	_ =	swait.ge [sflag:s8], $0x2000  }
0x2cb: {  	s26 =	sld [smem:$0x7E0]  }
0x2cc: {  	[sflag:s8] =	ssyncset.done $0x0  }
0x2cd: {  	[sflag:s8] =	ssyncadd.s32 $0xFFFFE000  }
0x2ce: {  	[tilespmem:s16], [sflag:$0x9] =	stream.linear.gather [spmem:s26], $0x2000, $0x38;
	[tilespmem:$0x1D600] =	vst v63  }
0x2cf: {  	_ =	swait.ge [sflag:s8], $0x2000  }
0x2d0: {  	[sflag:s8] =	ssyncset.done $0x0  }
0x2d1: {  	s11 =	rddreg [dreg:$0x11];
	[sflag:s8] =	ssyncadd.s32 $0xFFFFE000  }
0x2d2: {  	[hbm4b:s11+s15] =	stream.linear.scatter [tilespmem:s16], [sflag:$0x9], $0x2000, $0x38;
	[tilespmem:$0x1D600] =	vst v63  }
0x2d3: {  	_ =	swait.ge [sflag:s8], $0x2000  }
0x2d4: {  	s26 =	sld [smem:$0x7E1]  }
0x2d5: {  	[sflag:s8] =	ssyncset.done $0x0  }
0x2d6: {  	[sflag:s8] =	ssyncadd.s32 $0xFFFFE000  }
0x2d7: {  	[tilespmem:s16], [sflag:$0x9] =	stream.linear.gather [spmem:s26], $0x2000, $0x38;
	[tilespmem:$0x1D600] =	vst v63  }
0x2d8: {  	_ =	swait.ge [sflag:s8], $0x2000  }
0x2d9: {  	[sflag:s8] =	ssyncset.done $0x0  }
0x2da: {  	s11 =	rddreg [dreg:$0x12];
	[sflag:s8] =	ssyncadd.s32 $0xFFFFE000  }
0x2db: {  	[hbm4b:s11+s15] =	stream.linear.scatter [tilespmem:s16], [sflag:$0x9], $0x2000, $0x38;
	[tilespmem:$0x1D600] =	vst v63  }
0x2dc: {  	_ =	swait.ge [sflag:s8], $0x2000  }
0x2dd: {  	s26 =	sld [smem:$0x7E2]  }
0x2de: {  	[sflag:s8] =	ssyncset.done $0x0  }
0x2df: {  	[sflag:s8] =	ssyncadd.s32 $0xFFFFE000  }
0x2e0: {  	[tilespmem:s16], [sflag:$0x9] =	stream.linear.gather [spmem:s26], $0x2000, $0x38;
	[tilespmem:$0x1D600] =	vst v63  }
0x2e1: {  	_ =	swait.ge [sflag:s8], $0x2000  }
0x2e2: {  	[sflag:s8] =	ssyncset.done $0x0  }
0x2e3: {  	s11 =	rddreg [dreg:$0x13];
	[sflag:s8] =	ssyncadd.s32 $0xFFFFE000  }
0x2e4: {  	[hbm4b:s11+s15] =	stream.linear.scatter [tilespmem:s16], [sflag:$0x9], $0x2000, $0x38;
	[tilespmem:$0x1D600] =	vst v63  }
0x2e5: {  	_ =	swait.ge [sflag:s8], $0x2000  }
0x2e6: {  	s26 =	sld [smem:$0x7E3]  }
0x2e7: {  	[sflag:s8] =	ssyncset.done $0x0  }
0x2e8: {  	[sflag:s8] =	ssyncadd.s32 $0xFFFFE000  }
0x2e9: {  	[tilespmem:s16], [sflag:$0x9] =	stream.linear.gather [spmem:s26], $0x2000, $0x38;
	[tilespmem:$0x1D600] =	vst v63  }
0x2ea: {  	_ =	swait.ge [sflag:s8], $0x2000  }
0x2eb: {  	[sflag:s8] =	ssyncset.done $0x0  }
0x2ec: {  	s11 =	rddreg [dreg:$0x14];
	[sflag:s8] =	ssyncadd.s32 $0xFFFFE000  }
0x2ed: {  	[hbm4b:s11+s15] =	stream.linear.scatter [tilespmem:s16], [sflag:$0x9], $0x2000, $0x38;
	[tilespmem:$0x1D600] =	vst v63  }
0x2ee: {  	_ =	swait.ge [sflag:s8], $0x2000  }
0x2ef: {  	s26 =	sld [smem:$0x7E4]  }
0x2f0: {  	[sflag:s8] =	ssyncset.done $0x0  }
0x2f1: {  	[sflag:s8] =	ssyncadd.s32 $0xFFFFE000  }
0x2f2: {  	[tilespmem:s16], [sflag:$0x9] =	stream.linear.gather [spmem:s26], $0x2000, $0x38;
	[tilespmem:$0x1D600] =	vst v63  }
0x2f3: {  	_ =	swait.ge [sflag:s8], $0x2000  }
0x2f4: {  	[sflag:s8] =	ssyncset.done $0x0  }
0x2f5: {  	s11 =	rddreg [dreg:$0x15];
	[sflag:s8] =	ssyncadd.s32 $0xFFFFE000  }
0x2f6: {  	[hbm4b:s11+s15] =	stream.linear.scatter [tilespmem:s16], [sflag:$0x9], $0x2000, $0x38;
	[tilespmem:$0x1D600] =	vst v63  }
0x2f7: {  	_ =	swait.ge [sflag:s8], $0x2000  }
0x2f8: {  	s26 =	sld [smem:$0x7E5]  }
0x2f9: {  	[sflag:s8] =	ssyncset.done $0x0  }
0x2fa: {  	[sflag:s8] =	ssyncadd.s32 $0xFFFFE000  }
0x2fb: {  	[tilespmem:s16], [sflag:$0x9] =	stream.linear.gather [spmem:s26], $0x2000, $0x38;
	[tilespmem:$0x1D600] =	vst v63  }
0x2fc: {  	_ =	swait.ge [sflag:s8], $0x2000  }
0x2fd: {  	[sflag:s8] =	ssyncset.done $0x0  }
0x2fe: {  	s11 =	rddreg [dreg:$0x16];
	[sflag:s8] =	ssyncadd.s32 $0xFFFFE000  }
0x2ff: {  	[hbm4b:s11+s15] =	stream.linear.scatter [tilespmem:s16], [sflag:$0x9], $0x2000, $0x38;
	[tilespmem:$0x1D600] =	vst v63  }
0x300: {  	_ =	swait.ge [sflag:s8], $0x2000  }
0x301: {  	s26 =	sld [smem:$0x7E6]  }
0x302: {  	[sflag:s8] =	ssyncset.done $0x0  }
0x303: {  	[sflag:s8] =	ssyncadd.s32 $0xFFFFE000  }
0x304: {  	[tilespmem:s16], [sflag:$0x9] =	stream.linear.gather [spmem:s26], $0x2000, $0x38;
	[tilespmem:$0x1D600] =	vst v63  }
0x305: {  	_ =	swait.ge [sflag:s8], $0x2000  }
0x306: {  	[sflag:s8] =	ssyncset.done $0x0  }
0x307: {  	s11 =	rddreg [dreg:$0x17];
	[sflag:s8] =	ssyncadd.s32 $0xFFFFE000  }
0x308: {  	[hbm4b:s11+s15] =	stream.linear.scatter [tilespmem:s16], [sflag:$0x9], $0x2000, $0x38;
	[tilespmem:$0x1D600] =	vst v63  }
0x309: {  	_ =	swait.ge [sflag:s8], $0x2000  }
0x30a: {  	s26 =	sld [smem:$0x7E7]  }
0x30b: {  	[sflag:s8] =	ssyncset.done $0x0  }
0x30c: {  	[sflag:s8] =	ssyncadd.s32 $0xFFFFE000  }
0x30d: {  	[tilespmem:s16], [sflag:$0x9] =	stream.linear.gather [spmem:s26], $0x2000, $0x38;
	[tilespmem:$0x1D600] =	vst v63  }
0x30e: {  	_ =	swait.ge [sflag:s8], $0x2000  }
0x30f: {  	[sflag:s8] =	ssyncset.done $0x0  }
0x310: {  	s11 =	rddreg [dreg:$0x18];
	[sflag:s8] =	ssyncadd.s32 $0xFFFFE000  }
0x311: {  	[hbm4b:s11+s15] =	stream.linear.scatter [tilespmem:s16], [sflag:$0x9], $0x2000, $0x38;
	[tilespmem:$0x1D600] =	vst v63  }
0x312: {  	_ =	swait.ge [sflag:s8], $0x2000  }
0x313: {  	s11 =	sld [smem:$0x7F8]  }
0x314: {  	[sflag:s8] =	ssyncset.done $0x0  }
0x315: {  	[sflag:s8] =	ssyncadd.s32 $0xFFFFE000  }
0x316: {  	[tilespmem:s12], [sflag:$0x9] =	stream.linear.gather [spmem:s11], $0x1400, $0x38;
	[tilespmem:$0x1D600] =	vst v63  }
0x317: {  	_ =	swait.ge [sflag:s8], $0x1400  }
0x318: {  	s26 =	sld [smem:$0x7DB]  }
0x319: {  	[sflag:s8] =	ssyncset.done $0x0  }
0x31a: {  	[sflag:s8] =	ssyncadd.s32 $0xFFFFEC00  }
0x31b: {  	[hbm4b:s26+s15] =	stream.linear.scatter [tilespmem:s12], [sflag:$0x9], $0x1400, $0x38;
	[tilespmem:$0x1D600] =	vst v63  }
0x31c: {  	_ =	swait.ge [sflag:s8], $0x1400  }
0x31d: {  	[sflag:s8] =	ssyncset.done $0x0  }
0x31e: {  	[sflag:s8] =	ssyncadd.s32 $0xFFFFEC00  }
0x31f: {  	[bflag:$0x0] =	sbarrier.arrive $0xFFFF  }
0x320: {  	s26 =	sld [smem:$0x7D7];
	_ =	sdelay $0x2  }
0x321: {  	[tilespmem:s16], [sflag:$0x9] =	stream.linear.gather [hbm4b:s26+s15], $0x2000, $0x38;
	[tilespmem:$0x1D600] =	vst v63  }
0x322: {  	_ =	swait.ge [sflag:s8], $0x2000  }
0x323: {  	[sflag:s8] =	ssyncset.done $0x0  }
0x324: {  	[sflag:s8] =	ssyncadd.s32 $0xFFFFE000  }
0x325: {  	[spmem:s10] =	stream.linear.scatter [tilespmem:s16], [sflag:$0x9], $0x2000, $0x38;
	[tilespmem:$0x1D600] =	vst v63  }
0x326: {  	_ =	swait.ge [sflag:s8], $0x2000  }
0x327: {  	s10 =	sld [smem:$0x7E8]  }
0x328: {  	[sflag:s8] =	ssyncset.done $0x0  }
0x329: {  	[sflag:s8] =	ssyncadd.s32 $0xFFFFE000  }
0x32a: {  	[spmem:s10] =	stream.linear.scatter [tilespmem:s16], [sflag:$0x9], $0x2000, $0x38;
	[tilespmem:$0x1D600] =	vst v63  }
0x32b: {  	_ =	swait.ge [sflag:s8], $0x2000  }
0x32c: {  	s26 =	sld [smem:$0x7E9]  }
0x32d: {  	[sflag:s8] =	ssyncset.done $0x0  }
0x32e: {  	[sflag:s8] =	ssyncadd.s32 $0xFFFFE000  }
0x32f: {  	[spmem:s26] =	stream.linear.scatter [tilespmem:s16], [sflag:$0x9], $0x2000, $0x38;
	[tilespmem:$0x1D600] =	vst v63  }
0x330: {  	_ =	swait.ge [sflag:s8], $0x2000  }
0x331: {  	s10 =	sld [smem:$0x7EA]  }
0x332: {  	[sflag:s8] =	ssyncset.done $0x0  }
0x333: {  	[sflag:s8] =	ssyncadd.s32 $0xFFFFE000  }
0x334: {  	[spmem:s10] =	stream.linear.scatter [tilespmem:s16], [sflag:$0x9], $0x2000, $0x38;
	[tilespmem:$0x1D600] =	vst v63  }
0x335: {  	_ =	swait.ge [sflag:s8], $0x2000  }
0x336: {  	s26 =	sld [smem:$0x7EB]  }
0x337: {  	[sflag:s8] =	ssyncset.done $0x0  }
0x338: {  	[sflag:s8] =	ssyncadd.s32 $0xFFFFE000  }
0x339: {  	[spmem:s26] =	stream.linear.scatter [tilespmem:s16], [sflag:$0x9], $0x2000, $0x38;
	[tilespmem:$0x1D600] =	vst v63  }
0x33a: {  	_ =	swait.ge [sflag:s8], $0x2000  }
0x33b: {  	s10 =	sld [smem:$0x7EC]  }
0x33c: {  	[sflag:s8] =	ssyncset.done $0x0  }
0x33d: {  	[sflag:s8] =	ssyncadd.s32 $0xFFFFE000  }
0x33e: {  	[spmem:s10] =	stream.linear.scatter [tilespmem:s16], [sflag:$0x9], $0x2000, $0x38;
	[tilespmem:$0x1D600] =	vst v63  }
0x33f: {  	_ =	swait.ge [sflag:s8], $0x2000  }
0x340: {  	s26 =	sld [smem:$0x7ED]  }
0x341: {  	[sflag:s8] =	ssyncset.done $0x0  }
0x342: {  	[sflag:s8] =	ssyncadd.s32 $0xFFFFE000  }
0x343: {  	[spmem:s26] =	stream.linear.scatter [tilespmem:s16], [sflag:$0x9], $0x2000, $0x38;
	[tilespmem:$0x1D600] =	vst v63  }
0x344: {  	_ =	swait.ge [sflag:s8], $0x2000  }
0x345: {  	s10 =	sld [smem:$0x7EE]  }
0x346: {  	[sflag:s8] =	ssyncset.done $0x0  }
0x347: {  	[sflag:s8] =	ssyncadd.s32 $0xFFFFE000  }
0x348: {  	[spmem:s10] =	stream.linear.scatter [tilespmem:s16], [sflag:$0x9], $0x2000, $0x38;
	[tilespmem:$0x1D600] =	vst v63  }
0x349: {  	_ =	swait.ge [sflag:s8], $0x2000  }
0x34a: {  	s26 =	sld [smem:$0x7EF]  }
0x34b: {  	[sflag:s8] =	ssyncset.done $0x0  }
0x34c: {  	[sflag:s8] =	ssyncadd.s32 $0xFFFFE000  }
0x34d: {  	[spmem:s26] =	stream.linear.scatter [tilespmem:s16], [sflag:$0x9], $0x2000, $0x38;
	[tilespmem:$0x1D600] =	vst v63  }
0x34e: {  	_ =	swait.ge [sflag:s8], $0x2000  }
0x34f: {  	s10 =	sld [smem:$0x7F0]  }
0x350: {  	[sflag:s8] =	ssyncset.done $0x0  }
0x351: {  	[sflag:s8] =	ssyncadd.s32 $0xFFFFE000  }
0x352: {  	[spmem:s10] =	stream.linear.scatter [tilespmem:s16], [sflag:$0x9], $0x2000, $0x38;
	[tilespmem:$0x1D600] =	vst v63  }
0x353: {  	_ =	swait.ge [sflag:s8], $0x2000  }
0x354: {  	[sflag:s8] =	ssyncset.done $0x0  }
0x355: {  	[sflag:s8] =	ssyncadd.s32 $0xFFFFE000  }
0x356: {  	[spmem:s11] =	stream.linear.scatter [tilespmem:s16], [sflag:$0x9], $0x1400, $0x38;
	[tilespmem:$0x1D600] =	vst v63  }
0x357: {  	_ =	swait.ge [sflag:s8], $0x1400  }
0x358: {  	[sflag:s8] =	ssyncset.done $0x0  }
0x359: {  	[sflag:s8] =	ssyncadd.s32 $0xFFFFEC00  }
0x35a: {  	[bflag:$0x0] =	sbarrier.arrive $0xFFFF  }
0x35b: {  	s26 =	sld [smem:$0x7D3]  }
0x35c: {  	s10 =	sld [smem:$0x7D4]  }
0x35d: {  	s11 =	sld [smem:$0x7D8]  }
0x35e: {  	[tilespmem:s16], [sflag:$0x1] =	stream.linear.gather [hbm4b:s26+s15], $0x2000, $0x38;
	[tilespmem:$0x1D600] =	vst v63  }
0x35f: {  	s26 =	sld [smem:$0x7D9]  }
0x360: {  	[tilespmem:s12], [sflag:$0x2] =	stream.linear.gather [hbm4b:s10+s15], $0x2000, $0x38;
	[tilespmem:$0x1D600] =	vst v63  }
0x361: {  	s10 =	sld [smem:$0x7BF]  }
0x362: {  	[tilespmem:s15], [sflag:$0x5] =	stream.linear.gather [hbm4b:s11+s15], $0x40, $0x38;
	[tilespmem:$0x1D600] =	vst v63  }
0x363: {  	s11 =	sld [smem:$0x7C0]  }
0x364: {  	[tilespmem:s25], [sflag:$0x6] =	stream.linear.gather [hbm4b:s26+s15], $0x40, $0x38;
	[tilespmem:$0x1D600] =	vst v63  }
0x365: {  	s7 =	sadd.s32 $0x540400, s10  }
0x366: {  	[tilespmem:s17], [sflag:$0x3] =	stream.linear.gather [hbm4b:s7+s9], $0x2000, $0x38;
	[tilespmem:$0x1D600] =	vst v63  }
0x367: {  	s7 =	sadd.s32 $0x540400, s11  }
0x368: {  	[tilespmem:s18], [sflag:$0x4] =	stream.linear.gather [hbm4b:s7+s9], $0x2000, $0x38;
	[tilespmem:$0x1D600] =	vst v63  }
0x369: {  	s15 =	sadd.s32 $0x0, s6  }
0x36a: {  	[tilespmem:s19], [sflag:$0x7] =	stream.linear.gather [hbm4b:s15+s9], $0x40, $0x38;
	[tilespmem:$0x1D600] =	vst v63  }
0x36b: {  	s26 =	sadd.s32 $0x0, s5  }
0x36c: {  	[tilespmem:s13], [sflag:$0x8] =	stream.linear.gather [hbm4b:s26+s9], $0x40, $0x38;
	[tilespmem:$0x1D600] =	vst v63  }
0x36d: {  	_ =	swait.ge [sflag:s31], $0x2000  }
0x36e: {  	[sflag:s31] =	ssyncset.done $0x0  }
0x36f: {  	[sflag:s31] =	ssyncadd.s32 $0xFFFFE000  }
0x370: {  	_ =	swait.ge [sflag:s0], $0x2000  }
0x371: {  	[sflag:s0] =	ssyncset.done $0x0  }
0x372: {  	[sflag:s0] =	ssyncadd.s32 $0xFFFFE000  }
0x373: {  	_ =	swait.ge [sflag:s1], $0x40  }
0x374: {  	[sflag:s1] =	ssyncset.done $0x0  }
0x375: {  	[sflag:s1] =	ssyncadd.s32 $0xFFFFFFC0  }
0x376: {  	_ =	swait.ge [sflag:s2], $0x40  }
0x377: {  	[sflag:s2] =	ssyncset.done $0x0  }
0x378: {  	[sflag:s2] =	ssyncadd.s32 $0xFFFFFFC0  }
0x379: {  	[spmem:s29] =	stream.indirect.scatter.add.f32 [tilespmem:s16], [sflag:$0x9], $0x80, s9, s3, $0xb8;
	[tilespmem:$0x1D600] =	vst v63  }
0x37a: {  	_ =	swait.ge [sflag:s8], $0x2000  }
0x37b: {  	[sflag:s8] =	ssyncset.done $0x0  }
0x37c: {  	[sflag:s8] =	ssyncadd.s32 $0xFFFFE000  }
0x37d: {  	[spmem:s22] =	stream.indirect.scatter.add.f32 [tilespmem:s12], [sflag:$0x9], $0x80, s25, s3, $0xb8;
	[tilespmem:$0x1D600] =	vst v63  }
0x37e: {  	_ =	swait.ge [sflag:s8], $0x2000  }
0x37f: {  	s25 =	sld [smem:$0x7F1]  }
0x380: {  	p0 =	por $0x0, $0x0;
	s26 =	sld [smem:$0x7F2]  }
0x381: {  	s10 =	simm.s32 @!p0 $0x0  }
0x382: {  	s11 =	simm.s32 @!p0 $0x200;
	[sflag:s8] =	ssyncset.done $0x0;
	s7 =	sadd.s32 @!p0 s25, s14  }
0x383: {  	[sflag:s8] =	ssyncadd.s32 $0xFFFFE000;
	s15 =	sadd.s32 @!p0 s26, s14;
	s7 =	sadd.s32 @!p0 $0x540800, s7  }
0x384: {  	[tilespmem:s11], [sflag:$0x1] =	stream.linear.gather @!p0 [hbm4b:s7+s10], $0x2000, $0x38;
	[tilespmem:$0x1D600] =	vst v63  }
0x385: {  	s7 =	simm.s32 @!p0 $0x2200;
	s11 =	sadd.s32 @!p0 $0x540800, s15  }
0x386: {  	[tilespmem:s7], [sflag:$0x2] =	stream.linear.gather @!p0 [hbm4b:s11+s10], $0x2000, $0x38;
	[tilespmem:$0x1D600] =	vst v63  }
0x387: {  	s7 =	sadd.s32 @!p0 $0x0, s4  }
0x388: {  	[tilespmem:s10], [sflag:$0x5] =	stream.linear.gather @!p0 [hbm4b:s7+s10], $0x40, $0x38;
	[tilespmem:$0x1D600] =	vst v63  }
0x389: {  	s11 =	simm.s32 @!p0 $0x80;
	s7 =	sadd.s32 @!p0 $0x0, s30  }
0x38a: {  	[tilespmem:s11], [sflag:$0x6] =	stream.linear.gather @!p0 [hbm4b:s7+s10], $0x40, $0x38;
	[tilespmem:$0x1D600] =	vst v63  }
0x38b: {  	_ =	swait.ge [sflag:s23], $0x2000  }
0x38c: {  	[sflag:s23] =	ssyncset.done $0x0  }
0x38d: {  	[sflag:s23] =	ssyncadd.s32 $0xFFFFE000  }
0x38e: {  	_ =	swait.ge [sflag:s24], $0x2000  }
0x38f: {  	[sflag:s24] =	ssyncset.done $0x0  }
0x390: {  	[sflag:s24] =	ssyncadd.s32 $0xFFFFE000  }
0x391: {  	_ =	swait.ge [sflag:s20], $0x40  }
0x392: {  	[sflag:s20] =	ssyncset.done $0x0  }
0x393: {  	[sflag:s20] =	ssyncadd.s32 $0xFFFFFFC0  }
0x394: {  	_ =	swait.ge [sflag:s21], $0x40  }
0x395: {  	[sflag:s21] =	ssyncset.done $0x0  }
0x396: {  	[sflag:s21] =	ssyncadd.s32 $0xFFFFFFC0  }
0x397: {  	[spmem:s29] =	stream.indirect.scatter.add.f32 [tilespmem:s17], [sflag:$0x9], $0x80, s19, s3, $0xb8;
	[tilespmem:$0x1D600] =	vst v63  }
0x398: {  	_ =	swait.ge [sflag:s8], $0x2000  }
0x399: {  	s28 =	simm.s32 $0x10;
	[sflag:s8] =	ssyncset.done $0x0  }
0x39a: {  	s16 =	simm.s32 $0x20;
	s15 =	sadd.s32 $0x800, s25;
	[sflag:s8] =	ssyncadd.s32 $0xFFFFE000  }
0x39b: {  	[spmem:s22] =	stream.indirect.scatter.add.f32 [tilespmem:s18], [sflag:$0x9], $0x80, s13, s3, $0xb8;
	[tilespmem:$0x1D600] =	vst v63  }
0x39c: {  	s26 =	sadd.s32 $0x800, s26;
	s25 =	sadd.s32 s15, s14;
	_ =	swait.ge [sflag:s8], $0x2000  }
.LBB2_6:
0x39d: {  	s7 =	sadd.s32 $0x540400, s25;
	[sflag:s8] =	ssyncset.done $0x0  }
0x39e: {  	s10 =	sadd.s32 s26, s14;
	s18 =	simm.s32 $0x4200;
	[sflag:s8] =	ssyncadd.s32 $0xFFFFE000  }
0x39f: {  	[tilespmem:s18], [sflag:$0x3] =	stream.linear.gather [hbm4b:s7+s9], $0x2000, $0x38;
	[tilespmem:$0x1D600] =	vst v63  }
0x3a0: {  	s19 =	simm.s32 $0x6200;
	s17 =	sadd.s32 $0x540400, s10  }
0x3a1: {  	[tilespmem:s19], [sflag:$0x4] =	stream.linear.gather [hbm4b:s17+s9], $0x2000, $0x38;
	[tilespmem:$0x1D600] =	vst v63  }
0x3a2: {  	s22 =	sadd.s32 s28, s6;
	s13 =	simm.s32 $0x100  }
0x3a3: {  	[tilespmem:s13], [sflag:$0x7] =	stream.linear.gather [hbm4b:s22+s9], $0x40, $0x38;
	[tilespmem:$0x1D600] =	vst v63  }
0x3a4: {  	s29 =	sadd.s32 s28, s5;
	s17 =	simm.s32 $0x180  }
0x3a5: {  	[tilespmem:s17], [sflag:$0x8] =	stream.linear.gather [hbm4b:s29+s9], $0x40, $0x38;
	[tilespmem:$0x1D600] =	vst v63  }
0x3a6: {  	_ =	swait.ge [sflag:s31], $0x2000  }
0x3a7: {  	[sflag:s31] =	ssyncset.done $0x0  }
0x3a8: {  	[sflag:s31] =	ssyncadd.s32 $0xFFFFE000  }
0x3a9: {  	_ =	swait.ge [sflag:s0], $0x2000  }
0x3aa: {  	[sflag:s0] =	ssyncset.done $0x0  }
0x3ab: {  	[sflag:s0] =	ssyncadd.s32 $0xFFFFE000  }
0x3ac: {  	_ =	swait.ge [sflag:s1], $0x40  }
0x3ad: {  	[sflag:s1] =	ssyncset.done $0x0  }
0x3ae: {  	[sflag:s1] =	ssyncadd.s32 $0xFFFFFFC0  }
0x3af: {  	_ =	swait.ge [sflag:s2], $0x40  }
0x3b0: {  	[sflag:s2] =	ssyncset.done $0x0  }
0x3b1: {  	[sflag:s2] =	ssyncadd.s32 $0xFFFFFFC0  }
0x3b2: {  	s10 =	simm.s32 $0x200;
	s22 =	rddreg [dreg:$0x1]  }
0x3b3: {  	[spmem:s22] =	stream.indirect.scatter.add.f32 [tilespmem:s10], [sflag:$0x9], $0x80, s9, s3, $0xb8;
	[tilespmem:$0x1D600] =	vst v63  }
0x3b4: {  	_ =	swait.ge [sflag:s8], $0x2000  }
0x3b5: {  	[sflag:s8] =	ssyncset.done $0x0  }
0x3b6: {  	p1 =	seq.s32 s28, $0x290;
	[sflag:s8] =	ssyncadd.s32 $0xFFFFE000  }
0x3b7: {  	s11 =	simm.s32 $0x2200;
	s29 =	simm.s32 $0x80;
	s12 =	rddreg [dreg:$0x2]  }
0x3b8: {  	[spmem:s12] =	stream.indirect.scatter.add.f32 [tilespmem:s11], [sflag:$0x9], $0x80, s29, s3, $0xb8;
	[tilespmem:$0x1D600] =	vst v63  }
0x3b9: {  	s7 =	sadd.s32 @!p1 s15, s14;
	_ =	swait.ge [sflag:s8], $0x2000  }
0x3ba: {  	s7 =	sadd.s32 @!p1 $0x540800, s7;
	s10 =	simm.s32 @!p1 $0x0;
	[sflag:s8] =	ssyncset.done $0x0  }
0x3bb: {  	s11 =	simm.s32 @!p1 $0x200;
	s29 =	sadd.s32 @!p1 s26, s14;
	[sflag:s8] =	ssyncadd.s32 $0xFFFFE000  }
0x3bc: {  	[tilespmem:s11], [sflag:$0x1] =	stream.linear.gather @!p1 [hbm4b:s7+s10], $0x2000, $0x38;
	[tilespmem:$0x1D600] =	vst v63  }
0x3bd: {  	s30 =	simm.s32 @!p1 $0x2200;
	s7 =	sadd.s32 @!p1 $0x540800, s29  }
0x3be: {  	[tilespmem:s30], [sflag:$0x2] =	stream.linear.gather @!p1 [hbm4b:s7+s10], $0x2000, $0x38;
	[tilespmem:$0x1D600] =	vst v63  }
0x3bf: {  	s11 =	sadd.s32 @!p1 s28, s4;
	s30 =	rddreg [dreg:$0x4]  }
0x3c0: {  	[tilespmem:s10], [sflag:$0x5] =	stream.linear.gather @!p1 [hbm4b:s11+s10], $0x40, $0x38;
	[tilespmem:$0x1D600] =	vst v63  }
0x3c1: {  	s29 =	simm.s32 @!p1 $0x80;
	s7 =	sadd.s32 @!p1 s28, s30  }
0x3c2: {  	[tilespmem:s29], [sflag:$0x6] =	stream.linear.gather @!p1 [hbm4b:s7+s10], $0x40, $0x38;
	[tilespmem:$0x1D600] =	vst v63  }
0x3c3: {  	_ =	swait.ge [sflag:s23], $0x2000  }
0x3c4: {  	[sflag:s23] =	ssyncset.done $0x0  }
0x3c5: {  	[sflag:s23] =	ssyncadd.s32 $0xFFFFE000  }
0x3c6: {  	_ =	swait.ge [sflag:s24], $0x2000  }
0x3c7: {  	[sflag:s24] =	ssyncset.done $0x0  }
0x3c8: {  	[sflag:s24] =	ssyncadd.s32 $0xFFFFE000  }
0x3c9: {  	_ =	swait.ge [sflag:s20], $0x40  }
0x3ca: {  	[sflag:s20] =	ssyncset.done $0x0  }
0x3cb: {  	[sflag:s20] =	ssyncadd.s32 $0xFFFFFFC0  }
0x3cc: {  	_ =	swait.ge [sflag:s21], $0x40  }
0x3cd: {  	s25 =	smov.u32 s16;
	s16 =	sadd.s32 $0x10, s16;
	[sflag:s21] =	ssyncset.done $0x0  }
0x3ce: {  	p0 =	sne.s32 s16, $0x2A0;
	[sflag:s21] =	ssyncadd.s32 $0xFFFFFFC0  }
0x3cf: {  	[spmem:s22] =	stream.indirect.scatter.add.f32 [tilespmem:s18], [sflag:$0x9], $0x80, s13, s3, $0xb8;
	[tilespmem:$0x1D600] =	vst v63  }
.Ltmp2:
0x3d0: {  	_ =	swait.ge [sflag:s8], $0x2000;
	(pc) =	sbr.rel @p0 .LBB2_6-.Ltmp2, $4  }
0x3d1: {  	[sflag:s8] =	ssyncset.done $0x0  }
0x3d2: {  	s15 =	sadd.s32 $0x800, s15;
	s26 =	sadd.s32 $0x800, s26;
	[sflag:s8] =	ssyncadd.s32 $0xFFFFE000  }
0x3d3: {  	[spmem:s12] =	stream.indirect.scatter.add.f32 [tilespmem:s19], [sflag:$0x9], $0x80, s17, s3, $0xb8;
	[tilespmem:$0x1D600] =	vst v63  }
0x3d4: {  	s28 =	smov.u32 s25;
	s25 =	sadd.s32 s15, s14;
	_ =	swait.ge [sflag:s8], $0x2000  }
0x3d5: {  	[sflag:s8] =	ssyncset.done $0x0;
	s7 =	sadd.s32 $0x540400, s25  }
0x3d6: {  	s10 =	sadd.s32 s26, s14;
	s18 =	simm.s32 $0x4200;
	[sflag:s8] =	ssyncadd.s32 $0xFFFFE000  }
0x3d7: {  	[tilespmem:s18], [sflag:$0x3] =	stream.linear.gather [hbm4b:s7+s9], $0x2000, $0x38;
	[tilespmem:$0x1D600] =	vst v63  }
0x3d8: {  	s13 =	simm.s32 $0x6200;
	s25 =	sadd.s32 $0x540400, s10  }
0x3d9: {  	[tilespmem:s13], [sflag:$0x4] =	stream.linear.gather [hbm4b:s25+s9], $0x2000, $0x38;
	[tilespmem:$0x1D600] =	vst v63  }
0x3da: {  	s29 =	sadd.s32 s28, s6;
	s17 =	simm.s32 $0x100  }
0x3db: {  	[tilespmem:s17], [sflag:$0x7] =	stream.linear.gather [hbm4b:s29+s9], $0x40, $0x38;
	[tilespmem:$0x1D600] =	vst v63  }
0x3dc: {  	s19 =	simm.s32 $0x180;
	s10 =	sadd.s32 s28, s5  }
0x3dd: {  	[tilespmem:s19], [sflag:$0x8] =	stream.linear.gather [hbm4b:s10+s9], $0x40, $0x38;
	[tilespmem:$0x1D600] =	vst v63  }
0x3de: {  	_ =	swait.ge [sflag:s31], $0x2000  }
0x3df: {  	[sflag:s31] =	ssyncset.done $0x0  }
0x3e0: {  	[sflag:s31] =	ssyncadd.s32 $0xFFFFE000  }
0x3e1: {  	_ =	swait.ge [sflag:s0], $0x2000  }
0x3e2: {  	[sflag:s0] =	ssyncset.done $0x0  }
0x3e3: {  	[sflag:s0] =	ssyncadd.s32 $0xFFFFE000  }
0x3e4: {  	_ =	swait.ge [sflag:s1], $0x40  }
0x3e5: {  	[sflag:s1] =	ssyncset.done $0x0  }
0x3e6: {  	[sflag:s1] =	ssyncadd.s32 $0xFFFFFFC0  }
0x3e7: {  	_ =	swait.ge [sflag:s2], $0x40  }
0x3e8: {  	[sflag:s2] =	ssyncset.done $0x0  }
0x3e9: {  	[sflag:s2] =	ssyncadd.s32 $0xFFFFFFC0  }
0x3ea: {  	s16 =	simm.s32 $0x200;
	s29 =	rddreg [dreg:$0x1]  }
0x3eb: {  	[spmem:s29] =	stream.indirect.scatter.add.f32 [tilespmem:s16], [sflag:$0x9], $0x80, s9, s3, $0xb8;
	[tilespmem:$0x1D600] =	vst v63  }
0x3ec: {  	_ =	swait.ge [sflag:s8], $0x2000  }
0x3ed: {  	[sflag:s8] =	ssyncset.done $0x0  }
0x3ee: {  	[sflag:s8] =	ssyncadd.s32 $0xFFFFE000  }
0x3ef: {  	s12 =	simm.s32 $0x2200;
	s25 =	simm.s32 $0x80;
	s22 =	rddreg [dreg:$0x2]  }
0x3f0: {  	[spmem:s22] =	stream.indirect.scatter.add.f32 [tilespmem:s12], [sflag:$0x9], $0x80, s25, s3, $0xb8;
	[tilespmem:$0x1D600] =	vst v63  }
0x3f1: {  	p0 =	seq.s32 s28, $0x290;
	_ =	swait.ge [sflag:s8], $0x2000  }
0x3f2: {  	s11 =	simm.s32 @!p0 $0x200;
	s7 =	sadd.s32 @!p0 s15, s14;
	[sflag:s8] =	ssyncset.done $0x0  }
0x3f3: {  	s7 =	sadd.s32 @!p0 $0x540800, s7;
	s10 =	simm.s32 @!p0 $0x0;
	[sflag:s8] =	ssyncadd.s32 $0xFFFFE000  }
0x3f4: {  	[tilespmem:s11], [sflag:$0x1] =	stream.linear.gather @!p0 [hbm4b:s7+s10], $0x2000, $0x38;
	[tilespmem:$0x1D600] =	vst v63  }
0x3f5: {  	s7 =	sadd.s32 @!p0 s26, s14  }
0x3f6: {  	s11 =	simm.s32 @!p0 $0x2200;
	s7 =	sadd.s32 @!p0 $0x540800, s7  }
0x3f7: {  	[tilespmem:s11], [sflag:$0x2] =	stream.linear.gather @!p0 [hbm4b:s7+s10], $0x2000, $0x38;
	[tilespmem:$0x1D600] =	vst v63  }
0x3f8: {  	s7 =	sadd.s32 @!p0 s28, s4  }
0x3f9: {  	[tilespmem:s10], [sflag:$0x5] =	stream.linear.gather @!p0 [hbm4b:s7+s10], $0x40, $0x38;
	[tilespmem:$0x1D600] =	vst v63  }
0x3fa: {  	s11 =	simm.s32 @!p0 $0x80;
	s7 =	sadd.s32 @!p0 s28, s30  }
0x3fb: {  	[tilespmem:s11], [sflag:$0x6] =	stream.linear.gather @!p0 [hbm4b:s7+s10], $0x40, $0x38;
	[tilespmem:$0x1D600] =	vst v63  }
0x3fc: {  	_ =	swait.ge [sflag:s23], $0x2000  }
0x3fd: {  	[sflag:s23] =	ssyncset.done $0x0  }
0x3fe: {  	[sflag:s23] =	ssyncadd.s32 $0xFFFFE000  }
0x3ff: {  	_ =	swait.ge [sflag:s24], $0x2000  }
0x400: {  	[sflag:s24] =	ssyncset.done $0x0  }
0x401: {  	[sflag:s24] =	ssyncadd.s32 $0xFFFFE000  }
0x402: {  	_ =	swait.ge [sflag:s20], $0x40  }
0x403: {  	[sflag:s20] =	ssyncset.done $0x0  }
0x404: {  	[sflag:s20] =	ssyncadd.s32 $0xFFFFFFC0  }
0x405: {  	_ =	swait.ge [sflag:s21], $0x40  }
0x406: {  	[sflag:s21] =	ssyncset.done $0x0  }
0x407: {  	[sflag:s21] =	ssyncadd.s32 $0xFFFFFFC0  }
0x408: {  	[spmem:s29] =	stream.indirect.scatter.add.f32 [tilespmem:s18], [sflag:$0x9], $0x80, s17, s3, $0xb8;
	[tilespmem:$0x1D600] =	vst v63  }
0x409: {  	_ =	swait.ge [sflag:s8], $0x2000  }
0x40a: {  	[sflag:s8] =	ssyncset.done $0x0  }
0x40b: {  	[sflag:s8] =	ssyncadd.s32 $0xFFFFE000  }
0x40c: {  	[spmem:s22] =	stream.indirect.scatter.add.f32 [tilespmem:s13], [sflag:$0x9], $0x80, s19, s3, $0xb8;
	[tilespmem:$0x1D600] =	vst v63  }
0x40d: {  	_ =	swait.ge [sflag:s8], $0x2000  }
0x40e: {  	[sflag:s8] =	ssyncset.done $0x0  }
0x40f: {  	[sflag:s8] =	ssyncadd.s32 $0xFFFFE000  }
0x410: {  	[bflag:$0x0] =	sbarrier.arrive $0xFFFF  }
0x411: {  	s10 =	sld [smem:$0x7F7];
	_ =	sdelay $0x2  }
0x412: {  	[tilespmem:s16], [sflag:$0x9] =	stream.linear.gather [spmem:s10], $0x2000, $0x38;
	[tilespmem:$0x1D600] =	vst v63  }
0x413: {  	_ =	swait.ge [sflag:s8], $0x2000  }
0x414: {  	[sflag:s8] =	ssyncset.done $0x0  }
0x415: {  	s15 =	simm.s32 $0x0;
	s11 =	rddreg [dreg:$0x19];
	[sflag:s8] =	ssyncadd.s32 $0xFFFFE000  }
0x416: {  	[hbm4b:s11+s15] =	stream.linear.scatter [tilespmem:s16], [sflag:$0x9], $0x2000, $0x38;
	[tilespmem:$0x1D600] =	vst v63  }
0x417: {  	_ =	swait.ge [sflag:s8], $0x2000  }
0x418: {  	s26 =	sld [smem:$0x7DF]  }
0x419: {  	[sflag:s8] =	ssyncset.done $0x0  }
0x41a: {  	[sflag:s8] =	ssyncadd.s32 $0xFFFFE000  }
0x41b: {  	[tilespmem:s16], [sflag:$0x9] =	stream.linear.gather [spmem:s26], $0x2000, $0x38;
	[tilespmem:$0x1D600] =	vst v63  }
0x41c: {  	_ =	swait.ge [sflag:s8], $0x2000  }
0x41d: {  	[sflag:s8] =	ssyncset.done $0x0  }
0x41e: {  	s11 =	rddreg [dreg:$0x1a];
	[sflag:s8] =	ssyncadd.s32 $0xFFFFE000  }
0x41f: {  	[hbm4b:s11+s15] =	stream.linear.scatter [tilespmem:s16], [sflag:$0x9], $0x2000, $0x38;
	[tilespmem:$0x1D600] =	vst v63  }
0x420: {  	_ =	swait.ge [sflag:s8], $0x2000  }
0x421: {  	s26 =	sld [smem:$0x7E0]  }
0x422: {  	[sflag:s8] =	ssyncset.done $0x0  }
0x423: {  	[sflag:s8] =	ssyncadd.s32 $0xFFFFE000  }
0x424: {  	[tilespmem:s16], [sflag:$0x9] =	stream.linear.gather [spmem:s26], $0x2000, $0x38;
	[tilespmem:$0x1D600] =	vst v63  }
0x425: {  	_ =	swait.ge [sflag:s8], $0x2000  }
0x426: {  	[sflag:s8] =	ssyncset.done $0x0  }
0x427: {  	s11 =	rddreg [dreg:$0x1b];
	[sflag:s8] =	ssyncadd.s32 $0xFFFFE000  }
0x428: {  	[hbm4b:s11+s15] =	stream.linear.scatter [tilespmem:s16], [sflag:$0x9], $0x2000, $0x38;
	[tilespmem:$0x1D600] =	vst v63  }
0x429: {  	_ =	swait.ge [sflag:s8], $0x2000  }
0x42a: {  	s26 =	sld [smem:$0x7E1]  }
0x42b: {  	[sflag:s8] =	ssyncset.done $0x0  }
0x42c: {  	[sflag:s8] =	ssyncadd.s32 $0xFFFFE000  }
0x42d: {  	[tilespmem:s16], [sflag:$0x9] =	stream.linear.gather [spmem:s26], $0x2000, $0x38;
	[tilespmem:$0x1D600] =	vst v63  }
0x42e: {  	_ =	swait.ge [sflag:s8], $0x2000  }
0x42f: {  	[sflag:s8] =	ssyncset.done $0x0  }
0x430: {  	s11 =	rddreg [dreg:$0x1c];
	[sflag:s8] =	ssyncadd.s32 $0xFFFFE000  }
0x431: {  	[hbm4b:s11+s15] =	stream.linear.scatter [tilespmem:s16], [sflag:$0x9], $0x2000, $0x38;
	[tilespmem:$0x1D600] =	vst v63  }
0x432: {  	_ =	swait.ge [sflag:s8], $0x2000  }
0x433: {  	s26 =	sld [smem:$0x7E2]  }
0x434: {  	[sflag:s8] =	ssyncset.done $0x0  }
0x435: {  	[sflag:s8] =	ssyncadd.s32 $0xFFFFE000  }
0x436: {  	[tilespmem:s16], [sflag:$0x9] =	stream.linear.gather [spmem:s26], $0x2000, $0x38;
	[tilespmem:$0x1D600] =	vst v63  }
0x437: {  	_ =	swait.ge [sflag:s8], $0x2000  }
0x438: {  	[sflag:s8] =	ssyncset.done $0x0  }
0x439: {  	s11 =	rddreg [dreg:$0x1d];
	[sflag:s8] =	ssyncadd.s32 $0xFFFFE000  }
0x43a: {  	[hbm4b:s11+s15] =	stream.linear.scatter [tilespmem:s16], [sflag:$0x9], $0x2000, $0x38;
	[tilespmem:$0x1D600] =	vst v63  }
0x43b: {  	_ =	swait.ge [sflag:s8], $0x2000  }
0x43c: {  	s26 =	sld [smem:$0x7E3]  }
0x43d: {  	[sflag:s8] =	ssyncset.done $0x0  }
0x43e: {  	[sflag:s8] =	ssyncadd.s32 $0xFFFFE000  }
0x43f: {  	[tilespmem:s16], [sflag:$0x9] =	stream.linear.gather [spmem:s26], $0x2000, $0x38;
	[tilespmem:$0x1D600] =	vst v63  }
0x440: {  	_ =	swait.ge [sflag:s8], $0x2000  }
0x441: {  	[sflag:s8] =	ssyncset.done $0x0  }
0x442: {  	s11 =	rddreg [dreg:$0x1e];
	[sflag:s8] =	ssyncadd.s32 $0xFFFFE000  }
0x443: {  	[hbm4b:s11+s15] =	stream.linear.scatter [tilespmem:s16], [sflag:$0x9], $0x2000, $0x38;
	[tilespmem:$0x1D600] =	vst v63  }
0x444: {  	_ =	swait.ge [sflag:s8], $0x2000  }
0x445: {  	s26 =	sld [smem:$0x7E4]  }
0x446: {  	[sflag:s8] =	ssyncset.done $0x0  }
0x447: {  	[sflag:s8] =	ssyncadd.s32 $0xFFFFE000  }
0x448: {  	[tilespmem:s16], [sflag:$0x9] =	stream.linear.gather [spmem:s26], $0x2000, $0x38;
	[tilespmem:$0x1D600] =	vst v63  }
0x449: {  	_ =	swait.ge [sflag:s8], $0x2000  }
0x44a: {  	[sflag:s8] =	ssyncset.done $0x0  }
0x44b: {  	s11 =	rddreg [dreg:$0x1f];
	[sflag:s8] =	ssyncadd.s32 $0xFFFFE000  }
0x44c: {  	[hbm4b:s11+s15] =	stream.linear.scatter [tilespmem:s16], [sflag:$0x9], $0x2000, $0x38;
	[tilespmem:$0x1D600] =	vst v63  }
0x44d: {  	_ =	swait.ge [sflag:s8], $0x2000  }
0x44e: {  	s26 =	sld [smem:$0x7E5]  }
0x44f: {  	[sflag:s8] =	ssyncset.done $0x0  }
0x450: {  	[sflag:s8] =	ssyncadd.s32 $0xFFFFE000  }
0x451: {  	[tilespmem:s16], [sflag:$0x9] =	stream.linear.gather [spmem:s26], $0x2000, $0x38;
	[tilespmem:$0x1D600] =	vst v63  }
0x452: {  	_ =	swait.ge [sflag:s8], $0x2000  }
0x453: {  	s11 =	sld [smem:$0x7C2]  }
0x454: {  	[sflag:s8] =	ssyncset.done $0x0  }
0x455: {  	[sflag:s8] =	ssyncadd.s32 $0xFFFFE000  }
0x456: {  	[hbm4b:s11+s15] =	stream.linear.scatter [tilespmem:s16], [sflag:$0x9], $0x2000, $0x38;
	[tilespmem:$0x1D600] =	vst v63  }
0x457: {  	_ =	swait.ge [sflag:s8], $0x2000  }
0x458: {  	s26 =	sld [smem:$0x7E6]  }
0x459: {  	[sflag:s8] =	ssyncset.done $0x0  }
0x45a: {  	[sflag:s8] =	ssyncadd.s32 $0xFFFFE000  }
0x45b: {  	[tilespmem:s16], [sflag:$0x9] =	stream.linear.gather [spmem:s26], $0x2000, $0x38;
	[tilespmem:$0x1D600] =	vst v63  }
0x45c: {  	_ =	swait.ge [sflag:s8], $0x2000  }
0x45d: {  	s11 =	sld [smem:$0x7C3]  }
0x45e: {  	[sflag:s8] =	ssyncset.done $0x0  }
0x45f: {  	[sflag:s8] =	ssyncadd.s32 $0xFFFFE000  }
0x460: {  	[hbm4b:s11+s15] =	stream.linear.scatter [tilespmem:s16], [sflag:$0x9], $0x2000, $0x38;
	[tilespmem:$0x1D600] =	vst v63  }
0x461: {  	_ =	swait.ge [sflag:s8], $0x2000  }
0x462: {  	s26 =	sld [smem:$0x7E7]  }
0x463: {  	[sflag:s8] =	ssyncset.done $0x0  }
0x464: {  	[sflag:s8] =	ssyncadd.s32 $0xFFFFE000  }
0x465: {  	[tilespmem:s16], [sflag:$0x9] =	stream.linear.gather [spmem:s26], $0x2000, $0x38;
	[tilespmem:$0x1D600] =	vst v63  }
0x466: {  	_ =	swait.ge [sflag:s8], $0x2000  }
0x467: {  	s11 =	sld [smem:$0x7C4]  }
0x468: {  	[sflag:s8] =	ssyncset.done $0x0  }
0x469: {  	[sflag:s8] =	ssyncadd.s32 $0xFFFFE000  }
0x46a: {  	[hbm4b:s11+s15] =	stream.linear.scatter [tilespmem:s16], [sflag:$0x9], $0x2000, $0x38;
	[tilespmem:$0x1D600] =	vst v63  }
0x46b: {  	_ =	swait.ge [sflag:s8], $0x2000  }
0x46c: {  	s11 =	sld [smem:$0x7F8]  }
0x46d: {  	[sflag:s8] =	ssyncset.done $0x0  }
0x46e: {  	[sflag:s8] =	ssyncadd.s32 $0xFFFFE000  }
0x46f: {  	[tilespmem:s12], [sflag:$0x9] =	stream.linear.gather [spmem:s11], $0x1400, $0x38;
	[tilespmem:$0x1D600] =	vst v63  }
0x470: {  	_ =	swait.ge [sflag:s8], $0x1400  }
0x471: {  	s26 =	sld [smem:$0x7DC]  }
0x472: {  	[sflag:s8] =	ssyncset.done $0x0  }
0x473: {  	[sflag:s8] =	ssyncadd.s32 $0xFFFFEC00  }
0x474: {  	[hbm4b:s26+s15] =	stream.linear.scatter [tilespmem:s12], [sflag:$0x9], $0x1400, $0x38;
	[tilespmem:$0x1D600] =	vst v63  }
0x475: {  	_ =	swait.ge [sflag:s8], $0x1400  }
0x476: {  	[sflag:s8] =	ssyncset.done $0x0  }
0x477: {  	[sflag:s8] =	ssyncadd.s32 $0xFFFFEC00  }
0x478: {  	[bflag:$0x0] =	sbarrier.arrive $0xFFFF  }
0x479: {  	s26 =	sld [smem:$0x7D7];
	_ =	sdelay $0x2  }
0x47a: {  	[tilespmem:s16], [sflag:$0x9] =	stream.linear.gather [hbm4b:s26+s15], $0x2000, $0x38;
	[tilespmem:$0x1D600] =	vst v63  }
0x47b: {  	_ =	swait.ge [sflag:s8], $0x2000  }
0x47c: {  	[sflag:s8] =	ssyncset.done $0x0  }
0x47d: {  	[sflag:s8] =	ssyncadd.s32 $0xFFFFE000  }
0x47e: {  	[spmem:s10] =	stream.linear.scatter [tilespmem:s16], [sflag:$0x9], $0x2000, $0x38;
	[tilespmem:$0x1D600] =	vst v63  }
0x47f: {  	_ =	swait.ge [sflag:s8], $0x2000  }
0x480: {  	s10 =	sld [smem:$0x7E8]  }
0x481: {  	[sflag:s8] =	ssyncset.done $0x0  }
0x482: {  	[sflag:s8] =	ssyncadd.s32 $0xFFFFE000  }
0x483: {  	[spmem:s10] =	stream.linear.scatter [tilespmem:s16], [sflag:$0x9], $0x2000, $0x38;
	[tilespmem:$0x1D600] =	vst v63  }
0x484: {  	_ =	swait.ge [sflag:s8], $0x2000  }
0x485: {  	s26 =	sld [smem:$0x7E9]  }
0x486: {  	[sflag:s8] =	ssyncset.done $0x0  }
0x487: {  	[sflag:s8] =	ssyncadd.s32 $0xFFFFE000  }
0x488: {  	[spmem:s26] =	stream.linear.scatter [tilespmem:s16], [sflag:$0x9], $0x2000, $0x38;
	[tilespmem:$0x1D600] =	vst v63  }
0x489: {  	_ =	swait.ge [sflag:s8], $0x2000  }
0x48a: {  	s10 =	sld [smem:$0x7EA]  }
0x48b: {  	[sflag:s8] =	ssyncset.done $0x0  }
0x48c: {  	[sflag:s8] =	ssyncadd.s32 $0xFFFFE000  }
0x48d: {  	[spmem:s10] =	stream.linear.scatter [tilespmem:s16], [sflag:$0x9], $0x2000, $0x38;
	[tilespmem:$0x1D600] =	vst v63  }
0x48e: {  	_ =	swait.ge [sflag:s8], $0x2000  }
0x48f: {  	s26 =	sld [smem:$0x7EB]  }
0x490: {  	[sflag:s8] =	ssyncset.done $0x0  }
0x491: {  	[sflag:s8] =	ssyncadd.s32 $0xFFFFE000  }
0x492: {  	[spmem:s26] =	stream.linear.scatter [tilespmem:s16], [sflag:$0x9], $0x2000, $0x38;
	[tilespmem:$0x1D600] =	vst v63  }
0x493: {  	_ =	swait.ge [sflag:s8], $0x2000  }
0x494: {  	s10 =	sld [smem:$0x7EC]  }
0x495: {  	[sflag:s8] =	ssyncset.done $0x0  }
0x496: {  	[sflag:s8] =	ssyncadd.s32 $0xFFFFE000  }
0x497: {  	[spmem:s10] =	stream.linear.scatter [tilespmem:s16], [sflag:$0x9], $0x2000, $0x38;
	[tilespmem:$0x1D600] =	vst v63  }
0x498: {  	_ =	swait.ge [sflag:s8], $0x2000  }
0x499: {  	s26 =	sld [smem:$0x7ED]  }
0x49a: {  	[sflag:s8] =	ssyncset.done $0x0  }
0x49b: {  	[sflag:s8] =	ssyncadd.s32 $0xFFFFE000  }
0x49c: {  	[spmem:s26] =	stream.linear.scatter [tilespmem:s16], [sflag:$0x9], $0x2000, $0x38;
	[tilespmem:$0x1D600] =	vst v63  }
0x49d: {  	_ =	swait.ge [sflag:s8], $0x2000  }
0x49e: {  	s10 =	sld [smem:$0x7EE]  }
0x49f: {  	[sflag:s8] =	ssyncset.done $0x0  }
0x4a0: {  	[sflag:s8] =	ssyncadd.s32 $0xFFFFE000  }
0x4a1: {  	[spmem:s10] =	stream.linear.scatter [tilespmem:s16], [sflag:$0x9], $0x2000, $0x38;
	[tilespmem:$0x1D600] =	vst v63  }
0x4a2: {  	_ =	swait.ge [sflag:s8], $0x2000  }
0x4a3: {  	s26 =	sld [smem:$0x7EF]  }
0x4a4: {  	[sflag:s8] =	ssyncset.done $0x0  }
0x4a5: {  	[sflag:s8] =	ssyncadd.s32 $0xFFFFE000  }
0x4a6: {  	[spmem:s26] =	stream.linear.scatter [tilespmem:s16], [sflag:$0x9], $0x2000, $0x38;
	[tilespmem:$0x1D600] =	vst v63  }
0x4a7: {  	_ =	swait.ge [sflag:s8], $0x2000  }
0x4a8: {  	s10 =	sld [smem:$0x7F0]  }
0x4a9: {  	[sflag:s8] =	ssyncset.done $0x0  }
0x4aa: {  	[sflag:s8] =	ssyncadd.s32 $0xFFFFE000  }
0x4ab: {  	[spmem:s10] =	stream.linear.scatter [tilespmem:s16], [sflag:$0x9], $0x2000, $0x38;
	[tilespmem:$0x1D600] =	vst v63  }
0x4ac: {  	_ =	swait.ge [sflag:s8], $0x2000  }
0x4ad: {  	[sflag:s8] =	ssyncset.done $0x0  }
0x4ae: {  	[sflag:s8] =	ssyncadd.s32 $0xFFFFE000  }
0x4af: {  	[spmem:s11] =	stream.linear.scatter [tilespmem:s16], [sflag:$0x9], $0x1400, $0x38;
	[tilespmem:$0x1D600] =	vst v63  }
0x4b0: {  	_ =	swait.ge [sflag:s8], $0x1400  }
0x4b1: {  	[sflag:s8] =	ssyncset.done $0x0  }
0x4b2: {  	[sflag:s8] =	ssyncadd.s32 $0xFFFFEC00  }
0x4b3: {  	[bflag:$0x0] =	sbarrier.arrive $0xFFFF  }
0x4b4: {  	s26 =	sld [smem:$0x7D5]  }
0x4b5: {  	s10 =	sld [smem:$0x7D6]  }
0x4b6: {  	s11 =	sld [smem:$0x7D8]  }
0x4b7: {  	[tilespmem:s16], [sflag:$0x1] =	stream.linear.gather [hbm4b:s26+s15], $0x2000, $0x38;
	[tilespmem:$0x1D600] =	vst v63  }
0x4b8: {  	s26 =	sld [smem:$0x7D9]  }
0x4b9: {  	[tilespmem:s12], [sflag:$0x2] =	stream.linear.gather [hbm4b:s10+s15], $0x2000, $0x38;
	[tilespmem:$0x1D600] =	vst v63  }
0x4ba: {  	s10 =	sld [smem:$0x7BF]  }
0x4bb: {  	[tilespmem:s15], [sflag:$0x5] =	stream.linear.gather [hbm4b:s11+s15], $0x40, $0x38;
	[tilespmem:$0x1D600] =	vst v63  }
0x4bc: {  	s11 =	sld [smem:$0x7C0]  }
0x4bd: {  	[tilespmem:s25], [sflag:$0x6] =	stream.linear.gather [hbm4b:s26+s15], $0x40, $0x38;
	[tilespmem:$0x1D600] =	vst v63  }
0x4be: {  	s7 =	sadd.s32 $0x7E0400, s10  }
0x4bf: {  	[tilespmem:s18], [sflag:$0x3] =	stream.linear.gather [hbm4b:s7+s9], $0x2000, $0x38;
	[tilespmem:$0x1D600] =	vst v63  }
0x4c0: {  	s7 =	sadd.s32 $0x7E0400, s11  }
0x4c1: {  	[tilespmem:s13], [sflag:$0x4] =	stream.linear.gather [hbm4b:s7+s9], $0x2000, $0x38;
	[tilespmem:$0x1D600] =	vst v63  }
0x4c2: {  	s15 =	sadd.s32 $0x0, s6  }
0x4c3: {  	[tilespmem:s17], [sflag:$0x7] =	stream.linear.gather [hbm4b:s15+s9], $0x40, $0x38;
	[tilespmem:$0x1D600] =	vst v63  }
0x4c4: {  	s26 =	sadd.s32 $0x0, s5  }
0x4c5: {  	[tilespmem:s19], [sflag:$0x8] =	stream.linear.gather [hbm4b:s26+s9], $0x40, $0x38;
	[tilespmem:$0x1D600] =	vst v63  }
0x4c6: {  	_ =	swait.ge [sflag:s31], $0x2000  }
0x4c7: {  	[sflag:s31] =	ssyncset.done $0x0  }
0x4c8: {  	[sflag:s31] =	ssyncadd.s32 $0xFFFFE000  }
0x4c9: {  	_ =	swait.ge [sflag:s0], $0x2000  }
0x4ca: {  	[sflag:s0] =	ssyncset.done $0x0  }
0x4cb: {  	[sflag:s0] =	ssyncadd.s32 $0xFFFFE000  }
0x4cc: {  	_ =	swait.ge [sflag:s1], $0x40  }
0x4cd: {  	[sflag:s1] =	ssyncset.done $0x0  }
0x4ce: {  	[sflag:s1] =	ssyncadd.s32 $0xFFFFFFC0  }
0x4cf: {  	_ =	swait.ge [sflag:s2], $0x40  }
0x4d0: {  	[sflag:s2] =	ssyncset.done $0x0  }
0x4d1: {  	[sflag:s2] =	ssyncadd.s32 $0xFFFFFFC0  }
0x4d2: {  	[spmem:s29] =	stream.indirect.scatter.add.f32 [tilespmem:s16], [sflag:$0x9], $0x80, s9, s3, $0xb8;
	[tilespmem:$0x1D600] =	vst v63  }
0x4d3: {  	_ =	swait.ge [sflag:s8], $0x2000  }
0x4d4: {  	[sflag:s8] =	ssyncset.done $0x0  }
0x4d5: {  	[sflag:s8] =	ssyncadd.s32 $0xFFFFE000  }
0x4d6: {  	[spmem:s22] =	stream.indirect.scatter.add.f32 [tilespmem:s12], [sflag:$0x9], $0x80, s25, s3, $0xb8;
	[tilespmem:$0x1D600] =	vst v63  }
0x4d7: {  	_ =	swait.ge [sflag:s8], $0x2000  }
0x4d8: {  	s25 =	sld [smem:$0x7F1]  }
0x4d9: {  	p0 =	por $0x0, $0x0;
	s26 =	sld [smem:$0x7F2]  }
0x4da: {  	s10 =	simm.s32 @!p0 $0x0  }
0x4db: {  	s11 =	simm.s32 @!p0 $0x200;
	[sflag:s8] =	ssyncset.done $0x0;
	s7 =	sadd.s32 @!p0 s25, s14  }
0x4dc: {  	[sflag:s8] =	ssyncadd.s32 $0xFFFFE000;
	s15 =	sadd.s32 @!p0 s26, s14;
	s7 =	sadd.s32 @!p0 $0x7E0800, s7  }
0x4dd: {  	[tilespmem:s11], [sflag:$0x1] =	stream.linear.gather @!p0 [hbm4b:s7+s10], $0x2000, $0x38;
	[tilespmem:$0x1D600] =	vst v63  }
0x4de: {  	s7 =	simm.s32 @!p0 $0x2200;
	s11 =	sadd.s32 @!p0 $0x7E0800, s15  }
0x4df: {  	[tilespmem:s7], [sflag:$0x2] =	stream.linear.gather @!p0 [hbm4b:s11+s10], $0x2000, $0x38;
	[tilespmem:$0x1D600] =	vst v63  }
0x4e0: {  	s7 =	sadd.s32 @!p0 $0x0, s4  }
0x4e1: {  	[tilespmem:s10], [sflag:$0x5] =	stream.linear.gather @!p0 [hbm4b:s7+s10], $0x40, $0x38;
	[tilespmem:$0x1D600] =	vst v63  }
0x4e2: {  	s11 =	simm.s32 @!p0 $0x80;
	s7 =	sadd.s32 @!p0 $0x0, s30  }
0x4e3: {  	[tilespmem:s11], [sflag:$0x6] =	stream.linear.gather @!p0 [hbm4b:s7+s10], $0x40, $0x38;
	[tilespmem:$0x1D600] =	vst v63  }
0x4e4: {  	_ =	swait.ge [sflag:s23], $0x2000  }
0x4e5: {  	[sflag:s23] =	ssyncset.done $0x0  }
0x4e6: {  	[sflag:s23] =	ssyncadd.s32 $0xFFFFE000  }
0x4e7: {  	_ =	swait.ge [sflag:s24], $0x2000  }
0x4e8: {  	[sflag:s24] =	ssyncset.done $0x0  }
0x4e9: {  	[sflag:s24] =	ssyncadd.s32 $0xFFFFE000  }
0x4ea: {  	_ =	swait.ge [sflag:s20], $0x40  }
0x4eb: {  	[sflag:s20] =	ssyncset.done $0x0  }
0x4ec: {  	[sflag:s20] =	ssyncadd.s32 $0xFFFFFFC0  }
0x4ed: {  	_ =	swait.ge [sflag:s21], $0x40  }
0x4ee: {  	[sflag:s21] =	ssyncset.done $0x0  }
0x4ef: {  	[sflag:s21] =	ssyncadd.s32 $0xFFFFFFC0  }
0x4f0: {  	[spmem:s29] =	stream.indirect.scatter.add.f32 [tilespmem:s18], [sflag:$0x9], $0x80, s17, s3, $0xb8;
	[tilespmem:$0x1D600] =	vst v63  }
0x4f1: {  	_ =	swait.ge [sflag:s8], $0x2000  }
0x4f2: {  	s28 =	simm.s32 $0x10;
	[sflag:s8] =	ssyncset.done $0x0  }
0x4f3: {  	s16 =	simm.s32 $0x20;
	s15 =	sadd.s32 $0x800, s25;
	[sflag:s8] =	ssyncadd.s32 $0xFFFFE000  }
0x4f4: {  	[spmem:s22] =	stream.indirect.scatter.add.f32 [tilespmem:s13], [sflag:$0x9], $0x80, s19, s3, $0xb8;
	[tilespmem:$0x1D600] =	vst v63  }
0x4f5: {  	s26 =	sadd.s32 $0x800, s26;
	s25 =	sadd.s32 s15, s14;
	_ =	swait.ge [sflag:s8], $0x2000  }
.LBB2_8:
0x4f6: {  	s7 =	sadd.s32 $0x7E0400, s25;
	[sflag:s8] =	ssyncset.done $0x0  }
0x4f7: {  	s10 =	sadd.s32 s26, s14;
	s17 =	simm.s32 $0x4200;
	[sflag:s8] =	ssyncadd.s32 $0xFFFFE000  }
0x4f8: {  	[tilespmem:s17], [sflag:$0x3] =	stream.linear.gather [hbm4b:s7+s9], $0x2000, $0x38;
	[tilespmem:$0x1D600] =	vst v63  }
0x4f9: {  	s18 =	simm.s32 $0x6200;
	s19 =	sadd.s32 $0x7E0400, s10  }
0x4fa: {  	[tilespmem:s18], [sflag:$0x4] =	stream.linear.gather [hbm4b:s19+s9], $0x2000, $0x38;
	[tilespmem:$0x1D600] =	vst v63  }
0x4fb: {  	s22 =	sadd.s32 s28, s6;
	s19 =	simm.s32 $0x100  }
0x4fc: {  	[tilespmem:s19], [sflag:$0x7] =	stream.linear.gather [hbm4b:s22+s9], $0x40, $0x38;
	[tilespmem:$0x1D600] =	vst v63  }
0x4fd: {  	s29 =	sadd.s32 s28, s5;
	s13 =	simm.s32 $0x180  }
0x4fe: {  	[tilespmem:s13], [sflag:$0x8] =	stream.linear.gather [hbm4b:s29+s9], $0x40, $0x38;
	[tilespmem:$0x1D600] =	vst v63  }
0x4ff: {  	_ =	swait.ge [sflag:s31], $0x2000  }
0x500: {  	[sflag:s31] =	ssyncset.done $0x0  }
0x501: {  	[sflag:s31] =	ssyncadd.s32 $0xFFFFE000  }
0x502: {  	_ =	swait.ge [sflag:s0], $0x2000  }
0x503: {  	[sflag:s0] =	ssyncset.done $0x0  }
0x504: {  	[sflag:s0] =	ssyncadd.s32 $0xFFFFE000  }
0x505: {  	_ =	swait.ge [sflag:s1], $0x40  }
0x506: {  	[sflag:s1] =	ssyncset.done $0x0  }
0x507: {  	[sflag:s1] =	ssyncadd.s32 $0xFFFFFFC0  }
0x508: {  	_ =	swait.ge [sflag:s2], $0x40  }
0x509: {  	[sflag:s2] =	ssyncset.done $0x0  }
0x50a: {  	[sflag:s2] =	ssyncadd.s32 $0xFFFFFFC0  }
0x50b: {  	s10 =	simm.s32 $0x200;
	s22 =	rddreg [dreg:$0x1]  }
0x50c: {  	[spmem:s22] =	stream.indirect.scatter.add.f32 [tilespmem:s10], [sflag:$0x9], $0x80, s9, s3, $0xb8;
	[tilespmem:$0x1D600] =	vst v63  }
0x50d: {  	_ =	swait.ge [sflag:s8], $0x2000  }
0x50e: {  	[sflag:s8] =	ssyncset.done $0x0  }
0x50f: {  	p1 =	seq.s32 s28, $0x290;
	[sflag:s8] =	ssyncadd.s32 $0xFFFFE000  }
0x510: {  	s11 =	simm.s32 $0x80;
	s29 =	simm.s32 $0x2200;
	s12 =	rddreg [dreg:$0x2]  }
0x511: {  	[spmem:s12] =	stream.indirect.scatter.add.f32 [tilespmem:s29], [sflag:$0x9], $0x80, s11, s3, $0xb8;
	[tilespmem:$0x1D600] =	vst v63  }
0x512: {  	s7 =	sadd.s32 @!p1 s15, s14;
	_ =	swait.ge [sflag:s8], $0x2000  }
0x513: {  	s7 =	sadd.s32 @!p1 $0x7E0800, s7;
	s10 =	simm.s32 @!p1 $0x0;
	[sflag:s8] =	ssyncset.done $0x0  }
0x514: {  	s11 =	simm.s32 @!p1 $0x200;
	s29 =	sadd.s32 @!p1 s26, s14;
	[sflag:s8] =	ssyncadd.s32 $0xFFFFE000  }
0x515: {  	[tilespmem:s11], [sflag:$0x1] =	stream.linear.gather @!p1 [hbm4b:s7+s10], $0x2000, $0x38;
	[tilespmem:$0x1D600] =	vst v63  }
0x516: {  	s30 =	simm.s32 @!p1 $0x2200;
	s7 =	sadd.s32 @!p1 $0x7E0800, s29  }
0x517: {  	[tilespmem:s30], [sflag:$0x2] =	stream.linear.gather @!p1 [hbm4b:s7+s10], $0x2000, $0x38;
	[tilespmem:$0x1D600] =	vst v63  }
0x518: {  	s11 =	sadd.s32 @!p1 s28, s4;
	s30 =	rddreg [dreg:$0x4]  }
0x519: {  	[tilespmem:s10], [sflag:$0x5] =	stream.linear.gather @!p1 [hbm4b:s11+s10], $0x40, $0x38;
	[tilespmem:$0x1D600] =	vst v63  }
0x51a: {  	s29 =	simm.s32 @!p1 $0x80;
	s7 =	sadd.s32 @!p1 s28, s30  }
0x51b: {  	[tilespmem:s29], [sflag:$0x6] =	stream.linear.gather @!p1 [hbm4b:s7+s10], $0x40, $0x38;
	[tilespmem:$0x1D600] =	vst v63  }
0x51c: {  	_ =	swait.ge [sflag:s23], $0x2000  }
0x51d: {  	[sflag:s23] =	ssyncset.done $0x0  }
0x51e: {  	[sflag:s23] =	ssyncadd.s32 $0xFFFFE000  }
0x51f: {  	_ =	swait.ge [sflag:s24], $0x2000  }
0x520: {  	[sflag:s24] =	ssyncset.done $0x0  }
0x521: {  	[sflag:s24] =	ssyncadd.s32 $0xFFFFE000  }
0x522: {  	_ =	swait.ge [sflag:s20], $0x40  }
0x523: {  	[sflag:s20] =	ssyncset.done $0x0  }
0x524: {  	[sflag:s20] =	ssyncadd.s32 $0xFFFFFFC0  }
0x525: {  	_ =	swait.ge [sflag:s21], $0x40  }
0x526: {  	s25 =	smov.u32 s16;
	s16 =	sadd.s32 $0x10, s16;
	[sflag:s21] =	ssyncset.done $0x0  }
0x527: {  	p0 =	sne.s32 s16, $0x2A0;
	[sflag:s21] =	ssyncadd.s32 $0xFFFFFFC0  }
0x528: {  	[spmem:s22] =	stream.indirect.scatter.add.f32 [tilespmem:s17], [sflag:$0x9], $0x80, s19, s3, $0xb8;
	[tilespmem:$0x1D600] =	vst v63  }
.Ltmp3:
0x529: {  	_ =	swait.ge [sflag:s8], $0x2000;
	(pc) =	sbr.rel @p0 .LBB2_8-.Ltmp3, $4  }
0x52a: {  	[sflag:s8] =	ssyncset.done $0x0  }
0x52b: {  	s15 =	sadd.s32 $0x800, s15;
	s26 =	sadd.s32 $0x800, s26;
	[sflag:s8] =	ssyncadd.s32 $0xFFFFE000  }
0x52c: {  	[spmem:s12] =	stream.indirect.scatter.add.f32 [tilespmem:s18], [sflag:$0x9], $0x80, s13, s3, $0xb8;
	[tilespmem:$0x1D600] =	vst v63  }
0x52d: {  	s28 =	smov.u32 s25;
	s25 =	sadd.s32 s15, s14;
	_ =	swait.ge [sflag:s8], $0x2000  }
0x52e: {  	[sflag:s8] =	ssyncset.done $0x0;
	s7 =	sadd.s32 $0x7E0400, s25  }
0x52f: {  	s10 =	sadd.s32 s26, s14;
	s16 =	simm.s32 $0x4200;
	[sflag:s8] =	ssyncadd.s32 $0xFFFFE000  }
0x530: {  	[tilespmem:s16], [sflag:$0x3] =	stream.linear.gather [hbm4b:s7+s9], $0x2000, $0x38;
	[tilespmem:$0x1D600] =	vst v63  }
0x531: {  	s17 =	simm.s32 $0x6200;
	s19 =	sadd.s32 $0x7E0400, s10  }
0x532: {  	[tilespmem:s17], [sflag:$0x4] =	stream.linear.gather [hbm4b:s19+s9], $0x2000, $0x38;
	[tilespmem:$0x1D600] =	vst v63  }
0x533: {  	s22 =	sadd.s32 s28, s6;
	s18 =	simm.s32 $0x100  }
0x534: {  	[tilespmem:s18], [sflag:$0x7] =	stream.linear.gather [hbm4b:s22+s9], $0x40, $0x38;
	[tilespmem:$0x1D600] =	vst v63  }
0x535: {  	s25 =	sadd.s32 s28, s5;
	s19 =	simm.s32 $0x180  }
0x536: {  	[tilespmem:s19], [sflag:$0x8] =	stream.linear.gather [hbm4b:s25+s9], $0x40, $0x38;
	[tilespmem:$0x1D600] =	vst v63  }
0x537: {  	_ =	swait.ge [sflag:s31], $0x2000  }
0x538: {  	[sflag:s31] =	ssyncset.done $0x0  }
0x539: {  	[sflag:s31] =	ssyncadd.s32 $0xFFFFE000  }
0x53a: {  	_ =	swait.ge [sflag:s0], $0x2000  }
0x53b: {  	[sflag:s0] =	ssyncset.done $0x0  }
0x53c: {  	[sflag:s0] =	ssyncadd.s32 $0xFFFFE000  }
0x53d: {  	_ =	swait.ge [sflag:s1], $0x40  }
0x53e: {  	[sflag:s1] =	ssyncset.done $0x0  }
0x53f: {  	[sflag:s1] =	ssyncadd.s32 $0xFFFFFFC0  }
0x540: {  	_ =	swait.ge [sflag:s2], $0x40  }
0x541: {  	[sflag:s2] =	ssyncset.done $0x0  }
0x542: {  	[sflag:s2] =	ssyncadd.s32 $0xFFFFFFC0  }
0x543: {  	s5 =	simm.s32 $0x200;
	s29 =	rddreg [dreg:$0x1]  }
0x544: {  	[spmem:s29] =	stream.indirect.scatter.add.f32 [tilespmem:s5], [sflag:$0x9], $0x80, s9, s3, $0xb8;
	[tilespmem:$0x1D600] =	vst v63  }
0x545: {  	_ =	swait.ge [sflag:s8], $0x2000  }
0x546: {  	[sflag:s8] =	ssyncset.done $0x0  }
0x547: {  	[sflag:s8] =	ssyncadd.s32 $0xFFFFE000  }
0x548: {  	s13 =	simm.s32 $0x2200;
	s11 =	simm.s32 $0x80;
	s12 =	rddreg [dreg:$0x2]  }
0x549: {  	[spmem:s12] =	stream.indirect.scatter.add.f32 [tilespmem:s13], [sflag:$0x9], $0x80, s11, s3, $0xb8;
	[tilespmem:$0x1D600] =	vst v63  }
0x54a: {  	p0 =	seq.s32 s28, $0x290;
	_ =	swait.ge [sflag:s8], $0x2000  }
0x54b: {  	s10 =	simm.s32 @!p0 $0x0;
	s7 =	sadd.s32 @!p0 s15, s14;
	[sflag:s8] =	ssyncset.done $0x0  }
0x54c: {  	s7 =	sadd.s32 @!p0 $0x7E0800, s7;
	s11 =	simm.s32 @!p0 $0x200;
	[sflag:s8] =	ssyncadd.s32 $0xFFFFE000  }
0x54d: {  	[tilespmem:s11], [sflag:$0x1] =	stream.linear.gather @!p0 [hbm4b:s7+s10], $0x2000, $0x38;
	[tilespmem:$0x1D600] =	vst v63  }
0x54e: {  	s7 =	sadd.s32 @!p0 s26, s14  }
0x54f: {  	s11 =	simm.s32 @!p0 $0x2200;
	s7 =	sadd.s32 @!p0 $0x7E0800, s7  }
0x550: {  	[tilespmem:s11], [sflag:$0x2] =	stream.linear.gather @!p0 [hbm4b:s7+s10], $0x2000, $0x38;
	[tilespmem:$0x1D600] =	vst v63  }
0x551: {  	s7 =	sadd.s32 @!p0 s28, s4  }
0x552: {  	[tilespmem:s10], [sflag:$0x5] =	stream.linear.gather @!p0 [hbm4b:s7+s10], $0x40, $0x38;
	[tilespmem:$0x1D600] =	vst v63  }
0x553: {  	s11 =	simm.s32 @!p0 $0x80;
	s7 =	sadd.s32 @!p0 s28, s30  }
0x554: {  	[tilespmem:s11], [sflag:$0x6] =	stream.linear.gather @!p0 [hbm4b:s7+s10], $0x40, $0x38;
	[tilespmem:$0x1D600] =	vst v63  }
0x555: {  	_ =	swait.ge [sflag:s23], $0x2000  }
0x556: {  	[sflag:s23] =	ssyncset.done $0x0  }
0x557: {  	[sflag:s23] =	ssyncadd.s32 $0xFFFFE000  }
0x558: {  	_ =	swait.ge [sflag:s24], $0x2000  }
0x559: {  	[sflag:s24] =	ssyncset.done $0x0  }
0x55a: {  	[sflag:s24] =	ssyncadd.s32 $0xFFFFE000  }
0x55b: {  	_ =	swait.ge [sflag:s20], $0x40  }
0x55c: {  	[sflag:s20] =	ssyncset.done $0x0  }
0x55d: {  	[sflag:s20] =	ssyncadd.s32 $0xFFFFFFC0  }
0x55e: {  	_ =	swait.ge [sflag:s21], $0x40  }
0x55f: {  	[sflag:s21] =	ssyncset.done $0x0  }
0x560: {  	[sflag:s21] =	ssyncadd.s32 $0xFFFFFFC0  }
0x561: {  	[spmem:s29] =	stream.indirect.scatter.add.f32 [tilespmem:s16], [sflag:$0x9], $0x80, s18, s3, $0xb8;
	[tilespmem:$0x1D600] =	vst v63  }
0x562: {  	_ =	swait.ge [sflag:s8], $0x2000  }
0x563: {  	[sflag:s8] =	ssyncset.done $0x0  }
0x564: {  	[sflag:s8] =	ssyncadd.s32 $0xFFFFE000  }
0x565: {  	[spmem:s12] =	stream.indirect.scatter.add.f32 [tilespmem:s17], [sflag:$0x9], $0x80, s19, s3, $0xb8;
	[tilespmem:$0x1D600] =	vst v63  }
0x566: {  	_ =	swait.ge [sflag:s8], $0x2000  }
0x567: {  	[sflag:s8] =	ssyncset.done $0x0  }
0x568: {  	[sflag:s8] =	ssyncadd.s32 $0xFFFFE000  }
0x569: {  	[bflag:$0x0] =	sbarrier.arrive $0xFFFF  }
0x56a: {  	s26 =	sld [smem:$0x7F7];
	_ =	sdelay $0x2  }
0x56b: {  	[tilespmem:s5], [sflag:$0x9] =	stream.linear.gather [spmem:s26], $0x2000, $0x38;
	[tilespmem:$0x1D600] =	vst v63  }
0x56c: {  	_ =	swait.ge [sflag:s8], $0x2000  }
0x56d: {  	s16 =	sld [smem:$0x7C5]  }
0x56e: {  	[sflag:s8] =	ssyncset.done $0x0  }
0x56f: {  	[sflag:s8] =	ssyncadd.s32 $0xFFFFE000  }
0x570: {  	[hbm4b:s16+s9] =	stream.linear.scatter [tilespmem:s5], [sflag:$0x9], $0x2000, $0x38;
	[tilespmem:$0x1D600] =	vst v63  }
0x571: {  	_ =	swait.ge [sflag:s8], $0x2000  }
0x572: {  	s17 =	sld [smem:$0x7DF]  }
0x573: {  	[sflag:s8] =	ssyncset.done $0x0  }
0x574: {  	[sflag:s8] =	ssyncadd.s32 $0xFFFFE000  }
0x575: {  	[tilespmem:s5], [sflag:$0x9] =	stream.linear.gather [spmem:s17], $0x2000, $0x38;
	[tilespmem:$0x1D600] =	vst v63  }
0x576: {  	_ =	swait.ge [sflag:s8], $0x2000  }
0x577: {  	s18 =	sld [smem:$0x7C6]  }
0x578: {  	[sflag:s8] =	ssyncset.done $0x0  }
0x579: {  	[sflag:s8] =	ssyncadd.s32 $0xFFFFE000  }
0x57a: {  	[hbm4b:s18+s9] =	stream.linear.scatter [tilespmem:s5], [sflag:$0x9], $0x2000, $0x38;
	[tilespmem:$0x1D600] =	vst v63  }
0x57b: {  	_ =	swait.ge [sflag:s8], $0x2000  }
0x57c: {  	s19 =	sld [smem:$0x7E0]  }
0x57d: {  	[sflag:s8] =	ssyncset.done $0x0  }
0x57e: {  	[sflag:s8] =	ssyncadd.s32 $0xFFFFE000  }
0x57f: {  	[tilespmem:s5], [sflag:$0x9] =	stream.linear.gather [spmem:s19], $0x2000, $0x38;
	[tilespmem:$0x1D600] =	vst v63  }
0x580: {  	_ =	swait.ge [sflag:s8], $0x2000  }
0x581: {  	s22 =	sld [smem:$0x7C7]  }
0x582: {  	[sflag:s8] =	ssyncset.done $0x0  }
0x583: {  	[sflag:s8] =	ssyncadd.s32 $0xFFFFE000  }
0x584: {  	[hbm4b:s22+s9] =	stream.linear.scatter [tilespmem:s5], [sflag:$0x9], $0x2000, $0x38;
	[tilespmem:$0x1D600] =	vst v63  }
0x585: {  	_ =	swait.ge [sflag:s8], $0x2000  }
0x586: {  	s25 =	sld [smem:$0x7E1]  }
0x587: {  	[sflag:s8] =	ssyncset.done $0x0  }
0x588: {  	[sflag:s8] =	ssyncadd.s32 $0xFFFFE000  }
0x589: {  	[tilespmem:s5], [sflag:$0x9] =	stream.linear.gather [spmem:s25], $0x2000, $0x38;
	[tilespmem:$0x1D600] =	vst v63  }
0x58a: {  	_ =	swait.ge [sflag:s8], $0x2000  }
0x58b: {  	s28 =	sld [smem:$0x7C8]  }
0x58c: {  	[sflag:s8] =	ssyncset.done $0x0  }
0x58d: {  	[sflag:s8] =	ssyncadd.s32 $0xFFFFE000  }
0x58e: {  	[hbm4b:s28+s9] =	stream.linear.scatter [tilespmem:s5], [sflag:$0x9], $0x2000, $0x38;
	[tilespmem:$0x1D600] =	vst v63  }
0x58f: {  	_ =	swait.ge [sflag:s8], $0x2000  }
0x590: {  	s29 =	sld [smem:$0x7E2]  }
0x591: {  	[sflag:s8] =	ssyncset.done $0x0  }
0x592: {  	[sflag:s8] =	ssyncadd.s32 $0xFFFFE000  }
0x593: {  	[tilespmem:s5], [sflag:$0x9] =	stream.linear.gather [spmem:s29], $0x2000, $0x38;
	[tilespmem:$0x1D600] =	vst v63  }
0x594: {  	_ =	swait.ge [sflag:s8], $0x2000  }
0x595: {  	s4 =	sld [smem:$0x7C9]  }
0x596: {  	[sflag:s8] =	ssyncset.done $0x0  }
0x597: {  	[sflag:s8] =	ssyncadd.s32 $0xFFFFE000  }
0x598: {  	[hbm4b:s4+s9] =	stream.linear.scatter [tilespmem:s5], [sflag:$0x9], $0x2000, $0x38;
	[tilespmem:$0x1D600] =	vst v63  }
0x599: {  	_ =	swait.ge [sflag:s8], $0x2000  }
0x59a: {  	s6 =	sld [smem:$0x7E3]  }
0x59b: {  	[sflag:s8] =	ssyncset.done $0x0  }
0x59c: {  	[sflag:s8] =	ssyncadd.s32 $0xFFFFE000  }
0x59d: {  	[tilespmem:s5], [sflag:$0x9] =	stream.linear.gather [spmem:s6], $0x2000, $0x38;
	[tilespmem:$0x1D600] =	vst v63  }
0x59e: {  	_ =	swait.ge [sflag:s8], $0x2000  }
0x59f: {  	s10 =	sld [smem:$0x7CA]  }
0x5a0: {  	[sflag:s8] =	ssyncset.done $0x0  }
0x5a1: {  	[sflag:s8] =	ssyncadd.s32 $0xFFFFE000  }
0x5a2: {  	[hbm4b:s10+s9] =	stream.linear.scatter [tilespmem:s5], [sflag:$0x9], $0x2000, $0x38;
	[tilespmem:$0x1D600] =	vst v63  }
0x5a3: {  	_ =	swait.ge [sflag:s8], $0x2000  }
0x5a4: {  	s11 =	sld [smem:$0x7E4]  }
0x5a5: {  	[sflag:s8] =	ssyncset.done $0x0  }
0x5a6: {  	[sflag:s8] =	ssyncadd.s32 $0xFFFFE000  }
0x5a7: {  	[tilespmem:s5], [sflag:$0x9] =	stream.linear.gather [spmem:s11], $0x2000, $0x38;
	[tilespmem:$0x1D600] =	vst v63  }
0x5a8: {  	_ =	swait.ge [sflag:s8], $0x2000  }
0x5a9: {  	s12 =	sld [smem:$0x7CB]  }
0x5aa: {  	[sflag:s8] =	ssyncset.done $0x0  }
0x5ab: {  	[sflag:s8] =	ssyncadd.s32 $0xFFFFE000  }
0x5ac: {  	[hbm4b:s12+s9] =	stream.linear.scatter [tilespmem:s5], [sflag:$0x9], $0x2000, $0x38;
	[tilespmem:$0x1D600] =	vst v63  }
0x5ad: {  	_ =	swait.ge [sflag:s8], $0x2000  }
0x5ae: {  	s15 =	sld [smem:$0x7E5]  }
0x5af: {  	[sflag:s8] =	ssyncset.done $0x0  }
0x5b0: {  	[sflag:s8] =	ssyncadd.s32 $0xFFFFE000  }
0x5b1: {  	[tilespmem:s5], [sflag:$0x9] =	stream.linear.gather [spmem:s15], $0x2000, $0x38;
	[tilespmem:$0x1D600] =	vst v63  }
0x5b2: {  	_ =	swait.ge [sflag:s8], $0x2000  }
0x5b3: {  	s16 =	sld [smem:$0x7CC]  }
0x5b4: {  	[sflag:s8] =	ssyncset.done $0x0  }
0x5b5: {  	[sflag:s8] =	ssyncadd.s32 $0xFFFFE000  }
0x5b6: {  	[hbm4b:s16+s9] =	stream.linear.scatter [tilespmem:s5], [sflag:$0x9], $0x2000, $0x38;
	[tilespmem:$0x1D600] =	vst v63  }
0x5b7: {  	_ =	swait.ge [sflag:s8], $0x2000  }
0x5b8: {  	s17 =	sld [smem:$0x7E6]  }
0x5b9: {  	[sflag:s8] =	ssyncset.done $0x0  }
0x5ba: {  	[sflag:s8] =	ssyncadd.s32 $0xFFFFE000  }
0x5bb: {  	[tilespmem:s5], [sflag:$0x9] =	stream.linear.gather [spmem:s17], $0x2000, $0x38;
	[tilespmem:$0x1D600] =	vst v63  }
0x5bc: {  	_ =	swait.ge [sflag:s8], $0x2000  }
0x5bd: {  	s18 =	sld [smem:$0x7CD]  }
0x5be: {  	[sflag:s8] =	ssyncset.done $0x0  }
0x5bf: {  	[sflag:s8] =	ssyncadd.s32 $0xFFFFE000  }
0x5c0: {  	[hbm4b:s18+s9] =	stream.linear.scatter [tilespmem:s5], [sflag:$0x9], $0x2000, $0x38;
	[tilespmem:$0x1D600] =	vst v63  }
0x5c1: {  	_ =	swait.ge [sflag:s8], $0x2000  }
0x5c2: {  	s19 =	sld [smem:$0x7E7]  }
0x5c3: {  	[sflag:s8] =	ssyncset.done $0x0  }
0x5c4: {  	[sflag:s8] =	ssyncadd.s32 $0xFFFFE000  }
0x5c5: {  	[tilespmem:s5], [sflag:$0x9] =	stream.linear.gather [spmem:s19], $0x2000, $0x38;
	[tilespmem:$0x1D600] =	vst v63  }
0x5c6: {  	_ =	swait.ge [sflag:s8], $0x2000  }
0x5c7: {  	s22 =	sld [smem:$0x7CE]  }
0x5c8: {  	[sflag:s8] =	ssyncset.done $0x0  }
0x5c9: {  	[sflag:s8] =	ssyncadd.s32 $0xFFFFE000  }
0x5ca: {  	[hbm4b:s22+s9] =	stream.linear.scatter [tilespmem:s5], [sflag:$0x9], $0x2000, $0x38;
	[tilespmem:$0x1D600] =	vst v63  }
0x5cb: {  	_ =	swait.ge [sflag:s8], $0x2000  }
0x5cc: {  	s15 =	sld [smem:$0x7F8]  }
0x5cd: {  	[sflag:s8] =	ssyncset.done $0x0  }
0x5ce: {  	[sflag:s8] =	ssyncadd.s32 $0xFFFFE000  }
0x5cf: {  	[tilespmem:s13], [sflag:$0x9] =	stream.linear.gather [spmem:s15], $0x1400, $0x38;
	[tilespmem:$0x1D600] =	vst v63  }
0x5d0: {  	_ =	swait.ge [sflag:s8], $0x1400  }
0x5d1: {  	s25 =	sld [smem:$0x7DD]  }
0x5d2: {  	[sflag:s8] =	ssyncset.done $0x0  }
0x5d3: {  	[sflag:s8] =	ssyncadd.s32 $0xFFFFEC00  }
0x5d4: {  	[hbm4b:s25+s9] =	stream.linear.scatter [tilespmem:s13], [sflag:$0x9], $0x1400, $0x38;
	[tilespmem:$0x1D600] =	vst v63  }
0x5d5: {  	_ =	swait.ge [sflag:s8], $0x1400  }
0x5d6: {  	s28 =	sld [smem:$0x7C1]  }
0x5d7: {  	s29 =	sld [smem:$0x7DE];
	_ =	sdelay $0x1  }
0x5d8: {  	[sflag:s8] =	ssyncset.done $0x0;
	s10 =	sadd.s32 $0x1, s28  }
0x5d9: {  	[sflag:s8] =	ssyncadd.s32 $0xFFFFEC00;
	p0 =	sne.s32 s10, s29  }
.Ltmp4:
0x5da: {  	[bflag:$0x0] =	sbarrier.arrive $0xFFFF;
	(pc) =	sbr.rel @p0 .LBB2_1-.Ltmp4, $4  }
0x5db: {  	s30 =	sld [smem:$0x7F9]  }
0x5dc: {  	s11 =	sld [smem:$0x7FA]  }
0x5dd: {  	s6 =	sld [smem:$0x7FC]  }
0x5de: {  	s5 =	sld [smem:$0x7FB]  }
0x5df: {  	_ =	sfence.sel $0x180000  }
0x5e0: {  	[bflag:$0x0] =	sbarrier.arrive $0xFFFF  }
0x5e1: {  	_ =	strace $0x9000004D  }
0x5e2: {  	s0 =	stileid.u32;
	[bflag:$0x2] =	sbarrier.arrive $0xFFFF  }
0x5e3: {  	p0 =	sne.s32 s0, $0x0;
	s0 =	rddreg [dreg:$0x3]  }
0x5e4: {  	s0 =	sadd.s32 @!p0 $0x100000, s0  }
0x5e5: {  	[sflag:s0] =	ssyncadd.tile.s32 @!p0 $0x1;
	_ =	shalt  }
.Lfunc_end2:
_tile_overlayer_lowered:
.L_overlay_start_2:
0x5e6: {  	(tag) =	ssettag $0x2  }
0x5e7: {  	s0 =	rddreg [dreg:$0x0];
	s2 =	stileid.u32  }
0x5e8: {  	s1 =	rddreg [dreg:$0x1];
	p0 =	sne.s32 s2, $0x0  }
0x5e9: {  	s3 =	rddreg [dreg:$0x2];
	[bflag:$0x3] =	sbarrier.arrive $0xFFFF;
	s2 =	simm.s32 @!p0 $0x1C09  }
0x5ea: {  	[timem:s3], [sflag:s2] =	dma.local @!p0 [hbm:s0], s1  }
0x5eb: {  	s0 =	simm.s32 @!p0 $0x9  }
0x5ec: {  	_ =	swait.ge @!p0 [sflag:s0], s1  }
0x5ed: {  	s1 =	ssub.s32 @!p0 $0x0, s1;
	[sflag:s0] =	ssyncset.done @!p0 $0x0  }
0x5ee: {  	[sflag:s0] =	ssyncadd.s32 @!p0 s1  }
0x5ef: {  	[bflag:$0x3] =	sbarrier.arrive $0xFFFF  }
0x5f0: {  	_ =	shalt  }

</sc_bundles>
